<compile_context>
chip_gen: v7x
topology: tpu7x:2x2x1
jax: 0.10.2.dev20260603
libtpu: 0.0.44.dev20260713+nightly
codegen_flags: <defaults>
</compile_context>

<pallas_src>
import functools

import jax
import jax.numpy as jnp
from jax import lax
from jax.experimental import pallas as pl
from jax.experimental.pallas import tpu as pltpu
from jax.experimental.pallas import tpu_sc as plsc

N = 10000
E = 320000
D_IN = 128
HID = 64
NUM_CLASSES = 40

NP = 10240
NCORE = 2
NSUB = 16
NW = NCORE * NSUB
ROWS_PT = NP // NSUB

CHUNK = 48
NBUF = 3
E_TOT = E + N
E_PAD = 331776


def _sc_gat_edges(heads):
    head_split = heads == 2
    NIT = E_PAD // ((NSUB if head_split else NW) * CHUNK)
    EPT = NIT * CHUNK
    rv_off = 0 if head_split else 64

    mesh = plsc.VectorSubcoreMesh(core_axis_name="c", subcore_axis_name="s")

    @functools.partial(
        pl.kernel,
        mesh=mesh,
        out_type=jax.ShapeDtypeStruct((NCORE * NP, 128), jnp.float32),
        scratch_types=(
            [pltpu.VMEM((CHUNK,), jnp.int32)] * (2 * NBUF)
            + [pltpu.VMEM((CHUNK, 128), jnp.float32)] * (2 * NBUF)
            + [
                pltpu.VMEM((128,), jnp.float32),
                pltpu.VMEM_SHARED((NP, 128), jnp.float32),
            ]
            + [pltpu.SemaphoreType.DMA] * (2 * NBUF)
        ),
    )
    def k(xl_hbm, xr_hbm, src_hbm, dst_hbm, att_hbm, zn_hbm, num_hbm, *refs):
        srcvs, dstvs = list(refs[0:NBUF]), list(refs[NBUF:2 * NBUF])
        xsvs = list(refs[2 * NBUF:3 * NBUF])
        xrvs = list(refs[3 * NBUF:4 * NBUF])
        attv, acc = refs[4 * NBUF], refs[4 * NBUF + 1]
        semsA = list(refs[4 * NBUF + 2:5 * NBUF + 2])
        semsB = list(refs[5 * NBUF + 2:6 * NBUF + 2])
        cid = lax.axis_index("c")
        sid = lax.axis_index("s")

        lane = lax.iota(jnp.int32, 16)
        z16 = jnp.zeros((16,), jnp.float32)

        r0 = sid * ROWS_PT
        pltpu.sync_copy(zn_hbm.at[pl.ds(r0, ROWS_PT)], acc.at[pl.ds(r0, ROWS_PT)])
        pltpu.sync_copy(att_hbm, attv)
        plsc.subcore_barrier()

        s_off = cid * 64 if head_split else 0
        att_regs = [attv[pl.ds(s_off + 16 * j, 16)] for j in range(4)]

        perm_idx = [jnp.bitwise_xor(lane, sh) for sh in (8, 4, 2, 1)]
        dn = lax.GatherDimensionNumbers(
            offset_dims=(), collapsed_slice_dims=(0,), start_index_map=(0,))

        def _bcast(v, idx):
            return lax.gather(v, idx[:, None], dn, (1,),
                              mode=lax.GatherScatterMode.PROMISE_IN_BOUNDS)

        def _hsum(v):
            for idx in perm_idx:
                v = v + _bcast(v, idx)
            return v

        ebase = (sid if head_split else sid * NCORE + cid) * EPT

        def issue(iv, b):
            base = ebase + iv * CHUNK
            pltpu.sync_copy(src_hbm.at[pl.ds(base, CHUNK)], srcvs[b])
            pltpu.sync_copy(dst_hbm.at[pl.ds(base, CHUNK)], dstvs[b])
            pltpu.async_copy(xl_hbm.at[srcvs[b]], xsvs[b], semsA[b])
            pltpu.async_copy(xr_hbm.at[dstvs[b]], xrvs[b], semsB[b])

        def make_e_body(xsv, xrv):
            outv = xrv
            def e_body(e, c2):
                svs = [xsv[e, pl.ds(s_off + 16 * j, 16)] for j in range(4)]
                rvs = [xrv[e, pl.ds(s_off + rv_off + 16 * j, 16)] for j in range(4)]
                logit = z16
                for j in range(4):
                    a = svs[j] + rvs[j]
                    a = jnp.maximum(a, 0.2 * a)
                    logit = logit + a * att_regs[j]
                ex = jnp.exp(_hsum(logit))
                for j in range(4):
                    outv[e, pl.ds(16 * j, 16)] = svs[j] * ex
                outv[e, pl.ds(64, 16)] = jnp.where(lane == 0, ex, z16)
                return c2

            return e_body

        for p in range(NBUF - 1):
            issue(p, p)

        def g_body(g, carry):
            for b in range(NBUF):
                it = g * NBUF + b
                pltpu.make_async_copy(xl_hbm.at[srcvs[b]], xsvs[b], semsA[b]).wait()
                pltpu.make_async_copy(xr_hbm.at[dstvs[b]], xrvs[b], semsB[b]).wait()

                @pl.when(it + NBUF - 1 < NIT)
                def _():
                    issue(it + NBUF - 1, (b + NBUF - 1) % NBUF)

                e_body = make_e_body(xsvs[b], xrvs[b])

                @plsc.parallel_loop(0, CHUNK, 1, unroll=4)
                def _(e):
                    e_body(e, 0)
                pltpu.sync_copy(xrvs[b], acc.at[dstvs[b]], add=True)
            return carry

        lax.fori_loop(0, NIT // NBUF, g_body, 0)
        plsc.subcore_barrier()

        pltpu.sync_copy(acc.at[pl.ds(r0, ROWS_PT)],
                        num_hbm.at[pl.ds(cid * NP + r0, ROWS_PT)])

    return k


def _mm2(xp, Wl, bl, Wr, br, bm=512):
    m, kdim = xp.shape
    dout = Wl.shape[1]

    def body(x_ref, wl_ref, bl_ref, wr_ref, br_ref, ol_ref, or_ref):
        xb = x_ref[...]
        ol_ref[...] = jnp.dot(xb, wl_ref[...], preferred_element_type=jnp.float32) + bl_ref[...]
        or_ref[...] = jnp.dot(xb, wr_ref[...], preferred_element_type=jnp.float32) + br_ref[...]

    return pl.pallas_call(
        body,
        grid=(m // bm,),
        in_specs=[
            pl.BlockSpec((bm, kdim), lambda i: (i, 0)),
            pl.BlockSpec((kdim, dout), lambda i: (0, 0)),
            pl.BlockSpec((1, dout), lambda i: (0, 0)),
            pl.BlockSpec((kdim, dout), lambda i: (0, 0)),
            pl.BlockSpec((1, dout), lambda i: (0, 0)),
        ],
        out_specs=[
            pl.BlockSpec((bm, dout), lambda i: (i, 0)),
            pl.BlockSpec((bm, dout), lambda i: (i, 0)),
        ],
        out_shape=[jax.ShapeDtypeStruct((m, dout), jnp.float32)] * 2,
    )(xp, Wl, bl.reshape(1, -1), Wr, br.reshape(1, -1))


def _combine(num_p, heads, bias_in, W, b, bm=512):
    dout = W.shape[1]

    def body(np_ref, b_ref, w_ref, bb_ref, o_ref):
        if heads == 2:
            h0 = np_ref[0, :, 0:64] / (np_ref[0, :, 64:65] + 1e-16)
            h1 = np_ref[1, :, 0:64] / (np_ref[1, :, 64:65] + 1e-16)
            feat = jnp.concatenate([h0, h1], axis=1)
        else:
            s = np_ref[0] + np_ref[1]
            feat = s[:, 0:64] / (s[:, 64:65] + 1e-16)
        h = jnp.maximum(feat + b_ref[...], 0.0)
        o_ref[...] = jnp.dot(h, w_ref[...], preferred_element_type=jnp.float32) + bb_ref[...]

    return pl.pallas_call(
        body,
        grid=(NP // bm,),
        in_specs=[
            pl.BlockSpec((2, bm, 128), lambda i: (0, i, 0)),
            pl.BlockSpec((1, heads * HID), lambda i: (0, 0)),
            pl.BlockSpec((heads * HID, dout), lambda i: (0, 0)),
            pl.BlockSpec((1, dout), lambda i: (0, 0)),
        ],
        out_specs=pl.BlockSpec((bm, dout), lambda i: (i, 0)),
        out_shape=jax.ShapeDtypeStruct((NP, dout), jnp.float32),
    )(num_p, bias_in.reshape(1, -1), W, b.reshape(1, -1))


def kernel(x, edge_index, Wl1, bl1, Wr1, br1, att1, bias1,
           Wl2, bl2, Wr2, br2, att2, bias2, fcW, fcb):
    xp = jnp.zeros((NP, D_IN), jnp.float32).at[:N].set(x)
    loop = jnp.arange(N, dtype=jnp.int32)
    pad = E_PAD - E_TOT
    padi = jnp.arange(pad, dtype=jnp.int32)
    src = jnp.concatenate([edge_index[0], loop, padi * 97 % N])
    dst = jnp.concatenate([edge_index[1], loop, N + padi % (NP - N)])

    zn = jnp.zeros((NP, 128), jnp.float32)

    xl1, xr1 = _mm2(xp, Wl1, bl1, Wr1, br1)
    num1 = _sc_gat_edges(2)(xl1, xr1, src, dst, att1.reshape(-1), zn)
    num1 = num1.reshape(NCORE, NP, 128)

    W2 = jnp.concatenate([Wl2, Wr2], axis=1)
    b2 = jnp.concatenate([bl2, br2])
    att2p = jnp.concatenate([att2.reshape(-1), jnp.zeros((HID,), jnp.float32)])
    t2 = _combine(num1, 2, bias1, W2, b2)
    num2 = _sc_gat_edges(1)(t2, t2, src, dst, att2p, zn)
    num2 = num2.reshape(NCORE, NP, 128)

    out = _combine(num2, 1, bias2, fcW, fcb)
    return out[:N]

# --- scband reference (transcript-rebuilt; emitter-appended) ---
"""Pipeline reference for scband-gatclassifier-20229295964953 (READ-ONLY COPY).

The authoritative reference and input builder live on the scoring server;
editing this copy changes nothing except your own understanding.
"""

import jax, jax.numpy as jnp
import numpy as np

N = 10000
E = 320000
D_IN = 128
HID = 64
HEADS1 = 2
NUM_CLASSES = 40


def setup_inputs(seed: int = 0) -> dict:
    key = jax.random.key(seed)
    ks = jax.random.split(key, 20)
    x = jax.random.normal(ks[0], (N, D_IN), dtype=jnp.float32)
    edge_index = jax.random.randint(ks[1], (2, E), 0, N, dtype=jnp.int32)

    def glorot(k, shape):
        fan_in = shape[0]
        return jax.random.normal(k, shape, dtype=jnp.float32) * (1.0 / np.sqrt(fan_in))

    # GATv2 layer 1: in=D_IN, out=HID, heads=HEADS1
    Wl1 = glorot(ks[2], (D_IN, HEADS1 * HID))
    bl1 = jnp.zeros((HEADS1 * HID,), dtype=jnp.float32)
    Wr1 = glorot(ks[3], (D_IN, HEADS1 * HID))
    br1 = jnp.zeros((HEADS1 * HID,), dtype=jnp.float32)
    att1 = jax.random.normal(ks[4], (HEADS1, HID), dtype=jnp.float32) * (1.0 / np.sqrt(HID))
    bias1 = jnp.zeros((HEADS1 * HID,), dtype=jnp.float32)
    # GATv2 layer 2: in=HEADS1*HID, out=HID, heads=1
    Wl2 = glorot(ks[5], (HEADS1 * HID, HID))
    bl2 = jnp.zeros((HID,), dtype=jnp.float32)
    Wr2 = glorot(ks[6], (HEADS1 * HID, HID))
    br2 = jnp.zeros((HID,), dtype=jnp.float32)
    att2 = jax.random.normal(ks[7], (1, HID), dtype=jnp.float32) * (1.0 / np.sqrt(HID))
    bias2 = jnp.zeros((HID,), dtype=jnp.float32)
    # final fc
    fcW = glorot(ks[8], (HID, NUM_CLASSES))
    fcb = jnp.zeros((NUM_CLASSES,), dtype=jnp.float32)
    return {
        'x': x, 'edge_index': edge_index,
        'Wl1': Wl1, 'bl1': bl1, 'Wr1': Wr1, 'br1': br1, 'att1': att1, 'bias1': bias1,
        'Wl2': Wl2, 'bl2': bl2, 'Wr2': Wr2, 'br2': br2, 'att2': att2, 'bias2': bias2,
        'fcW': fcW, 'fcb': fcb,
    }


def _gatv2_layer(x, src, dst, Wl, bl, Wr, br, att, bias, heads, out_ch):
    n = x.shape[0]
    xl = (x @ Wl + bl).reshape(n, heads, out_ch)
    xr = (x @ Wr + br).reshape(n, heads, out_ch)
    # GATv2: e_ij = att . LeakyReLU(xl[j] + xr[i]) for edge j->i
    e = jax.nn.leaky_relu(xl[src] + xr[dst], negative_slope=0.2)
    logits = jnp.sum(e * att[None, :, :], axis=-1)  # [E, heads]
    m = jax.ops.segment_max(logits, dst, num_segments=n)
    ex = jnp.exp(logits - m[dst])
    denom = jax.ops.segment_sum(ex, dst, num_segments=n)
    alpha = ex / (denom[dst] + 1e-16)
    out = jax.ops.segment_sum(xl[src] * alpha[:, :, None], dst, num_segments=n)
    return out.reshape(n, heads * out_ch) + bias


def reference(x, edge_index, Wl1, bl1, Wr1, br1, att1, bias1,
              Wl2, bl2, Wr2, br2, att2, bias2, fcW, fcb):
    # PyG GATv2Conv adds self-loops by default
    loop = jnp.arange(N, dtype=edge_index.dtype)
    src = jnp.concatenate([edge_index[0], loop])
    dst = jnp.concatenate([edge_index[1], loop])
    h = _gatv2_layer(x, src, dst, Wl1, bl1, Wr1, br1, att1, bias1, HEADS1, HID)
    h = jax.nn.relu(h)
    h = _gatv2_layer(h, src, dst, Wl2, bl2, Wr2, br2, att2, bias2, 1, HID)
    h = jax.nn.relu(h)
    return h @ fcW + fcb

if __name__ == "__main__":
    import jax
    _d = setup_inputs()
    print(jax.jit(kernel)(*tuple(_d.values())))

</pallas_src>

<mosaic_0001>
#map = affine_map<(d0, d1) -> (0, 0)>
#map1 = affine_map<(d0, d1) -> (0)>
module attributes {stable_mosaic.version = 14 : i64} {
  func.func @k(%arg0: i32, %arg1: i32, %arg2: memref<10240x128xf32, #tpu.memory_space<hbm>>, %arg3: memref<10240x128xf32, #tpu.memory_space<hbm>>, %arg4: memref<331776xi32, #tpu.memory_space<hbm>>, %arg5: memref<331776xi32, #tpu.memory_space<hbm>>, %arg6: memref<128xf32, #tpu.memory_space<hbm>>, %arg7: memref<10240x128xf32, #tpu.memory_space<hbm>>, %arg8: memref<20480x128xf32, #tpu.memory_space<hbm>>, %arg9: memref<48xi32, #tpu.memory_space<vmem>>, %arg10: memref<48xi32, #tpu.memory_space<vmem>>, %arg11: memref<48xi32, #tpu.memory_space<vmem>>, %arg12: memref<48xi32, #tpu.memory_space<vmem>>, %arg13: memref<48xi32, #tpu.memory_space<vmem>>, %arg14: memref<48xi32, #tpu.memory_space<vmem>>, %arg15: memref<48x128xf32, #tpu.memory_space<vmem>>, %arg16: memref<48x128xf32, #tpu.memory_space<vmem>>, %arg17: memref<48x128xf32, #tpu.memory_space<vmem>>, %arg18: memref<48x128xf32, #tpu.memory_space<vmem>>, %arg19: memref<48x128xf32, #tpu.memory_space<vmem>>, %arg20: memref<48x128xf32, #tpu.memory_space<vmem>>, %arg21: memref<128xf32, #tpu.memory_space<vmem>>, %arg22: memref<10240x128xf32, #tpu.memory_space<vmem_shared>>, %arg23: memref<!tpu.dma_semaphore, #tpu.memory_space<semaphore_mem>>, %arg24: memref<!tpu.dma_semaphore, #tpu.memory_space<semaphore_mem>>, %arg25: memref<!tpu.dma_semaphore, #tpu.memory_space<semaphore_mem>>, %arg26: memref<!tpu.dma_semaphore, #tpu.memory_space<semaphore_mem>>, %arg27: memref<!tpu.dma_semaphore, #tpu.memory_space<semaphore_mem>>, %arg28: memref<!tpu.dma_semaphore, #tpu.memory_space<semaphore_mem>>) attributes {dimension_semantics = [#tpu.dimension_semantics<core_parallel>, #tpu.dimension_semantics<subcore_parallel>], iteration_bounds = array<i64: 2, 16>, scalar_prefetch = 0 : i64, scratch_operands = 20 : i64, tpu.core_type = #tpu.core_type<sc_vector_subcore>, window_params = [{transform_indices = #map}, {transform_indices = #map}, {transform_indices = #map1}, {transform_indices = #map1}, {transform_indices = #map1}, {transform_indices = #map}, {transform_indices = #map}]} {
    %iota3A = tpu.iota {dimensions = array<i32: 0>} : vector<16xi32>
    %broadcast_in_dim3A = arith.constant 0.000000e+00 : f32
    %broadcast_in_dim3A_0 = vector.broadcast %broadcast_in_dim3A : f32 to vector<16xf32>
    %mul3A = arith.constant 640 : i32
    %mul3A_1 = arith.muli %arg1, %mul3A : i32
    "tpu.region"() ({
      %run_scoped3A = tpu.sem_alloc : memref<!tpu.dma_semaphore, #tpu.memory_space<semaphore_mem>>
      %dma_start3A_52 = arith.constant 0 : i32
      %dma_start3A_53 = tpu.memref_slice %arg22[%mul3A_1, %dma_start3A_52] : memref<10240x128xf32, #tpu.memory_space<vmem_shared>> -> memref<640x128xf32, #tpu.memory_space<vmem_shared>>
      %dma_start3A_54 = arith.constant 0 : i32
      %dma_start3A_55 = tpu.memref_slice %arg7[%mul3A_1, %dma_start3A_54] : memref<10240x128xf32, #tpu.memory_space<hbm>> -> memref<640x128xf32, #tpu.memory_space<hbm>>
      tpu.enqueue_dma source(%dma_start3A_55 : memref<640x128xf32, #tpu.memory_space<hbm>>) target(%dma_start3A_53 : memref<640x128xf32, #tpu.memory_space<vmem_shared>>) target_semaphore(%run_scoped3A : memref<!tpu.dma_semaphore, #tpu.memory_space<semaphore_mem>>)
      %dma_wait3A = arith.constant 0 : i32
      %dma_wait3A_56 = tpu.memref_slice %arg22[%mul3A_1, %dma_wait3A] : memref<10240x128xf32, #tpu.memory_space<vmem_shared>> -> memref<640x128xf32, #tpu.memory_space<vmem_shared>>
      %dma_wait3A_57 = arith.constant 0 : i32
      %dma_wait3A_58 = tpu.memref_slice %arg7[%mul3A_1, %dma_wait3A_57] : memref<10240x128xf32, #tpu.memory_space<hbm>> -> memref<640x128xf32, #tpu.memory_space<hbm>>
      tpu.wait_dma2 semaphore(%run_scoped3A : memref<!tpu.dma_semaphore, #tpu.memory_space<semaphore_mem>>) src(%dma_wait3A_58 : memref<640x128xf32, #tpu.memory_space<hbm>>) dst(%dma_wait3A_56 : memref<640x128xf32, #tpu.memory_space<vmem_shared>>)
      tpu.yield
    }) : () -> ()
    "tpu.region"() ({
      %run_scoped3A = tpu.sem_alloc : memref<!tpu.dma_semaphore, #tpu.memory_space<semaphore_mem>>
      tpu.enqueue_dma source(%arg6 : memref<128xf32, #tpu.memory_space<hbm>>) target(%arg21 : memref<128xf32, #tpu.memory_space<vmem>>) target_semaphore(%run_scoped3A : memref<!tpu.dma_semaphore, #tpu.memory_space<semaphore_mem>>)
      tpu.wait_dma2 semaphore(%run_scoped3A : memref<!tpu.dma_semaphore, #tpu.memory_space<semaphore_mem>>) src(%arg6 : memref<128xf32, #tpu.memory_space<hbm>>) dst(%arg21 : memref<128xf32, #tpu.memory_space<vmem>>)
      tpu.yield
    }) : () -> ()
    %barrier3A = arith.constant 0 : index
    tpu.barrier barrier_id(%barrier3A)
    %get3A = arith.constant 0 : index
    %get3A_2 = tpu.vector_load %arg21[%get3A] {strides = array<i32>} : memref<128xf32, #tpu.memory_space<vmem>>, vector<16xf32>,
    %get3A_3 = vector.shape_cast %get3A_2 : vector<16xf32> to vector<16xf32>
    %get3A_4 = arith.constant 16 : index
    %get3A_5 = tpu.vector_load %arg21[%get3A_4] {strides = array<i32>} : memref<128xf32, #tpu.memory_space<vmem>>, vector<16xf32>,
    %get3A_6 = vector.shape_cast %get3A_5 : vector<16xf32> to vector<16xf32>
    %get3A_7 = arith.constant 32 : index
    %get3A_8 = tpu.vector_load %arg21[%get3A_7] {strides = array<i32>} : memref<128xf32, #tpu.memory_space<vmem>>, vector<16xf32>,
    %get3A_9 = vector.shape_cast %get3A_8 : vector<16xf32> to vector<16xf32>
    %get3A_10 = arith.constant 48 : index
    %get3A_11 = tpu.vector_load %arg21[%get3A_10] {strides = array<i32>} : memref<128xf32, #tpu.memory_space<vmem>>, vector<16xf32>,
    %get3A_12 = vector.shape_cast %get3A_11 : vector<16xf32> to vector<16xf32>
    %xor3A = arith.constant 8 : i32
    %xor3A_13 = vector.broadcast %xor3A : i32 to vector<16xi32>
    %xor3A_14 = arith.xori %iota3A, %xor3A_13 : vector<16xi32>
    %xor3A_15 = arith.constant 4 : i32
    %xor3A_16 = vector.broadcast %xor3A_15 : i32 to vector<16xi32>
    %xor3A_17 = arith.xori %iota3A, %xor3A_16 : vector<16xi32>
    %xor3A_18 = arith.constant 2 : i32
    %xor3A_19 = vector.broadcast %xor3A_18 : i32 to vector<16xi32>
    %xor3A_20 = arith.xori %iota3A, %xor3A_19 : vector<16xi32>
    %xor3A_21 = arith.constant 1 : i32
    %xor3A_22 = vector.broadcast %xor3A_21 : i32 to vector<16xi32>
    %xor3A_23 = arith.xori %iota3A, %xor3A_22 : vector<16xi32>
    %mul3A_24 = arith.constant 2 : i32
    %mul3A_25 = arith.muli %arg1, %mul3A_24 : i32
    %add3A = arith.addi %mul3A_25, %arg0 : i32
    %mul3A_26 = arith.constant 10368 : i32
    %mul3A_27 = arith.muli %add3A, %mul3A_26 : i32
    %add3A_28 = arith.constant 0 : i32
    %add3A_29 = arith.addi %mul3A_27, %add3A_28 : i32
    "tpu.region"() ({
      %run_scoped3A = tpu.sem_alloc : memref<!tpu.dma_semaphore, #tpu.memory_space<semaphore_mem>>
      %dma_start3A_52 = tpu.memref_slice %arg4[%add3A_29] : memref<331776xi32, #tpu.memory_space<hbm>> -> memref<48xi32, #tpu.memory_space<hbm>>
      %dma_start3A_53 = tpu.memref_slice %arg4[%add3A_29] : memref<331776xi32, #tpu.memory_space<hbm>> -> memref<48xi32, #tpu.memory_space<hbm>>
      tpu.enqueue_dma source(%dma_start3A_53 : memref<48xi32, #tpu.memory_space<hbm>>) target(%arg9 : memref<48xi32, #tpu.memory_space<vmem>>) target_semaphore(%run_scoped3A : memref<!tpu.dma_semaphore, #tpu.memory_space<semaphore_mem>>)
      %dma_wait3A = tpu.memref_slice %arg4[%add3A_29] : memref<331776xi32, #tpu.memory_space<hbm>> -> memref<48xi32, #tpu.memory_space<hbm>>
      %dma_wait3A_54 = tpu.memref_slice %arg4[%add3A_29] : memref<331776xi32, #tpu.memory_space<hbm>> -> memref<48xi32, #tpu.memory_space<hbm>>
      tpu.wait_dma2 semaphore(%run_scoped3A : memref<!tpu.dma_semaphore, #tpu.memory_space<semaphore_mem>>) src(%dma_wait3A_54 : memref<48xi32, #tpu.memory_space<hbm>>) dst(%arg9 : memref<48xi32, #tpu.memory_space<vmem>>)
      tpu.yield
    }) : () -> ()
    "tpu.region"() ({
      %run_scoped3A = tpu.sem_alloc : memref<!tpu.dma_semaphore, #tpu.memory_space<semaphore_mem>>
      %dma_start3A_52 = tpu.memref_slice %arg5[%add3A_29] : memref<331776xi32, #tpu.memory_space<hbm>> -> memref<48xi32, #tpu.memory_space<hbm>>
      %dma_start3A_53 = tpu.memref_slice %arg5[%add3A_29] : memref<331776xi32, #tpu.memory_space<hbm>> -> memref<48xi32, #tpu.memory_space<hbm>>
      tpu.enqueue_dma source(%dma_start3A_53 : memref<48xi32, #tpu.memory_space<hbm>>) target(%arg12 : memref<48xi32, #tpu.memory_space<vmem>>) target_semaphore(%run_scoped3A : memref<!tpu.dma_semaphore, #tpu.memory_space<semaphore_mem>>)
      %dma_wait3A = tpu.memref_slice %arg5[%add3A_29] : memref<331776xi32, #tpu.memory_space<hbm>> -> memref<48xi32, #tpu.memory_space<hbm>>
      %dma_wait3A_54 = tpu.memref_slice %arg5[%add3A_29] : memref<331776xi32, #tpu.memory_space<hbm>> -> memref<48xi32, #tpu.memory_space<hbm>>
      tpu.wait_dma2 semaphore(%run_scoped3A : memref<!tpu.dma_semaphore, #tpu.memory_space<semaphore_mem>>) src(%dma_wait3A_54 : memref<48xi32, #tpu.memory_space<hbm>>) dst(%arg12 : memref<48xi32, #tpu.memory_space<vmem>>)
      tpu.yield
    }) : () -> ()
    %dma_start3A = arith.constant 0 : i32
    %dma_start3A_30 = arith.constant 0 : i32
    %dma_start3A_31 = tpu.memref_slice %arg2[%dma_start3A, %dma_start3A_30] : memref<10240x128xf32, #tpu.memory_space<hbm>> -> memref<10240x128xf32, #tpu.memory_space<hbm>>
    tpu.enqueue_indirect_dma source(%dma_start3A_31 : memref<10240x128xf32, #tpu.memory_space<hbm>>) target(%arg15 : memref<48x128xf32, #tpu.memory_space<vmem>>) offsets(%arg9 : memref<48xi32, #tpu.memory_space<vmem>>) semaphore(%arg23 : memref<!tpu.dma_semaphore, #tpu.memory_space<semaphore_mem>>)
    %dma_start3A_32 = arith.constant 0 : i32
    %dma_start3A_33 = arith.constant 0 : i32
    %dma_start3A_34 = tpu.memref_slice %arg3[%dma_start3A_32, %dma_start3A_33] : memref<10240x128xf32, #tpu.memory_space<hbm>> -> memref<10240x128xf32, #tpu.memory_space<hbm>>
    tpu.enqueue_indirect_dma source(%dma_start3A_34 : memref<10240x128xf32, #tpu.memory_space<hbm>>) target(%arg18 : memref<48x128xf32, #tpu.memory_space<vmem>>) offsets(%arg12 : memref<48xi32, #tpu.memory_space<vmem>>) semaphore(%arg26 : memref<!tpu.dma_semaphore, #tpu.memory_space<semaphore_mem>>)
    %add3A_35 = arith.constant 48 : i32
    %add3A_36 = arith.addi %mul3A_27, %add3A_35 : i32
    "tpu.region"() ({
      %run_scoped3A = tpu.sem_alloc : memref<!tpu.dma_semaphore, #tpu.memory_space<semaphore_mem>>
      %dma_start3A_52 = tpu.memref_slice %arg4[%add3A_36] : memref<331776xi32, #tpu.memory_space<hbm>> -> memref<48xi32, #tpu.memory_space<hbm>>
      %dma_start3A_53 = tpu.memref_slice %arg4[%add3A_36] : memref<331776xi32, #tpu.memory_space<hbm>> -> memref<48xi32, #tpu.memory_space<hbm>>
      tpu.enqueue_dma source(%dma_start3A_53 : memref<48xi32, #tpu.memory_space<hbm>>) target(%arg10 : memref<48xi32, #tpu.memory_space<vmem>>) target_semaphore(%run_scoped3A : memref<!tpu.dma_semaphore, #tpu.memory_space<semaphore_mem>>)
      %dma_wait3A = tpu.memref_slice %arg4[%add3A_36] : memref<331776xi32, #tpu.memory_space<hbm>> -> memref<48xi32, #tpu.memory_space<hbm>>
      %dma_wait3A_54 = tpu.memref_slice %arg4[%add3A_36] : memref<331776xi32, #tpu.memory_space<hbm>> -> memref<48xi32, #tpu.memory_space<hbm>>
      tpu.wait_dma2 semaphore(%run_scoped3A : memref<!tpu.dma_semaphore, #tpu.memory_space<semaphore_mem>>) src(%dma_wait3A_54 : memref<48xi32, #tpu.memory_space<hbm>>) dst(%arg10 : memref<48xi32, #tpu.memory_space<vmem>>)
      tpu.yield
    }) : () -> ()
    "tpu.region"() ({
      %run_scoped3A = tpu.sem_alloc : memref<!tpu.dma_semaphore, #tpu.memory_space<semaphore_mem>>
      %dma_start3A_52 = tpu.memref_slice %arg5[%add3A_36] : memref<331776xi32, #tpu.memory_space<hbm>> -> memref<48xi32, #tpu.memory_space<hbm>>
      %dma_start3A_53 = tpu.memref_slice %arg5[%add3A_36] : memref<331776xi32, #tpu.memory_space<hbm>> -> memref<48xi32, #tpu.memory_space<hbm>>
      tpu.enqueue_dma source(%dma_start3A_53 : memref<48xi32, #tpu.memory_space<hbm>>) target(%arg13 : memref<48xi32, #tpu.memory_space<vmem>>) target_semaphore(%run_scoped3A : memref<!tpu.dma_semaphore, #tpu.memory_space<semaphore_mem>>)
      %dma_wait3A = tpu.memref_slice %arg5[%add3A_36] : memref<331776xi32, #tpu.memory_space<hbm>> -> memref<48xi32, #tpu.memory_space<hbm>>
      %dma_wait3A_54 = tpu.memref_slice %arg5[%add3A_36] : memref<331776xi32, #tpu.memory_space<hbm>> -> memref<48xi32, #tpu.memory_space<hbm>>
      tpu.wait_dma2 semaphore(%run_scoped3A : memref<!tpu.dma_semaphore, #tpu.memory_space<semaphore_mem>>) src(%dma_wait3A_54 : memref<48xi32, #tpu.memory_space<hbm>>) dst(%arg13 : memref<48xi32, #tpu.memory_space<vmem>>)
      tpu.yield
    }) : () -> ()
    %dma_start3A_37 = arith.constant 0 : i32
    %dma_start3A_38 = arith.constant 0 : i32
    %dma_start3A_39 = tpu.memref_slice %arg2[%dma_start3A_37, %dma_start3A_38] : memref<10240x128xf32, #tpu.memory_space<hbm>> -> memref<10240x128xf32, #tpu.memory_space<hbm>>
    tpu.enqueue_indirect_dma source(%dma_start3A_39 : memref<10240x128xf32, #tpu.memory_space<hbm>>) target(%arg16 : memref<48x128xf32, #tpu.memory_space<vmem>>) offsets(%arg10 : memref<48xi32, #tpu.memory_space<vmem>>) semaphore(%arg24 : memref<!tpu.dma_semaphore, #tpu.memory_space<semaphore_mem>>)
    %dma_start3A_40 = arith.constant 0 : i32
    %dma_start3A_41 = arith.constant 0 : i32
    %dma_start3A_42 = tpu.memref_slice %arg3[%dma_start3A_40, %dma_start3A_41] : memref<10240x128xf32, #tpu.memory_space<hbm>> -> memref<10240x128xf32, #tpu.memory_space<hbm>>
    tpu.enqueue_indirect_dma source(%dma_start3A_42 : memref<10240x128xf32, #tpu.memory_space<hbm>>) target(%arg19 : memref<48x128xf32, #tpu.memory_space<vmem>>) offsets(%arg13 : memref<48xi32, #tpu.memory_space<vmem>>) semaphore(%arg27 : memref<!tpu.dma_semaphore, #tpu.memory_space<semaphore_mem>>)
    %scan3A = arith.constant 0 : i32
    %scan3A_43 = arith.constant 0 : i32
    %scan3A_44 = arith.constant 72 : i32
    %scan3A_45 = arith.addi %scan3A_43, %scan3A_44 : i32
    %scan3A_46 = arith.constant 1 : i32
    scf.for %scan3A_52 = %scan3A_43 to %scan3A_45 step %scan3A_46  : i32 {
      %mul3A_53 = arith.constant 3 : i32
      %mul3A_54 = arith.muli %scan3A_52, %mul3A_53 : i32
      %add3A_55 = arith.constant 0 : i32
      %add3A_56 = arith.addi %mul3A_54, %add3A_55 : i32
      %dma_wait3A = arith.constant 0 : i32
      %dma_wait3A_57 = arith.constant 0 : i32
      %dma_wait3A_58 = tpu.memref_slice %arg2[%dma_wait3A, %dma_wait3A_57] : memref<10240x128xf32, #tpu.memory_space<hbm>> -> memref<10240x128xf32, #tpu.memory_space<hbm>>
      tpu.wait_indirect_dma semaphore(%arg23 : memref<!tpu.dma_semaphore, #tpu.memory_space<semaphore_mem>>) src(%dma_wait3A_58 : memref<10240x128xf32, #tpu.memory_space<hbm>>) dst(%arg15 : memref<48x128xf32, #tpu.memory_space<vmem>>)
      %dma_wait3A_59 = arith.constant 0 : i32
      %dma_wait3A_60 = arith.constant 0 : i32
      %dma_wait3A_61 = tpu.memref_slice %arg3[%dma_wait3A_59, %dma_wait3A_60] : memref<10240x128xf32, #tpu.memory_space<hbm>> -> memref<10240x128xf32, #tpu.memory_space<hbm>>
      tpu.wait_indirect_dma semaphore(%arg26 : memref<!tpu.dma_semaphore, #tpu.memory_space<semaphore_mem>>) src(%dma_wait3A_61 : memref<10240x128xf32, #tpu.memory_space<hbm>>) dst(%arg18 : memref<48x128xf32, #tpu.memory_space<vmem>>)
      %add3A_62 = arith.constant 3 : i32
      %add3A_63 = arith.addi %add3A_56, %add3A_62 : i32
      %sub3A = arith.constant 1 : i32
      %sub3A_64 = arith.subi %add3A_63, %sub3A : i32
      %lt3A = arith.constant 216 : i32
      %lt3A_65 = arith.cmpi slt, %sub3A_64, %lt3A : i32
      %convert_element_type3A = arith.extui %lt3A_65 : i1 to i32
      %cond3A = arith.constant 0 : i32
      %cond3A_66 = arith.cmpi ne, %convert_element_type3A, %cond3A : i32
      scf.if %cond3A_66 {
        %add3A_113 = arith.constant 3 : i32
        %add3A_114 = arith.addi %add3A_56, %add3A_113 : i32
        %sub3A_115 = arith.constant 1 : i32
        %sub3A_116 = arith.subi %add3A_114, %sub3A_115 : i32
        %mul3A_117 = arith.constant 48 : i32
        %mul3A_118 = arith.muli %sub3A_116, %mul3A_117 : i32
        %add3A_119 = arith.addi %mul3A_27, %mul3A_118 : i32
        "tpu.region"() ({
          %run_scoped3A = tpu.sem_alloc : memref<!tpu.dma_semaphore, #tpu.memory_space<semaphore_mem>>
          %dma_start3A_126 = tpu.memref_slice %arg4[%add3A_119] : memref<331776xi32, #tpu.memory_space<hbm>> -> memref<48xi32, #tpu.memory_space<hbm>>
          %dma_start3A_127 = tpu.memref_slice %arg4[%add3A_119] : memref<331776xi32, #tpu.memory_space<hbm>> -> memref<48xi32, #tpu.memory_space<hbm>>
          tpu.enqueue_dma source(%dma_start3A_127 : memref<48xi32, #tpu.memory_space<hbm>>) target(%arg11 : memref<48xi32, #tpu.memory_space<vmem>>) target_semaphore(%run_scoped3A : memref<!tpu.dma_semaphore, #tpu.memory_space<semaphore_mem>>)
          %dma_wait3A_128 = tpu.memref_slice %arg4[%add3A_119] : memref<331776xi32, #tpu.memory_space<hbm>> -> memref<48xi32, #tpu.memory_space<hbm>>
          %dma_wait3A_129 = tpu.memref_slice %arg4[%add3A_119] : memref<331776xi32, #tpu.memory_space<hbm>> -> memref<48xi32, #tpu.memory_space<hbm>>
          tpu.wait_dma2 semaphore(%run_scoped3A : memref<!tpu.dma_semaphore, #tpu.memory_space<semaphore_mem>>) src(%dma_wait3A_129 : memref<48xi32, #tpu.memory_space<hbm>>) dst(%arg11 : memref<48xi32, #tpu.memory_space<vmem>>)
          tpu.yield
        }) : () -> ()
        "tpu.region"() ({
          %run_scoped3A = tpu.sem_alloc : memref<!tpu.dma_semaphore, #tpu.memory_space<semaphore_mem>>
          %dma_start3A_126 = tpu.memref_slice %arg5[%add3A_119] : memref<331776xi32, #tpu.memory_space<hbm>> -> memref<48xi32, #tpu.memory_space<hbm>>
          %dma_start3A_127 = tpu.memref_slice %arg5[%add3A_119] : memref<331776xi32, #tpu.memory_space<hbm>> -> memref<48xi32, #tpu.memory_space<hbm>>
          tpu.enqueue_dma source(%dma_start3A_127 : memref<48xi32, #tpu.memory_space<hbm>>) target(%arg14 : memref<48xi32, #tpu.memory_space<vmem>>) target_semaphore(%run_scoped3A : memref<!tpu.dma_semaphore, #tpu.memory_space<semaphore_mem>>)
          %dma_wait3A_128 = tpu.memref_slice %arg5[%add3A_119] : memref<331776xi32, #tpu.memory_space<hbm>> -> memref<48xi32, #tpu.memory_space<hbm>>
          %dma_wait3A_129 = tpu.memref_slice %arg5[%add3A_119] : memref<331776xi32, #tpu.memory_space<hbm>> -> memref<48xi32, #tpu.memory_space<hbm>>
          tpu.wait_dma2 semaphore(%run_scoped3A : memref<!tpu.dma_semaphore, #tpu.memory_space<semaphore_mem>>) src(%dma_wait3A_129 : memref<48xi32, #tpu.memory_space<hbm>>) dst(%arg14 : memref<48xi32, #tpu.memory_space<vmem>>)
          tpu.yield
        }) : () -> ()
        %dma_start3A_120 = arith.constant 0 : i32
        %dma_start3A_121 = arith.constant 0 : i32
        %dma_start3A_122 = tpu.memref_slice %arg2[%dma_start3A_120, %dma_start3A_121] : memref<10240x128xf32, #tpu.memory_space<hbm>> -> memref<10240x128xf32, #tpu.memory_space<hbm>>
        tpu.enqueue_indirect_dma source(%dma_start3A_122 : memref<10240x128xf32, #tpu.memory_space<hbm>>) target(%arg17 : memref<48x128xf32, #tpu.memory_space<vmem>>) offsets(%arg11 : memref<48xi32, #tpu.memory_space<vmem>>) semaphore(%arg25 : memref<!tpu.dma_semaphore, #tpu.memory_space<semaphore_mem>>)
        %dma_start3A_123 = arith.constant 0 : i32
        %dma_start3A_124 = arith.constant 0 : i32
        %dma_start3A_125 = tpu.memref_slice %arg3[%dma_start3A_123, %dma_start3A_124] : memref<10240x128xf32, #tpu.memory_space<hbm>> -> memref<10240x128xf32, #tpu.memory_space<hbm>>
        tpu.enqueue_indirect_dma source(%dma_start3A_125 : memref<10240x128xf32, #tpu.memory_space<hbm>>) target(%arg20 : memref<48x128xf32, #tpu.memory_space<vmem>>) offsets(%arg14 : memref<48xi32, #tpu.memory_space<vmem>>) semaphore(%arg28 : memref<!tpu.dma_semaphore, #tpu.memory_space<semaphore_mem>>)
      } else {
      }
      %parallel_loop3A = arith.constant 0 : i32
      %parallel_loop3A_67 = arith.constant 48 : i32
      %parallel_loop3A_68 = arith.constant 1 : i32
      scf.for %parallel_loop3A_113 = %parallel_loop3A to %parallel_loop3A_67 step %parallel_loop3A_68  : i32 {
        %parallel_loop3A_114 = arith.index_cast %parallel_loop3A_113 : i32 to index
        %parallel_loop3A_115 = arith.constant 0 : index
        %parallel_loop3A_116 = tpu.vector_load %arg15[%parallel_loop3A_114, %parallel_loop3A_115] {strides = array<i32>} : memref<48x128xf32, #tpu.memory_space<vmem>>, vector<1x16xf32>,
        %parallel_loop3A_117 = vector.shape_cast %parallel_loop3A_116 : vector<1x16xf32> to vector<16xf32>
        %parallel_loop3A_118 = arith.index_cast %parallel_loop3A_113 : i32 to index
        %parallel_loop3A_119 = arith.constant 16 : index
        %parallel_loop3A_120 = tpu.vector_load %arg15[%parallel_loop3A_118, %parallel_loop3A_119] {strides = array<i32>} : memref<48x128xf32, #tpu.memory_space<vmem>>, vector<1x16xf32>,
        %parallel_loop3A_121 = vector.shape_cast %parallel_loop3A_120 : vector<1x16xf32> to vector<16xf32>
        %parallel_loop3A_122 = arith.index_cast %parallel_loop3A_113 : i32 to index
        %parallel_loop3A_123 = arith.constant 32 : index
        %parallel_loop3A_124 = tpu.vector_load %arg15[%parallel_loop3A_122, %parallel_loop3A_123] {strides = array<i32>} : memref<48x128xf32, #tpu.memory_space<vmem>>, vector<1x16xf32>,
        %parallel_loop3A_125 = vector.shape_cast %parallel_loop3A_124 : vector<1x16xf32> to vector<16xf32>
        %parallel_loop3A_126 = arith.index_cast %parallel_loop3A_113 : i32 to index
        %parallel_loop3A_127 = arith.constant 48 : index
        %parallel_loop3A_128 = tpu.vector_load %arg15[%parallel_loop3A_126, %parallel_loop3A_127] {strides = array<i32>} : memref<48x128xf32, #tpu.memory_space<vmem>>, vector<1x16xf32>,
        %parallel_loop3A_129 = vector.shape_cast %parallel_loop3A_128 : vector<1x16xf32> to vector<16xf32>
        %parallel_loop3A_130 = arith.index_cast %parallel_loop3A_113 : i32 to index
        %parallel_loop3A_131 = arith.constant 64 : index
        %parallel_loop3A_132 = tpu.vector_load %arg18[%parallel_loop3A_130, %parallel_loop3A_131] {strides = array<i32>} : memref<48x128xf32, #tpu.memory_space<vmem>>, vector<1x16xf32>,
        %parallel_loop3A_133 = vector.shape_cast %parallel_loop3A_132 : vector<1x16xf32> to vector<16xf32>
        %parallel_loop3A_134 = arith.index_cast %parallel_loop3A_113 : i32 to index
        %parallel_loop3A_135 = arith.constant 80 : index
        %parallel_loop3A_136 = tpu.vector_load %arg18[%parallel_loop3A_134, %parallel_loop3A_135] {strides = array<i32>} : memref<48x128xf32, #tpu.memory_space<vmem>>, vector<1x16xf32>,
        %parallel_loop3A_137 = vector.shape_cast %parallel_loop3A_136 : vector<1x16xf32> to vector<16xf32>
        %parallel_loop3A_138 = arith.index_cast %parallel_loop3A_113 : i32 to index
        %parallel_loop3A_139 = arith.constant 96 : index
        %parallel_loop3A_140 = tpu.vector_load %arg18[%parallel_loop3A_138, %parallel_loop3A_139] {strides = array<i32>} : memref<48x128xf32, #tpu.memory_space<vmem>>, vector<1x16xf32>,
        %parallel_loop3A_141 = vector.shape_cast %parallel_loop3A_140 : vector<1x16xf32> to vector<16xf32>
        %parallel_loop3A_142 = arith.index_cast %parallel_loop3A_113 : i32 to index
        %parallel_loop3A_143 = arith.constant 112 : index
        %parallel_loop3A_144 = tpu.vector_load %arg18[%parallel_loop3A_142, %parallel_loop3A_143] {strides = array<i32>} : memref<48x128xf32, #tpu.memory_space<vmem>>, vector<1x16xf32>,
        %parallel_loop3A_145 = vector.shape_cast %parallel_loop3A_144 : vector<1x16xf32> to vector<16xf32>
        %parallel_loop3A_146 = arith.addf %parallel_loop3A_117, %parallel_loop3A_133 : vector<16xf32>
        %parallel_loop3A_147 = arith.constant 2.000000e-01 : f32
        %parallel_loop3A_148 = vector.broadcast %parallel_loop3A_147 : f32 to vector<16xf32>
        %parallel_loop3A_149 = arith.mulf %parallel_loop3A_148, %parallel_loop3A_146 : vector<16xf32>
        %parallel_loop3A_150 = arith.maximumf %parallel_loop3A_146, %parallel_loop3A_149 : vector<16xf32>
        %parallel_loop3A_151 = arith.mulf %parallel_loop3A_150, %get3A_3 : vector<16xf32>
        %parallel_loop3A_152 = arith.addf %broadcast_in_dim3A_0, %parallel_loop3A_151 : vector<16xf32>
        %parallel_loop3A_153 = arith.addf %parallel_loop3A_121, %parallel_loop3A_137 : vector<16xf32>
        %parallel_loop3A_154 = arith.constant 2.000000e-01 : f32
        %parallel_loop3A_155 = vector.broadcast %parallel_loop3A_154 : f32 to vector<16xf32>
        %parallel_loop3A_156 = arith.mulf %parallel_loop3A_155, %parallel_loop3A_153 : vector<16xf32>
        %parallel_loop3A_157 = arith.maximumf %parallel_loop3A_153, %parallel_loop3A_156 : vector<16xf32>
        %parallel_loop3A_158 = arith.mulf %parallel_loop3A_157, %get3A_6 : vector<16xf32>
        %parallel_loop3A_159 = arith.addf %parallel_loop3A_152, %parallel_loop3A_158 : vector<16xf32>
        %parallel_loop3A_160 = arith.addf %parallel_loop3A_125, %parallel_loop3A_141 : vector<16xf32>
        %parallel_loop3A_161 = arith.constant 2.000000e-01 : f32
        %parallel_loop3A_162 = vector.broadcast %parallel_loop3A_161 : f32 to vector<16xf32>
        %parallel_loop3A_163 = arith.mulf %parallel_loop3A_162, %parallel_loop3A_160 : vector<16xf32>
        %parallel_loop3A_164 = arith.maximumf %parallel_loop3A_160, %parallel_loop3A_163 : vector<16xf32>
        %parallel_loop3A_165 = arith.mulf %parallel_loop3A_164, %get3A_9 : vector<16xf32>
        %parallel_loop3A_166 = arith.addf %parallel_loop3A_159, %parallel_loop3A_165 : vector<16xf32>
        %parallel_loop3A_167 = arith.addf %parallel_loop3A_129, %parallel_loop3A_145 : vector<16xf32>
        %parallel_loop3A_168 = arith.constant 2.000000e-01 : f32
        %parallel_loop3A_169 = vector.broadcast %parallel_loop3A_168 : f32 to vector<16xf32>
        %parallel_loop3A_170 = arith.mulf %parallel_loop3A_169, %parallel_loop3A_167 : vector<16xf32>
        %parallel_loop3A_171 = arith.maximumf %parallel_loop3A_167, %parallel_loop3A_170 : vector<16xf32>
        %parallel_loop3A_172 = arith.mulf %parallel_loop3A_171, %get3A_12 : vector<16xf32>
        %parallel_loop3A_173 = arith.addf %parallel_loop3A_166, %parallel_loop3A_172 : vector<16xf32>
        %parallel_loop3A_174 = vector.shape_cast %xor3A_14 : vector<16xi32> to vector<16x1xi32>
        %parallel_loop3A_175 = vector.shape_cast %parallel_loop3A_174 : vector<16x1xi32> to vector<16xi32>
        %parallel_loop3A_176 = tpu.dynamic_gather %parallel_loop3A_173[%parallel_loop3A_175] in [0] : vector<16xf32>, vector<16xi32> -> vector<16xf32>
        %parallel_loop3A_177 = arith.addf %parallel_loop3A_173, %parallel_loop3A_176 : vector<16xf32>
        %parallel_loop3A_178 = vector.shape_cast %xor3A_17 : vector<16xi32> to vector<16x1xi32>
        %parallel_loop3A_179 = vector.shape_cast %parallel_loop3A_178 : vector<16x1xi32> to vector<16xi32>
        %parallel_loop3A_180 = tpu.dynamic_gather %parallel_loop3A_177[%parallel_loop3A_179] in [0] : vector<16xf32>, vector<16xi32> -> vector<16xf32>
        %parallel_loop3A_181 = arith.addf %parallel_loop3A_177, %parallel_loop3A_180 : vector<16xf32>
        %parallel_loop3A_182 = vector.shape_cast %xor3A_20 : vector<16xi32> to vector<16x1xi32>
        %parallel_loop3A_183 = vector.shape_cast %parallel_loop3A_182 : vector<16x1xi32> to vector<16xi32>
        %parallel_loop3A_184 = tpu.dynamic_gather %parallel_loop3A_181[%parallel_loop3A_183] in [0] : vector<16xf32>, vector<16xi32> -> vector<16xf32>
        %parallel_loop3A_185 = arith.addf %parallel_loop3A_181, %parallel_loop3A_184 : vector<16xf32>
        %parallel_loop3A_186 = vector.shape_cast %xor3A_23 : vector<16xi32> to vector<16x1xi32>
        %parallel_loop3A_187 = vector.shape_cast %parallel_loop3A_186 : vector<16x1xi32> to vector<16xi32>
        %parallel_loop3A_188 = tpu.dynamic_gather %parallel_loop3A_185[%parallel_loop3A_187] in [0] : vector<16xf32>, vector<16xi32> -> vector<16xf32>
        %parallel_loop3A_189 = arith.addf %parallel_loop3A_185, %parallel_loop3A_188 : vector<16xf32>
        %parallel_loop3A_190 = math.exp %parallel_loop3A_189 : vector<16xf32>
        %parallel_loop3A_191 = arith.mulf %parallel_loop3A_117, %parallel_loop3A_190 : vector<16xf32>
        %parallel_loop3A_192 = arith.index_cast %parallel_loop3A_113 : i32 to index
        %parallel_loop3A_193 = arith.constant 0 : index
        %parallel_loop3A_194 = tpu.vector_load %arg18[%parallel_loop3A_192, %parallel_loop3A_193] {strides = array<i32>} : memref<48x128xf32, #tpu.memory_space<vmem>>, vector<1x16xf32>,
        %parallel_loop3A_195 = vector.shape_cast %parallel_loop3A_194 : vector<1x16xf32> to vector<16xf32>
        %parallel_loop3A_196 = vector.shape_cast %parallel_loop3A_191 : vector<16xf32> to vector<1x16xf32>
        tpu.vector_store %arg18[%parallel_loop3A_192, %parallel_loop3A_193], %parallel_loop3A_196 {strides = array<i32>} : memref<48x128xf32, #tpu.memory_space<vmem>>, vector<1x16xf32>,
        %parallel_loop3A_197 = arith.mulf %parallel_loop3A_121, %parallel_loop3A_190 : vector<16xf32>
        %parallel_loop3A_198 = arith.index_cast %parallel_loop3A_113 : i32 to index
        %parallel_loop3A_199 = arith.constant 16 : index
        %parallel_loop3A_200 = tpu.vector_load %arg18[%parallel_loop3A_198, %parallel_loop3A_199] {strides = array<i32>} : memref<48x128xf32, #tpu.memory_space<vmem>>, vector<1x16xf32>,
        %parallel_loop3A_201 = vector.shape_cast %parallel_loop3A_200 : vector<1x16xf32> to vector<16xf32>
        %parallel_loop3A_202 = vector.shape_cast %parallel_loop3A_197 : vector<16xf32> to vector<1x16xf32>
        tpu.vector_store %arg18[%parallel_loop3A_198, %parallel_loop3A_199], %parallel_loop3A_202 {strides = array<i32>} : memref<48x128xf32, #tpu.memory_space<vmem>>, vector<1x16xf32>,
        %parallel_loop3A_203 = arith.mulf %parallel_loop3A_125, %parallel_loop3A_190 : vector<16xf32>
        %parallel_loop3A_204 = arith.index_cast %parallel_loop3A_113 : i32 to index
        %parallel_loop3A_205 = arith.constant 32 : index
        %parallel_loop3A_206 = tpu.vector_load %arg18[%parallel_loop3A_204, %parallel_loop3A_205] {strides = array<i32>} : memref<48x128xf32, #tpu.memory_space<vmem>>, vector<1x16xf32>,
        %parallel_loop3A_207 = vector.shape_cast %parallel_loop3A_206 : vector<1x16xf32> to vector<16xf32>
        %parallel_loop3A_208 = vector.shape_cast %parallel_loop3A_203 : vector<16xf32> to vector<1x16xf32>
        tpu.vector_store %arg18[%parallel_loop3A_204, %parallel_loop3A_205], %parallel_loop3A_208 {strides = array<i32>} : memref<48x128xf32, #tpu.memory_space<vmem>>, vector<1x16xf32>,
        %parallel_loop3A_209 = arith.mulf %parallel_loop3A_129, %parallel_loop3A_190 : vector<16xf32>
        %parallel_loop3A_210 = arith.index_cast %parallel_loop3A_113 : i32 to index
        %parallel_loop3A_211 = arith.constant 48 : index
        %parallel_loop3A_212 = tpu.vector_load %arg18[%parallel_loop3A_210, %parallel_loop3A_211] {strides = array<i32>} : memref<48x128xf32, #tpu.memory_space<vmem>>, vector<1x16xf32>,
        %parallel_loop3A_213 = vector.shape_cast %parallel_loop3A_212 : vector<1x16xf32> to vector<16xf32>
        %parallel_loop3A_214 = vector.shape_cast %parallel_loop3A_209 : vector<16xf32> to vector<1x16xf32>
        tpu.vector_store %arg18[%parallel_loop3A_210, %parallel_loop3A_211], %parallel_loop3A_214 {strides = array<i32>} : memref<48x128xf32, #tpu.memory_space<vmem>>, vector<1x16xf32>,
        %parallel_loop3A_215 = arith.constant 0 : i32
        %parallel_loop3A_216 = vector.broadcast %parallel_loop3A_215 : i32 to vector<16xi32>
        %parallel_loop3A_217 = arith.cmpi eq, %iota3A, %parallel_loop3A_216 : vector<16xi32>
        %parallel_loop3A_218 = arith.select %parallel_loop3A_217, %parallel_loop3A_190, %broadcast_in_dim3A_0 : vector<16xi1>, vector<16xf32>
        %parallel_loop3A_219 = arith.index_cast %parallel_loop3A_113 : i32 to index
        %parallel_loop3A_220 = arith.constant 64 : index
        %parallel_loop3A_221 = tpu.vector_load %arg18[%parallel_loop3A_219, %parallel_loop3A_220] {strides = array<i32>} : memref<48x128xf32, #tpu.memory_space<vmem>>, vector<1x16xf32>,
        %parallel_loop3A_222 = vector.shape_cast %parallel_loop3A_221 : vector<1x16xf32> to vector<16xf32>
        %parallel_loop3A_223 = vector.shape_cast %parallel_loop3A_218 : vector<16xf32> to vector<1x16xf32>
        tpu.vector_store %arg18[%parallel_loop3A_219, %parallel_loop3A_220], %parallel_loop3A_223 {strides = array<i32>} : memref<48x128xf32, #tpu.memory_space<vmem>>, vector<1x16xf32>,
      } {sc.loop_unroll_factor = 4 : i64, sc.parallel_access}
      "tpu.region"() ({
        %run_scoped3A = tpu.sem_alloc : memref<!tpu.dma_semaphore, #tpu.memory_space<semaphore_mem>>
        %dma_start3A_113 = arith.constant 0 : i32
        %dma_start3A_114 = arith.constant 0 : i32
        %dma_start3A_115 = tpu.memref_slice %arg22[%dma_start3A_113, %dma_start3A_114] : memref<10240x128xf32, #tpu.memory_space<vmem_shared>> -> memref<10240x128xf32, #tpu.memory_space<vmem_shared>>
        tpu.enqueue_indirect_dma source(%arg18 : memref<48x128xf32, #tpu.memory_space<vmem>>) target(%dma_start3A_115 : memref<10240x128xf32, #tpu.memory_space<vmem_shared>>) offsets(%arg12 : memref<48xi32, #tpu.memory_space<vmem>>) semaphore(%run_scoped3A : memref<!tpu.dma_semaphore, #tpu.memory_space<semaphore_mem>>) {add = true}
        %dma_wait3A_116 = arith.constant 0 : i32
        %dma_wait3A_117 = arith.constant 0 : i32
        %dma_wait3A_118 = tpu.memref_slice %arg22[%dma_wait3A_116, %dma_wait3A_117] : memref<10240x128xf32, #tpu.memory_space<vmem_shared>> -> memref<10240x128xf32, #tpu.memory_space<vmem_shared>>
        tpu.wait_indirect_dma semaphore(%run_scoped3A : memref<!tpu.dma_semaphore, #tpu.memory_space<semaphore_mem>>) src(%arg18 : memref<48x128xf32, #tpu.memory_space<vmem>>) dst(%dma_wait3A_118 : memref<10240x128xf32, #tpu.memory_space<vmem_shared>>)
        tpu.yield
      }) : () -> ()
      %mul3A_69 = arith.constant 3 : i32
      %mul3A_70 = arith.muli %scan3A_52, %mul3A_69 : i32
      %add3A_71 = arith.constant 1 : i32
      %add3A_72 = arith.addi %mul3A_70, %add3A_71 : i32
      %dma_wait3A_73 = arith.constant 0 : i32
      %dma_wait3A_74 = arith.constant 0 : i32
      %dma_wait3A_75 = tpu.memref_slice %arg2[%dma_wait3A_73, %dma_wait3A_74] : memref<10240x128xf32, #tpu.memory_space<hbm>> -> memref<10240x128xf32, #tpu.memory_space<hbm>>
      tpu.wait_indirect_dma semaphore(%arg24 : memref<!tpu.dma_semaphore, #tpu.memory_space<semaphore_mem>>) src(%dma_wait3A_75 : memref<10240x128xf32, #tpu.memory_space<hbm>>) dst(%arg16 : memref<48x128xf32, #tpu.memory_space<vmem>>)
      %dma_wait3A_76 = arith.constant 0 : i32
      %dma_wait3A_77 = arith.constant 0 : i32
      %dma_wait3A_78 = tpu.memref_slice %arg3[%dma_wait3A_76, %dma_wait3A_77] : memref<10240x128xf32, #tpu.memory_space<hbm>> -> memref<10240x128xf32, #tpu.memory_space<hbm>>
      tpu.wait_indirect_dma semaphore(%arg27 : memref<!tpu.dma_semaphore, #tpu.memory_space<semaphore_mem>>) src(%dma_wait3A_78 : memref<10240x128xf32, #tpu.memory_space<hbm>>) dst(%arg19 : memref<48x128xf32, #tpu.memory_space<vmem>>)
      %add3A_79 = arith.constant 3 : i32
      %add3A_80 = arith.addi %add3A_72, %add3A_79 : i32
      %sub3A_81 = arith.constant 1 : i32
      %sub3A_82 = arith.subi %add3A_80, %sub3A_81 : i32
      %lt3A_83 = arith.constant 216 : i32
      %lt3A_84 = arith.cmpi slt, %sub3A_82, %lt3A_83 : i32
      %convert_element_type3A_85 = arith.extui %lt3A_84 : i1 to i32
      %cond3A_86 = arith.constant 0 : i32
      %cond3A_87 = arith.cmpi ne, %convert_element_type3A_85, %cond3A_86 : i32
      scf.if %cond3A_87 {
        %add3A_113 = arith.constant 3 : i32
        %add3A_114 = arith.addi %add3A_72, %add3A_113 : i32
        %sub3A_115 = arith.constant 1 : i32
        %sub3A_116 = arith.subi %add3A_114, %sub3A_115 : i32
        %mul3A_117 = arith.constant 48 : i32
        %mul3A_118 = arith.muli %sub3A_116, %mul3A_117 : i32
        %add3A_119 = arith.addi %mul3A_27, %mul3A_118 : i32
        "tpu.region"() ({
          %run_scoped3A = tpu.sem_alloc : memref<!tpu.dma_semaphore, #tpu.memory_space<semaphore_mem>>
          %dma_start3A_126 = tpu.memref_slice %arg4[%add3A_119] : memref<331776xi32, #tpu.memory_space<hbm>> -> memref<48xi32, #tpu.memory_space<hbm>>
          %dma_start3A_127 = tpu.memref_slice %arg4[%add3A_119] : memref<331776xi32, #tpu.memory_space<hbm>> -> memref<48xi32, #tpu.memory_space<hbm>>
          tpu.enqueue_dma source(%dma_start3A_127 : memref<48xi32, #tpu.memory_space<hbm>>) target(%arg9 : memref<48xi32, #tpu.memory_space<vmem>>) target_semaphore(%run_scoped3A : memref<!tpu.dma_semaphore, #tpu.memory_space<semaphore_mem>>)
          %dma_wait3A_128 = tpu.memref_slice %arg4[%add3A_119] : memref<331776xi32, #tpu.memory_space<hbm>> -> memref<48xi32, #tpu.memory_space<hbm>>
          %dma_wait3A_129 = tpu.memref_slice %arg4[%add3A_119] : memref<331776xi32, #tpu.memory_space<hbm>> -> memref<48xi32, #tpu.memory_space<hbm>>
          tpu.wait_dma2 semaphore(%run_scoped3A : memref<!tpu.dma_semaphore, #tpu.memory_space<semaphore_mem>>) src(%dma_wait3A_129 : memref<48xi32, #tpu.memory_space<hbm>>) dst(%arg9 : memref<48xi32, #tpu.memory_space<vmem>>)
          tpu.yield
        }) : () -> ()
        "tpu.region"() ({
          %run_scoped3A = tpu.sem_alloc : memref<!tpu.dma_semaphore, #tpu.memory_space<semaphore_mem>>
          %dma_start3A_126 = tpu.memref_slice %arg5[%add3A_119] : memref<331776xi32, #tpu.memory_space<hbm>> -> memref<48xi32, #tpu.memory_space<hbm>>
          %dma_start3A_127 = tpu.memref_slice %arg5[%add3A_119] : memref<331776xi32, #tpu.memory_space<hbm>> -> memref<48xi32, #tpu.memory_space<hbm>>
          tpu.enqueue_dma source(%dma_start3A_127 : memref<48xi32, #tpu.memory_space<hbm>>) target(%arg12 : memref<48xi32, #tpu.memory_space<vmem>>) target_semaphore(%run_scoped3A : memref<!tpu.dma_semaphore, #tpu.memory_space<semaphore_mem>>)
          %dma_wait3A_128 = tpu.memref_slice %arg5[%add3A_119] : memref<331776xi32, #tpu.memory_space<hbm>> -> memref<48xi32, #tpu.memory_space<hbm>>
          %dma_wait3A_129 = tpu.memref_slice %arg5[%add3A_119] : memref<331776xi32, #tpu.memory_space<hbm>> -> memref<48xi32, #tpu.memory_space<hbm>>
          tpu.wait_dma2 semaphore(%run_scoped3A : memref<!tpu.dma_semaphore, #tpu.memory_space<semaphore_mem>>) src(%dma_wait3A_129 : memref<48xi32, #tpu.memory_space<hbm>>) dst(%arg12 : memref<48xi32, #tpu.memory_space<vmem>>)
          tpu.yield
        }) : () -> ()
        %dma_start3A_120 = arith.constant 0 : i32
        %dma_start3A_121 = arith.constant 0 : i32
        %dma_start3A_122 = tpu.memref_slice %arg2[%dma_start3A_120, %dma_start3A_121] : memref<10240x128xf32, #tpu.memory_space<hbm>> -> memref<10240x128xf32, #tpu.memory_space<hbm>>
        tpu.enqueue_indirect_dma source(%dma_start3A_122 : memref<10240x128xf32, #tpu.memory_space<hbm>>) target(%arg15 : memref<48x128xf32, #tpu.memory_space<vmem>>) offsets(%arg9 : memref<48xi32, #tpu.memory_space<vmem>>) semaphore(%arg23 : memref<!tpu.dma_semaphore, #tpu.memory_space<semaphore_mem>>)
        %dma_start3A_123 = arith.constant 0 : i32
        %dma_start3A_124 = arith.constant 0 : i32
        %dma_start3A_125 = tpu.memref_slice %arg3[%dma_start3A_123, %dma_start3A_124] : memref<10240x128xf32, #tpu.memory_space<hbm>> -> memref<10240x128xf32, #tpu.memory_space<hbm>>
        tpu.enqueue_indirect_dma source(%dma_start3A_125 : memref<10240x128xf32, #tpu.memory_space<hbm>>) target(%arg18 : memref<48x128xf32, #tpu.memory_space<vmem>>) offsets(%arg12 : memref<48xi32, #tpu.memory_space<vmem>>) semaphore(%arg26 : memref<!tpu.dma_semaphore, #tpu.memory_space<semaphore_mem>>)
      } else {
      }
      %parallel_loop3A_88 = arith.constant 0 : i32
      %parallel_loop3A_89 = arith.constant 48 : i32
      %parallel_loop3A_90 = arith.constant 1 : i32
      scf.for %parallel_loop3A_113 = %parallel_loop3A_88 to %parallel_loop3A_89 step %parallel_loop3A_90  : i32 {
        %parallel_loop3A_114 = arith.index_cast %parallel_loop3A_113 : i32 to index
        %parallel_loop3A_115 = arith.constant 0 : index
        %parallel_loop3A_116 = tpu.vector_load %arg16[%parallel_loop3A_114, %parallel_loop3A_115] {strides = array<i32>} : memref<48x128xf32, #tpu.memory_space<vmem>>, vector<1x16xf32>,
        %parallel_loop3A_117 = vector.shape_cast %parallel_loop3A_116 : vector<1x16xf32> to vector<16xf32>
        %parallel_loop3A_118 = arith.index_cast %parallel_loop3A_113 : i32 to index
        %parallel_loop3A_119 = arith.constant 16 : index
        %parallel_loop3A_120 = tpu.vector_load %arg16[%parallel_loop3A_118, %parallel_loop3A_119] {strides = array<i32>} : memref<48x128xf32, #tpu.memory_space<vmem>>, vector<1x16xf32>,
        %parallel_loop3A_121 = vector.shape_cast %parallel_loop3A_120 : vector<1x16xf32> to vector<16xf32>
        %parallel_loop3A_122 = arith.index_cast %parallel_loop3A_113 : i32 to index
        %parallel_loop3A_123 = arith.constant 32 : index
        %parallel_loop3A_124 = tpu.vector_load %arg16[%parallel_loop3A_122, %parallel_loop3A_123] {strides = array<i32>} : memref<48x128xf32, #tpu.memory_space<vmem>>, vector<1x16xf32>,
        %parallel_loop3A_125 = vector.shape_cast %parallel_loop3A_124 : vector<1x16xf32> to vector<16xf32>
        %parallel_loop3A_126 = arith.index_cast %parallel_loop3A_113 : i32 to index
        %parallel_loop3A_127 = arith.constant 48 : index
        %parallel_loop3A_128 = tpu.vector_load %arg16[%parallel_loop3A_126, %parallel_loop3A_127] {strides = array<i32>} : memref<48x128xf32, #tpu.memory_space<vmem>>, vector<1x16xf32>,
        %parallel_loop3A_129 = vector.shape_cast %parallel_loop3A_128 : vector<1x16xf32> to vector<16xf32>
        %parallel_loop3A_130 = arith.index_cast %parallel_loop3A_113 : i32 to index
        %parallel_loop3A_131 = arith.constant 64 : index
        %parallel_loop3A_132 = tpu.vector_load %arg19[%parallel_loop3A_130, %parallel_loop3A_131] {strides = array<i32>} : memref<48x128xf32, #tpu.memory_space<vmem>>, vector<1x16xf32>,
        %parallel_loop3A_133 = vector.shape_cast %parallel_loop3A_132 : vector<1x16xf32> to vector<16xf32>
        %parallel_loop3A_134 = arith.index_cast %parallel_loop3A_113 : i32 to index
        %parallel_loop3A_135 = arith.constant 80 : index
        %parallel_loop3A_136 = tpu.vector_load %arg19[%parallel_loop3A_134, %parallel_loop3A_135] {strides = array<i32>} : memref<48x128xf32, #tpu.memory_space<vmem>>, vector<1x16xf32>,
        %parallel_loop3A_137 = vector.shape_cast %parallel_loop3A_136 : vector<1x16xf32> to vector<16xf32>
        %parallel_loop3A_138 = arith.index_cast %parallel_loop3A_113 : i32 to index
        %parallel_loop3A_139 = arith.constant 96 : index
        %parallel_loop3A_140 = tpu.vector_load %arg19[%parallel_loop3A_138, %parallel_loop3A_139] {strides = array<i32>} : memref<48x128xf32, #tpu.memory_space<vmem>>, vector<1x16xf32>,
        %parallel_loop3A_141 = vector.shape_cast %parallel_loop3A_140 : vector<1x16xf32> to vector<16xf32>
        %parallel_loop3A_142 = arith.index_cast %parallel_loop3A_113 : i32 to index
        %parallel_loop3A_143 = arith.constant 112 : index
        %parallel_loop3A_144 = tpu.vector_load %arg19[%parallel_loop3A_142, %parallel_loop3A_143] {strides = array<i32>} : memref<48x128xf32, #tpu.memory_space<vmem>>, vector<1x16xf32>,
        %parallel_loop3A_145 = vector.shape_cast %parallel_loop3A_144 : vector<1x16xf32> to vector<16xf32>
        %parallel_loop3A_146 = arith.addf %parallel_loop3A_117, %parallel_loop3A_133 : vector<16xf32>
        %parallel_loop3A_147 = arith.constant 2.000000e-01 : f32
        %parallel_loop3A_148 = vector.broadcast %parallel_loop3A_147 : f32 to vector<16xf32>
        %parallel_loop3A_149 = arith.mulf %parallel_loop3A_148, %parallel_loop3A_146 : vector<16xf32>
        %parallel_loop3A_150 = arith.maximumf %parallel_loop3A_146, %parallel_loop3A_149 : vector<16xf32>
        %parallel_loop3A_151 = arith.mulf %parallel_loop3A_150, %get3A_3 : vector<16xf32>
        %parallel_loop3A_152 = arith.addf %broadcast_in_dim3A_0, %parallel_loop3A_151 : vector<16xf32>
        %parallel_loop3A_153 = arith.addf %parallel_loop3A_121, %parallel_loop3A_137 : vector<16xf32>
        %parallel_loop3A_154 = arith.constant 2.000000e-01 : f32
        %parallel_loop3A_155 = vector.broadcast %parallel_loop3A_154 : f32 to vector<16xf32>
        %parallel_loop3A_156 = arith.mulf %parallel_loop3A_155, %parallel_loop3A_153 : vector<16xf32>
        %parallel_loop3A_157 = arith.maximumf %parallel_loop3A_153, %parallel_loop3A_156 : vector<16xf32>
        %parallel_loop3A_158 = arith.mulf %parallel_loop3A_157, %get3A_6 : vector<16xf32>
        %parallel_loop3A_159 = arith.addf %parallel_loop3A_152, %parallel_loop3A_158 : vector<16xf32>
        %parallel_loop3A_160 = arith.addf %parallel_loop3A_125, %parallel_loop3A_141 : vector<16xf32>
        %parallel_loop3A_161 = arith.constant 2.000000e-01 : f32
        %parallel_loop3A_162 = vector.broadcast %parallel_loop3A_161 : f32 to vector<16xf32>
        %parallel_loop3A_163 = arith.mulf %parallel_loop3A_162, %parallel_loop3A_160 : vector<16xf32>
        %parallel_loop3A_164 = arith.maximumf %parallel_loop3A_160, %parallel_loop3A_163 : vector<16xf32>
        %parallel_loop3A_165 = arith.mulf %parallel_loop3A_164, %get3A_9 : vector<16xf32>
        %parallel_loop3A_166 = arith.addf %parallel_loop3A_159, %parallel_loop3A_165 : vector<16xf32>
        %parallel_loop3A_167 = arith.addf %parallel_loop3A_129, %parallel_loop3A_145 : vector<16xf32>
        %parallel_loop3A_168 = arith.constant 2.000000e-01 : f32
        %parallel_loop3A_169 = vector.broadcast %parallel_loop3A_168 : f32 to vector<16xf32>
        %parallel_loop3A_170 = arith.mulf %parallel_loop3A_169, %parallel_loop3A_167 : vector<16xf32>
        %parallel_loop3A_171 = arith.maximumf %parallel_loop3A_167, %parallel_loop3A_170 : vector<16xf32>
        %parallel_loop3A_172 = arith.mulf %parallel_loop3A_171, %get3A_12 : vector<16xf32>
        %parallel_loop3A_173 = arith.addf %parallel_loop3A_166, %parallel_loop3A_172 : vector<16xf32>
        %parallel_loop3A_174 = vector.shape_cast %xor3A_14 : vector<16xi32> to vector<16x1xi32>
        %parallel_loop3A_175 = vector.shape_cast %parallel_loop3A_174 : vector<16x1xi32> to vector<16xi32>
        %parallel_loop3A_176 = tpu.dynamic_gather %parallel_loop3A_173[%parallel_loop3A_175] in [0] : vector<16xf32>, vector<16xi32> -> vector<16xf32>
        %parallel_loop3A_177 = arith.addf %parallel_loop3A_173, %parallel_loop3A_176 : vector<16xf32>
        %parallel_loop3A_178 = vector.shape_cast %xor3A_17 : vector<16xi32> to vector<16x1xi32>
        %parallel_loop3A_179 = vector.shape_cast %parallel_loop3A_178 : vector<16x1xi32> to vector<16xi32>
        %parallel_loop3A_180 = tpu.dynamic_gather %parallel_loop3A_177[%parallel_loop3A_179] in [0] : vector<16xf32>, vector<16xi32> -> vector<16xf32>
        %parallel_loop3A_181 = arith.addf %parallel_loop3A_177, %parallel_loop3A_180 : vector<16xf32>
        %parallel_loop3A_182 = vector.shape_cast %xor3A_20 : vector<16xi32> to vector<16x1xi32>
        %parallel_loop3A_183 = vector.shape_cast %parallel_loop3A_182 : vector<16x1xi32> to vector<16xi32>
        %parallel_loop3A_184 = tpu.dynamic_gather %parallel_loop3A_181[%parallel_loop3A_183] in [0] : vector<16xf32>, vector<16xi32> -> vector<16xf32>
        %parallel_loop3A_185 = arith.addf %parallel_loop3A_181, %parallel_loop3A_184 : vector<16xf32>
        %parallel_loop3A_186 = vector.shape_cast %xor3A_23 : vector<16xi32> to vector<16x1xi32>
        %parallel_loop3A_187 = vector.shape_cast %parallel_loop3A_186 : vector<16x1xi32> to vector<16xi32>
        %parallel_loop3A_188 = tpu.dynamic_gather %parallel_loop3A_185[%parallel_loop3A_187] in [0] : vector<16xf32>, vector<16xi32> -> vector<16xf32>
        %parallel_loop3A_189 = arith.addf %parallel_loop3A_185, %parallel_loop3A_188 : vector<16xf32>
        %parallel_loop3A_190 = math.exp %parallel_loop3A_189 : vector<16xf32>
        %parallel_loop3A_191 = arith.mulf %parallel_loop3A_117, %parallel_loop3A_190 : vector<16xf32>
        %parallel_loop3A_192 = arith.index_cast %parallel_loop3A_113 : i32 to index
        %parallel_loop3A_193 = arith.constant 0 : index
        %parallel_loop3A_194 = tpu.vector_load %arg19[%parallel_loop3A_192, %parallel_loop3A_193] {strides = array<i32>} : memref<48x128xf32, #tpu.memory_space<vmem>>, vector<1x16xf32>,
        %parallel_loop3A_195 = vector.shape_cast %parallel_loop3A_194 : vector<1x16xf32> to vector<16xf32>
        %parallel_loop3A_196 = vector.shape_cast %parallel_loop3A_191 : vector<16xf32> to vector<1x16xf32>
        tpu.vector_store %arg19[%parallel_loop3A_192, %parallel_loop3A_193], %parallel_loop3A_196 {strides = array<i32>} : memref<48x128xf32, #tpu.memory_space<vmem>>, vector<1x16xf32>,
        %parallel_loop3A_197 = arith.mulf %parallel_loop3A_121, %parallel_loop3A_190 : vector<16xf32>
        %parallel_loop3A_198 = arith.index_cast %parallel_loop3A_113 : i32 to index
        %parallel_loop3A_199 = arith.constant 16 : index
        %parallel_loop3A_200 = tpu.vector_load %arg19[%parallel_loop3A_198, %parallel_loop3A_199] {strides = array<i32>} : memref<48x128xf32, #tpu.memory_space<vmem>>, vector<1x16xf32>,
        %parallel_loop3A_201 = vector.shape_cast %parallel_loop3A_200 : vector<1x16xf32> to vector<16xf32>
        %parallel_loop3A_202 = vector.shape_cast %parallel_loop3A_197 : vector<16xf32> to vector<1x16xf32>
        tpu.vector_store %arg19[%parallel_loop3A_198, %parallel_loop3A_199], %parallel_loop3A_202 {strides = array<i32>} : memref<48x128xf32, #tpu.memory_space<vmem>>, vector<1x16xf32>,
        %parallel_loop3A_203 = arith.mulf %parallel_loop3A_125, %parallel_loop3A_190 : vector<16xf32>
        %parallel_loop3A_204 = arith.index_cast %parallel_loop3A_113 : i32 to index
        %parallel_loop3A_205 = arith.constant 32 : index
        %parallel_loop3A_206 = tpu.vector_load %arg19[%parallel_loop3A_204, %parallel_loop3A_205] {strides = array<i32>} : memref<48x128xf32, #tpu.memory_space<vmem>>, vector<1x16xf32>,
        %parallel_loop3A_207 = vector.shape_cast %parallel_loop3A_206 : vector<1x16xf32> to vector<16xf32>
        %parallel_loop3A_208 = vector.shape_cast %parallel_loop3A_203 : vector<16xf32> to vector<1x16xf32>
        tpu.vector_store %arg19[%parallel_loop3A_204, %parallel_loop3A_205], %parallel_loop3A_208 {strides = array<i32>} : memref<48x128xf32, #tpu.memory_space<vmem>>, vector<1x16xf32>,
        %parallel_loop3A_209 = arith.mulf %parallel_loop3A_129, %parallel_loop3A_190 : vector<16xf32>
        %parallel_loop3A_210 = arith.index_cast %parallel_loop3A_113 : i32 to index
        %parallel_loop3A_211 = arith.constant 48 : index
        %parallel_loop3A_212 = tpu.vector_load %arg19[%parallel_loop3A_210, %parallel_loop3A_211] {strides = array<i32>} : memref<48x128xf32, #tpu.memory_space<vmem>>, vector<1x16xf32>,
        %parallel_loop3A_213 = vector.shape_cast %parallel_loop3A_212 : vector<1x16xf32> to vector<16xf32>
        %parallel_loop3A_214 = vector.shape_cast %parallel_loop3A_209 : vector<16xf32> to vector<1x16xf32>
        tpu.vector_store %arg19[%parallel_loop3A_210, %parallel_loop3A_211], %parallel_loop3A_214 {strides = array<i32>} : memref<48x128xf32, #tpu.memory_space<vmem>>, vector<1x16xf32>,
        %parallel_loop3A_215 = arith.constant 0 : i32
        %parallel_loop3A_216 = vector.broadcast %parallel_loop3A_215 : i32 to vector<16xi32>
        %parallel_loop3A_217 = arith.cmpi eq, %iota3A, %parallel_loop3A_216 : vector<16xi32>
        %parallel_loop3A_218 = arith.select %parallel_loop3A_217, %parallel_loop3A_190, %broadcast_in_dim3A_0 : vector<16xi1>, vector<16xf32>
        %parallel_loop3A_219 = arith.index_cast %parallel_loop3A_113 : i32 to index
        %parallel_loop3A_220 = arith.constant 64 : index
        %parallel_loop3A_221 = tpu.vector_load %arg19[%parallel_loop3A_219, %parallel_loop3A_220] {strides = array<i32>} : memref<48x128xf32, #tpu.memory_space<vmem>>, vector<1x16xf32>,
        %parallel_loop3A_222 = vector.shape_cast %parallel_loop3A_221 : vector<1x16xf32> to vector<16xf32>
        %parallel_loop3A_223 = vector.shape_cast %parallel_loop3A_218 : vector<16xf32> to vector<1x16xf32>
        tpu.vector_store %arg19[%parallel_loop3A_219, %parallel_loop3A_220], %parallel_loop3A_223 {strides = array<i32>} : memref<48x128xf32, #tpu.memory_space<vmem>>, vector<1x16xf32>,
      } {sc.loop_unroll_factor = 4 : i64, sc.parallel_access}
      "tpu.region"() ({
        %run_scoped3A = tpu.sem_alloc : memref<!tpu.dma_semaphore, #tpu.memory_space<semaphore_mem>>
        %dma_start3A_113 = arith.constant 0 : i32
        %dma_start3A_114 = arith.constant 0 : i32
        %dma_start3A_115 = tpu.memref_slice %arg22[%dma_start3A_113, %dma_start3A_114] : memref<10240x128xf32, #tpu.memory_space<vmem_shared>> -> memref<10240x128xf32, #tpu.memory_space<vmem_shared>>
        tpu.enqueue_indirect_dma source(%arg19 : memref<48x128xf32, #tpu.memory_space<vmem>>) target(%dma_start3A_115 : memref<10240x128xf32, #tpu.memory_space<vmem_shared>>) offsets(%arg13 : memref<48xi32, #tpu.memory_space<vmem>>) semaphore(%run_scoped3A : memref<!tpu.dma_semaphore, #tpu.memory_space<semaphore_mem>>) {add = true}
        %dma_wait3A_116 = arith.constant 0 : i32
        %dma_wait3A_117 = arith.constant 0 : i32
        %dma_wait3A_118 = tpu.memref_slice %arg22[%dma_wait3A_116, %dma_wait3A_117] : memref<10240x128xf32, #tpu.memory_space<vmem_shared>> -> memref<10240x128xf32, #tpu.memory_space<vmem_shared>>
        tpu.wait_indirect_dma semaphore(%run_scoped3A : memref<!tpu.dma_semaphore, #tpu.memory_space<semaphore_mem>>) src(%arg19 : memref<48x128xf32, #tpu.memory_space<vmem>>) dst(%dma_wait3A_118 : memref<10240x128xf32, #tpu.memory_space<vmem_shared>>)
        tpu.yield
      }) : () -> ()
      %mul3A_91 = arith.constant 3 : i32
      %mul3A_92 = arith.muli %scan3A_52, %mul3A_91 : i32
      %add3A_93 = arith.constant 2 : i32
      %add3A_94 = arith.addi %mul3A_92, %add3A_93 : i32
      %dma_wait3A_95 = arith.constant 0 : i32
      %dma_wait3A_96 = arith.constant 0 : i32
      %dma_wait3A_97 = tpu.memref_slice %arg2[%dma_wait3A_95, %dma_wait3A_96] : memref<10240x128xf32, #tpu.memory_space<hbm>> -> memref<10240x128xf32, #tpu.memory_space<hbm>>
      tpu.wait_indirect_dma semaphore(%arg25 : memref<!tpu.dma_semaphore, #tpu.memory_space<semaphore_mem>>) src(%dma_wait3A_97 : memref<10240x128xf32, #tpu.memory_space<hbm>>) dst(%arg17 : memref<48x128xf32, #tpu.memory_space<vmem>>)
      %dma_wait3A_98 = arith.constant 0 : i32
      %dma_wait3A_99 = arith.constant 0 : i32
      %dma_wait3A_100 = tpu.memref_slice %arg3[%dma_wait3A_98, %dma_wait3A_99] : memref<10240x128xf32, #tpu.memory_space<hbm>> -> memref<10240x128xf32, #tpu.memory_space<hbm>>
      tpu.wait_indirect_dma semaphore(%arg28 : memref<!tpu.dma_semaphore, #tpu.memory_space<semaphore_mem>>) src(%dma_wait3A_100 : memref<10240x128xf32, #tpu.memory_space<hbm>>) dst(%arg20 : memref<48x128xf32, #tpu.memory_space<vmem>>)
      %add3A_101 = arith.constant 3 : i32
      %add3A_102 = arith.addi %add3A_94, %add3A_101 : i32
      %sub3A_103 = arith.constant 1 : i32
      %sub3A_104 = arith.subi %add3A_102, %sub3A_103 : i32
      %lt3A_105 = arith.constant 216 : i32
      %lt3A_106 = arith.cmpi slt, %sub3A_104, %lt3A_105 : i32
      %convert_element_type3A_107 = arith.extui %lt3A_106 : i1 to i32
      %cond3A_108 = arith.constant 0 : i32
      %cond3A_109 = arith.cmpi ne, %convert_element_type3A_107, %cond3A_108 : i32
      scf.if %cond3A_109 {
        %add3A_113 = arith.constant 3 : i32
        %add3A_114 = arith.addi %add3A_94, %add3A_113 : i32
        %sub3A_115 = arith.constant 1 : i32
        %sub3A_116 = arith.subi %add3A_114, %sub3A_115 : i32
        %mul3A_117 = arith.constant 48 : i32
        %mul3A_118 = arith.muli %sub3A_116, %mul3A_117 : i32
        %add3A_119 = arith.addi %mul3A_27, %mul3A_118 : i32
        "tpu.region"() ({
          %run_scoped3A = tpu.sem_alloc : memref<!tpu.dma_semaphore, #tpu.memory_space<semaphore_mem>>
          %dma_start3A_126 = tpu.memref_slice %arg4[%add3A_119] : memref<331776xi32, #tpu.memory_space<hbm>> -> memref<48xi32, #tpu.memory_space<hbm>>
          %dma_start3A_127 = tpu.memref_slice %arg4[%add3A_119] : memref<331776xi32, #tpu.memory_space<hbm>> -> memref<48xi32, #tpu.memory_space<hbm>>
          tpu.enqueue_dma source(%dma_start3A_127 : memref<48xi32, #tpu.memory_space<hbm>>) target(%arg10 : memref<48xi32, #tpu.memory_space<vmem>>) target_semaphore(%run_scoped3A : memref<!tpu.dma_semaphore, #tpu.memory_space<semaphore_mem>>)
          %dma_wait3A_128 = tpu.memref_slice %arg4[%add3A_119] : memref<331776xi32, #tpu.memory_space<hbm>> -> memref<48xi32, #tpu.memory_space<hbm>>
          %dma_wait3A_129 = tpu.memref_slice %arg4[%add3A_119] : memref<331776xi32, #tpu.memory_space<hbm>> -> memref<48xi32, #tpu.memory_space<hbm>>
          tpu.wait_dma2 semaphore(%run_scoped3A : memref<!tpu.dma_semaphore, #tpu.memory_space<semaphore_mem>>) src(%dma_wait3A_129 : memref<48xi32, #tpu.memory_space<hbm>>) dst(%arg10 : memref<48xi32, #tpu.memory_space<vmem>>)
          tpu.yield
        }) : () -> ()
        "tpu.region"() ({
          %run_scoped3A = tpu.sem_alloc : memref<!tpu.dma_semaphore, #tpu.memory_space<semaphore_mem>>
          %dma_start3A_126 = tpu.memref_slice %arg5[%add3A_119] : memref<331776xi32, #tpu.memory_space<hbm>> -> memref<48xi32, #tpu.memory_space<hbm>>
          %dma_start3A_127 = tpu.memref_slice %arg5[%add3A_119] : memref<331776xi32, #tpu.memory_space<hbm>> -> memref<48xi32, #tpu.memory_space<hbm>>
          tpu.enqueue_dma source(%dma_start3A_127 : memref<48xi32, #tpu.memory_space<hbm>>) target(%arg13 : memref<48xi32, #tpu.memory_space<vmem>>) target_semaphore(%run_scoped3A : memref<!tpu.dma_semaphore, #tpu.memory_space<semaphore_mem>>)
          %dma_wait3A_128 = tpu.memref_slice %arg5[%add3A_119] : memref<331776xi32, #tpu.memory_space<hbm>> -> memref<48xi32, #tpu.memory_space<hbm>>
          %dma_wait3A_129 = tpu.memref_slice %arg5[%add3A_119] : memref<331776xi32, #tpu.memory_space<hbm>> -> memref<48xi32, #tpu.memory_space<hbm>>
          tpu.wait_dma2 semaphore(%run_scoped3A : memref<!tpu.dma_semaphore, #tpu.memory_space<semaphore_mem>>) src(%dma_wait3A_129 : memref<48xi32, #tpu.memory_space<hbm>>) dst(%arg13 : memref<48xi32, #tpu.memory_space<vmem>>)
          tpu.yield
        }) : () -> ()
        %dma_start3A_120 = arith.constant 0 : i32
        %dma_start3A_121 = arith.constant 0 : i32
        %dma_start3A_122 = tpu.memref_slice %arg2[%dma_start3A_120, %dma_start3A_121] : memref<10240x128xf32, #tpu.memory_space<hbm>> -> memref<10240x128xf32, #tpu.memory_space<hbm>>
        tpu.enqueue_indirect_dma source(%dma_start3A_122 : memref<10240x128xf32, #tpu.memory_space<hbm>>) target(%arg16 : memref<48x128xf32, #tpu.memory_space<vmem>>) offsets(%arg10 : memref<48xi32, #tpu.memory_space<vmem>>) semaphore(%arg24 : memref<!tpu.dma_semaphore, #tpu.memory_space<semaphore_mem>>)
        %dma_start3A_123 = arith.constant 0 : i32
        %dma_start3A_124 = arith.constant 0 : i32
        %dma_start3A_125 = tpu.memref_slice %arg3[%dma_start3A_123, %dma_start3A_124] : memref<10240x128xf32, #tpu.memory_space<hbm>> -> memref<10240x128xf32, #tpu.memory_space<hbm>>
        tpu.enqueue_indirect_dma source(%dma_start3A_125 : memref<10240x128xf32, #tpu.memory_space<hbm>>) target(%arg19 : memref<48x128xf32, #tpu.memory_space<vmem>>) offsets(%arg13 : memref<48xi32, #tpu.memory_space<vmem>>) semaphore(%arg27 : memref<!tpu.dma_semaphore, #tpu.memory_space<semaphore_mem>>)
      } else {
      }
      %parallel_loop3A_110 = arith.constant 0 : i32
      %parallel_loop3A_111 = arith.constant 48 : i32
      %parallel_loop3A_112 = arith.constant 1 : i32
      scf.for %parallel_loop3A_113 = %parallel_loop3A_110 to %parallel_loop3A_111 step %parallel_loop3A_112  : i32 {
        %parallel_loop3A_114 = arith.index_cast %parallel_loop3A_113 : i32 to index
        %parallel_loop3A_115 = arith.constant 0 : index
        %parallel_loop3A_116 = tpu.vector_load %arg17[%parallel_loop3A_114, %parallel_loop3A_115] {strides = array<i32>} : memref<48x128xf32, #tpu.memory_space<vmem>>, vector<1x16xf32>,
        %parallel_loop3A_117 = vector.shape_cast %parallel_loop3A_116 : vector<1x16xf32> to vector<16xf32>
        %parallel_loop3A_118 = arith.index_cast %parallel_loop3A_113 : i32 to index
        %parallel_loop3A_119 = arith.constant 16 : index
        %parallel_loop3A_120 = tpu.vector_load %arg17[%parallel_loop3A_118, %parallel_loop3A_119] {strides = array<i32>} : memref<48x128xf32, #tpu.memory_space<vmem>>, vector<1x16xf32>,
        %parallel_loop3A_121 = vector.shape_cast %parallel_loop3A_120 : vector<1x16xf32> to vector<16xf32>
        %parallel_loop3A_122 = arith.index_cast %parallel_loop3A_113 : i32 to index
        %parallel_loop3A_123 = arith.constant 32 : index
        %parallel_loop3A_124 = tpu.vector_load %arg17[%parallel_loop3A_122, %parallel_loop3A_123] {strides = array<i32>} : memref<48x128xf32, #tpu.memory_space<vmem>>, vector<1x16xf32>,
        %parallel_loop3A_125 = vector.shape_cast %parallel_loop3A_124 : vector<1x16xf32> to vector<16xf32>
        %parallel_loop3A_126 = arith.index_cast %parallel_loop3A_113 : i32 to index
        %parallel_loop3A_127 = arith.constant 48 : index
        %parallel_loop3A_128 = tpu.vector_load %arg17[%parallel_loop3A_126, %parallel_loop3A_127] {strides = array<i32>} : memref<48x128xf32, #tpu.memory_space<vmem>>, vector<1x16xf32>,
        %parallel_loop3A_129 = vector.shape_cast %parallel_loop3A_128 : vector<1x16xf32> to vector<16xf32>
        %parallel_loop3A_130 = arith.index_cast %parallel_loop3A_113 : i32 to index
        %parallel_loop3A_131 = arith.constant 64 : index
        %parallel_loop3A_132 = tpu.vector_load %arg20[%parallel_loop3A_130, %parallel_loop3A_131] {strides = array<i32>} : memref<48x128xf32, #tpu.memory_space<vmem>>, vector<1x16xf32>,
        %parallel_loop3A_133 = vector.shape_cast %parallel_loop3A_132 : vector<1x16xf32> to vector<16xf32>
        %parallel_loop3A_134 = arith.index_cast %parallel_loop3A_113 : i32 to index
        %parallel_loop3A_135 = arith.constant 80 : index
        %parallel_loop3A_136 = tpu.vector_load %arg20[%parallel_loop3A_134, %parallel_loop3A_135] {strides = array<i32>} : memref<48x128xf32, #tpu.memory_space<vmem>>, vector<1x16xf32>,
        %parallel_loop3A_137 = vector.shape_cast %parallel_loop3A_136 : vector<1x16xf32> to vector<16xf32>
        %parallel_loop3A_138 = arith.index_cast %parallel_loop3A_113 : i32 to index
        %parallel_loop3A_139 = arith.constant 96 : index
        %parallel_loop3A_140 = tpu.vector_load %arg20[%parallel_loop3A_138, %parallel_loop3A_139] {strides = array<i32>} : memref<48x128xf32, #tpu.memory_space<vmem>>, vector<1x16xf32>,
        %parallel_loop3A_141 = vector.shape_cast %parallel_loop3A_140 : vector<1x16xf32> to vector<16xf32>
        %parallel_loop3A_142 = arith.index_cast %parallel_loop3A_113 : i32 to index
        %parallel_loop3A_143 = arith.constant 112 : index
        %parallel_loop3A_144 = tpu.vector_load %arg20[%parallel_loop3A_142, %parallel_loop3A_143] {strides = array<i32>} : memref<48x128xf32, #tpu.memory_space<vmem>>, vector<1x16xf32>,
        %parallel_loop3A_145 = vector.shape_cast %parallel_loop3A_144 : vector<1x16xf32> to vector<16xf32>
        %parallel_loop3A_146 = arith.addf %parallel_loop3A_117, %parallel_loop3A_133 : vector<16xf32>
        %parallel_loop3A_147 = arith.constant 2.000000e-01 : f32
        %parallel_loop3A_148 = vector.broadcast %parallel_loop3A_147 : f32 to vector<16xf32>
        %parallel_loop3A_149 = arith.mulf %parallel_loop3A_148, %parallel_loop3A_146 : vector<16xf32>
        %parallel_loop3A_150 = arith.maximumf %parallel_loop3A_146, %parallel_loop3A_149 : vector<16xf32>
        %parallel_loop3A_151 = arith.mulf %parallel_loop3A_150, %get3A_3 : vector<16xf32>
        %parallel_loop3A_152 = arith.addf %broadcast_in_dim3A_0, %parallel_loop3A_151 : vector<16xf32>
        %parallel_loop3A_153 = arith.addf %parallel_loop3A_121, %parallel_loop3A_137 : vector<16xf32>
        %parallel_loop3A_154 = arith.constant 2.000000e-01 : f32
        %parallel_loop3A_155 = vector.broadcast %parallel_loop3A_154 : f32 to vector<16xf32>
        %parallel_loop3A_156 = arith.mulf %parallel_loop3A_155, %parallel_loop3A_153 : vector<16xf32>
        %parallel_loop3A_157 = arith.maximumf %parallel_loop3A_153, %parallel_loop3A_156 : vector<16xf32>
        %parallel_loop3A_158 = arith.mulf %parallel_loop3A_157, %get3A_6 : vector<16xf32>
        %parallel_loop3A_159 = arith.addf %parallel_loop3A_152, %parallel_loop3A_158 : vector<16xf32>
        %parallel_loop3A_160 = arith.addf %parallel_loop3A_125, %parallel_loop3A_141 : vector<16xf32>
        %parallel_loop3A_161 = arith.constant 2.000000e-01 : f32
        %parallel_loop3A_162 = vector.broadcast %parallel_loop3A_161 : f32 to vector<16xf32>
        %parallel_loop3A_163 = arith.mulf %parallel_loop3A_162, %parallel_loop3A_160 : vector<16xf32>
        %parallel_loop3A_164 = arith.maximumf %parallel_loop3A_160, %parallel_loop3A_163 : vector<16xf32>
        %parallel_loop3A_165 = arith.mulf %parallel_loop3A_164, %get3A_9 : vector<16xf32>
        %parallel_loop3A_166 = arith.addf %parallel_loop3A_159, %parallel_loop3A_165 : vector<16xf32>
        %parallel_loop3A_167 = arith.addf %parallel_loop3A_129, %parallel_loop3A_145 : vector<16xf32>
        %parallel_loop3A_168 = arith.constant 2.000000e-01 : f32
        %parallel_loop3A_169 = vector.broadcast %parallel_loop3A_168 : f32 to vector<16xf32>
        %parallel_loop3A_170 = arith.mulf %parallel_loop3A_169, %parallel_loop3A_167 : vector<16xf32>
        %parallel_loop3A_171 = arith.maximumf %parallel_loop3A_167, %parallel_loop3A_170 : vector<16xf32>
        %parallel_loop3A_172 = arith.mulf %parallel_loop3A_171, %get3A_12 : vector<16xf32>
        %parallel_loop3A_173 = arith.addf %parallel_loop3A_166, %parallel_loop3A_172 : vector<16xf32>
        %parallel_loop3A_174 = vector.shape_cast %xor3A_14 : vector<16xi32> to vector<16x1xi32>
        %parallel_loop3A_175 = vector.shape_cast %parallel_loop3A_174 : vector<16x1xi32> to vector<16xi32>
        %parallel_loop3A_176 = tpu.dynamic_gather %parallel_loop3A_173[%parallel_loop3A_175] in [0] : vector<16xf32>, vector<16xi32> -> vector<16xf32>
        %parallel_loop3A_177 = arith.addf %parallel_loop3A_173, %parallel_loop3A_176 : vector<16xf32>
        %parallel_loop3A_178 = vector.shape_cast %xor3A_17 : vector<16xi32> to vector<16x1xi32>
        %parallel_loop3A_179 = vector.shape_cast %parallel_loop3A_178 : vector<16x1xi32> to vector<16xi32>
        %parallel_loop3A_180 = tpu.dynamic_gather %parallel_loop3A_177[%parallel_loop3A_179] in [0] : vector<16xf32>, vector<16xi32> -> vector<16xf32>
        %parallel_loop3A_181 = arith.addf %parallel_loop3A_177, %parallel_loop3A_180 : vector<16xf32>
        %parallel_loop3A_182 = vector.shape_cast %xor3A_20 : vector<16xi32> to vector<16x1xi32>
        %parallel_loop3A_183 = vector.shape_cast %parallel_loop3A_182 : vector<16x1xi32> to vector<16xi32>
        %parallel_loop3A_184 = tpu.dynamic_gather %parallel_loop3A_181[%parallel_loop3A_183] in [0] : vector<16xf32>, vector<16xi32> -> vector<16xf32>
        %parallel_loop3A_185 = arith.addf %parallel_loop3A_181, %parallel_loop3A_184 : vector<16xf32>
        %parallel_loop3A_186 = vector.shape_cast %xor3A_23 : vector<16xi32> to vector<16x1xi32>
        %parallel_loop3A_187 = vector.shape_cast %parallel_loop3A_186 : vector<16x1xi32> to vector<16xi32>
        %parallel_loop3A_188 = tpu.dynamic_gather %parallel_loop3A_185[%parallel_loop3A_187] in [0] : vector<16xf32>, vector<16xi32> -> vector<16xf32>
        %parallel_loop3A_189 = arith.addf %parallel_loop3A_185, %parallel_loop3A_188 : vector<16xf32>
        %parallel_loop3A_190 = math.exp %parallel_loop3A_189 : vector<16xf32>
        %parallel_loop3A_191 = arith.mulf %parallel_loop3A_117, %parallel_loop3A_190 : vector<16xf32>
        %parallel_loop3A_192 = arith.index_cast %parallel_loop3A_113 : i32 to index
        %parallel_loop3A_193 = arith.constant 0 : index
        %parallel_loop3A_194 = tpu.vector_load %arg20[%parallel_loop3A_192, %parallel_loop3A_193] {strides = array<i32>} : memref<48x128xf32, #tpu.memory_space<vmem>>, vector<1x16xf32>,
        %parallel_loop3A_195 = vector.shape_cast %parallel_loop3A_194 : vector<1x16xf32> to vector<16xf32>
        %parallel_loop3A_196 = vector.shape_cast %parallel_loop3A_191 : vector<16xf32> to vector<1x16xf32>
        tpu.vector_store %arg20[%parallel_loop3A_192, %parallel_loop3A_193], %parallel_loop3A_196 {strides = array<i32>} : memref<48x128xf32, #tpu.memory_space<vmem>>, vector<1x16xf32>,
        %parallel_loop3A_197 = arith.mulf %parallel_loop3A_121, %parallel_loop3A_190 : vector<16xf32>
        %parallel_loop3A_198 = arith.index_cast %parallel_loop3A_113 : i32 to index
        %parallel_loop3A_199 = arith.constant 16 : index
        %parallel_loop3A_200 = tpu.vector_load %arg20[%parallel_loop3A_198, %parallel_loop3A_199] {strides = array<i32>} : memref<48x128xf32, #tpu.memory_space<vmem>>, vector<1x16xf32>,
        %parallel_loop3A_201 = vector.shape_cast %parallel_loop3A_200 : vector<1x16xf32> to vector<16xf32>
        %parallel_loop3A_202 = vector.shape_cast %parallel_loop3A_197 : vector<16xf32> to vector<1x16xf32>
        tpu.vector_store %arg20[%parallel_loop3A_198, %parallel_loop3A_199], %parallel_loop3A_202 {strides = array<i32>} : memref<48x128xf32, #tpu.memory_space<vmem>>, vector<1x16xf32>,
        %parallel_loop3A_203 = arith.mulf %parallel_loop3A_125, %parallel_loop3A_190 : vector<16xf32>
        %parallel_loop3A_204 = arith.index_cast %parallel_loop3A_113 : i32 to index
        %parallel_loop3A_205 = arith.constant 32 : index
        %parallel_loop3A_206 = tpu.vector_load %arg20[%parallel_loop3A_204, %parallel_loop3A_205] {strides = array<i32>} : memref<48x128xf32, #tpu.memory_space<vmem>>, vector<1x16xf32>,
        %parallel_loop3A_207 = vector.shape_cast %parallel_loop3A_206 : vector<1x16xf32> to vector<16xf32>
        %parallel_loop3A_208 = vector.shape_cast %parallel_loop3A_203 : vector<16xf32> to vector<1x16xf32>
        tpu.vector_store %arg20[%parallel_loop3A_204, %parallel_loop3A_205], %parallel_loop3A_208 {strides = array<i32>} : memref<48x128xf32, #tpu.memory_space<vmem>>, vector<1x16xf32>,
        %parallel_loop3A_209 = arith.mulf %parallel_loop3A_129, %parallel_loop3A_190 : vector<16xf32>
        %parallel_loop3A_210 = arith.index_cast %parallel_loop3A_113 : i32 to index
        %parallel_loop3A_211 = arith.constant 48 : index
        %parallel_loop3A_212 = tpu.vector_load %arg20[%parallel_loop3A_210, %parallel_loop3A_211] {strides = array<i32>} : memref<48x128xf32, #tpu.memory_space<vmem>>, vector<1x16xf32>,
        %parallel_loop3A_213 = vector.shape_cast %parallel_loop3A_212 : vector<1x16xf32> to vector<16xf32>
        %parallel_loop3A_214 = vector.shape_cast %parallel_loop3A_209 : vector<16xf32> to vector<1x16xf32>
        tpu.vector_store %arg20[%parallel_loop3A_210, %parallel_loop3A_211], %parallel_loop3A_214 {strides = array<i32>} : memref<48x128xf32, #tpu.memory_space<vmem>>, vector<1x16xf32>,
        %parallel_loop3A_215 = arith.constant 0 : i32
        %parallel_loop3A_216 = vector.broadcast %parallel_loop3A_215 : i32 to vector<16xi32>
        %parallel_loop3A_217 = arith.cmpi eq, %iota3A, %parallel_loop3A_216 : vector<16xi32>
        %parallel_loop3A_218 = arith.select %parallel_loop3A_217, %parallel_loop3A_190, %broadcast_in_dim3A_0 : vector<16xi1>, vector<16xf32>
        %parallel_loop3A_219 = arith.index_cast %parallel_loop3A_113 : i32 to index
        %parallel_loop3A_220 = arith.constant 64 : index
        %parallel_loop3A_221 = tpu.vector_load %arg20[%parallel_loop3A_219, %parallel_loop3A_220] {strides = array<i32>} : memref<48x128xf32, #tpu.memory_space<vmem>>, vector<1x16xf32>,
        %parallel_loop3A_222 = vector.shape_cast %parallel_loop3A_221 : vector<1x16xf32> to vector<16xf32>
        %parallel_loop3A_223 = vector.shape_cast %parallel_loop3A_218 : vector<16xf32> to vector<1x16xf32>
        tpu.vector_store %arg20[%parallel_loop3A_219, %parallel_loop3A_220], %parallel_loop3A_223 {strides = array<i32>} : memref<48x128xf32, #tpu.memory_space<vmem>>, vector<1x16xf32>,
      } {sc.loop_unroll_factor = 4 : i64, sc.parallel_access}
      "tpu.region"() ({
        %run_scoped3A = tpu.sem_alloc : memref<!tpu.dma_semaphore, #tpu.memory_space<semaphore_mem>>
        %dma_start3A_113 = arith.constant 0 : i32
        %dma_start3A_114 = arith.constant 0 : i32
        %dma_start3A_115 = tpu.memref_slice %arg22[%dma_start3A_113, %dma_start3A_114] : memref<10240x128xf32, #tpu.memory_space<vmem_shared>> -> memref<10240x128xf32, #tpu.memory_space<vmem_shared>>
        tpu.enqueue_indirect_dma source(%arg20 : memref<48x128xf32, #tpu.memory_space<vmem>>) target(%dma_start3A_115 : memref<10240x128xf32, #tpu.memory_space<vmem_shared>>) offsets(%arg14 : memref<48xi32, #tpu.memory_space<vmem>>) semaphore(%run_scoped3A : memref<!tpu.dma_semaphore, #tpu.memory_space<semaphore_mem>>) {add = true}
        %dma_wait3A_116 = arith.constant 0 : i32
        %dma_wait3A_117 = arith.constant 0 : i32
        %dma_wait3A_118 = tpu.memref_slice %arg22[%dma_wait3A_116, %dma_wait3A_117] : memref<10240x128xf32, #tpu.memory_space<vmem_shared>> -> memref<10240x128xf32, #tpu.memory_space<vmem_shared>>
        tpu.wait_indirect_dma semaphore(%run_scoped3A : memref<!tpu.dma_semaphore, #tpu.memory_space<semaphore_mem>>) src(%arg20 : memref<48x128xf32, #tpu.memory_space<vmem>>) dst(%dma_wait3A_118 : memref<10240x128xf32, #tpu.memory_space<vmem_shared>>)
        tpu.yield
      }) : () -> ()
    }
    %scan3A_47 = arith.constant 72 : i32
    %barrier3A_48 = arith.constant 0 : index
    tpu.barrier barrier_id(%barrier3A_48)
    %mul3A_49 = arith.constant 10240 : i32
    %mul3A_50 = arith.muli %arg0, %mul3A_49 : i32
    %add3A_51 = arith.addi %mul3A_50, %mul3A_1 : i32
    "tpu.region"() ({
      %run_scoped3A = tpu.sem_alloc : memref<!tpu.dma_semaphore, #tpu.memory_space<semaphore_mem>>
      %dma_start3A_52 = arith.constant 0 : i32
      %dma_start3A_53 = tpu.memref_slice %arg8[%add3A_51, %dma_start3A_52] : memref<20480x128xf32, #tpu.memory_space<hbm>> -> memref<640x128xf32, #tpu.memory_space<hbm>>
      %dma_start3A_54 = arith.constant 0 : i32
      %dma_start3A_55 = tpu.memref_slice %arg22[%mul3A_1, %dma_start3A_54] : memref<10240x128xf32, #tpu.memory_space<vmem_shared>> -> memref<640x128xf32, #tpu.memory_space<vmem_shared>>
      tpu.enqueue_dma source(%dma_start3A_55 : memref<640x128xf32, #tpu.memory_space<vmem_shared>>) target(%dma_start3A_53 : memref<640x128xf32, #tpu.memory_space<hbm>>) target_semaphore(%run_scoped3A : memref<!tpu.dma_semaphore, #tpu.memory_space<semaphore_mem>>)
      %dma_wait3A = arith.constant 0 : i32
      %dma_wait3A_56 = tpu.memref_slice %arg8[%add3A_51, %dma_wait3A] : memref<20480x128xf32, #tpu.memory_space<hbm>> -> memref<640x128xf32, #tpu.memory_space<hbm>>
      %dma_wait3A_57 = arith.constant 0 : i32
      %dma_wait3A_58 = tpu.memref_slice %arg22[%mul3A_1, %dma_wait3A_57] : memref<10240x128xf32, #tpu.memory_space<vmem_shared>> -> memref<640x128xf32, #tpu.memory_space<vmem_shared>>
      tpu.wait_dma2 semaphore(%run_scoped3A : memref<!tpu.dma_semaphore, #tpu.memory_space<semaphore_mem>>) src(%dma_wait3A_58 : memref<640x128xf32, #tpu.memory_space<vmem_shared>>) dst(%dma_wait3A_56 : memref<640x128xf32, #tpu.memory_space<hbm>>)
      tpu.yield
    }) : () -> ()
    return
  }
}

#map = affine_map<(d0, d1) -> (0, 0)>
#map1 = affine_map<(d0, d1) -> (0)>
module attributes {stable_mosaic.version = 14 : i64} {
  func.func @k(%arg0: i32, %arg1: i32, %arg2: memref<10240x128xf32, #tpu.memory_space<hbm>>, %arg3: memref<10240x128xf32, #tpu.memory_space<hbm>>, %arg4: memref<331776xi32, #tpu.memory_space<hbm>>, %arg5: memref<331776xi32, #tpu.memory_space<hbm>>, %arg6: memref<128xf32, #tpu.memory_space<hbm>>, %arg7: memref<10240x128xf32, #tpu.memory_space<hbm>>, %arg8: memref<20480x128xf32, #tpu.memory_space<hbm>>, %arg9: memref<48xi32, #tpu.memory_space<vmem>>, %arg10: memref<48xi32, #tpu.memory_space<vmem>>, %arg11: memref<48xi32, #tpu.memory_space<vmem>>, %arg12: memref<48xi32, #tpu.memory_space<vmem>>, %arg13: memref<48xi32, #tpu.memory_space<vmem>>, %arg14: memref<48xi32, #tpu.memory_space<vmem>>, %arg15: memref<48x128xf32, #tpu.memory_space<vmem>>, %arg16: memref<48x128xf32, #tpu.memory_space<vmem>>, %arg17: memref<48x128xf32, #tpu.memory_space<vmem>>, %arg18: memref<48x128xf32, #tpu.memory_space<vmem>>, %arg19: memref<48x128xf32, #tpu.memory_space<vmem>>, %arg20: memref<48x128xf32, #tpu.memory_space<vmem>>, %arg21: memref<128xf32, #tpu.memory_space<vmem>>, %arg22: memref<10240x128xf32, #tpu.memory_space<vmem_shared>>, %arg23: memref<!tpu.dma_semaphore, #tpu.memory_space<semaphore_mem>>, %arg24: memref<!tpu.dma_semaphore, #tpu.memory_space<semaphore_mem>>, %arg25: memref<!tpu.dma_semaphore, #tpu.memory_space<semaphore_mem>>, %arg26: memref<!tpu.dma_semaphore, #tpu.memory_space<semaphore_mem>>, %arg27: memref<!tpu.dma_semaphore, #tpu.memory_space<semaphore_mem>>, %arg28: memref<!tpu.dma_semaphore, #tpu.memory_space<semaphore_mem>>) attributes {dimension_semantics = [#tpu.dimension_semantics<core_parallel>, #tpu.dimension_semantics<subcore_parallel>], iteration_bounds = array<i64: 2, 16>, scalar_prefetch = 0 : i64, scratch_operands = 20 : i64, tpu.core_type = #tpu.core_type<sc_vector_subcore>, window_params = [{transform_indices = #map}, {transform_indices = #map}, {transform_indices = #map1}, {transform_indices = #map1}, {transform_indices = #map1}, {transform_indices = #map}, {transform_indices = #map}]} {
    %iota3A = tpu.iota {dimensions = array<i32: 0>} : vector<16xi32>
    %broadcast_in_dim3A = arith.constant 0.000000e+00 : f32
    %broadcast_in_dim3A_0 = vector.broadcast %broadcast_in_dim3A : f32 to vector<16xf32>
    %mul3A = arith.constant 640 : i32
    %mul3A_1 = arith.muli %arg1, %mul3A : i32
    "tpu.region"() ({
      %run_scoped3A = tpu.sem_alloc : memref<!tpu.dma_semaphore, #tpu.memory_space<semaphore_mem>>
      %dma_start3A_59 = arith.constant 0 : i32
      %dma_start3A_60 = tpu.memref_slice %arg22[%mul3A_1, %dma_start3A_59] : memref<10240x128xf32, #tpu.memory_space<vmem_shared>> -> memref<640x128xf32, #tpu.memory_space<vmem_shared>>
      %dma_start3A_61 = arith.constant 0 : i32
      %dma_start3A_62 = tpu.memref_slice %arg7[%mul3A_1, %dma_start3A_61] : memref<10240x128xf32, #tpu.memory_space<hbm>> -> memref<640x128xf32, #tpu.memory_space<hbm>>
      tpu.enqueue_dma source(%dma_start3A_62 : memref<640x128xf32, #tpu.memory_space<hbm>>) target(%dma_start3A_60 : memref<640x128xf32, #tpu.memory_space<vmem_shared>>) target_semaphore(%run_scoped3A : memref<!tpu.dma_semaphore, #tpu.memory_space<semaphore_mem>>)
      %dma_wait3A = arith.constant 0 : i32
      %dma_wait3A_63 = tpu.memref_slice %arg22[%mul3A_1, %dma_wait3A] : memref<10240x128xf32, #tpu.memory_space<vmem_shared>> -> memref<640x128xf32, #tpu.memory_space<vmem_shared>>
      %dma_wait3A_64 = arith.constant 0 : i32
      %dma_wait3A_65 = tpu.memref_slice %arg7[%mul3A_1, %dma_wait3A_64] : memref<10240x128xf32, #tpu.memory_space<hbm>> -> memref<640x128xf32, #tpu.memory_space<hbm>>
      tpu.wait_dma2 semaphore(%run_scoped3A : memref<!tpu.dma_semaphore, #tpu.memory_space<semaphore_mem>>) src(%dma_wait3A_65 : memref<640x128xf32, #tpu.memory_space<hbm>>) dst(%dma_wait3A_63 : memref<640x128xf32, #tpu.memory_space<vmem_shared>>)
      tpu.yield
    }) : () -> ()
    "tpu.region"() ({
      %run_scoped3A = tpu.sem_alloc : memref<!tpu.dma_semaphore, #tpu.memory_space<semaphore_mem>>
      tpu.enqueue_dma source(%arg6 : memref<128xf32, #tpu.memory_space<hbm>>) target(%arg21 : memref<128xf32, #tpu.memory_space<vmem>>) target_semaphore(%run_scoped3A : memref<!tpu.dma_semaphore, #tpu.memory_space<semaphore_mem>>)
      tpu.wait_dma2 semaphore(%run_scoped3A : memref<!tpu.dma_semaphore, #tpu.memory_space<semaphore_mem>>) src(%arg6 : memref<128xf32, #tpu.memory_space<hbm>>) dst(%arg21 : memref<128xf32, #tpu.memory_space<vmem>>)
      tpu.yield
    }) : () -> ()
    %barrier3A = arith.constant 0 : index
    tpu.barrier barrier_id(%barrier3A)
    %mul3A_2 = arith.constant 64 : i32
    %mul3A_3 = arith.muli %arg0, %mul3A_2 : i32
    %add3A = arith.constant 0 : i32
    %add3A_4 = arith.addi %mul3A_3, %add3A : i32
    %get3A = arith.index_cast %add3A_4 : i32 to index
    %get3A_5 = tpu.vector_load %arg21[%get3A] {strides = array<i32>} : memref<128xf32, #tpu.memory_space<vmem>>, vector<16xf32>,
    %get3A_6 = vector.shape_cast %get3A_5 : vector<16xf32> to vector<16xf32>
    %add3A_7 = arith.constant 16 : i32
    %add3A_8 = arith.addi %mul3A_3, %add3A_7 : i32
    %get3A_9 = arith.index_cast %add3A_8 : i32 to index
    %get3A_10 = tpu.vector_load %arg21[%get3A_9] {strides = array<i32>} : memref<128xf32, #tpu.memory_space<vmem>>, vector<16xf32>,
    %get3A_11 = vector.shape_cast %get3A_10 : vector<16xf32> to vector<16xf32>
    %add3A_12 = arith.constant 32 : i32
    %add3A_13 = arith.addi %mul3A_3, %add3A_12 : i32
    %get3A_14 = arith.index_cast %add3A_13 : i32 to index
    %get3A_15 = tpu.vector_load %arg21[%get3A_14] {strides = array<i32>} : memref<128xf32, #tpu.memory_space<vmem>>, vector<16xf32>,
    %get3A_16 = vector.shape_cast %get3A_15 : vector<16xf32> to vector<16xf32>
    %add3A_17 = arith.constant 48 : i32
    %add3A_18 = arith.addi %mul3A_3, %add3A_17 : i32
    %get3A_19 = arith.index_cast %add3A_18 : i32 to index
    %get3A_20 = tpu.vector_load %arg21[%get3A_19] {strides = array<i32>} : memref<128xf32, #tpu.memory_space<vmem>>, vector<16xf32>,
    %get3A_21 = vector.shape_cast %get3A_20 : vector<16xf32> to vector<16xf32>
    %xor3A = arith.constant 8 : i32
    %xor3A_22 = vector.broadcast %xor3A : i32 to vector<16xi32>
    %xor3A_23 = arith.xori %iota3A, %xor3A_22 : vector<16xi32>
    %xor3A_24 = arith.constant 4 : i32
    %xor3A_25 = vector.broadcast %xor3A_24 : i32 to vector<16xi32>
    %xor3A_26 = arith.xori %iota3A, %xor3A_25 : vector<16xi32>
    %xor3A_27 = arith.constant 2 : i32
    %xor3A_28 = vector.broadcast %xor3A_27 : i32 to vector<16xi32>
    %xor3A_29 = arith.xori %iota3A, %xor3A_28 : vector<16xi32>
    %xor3A_30 = arith.constant 1 : i32
    %xor3A_31 = vector.broadcast %xor3A_30 : i32 to vector<16xi32>
    %xor3A_32 = arith.xori %iota3A, %xor3A_31 : vector<16xi32>
    %mul3A_33 = arith.constant 20736 : i32
    %mul3A_34 = arith.muli %arg1, %mul3A_33 : i32
    %add3A_35 = arith.constant 0 : i32
    %add3A_36 = arith.addi %mul3A_34, %add3A_35 : i32
    "tpu.region"() ({
      %run_scoped3A = tpu.sem_alloc : memref<!tpu.dma_semaphore, #tpu.memory_space<semaphore_mem>>
      %dma_start3A_59 = tpu.memref_slice %arg4[%add3A_36] : memref<331776xi32, #tpu.memory_space<hbm>> -> memref<48xi32, #tpu.memory_space<hbm>>
      %dma_start3A_60 = tpu.memref_slice %arg4[%add3A_36] : memref<331776xi32, #tpu.memory_space<hbm>> -> memref<48xi32, #tpu.memory_space<hbm>>
      tpu.enqueue_dma source(%dma_start3A_60 : memref<48xi32, #tpu.memory_space<hbm>>) target(%arg9 : memref<48xi32, #tpu.memory_space<vmem>>) target_semaphore(%run_scoped3A : memref<!tpu.dma_semaphore, #tpu.memory_space<semaphore_mem>>)
      %dma_wait3A = tpu.memref_slice %arg4[%add3A_36] : memref<331776xi32, #tpu.memory_space<hbm>> -> memref<48xi32, #tpu.memory_space<hbm>>
      %dma_wait3A_61 = tpu.memref_slice %arg4[%add3A_36] : memref<331776xi32, #tpu.memory_space<hbm>> -> memref<48xi32, #tpu.memory_space<hbm>>
      tpu.wait_dma2 semaphore(%run_scoped3A : memref<!tpu.dma_semaphore, #tpu.memory_space<semaphore_mem>>) src(%dma_wait3A_61 : memref<48xi32, #tpu.memory_space<hbm>>) dst(%arg9 : memref<48xi32, #tpu.memory_space<vmem>>)
      tpu.yield
    }) : () -> ()
    "tpu.region"() ({
      %run_scoped3A = tpu.sem_alloc : memref<!tpu.dma_semaphore, #tpu.memory_space<semaphore_mem>>
      %dma_start3A_59 = tpu.memref_slice %arg5[%add3A_36] : memref<331776xi32, #tpu.memory_space<hbm>> -> memref<48xi32, #tpu.memory_space<hbm>>
      %dma_start3A_60 = tpu.memref_slice %arg5[%add3A_36] : memref<331776xi32, #tpu.memory_space<hbm>> -> memref<48xi32, #tpu.memory_space<hbm>>
      tpu.enqueue_dma source(%dma_start3A_60 : memref<48xi32, #tpu.memory_space<hbm>>) target(%arg12 : memref<48xi32, #tpu.memory_space<vmem>>) target_semaphore(%run_scoped3A : memref<!tpu.dma_semaphore, #tpu.memory_space<semaphore_mem>>)
      %dma_wait3A = tpu.memref_slice %arg5[%add3A_36] : memref<331776xi32, #tpu.memory_space<hbm>> -> memref<48xi32, #tpu.memory_space<hbm>>
      %dma_wait3A_61 = tpu.memref_slice %arg5[%add3A_36] : memref<331776xi32, #tpu.memory_space<hbm>> -> memref<48xi32, #tpu.memory_space<hbm>>
      tpu.wait_dma2 semaphore(%run_scoped3A : memref<!tpu.dma_semaphore, #tpu.memory_space<semaphore_mem>>) src(%dma_wait3A_61 : memref<48xi32, #tpu.memory_space<hbm>>) dst(%arg12 : memref<48xi32, #tpu.memory_space<vmem>>)
      tpu.yield
    }) : () -> ()
    %dma_start3A = arith.constant 0 : i32
    %dma_start3A_37 = arith.constant 0 : i32
    %dma_start3A_38 = tpu.memref_slice %arg2[%dma_start3A, %dma_start3A_37] : memref<10240x128xf32, #tpu.memory_space<hbm>> -> memref<10240x128xf32, #tpu.memory_space<hbm>>
    tpu.enqueue_indirect_dma source(%dma_start3A_38 : memref<10240x128xf32, #tpu.memory_space<hbm>>) target(%arg15 : memref<48x128xf32, #tpu.memory_space<vmem>>) offsets(%arg9 : memref<48xi32, #tpu.memory_space<vmem>>) semaphore(%arg23 : memref<!tpu.dma_semaphore, #tpu.memory_space<semaphore_mem>>)
    %dma_start3A_39 = arith.constant 0 : i32
    %dma_start3A_40 = arith.constant 0 : i32
    %dma_start3A_41 = tpu.memref_slice %arg3[%dma_start3A_39, %dma_start3A_40] : memref<10240x128xf32, #tpu.memory_space<hbm>> -> memref<10240x128xf32, #tpu.memory_space<hbm>>
    tpu.enqueue_indirect_dma source(%dma_start3A_41 : memref<10240x128xf32, #tpu.memory_space<hbm>>) target(%arg18 : memref<48x128xf32, #tpu.memory_space<vmem>>) offsets(%arg12 : memref<48xi32, #tpu.memory_space<vmem>>) semaphore(%arg26 : memref<!tpu.dma_semaphore, #tpu.memory_space<semaphore_mem>>)
    %add3A_42 = arith.constant 48 : i32
    %add3A_43 = arith.addi %mul3A_34, %add3A_42 : i32
    "tpu.region"() ({
      %run_scoped3A = tpu.sem_alloc : memref<!tpu.dma_semaphore, #tpu.memory_space<semaphore_mem>>
      %dma_start3A_59 = tpu.memref_slice %arg4[%add3A_43] : memref<331776xi32, #tpu.memory_space<hbm>> -> memref<48xi32, #tpu.memory_space<hbm>>
      %dma_start3A_60 = tpu.memref_slice %arg4[%add3A_43] : memref<331776xi32, #tpu.memory_space<hbm>> -> memref<48xi32, #tpu.memory_space<hbm>>
      tpu.enqueue_dma source(%dma_start3A_60 : memref<48xi32, #tpu.memory_space<hbm>>) target(%arg10 : memref<48xi32, #tpu.memory_space<vmem>>) target_semaphore(%run_scoped3A : memref<!tpu.dma_semaphore, #tpu.memory_space<semaphore_mem>>)
      %dma_wait3A = tpu.memref_slice %arg4[%add3A_43] : memref<331776xi32, #tpu.memory_space<hbm>> -> memref<48xi32, #tpu.memory_space<hbm>>
      %dma_wait3A_61 = tpu.memref_slice %arg4[%add3A_43] : memref<331776xi32, #tpu.memory_space<hbm>> -> memref<48xi32, #tpu.memory_space<hbm>>
      tpu.wait_dma2 semaphore(%run_scoped3A : memref<!tpu.dma_semaphore, #tpu.memory_space<semaphore_mem>>) src(%dma_wait3A_61 : memref<48xi32, #tpu.memory_space<hbm>>) dst(%arg10 : memref<48xi32, #tpu.memory_space<vmem>>)
      tpu.yield
    }) : () -> ()
    "tpu.region"() ({
      %run_scoped3A = tpu.sem_alloc : memref<!tpu.dma_semaphore, #tpu.memory_space<semaphore_mem>>
      %dma_start3A_59 = tpu.memref_slice %arg5[%add3A_43] : memref<331776xi32, #tpu.memory_space<hbm>> -> memref<48xi32, #tpu.memory_space<hbm>>
      %dma_start3A_60 = tpu.memref_slice %arg5[%add3A_43] : memref<331776xi32, #tpu.memory_space<hbm>> -> memref<48xi32, #tpu.memory_space<hbm>>
      tpu.enqueue_dma source(%dma_start3A_60 : memref<48xi32, #tpu.memory_space<hbm>>) target(%arg13 : memref<48xi32, #tpu.memory_space<vmem>>) target_semaphore(%run_scoped3A : memref<!tpu.dma_semaphore, #tpu.memory_space<semaphore_mem>>)
      %dma_wait3A = tpu.memref_slice %arg5[%add3A_43] : memref<331776xi32, #tpu.memory_space<hbm>> -> memref<48xi32, #tpu.memory_space<hbm>>
      %dma_wait3A_61 = tpu.memref_slice %arg5[%add3A_43] : memref<331776xi32, #tpu.memory_space<hbm>> -> memref<48xi32, #tpu.memory_space<hbm>>
      tpu.wait_dma2 semaphore(%run_scoped3A : memref<!tpu.dma_semaphore, #tpu.memory_space<semaphore_mem>>) src(%dma_wait3A_61 : memref<48xi32, #tpu.memory_space<hbm>>) dst(%arg13 : memref<48xi32, #tpu.memory_space<vmem>>)
      tpu.yield
    }) : () -> ()
    %dma_start3A_44 = arith.constant 0 : i32
    %dma_start3A_45 = arith.constant 0 : i32
    %dma_start3A_46 = tpu.memref_slice %arg2[%dma_start3A_44, %dma_start3A_45] : memref<10240x128xf32, #tpu.memory_space<hbm>> -> memref<10240x128xf32, #tpu.memory_space<hbm>>
    tpu.enqueue_indirect_dma source(%dma_start3A_46 : memref<10240x128xf32, #tpu.memory_space<hbm>>) target(%arg16 : memref<48x128xf32, #tpu.memory_space<vmem>>) offsets(%arg10 : memref<48xi32, #tpu.memory_space<vmem>>) semaphore(%arg24 : memref<!tpu.dma_semaphore, #tpu.memory_space<semaphore_mem>>)
    %dma_start3A_47 = arith.constant 0 : i32
    %dma_start3A_48 = arith.constant 0 : i32
    %dma_start3A_49 = tpu.memref_slice %arg3[%dma_start3A_47, %dma_start3A_48] : memref<10240x128xf32, #tpu.memory_space<hbm>> -> memref<10240x128xf32, #tpu.memory_space<hbm>>
    tpu.enqueue_indirect_dma source(%dma_start3A_49 : memref<10240x128xf32, #tpu.memory_space<hbm>>) target(%arg19 : memref<48x128xf32, #tpu.memory_space<vmem>>) offsets(%arg13 : memref<48xi32, #tpu.memory_space<vmem>>) semaphore(%arg27 : memref<!tpu.dma_semaphore, #tpu.memory_space<semaphore_mem>>)
    %scan3A = arith.constant 0 : i32
    %scan3A_50 = arith.constant 0 : i32
    %scan3A_51 = arith.constant 144 : i32
    %scan3A_52 = arith.addi %scan3A_50, %scan3A_51 : i32
    %scan3A_53 = arith.constant 1 : i32
    scf.for %scan3A_59 = %scan3A_50 to %scan3A_52 step %scan3A_53  : i32 {
      %mul3A_60 = arith.constant 3 : i32
      %mul3A_61 = arith.muli %scan3A_59, %mul3A_60 : i32
      %add3A_62 = arith.constant 0 : i32
      %add3A_63 = arith.addi %mul3A_61, %add3A_62 : i32
      %dma_wait3A = arith.constant 0 : i32
      %dma_wait3A_64 = arith.constant 0 : i32
      %dma_wait3A_65 = tpu.memref_slice %arg2[%dma_wait3A, %dma_wait3A_64] : memref<10240x128xf32, #tpu.memory_space<hbm>> -> memref<10240x128xf32, #tpu.memory_space<hbm>>
      tpu.wait_indirect_dma semaphore(%arg23 : memref<!tpu.dma_semaphore, #tpu.memory_space<semaphore_mem>>) src(%dma_wait3A_65 : memref<10240x128xf32, #tpu.memory_space<hbm>>) dst(%arg15 : memref<48x128xf32, #tpu.memory_space<vmem>>)
      %dma_wait3A_66 = arith.constant 0 : i32
      %dma_wait3A_67 = arith.constant 0 : i32
      %dma_wait3A_68 = tpu.memref_slice %arg3[%dma_wait3A_66, %dma_wait3A_67] : memref<10240x128xf32, #tpu.memory_space<hbm>> -> memref<10240x128xf32, #tpu.memory_space<hbm>>
      tpu.wait_indirect_dma semaphore(%arg26 : memref<!tpu.dma_semaphore, #tpu.memory_space<semaphore_mem>>) src(%dma_wait3A_68 : memref<10240x128xf32, #tpu.memory_space<hbm>>) dst(%arg18 : memref<48x128xf32, #tpu.memory_space<vmem>>)
      %add3A_69 = arith.constant 3 : i32
      %add3A_70 = arith.addi %add3A_63, %add3A_69 : i32
      %sub3A = arith.constant 1 : i32
      %sub3A_71 = arith.subi %add3A_70, %sub3A : i32
      %lt3A = arith.constant 432 : i32
      %lt3A_72 = arith.cmpi slt, %sub3A_71, %lt3A : i32
      %convert_element_type3A = arith.extui %lt3A_72 : i1 to i32
      %cond3A = arith.constant 0 : i32
      %cond3A_73 = arith.cmpi ne, %convert_element_type3A, %cond3A : i32
      scf.if %cond3A_73 {
        %add3A_120 = arith.constant 3 : i32
        %add3A_121 = arith.addi %add3A_63, %add3A_120 : i32
        %sub3A_122 = arith.constant 1 : i32
        %sub3A_123 = arith.subi %add3A_121, %sub3A_122 : i32
        %mul3A_124 = arith.constant 48 : i32
        %mul3A_125 = arith.muli %sub3A_123, %mul3A_124 : i32
        %add3A_126 = arith.addi %mul3A_34, %mul3A_125 : i32
        "tpu.region"() ({
          %run_scoped3A = tpu.sem_alloc : memref<!tpu.dma_semaphore, #tpu.memory_space<semaphore_mem>>
          %dma_start3A_133 = tpu.memref_slice %arg4[%add3A_126] : memref<331776xi32, #tpu.memory_space<hbm>> -> memref<48xi32, #tpu.memory_space<hbm>>
          %dma_start3A_134 = tpu.memref_slice %arg4[%add3A_126] : memref<331776xi32, #tpu.memory_space<hbm>> -> memref<48xi32, #tpu.memory_space<hbm>>
          tpu.enqueue_dma source(%dma_start3A_134 : memref<48xi32, #tpu.memory_space<hbm>>) target(%arg11 : memref<48xi32, #tpu.memory_space<vmem>>) target_semaphore(%run_scoped3A : memref<!tpu.dma_semaphore, #tpu.memory_space<semaphore_mem>>)
          %dma_wait3A_135 = tpu.memref_slice %arg4[%add3A_126] : memref<331776xi32, #tpu.memory_space<hbm>> -> memref<48xi32, #tpu.memory_space<hbm>>
          %dma_wait3A_136 = tpu.memref_slice %arg4[%add3A_126] : memref<331776xi32, #tpu.memory_space<hbm>> -> memref<48xi32, #tpu.memory_space<hbm>>
          tpu.wait_dma2 semaphore(%run_scoped3A : memref<!tpu.dma_semaphore, #tpu.memory_space<semaphore_mem>>) src(%dma_wait3A_136 : memref<48xi32, #tpu.memory_space<hbm>>) dst(%arg11 : memref<48xi32, #tpu.memory_space<vmem>>)
          tpu.yield
        }) : () -> ()
        "tpu.region"() ({
          %run_scoped3A = tpu.sem_alloc : memref<!tpu.dma_semaphore, #tpu.memory_space<semaphore_mem>>
          %dma_start3A_133 = tpu.memref_slice %arg5[%add3A_126] : memref<331776xi32, #tpu.memory_space<hbm>> -> memref<48xi32, #tpu.memory_space<hbm>>
          %dma_start3A_134 = tpu.memref_slice %arg5[%add3A_126] : memref<331776xi32, #tpu.memory_space<hbm>> -> memref<48xi32, #tpu.memory_space<hbm>>
          tpu.enqueue_dma source(%dma_start3A_134 : memref<48xi32, #tpu.memory_space<hbm>>) target(%arg14 : memref<48xi32, #tpu.memory_space<vmem>>) target_semaphore(%run_scoped3A : memref<!tpu.dma_semaphore, #tpu.memory_space<semaphore_mem>>)
          %dma_wait3A_135 = tpu.memref_slice %arg5[%add3A_126] : memref<331776xi32, #tpu.memory_space<hbm>> -> memref<48xi32, #tpu.memory_space<hbm>>
          %dma_wait3A_136 = tpu.memref_slice %arg5[%add3A_126] : memref<331776xi32, #tpu.memory_space<hbm>> -> memref<48xi32, #tpu.memory_space<hbm>>
          tpu.wait_dma2 semaphore(%run_scoped3A : memref<!tpu.dma_semaphore, #tpu.memory_space<semaphore_mem>>) src(%dma_wait3A_136 : memref<48xi32, #tpu.memory_space<hbm>>) dst(%arg14 : memref<48xi32, #tpu.memory_space<vmem>>)
          tpu.yield
        }) : () -> ()
        %dma_start3A_127 = arith.constant 0 : i32
        %dma_start3A_128 = arith.constant 0 : i32
        %dma_start3A_129 = tpu.memref_slice %arg2[%dma_start3A_127, %dma_start3A_128] : memref<10240x128xf32, #tpu.memory_space<hbm>> -> memref<10240x128xf32, #tpu.memory_space<hbm>>
        tpu.enqueue_indirect_dma source(%dma_start3A_129 : memref<10240x128xf32, #tpu.memory_space<hbm>>) target(%arg17 : memref<48x128xf32, #tpu.memory_space<vmem>>) offsets(%arg11 : memref<48xi32, #tpu.memory_space<vmem>>) semaphore(%arg25 : memref<!tpu.dma_semaphore, #tpu.memory_space<semaphore_mem>>)
        %dma_start3A_130 = arith.constant 0 : i32
        %dma_start3A_131 = arith.constant 0 : i32
        %dma_start3A_132 = tpu.memref_slice %arg3[%dma_start3A_130, %dma_start3A_131] : memref<10240x128xf32, #tpu.memory_space<hbm>> -> memref<10240x128xf32, #tpu.memory_space<hbm>>
        tpu.enqueue_indirect_dma source(%dma_start3A_132 : memref<10240x128xf32, #tpu.memory_space<hbm>>) target(%arg20 : memref<48x128xf32, #tpu.memory_space<vmem>>) offsets(%arg14 : memref<48xi32, #tpu.memory_space<vmem>>) semaphore(%arg28 : memref<!tpu.dma_semaphore, #tpu.memory_space<semaphore_mem>>)
      } else {
      }
      %parallel_loop3A = arith.constant 0 : i32
      %parallel_loop3A_74 = arith.constant 48 : i32
      %parallel_loop3A_75 = arith.constant 1 : i32
      scf.for %parallel_loop3A_120 = %parallel_loop3A to %parallel_loop3A_74 step %parallel_loop3A_75  : i32 {
        %parallel_loop3A_121 = arith.constant 0 : i32
        %parallel_loop3A_122 = arith.addi %mul3A_3, %parallel_loop3A_121 : i32
        %parallel_loop3A_123 = arith.index_cast %parallel_loop3A_120 : i32 to index
        %parallel_loop3A_124 = arith.index_cast %parallel_loop3A_122 : i32 to index
        %parallel_loop3A_125 = tpu.vector_load %arg15[%parallel_loop3A_123, %parallel_loop3A_124] {strides = array<i32>} : memref<48x128xf32, #tpu.memory_space<vmem>>, vector<1x16xf32>,
        %parallel_loop3A_126 = vector.shape_cast %parallel_loop3A_125 : vector<1x16xf32> to vector<16xf32>
        %parallel_loop3A_127 = arith.constant 16 : i32
        %parallel_loop3A_128 = arith.addi %mul3A_3, %parallel_loop3A_127 : i32
        %parallel_loop3A_129 = arith.index_cast %parallel_loop3A_120 : i32 to index
        %parallel_loop3A_130 = arith.index_cast %parallel_loop3A_128 : i32 to index
        %parallel_loop3A_131 = tpu.vector_load %arg15[%parallel_loop3A_129, %parallel_loop3A_130] {strides = array<i32>} : memref<48x128xf32, #tpu.memory_space<vmem>>, vector<1x16xf32>,
        %parallel_loop3A_132 = vector.shape_cast %parallel_loop3A_131 : vector<1x16xf32> to vector<16xf32>
        %parallel_loop3A_133 = arith.constant 32 : i32
        %parallel_loop3A_134 = arith.addi %mul3A_3, %parallel_loop3A_133 : i32
        %parallel_loop3A_135 = arith.index_cast %parallel_loop3A_120 : i32 to index
        %parallel_loop3A_136 = arith.index_cast %parallel_loop3A_134 : i32 to index
        %parallel_loop3A_137 = tpu.vector_load %arg15[%parallel_loop3A_135, %parallel_loop3A_136] {strides = array<i32>} : memref<48x128xf32, #tpu.memory_space<vmem>>, vector<1x16xf32>,
        %parallel_loop3A_138 = vector.shape_cast %parallel_loop3A_137 : vector<1x16xf32> to vector<16xf32>
        %parallel_loop3A_139 = arith.constant 48 : i32
        %parallel_loop3A_140 = arith.addi %mul3A_3, %parallel_loop3A_139 : i32
        %parallel_loop3A_141 = arith.index_cast %parallel_loop3A_120 : i32 to index
        %parallel_loop3A_142 = arith.index_cast %parallel_loop3A_140 : i32 to index
        %parallel_loop3A_143 = tpu.vector_load %arg15[%parallel_loop3A_141, %parallel_loop3A_142] {strides = array<i32>} : memref<48x128xf32, #tpu.memory_space<vmem>>, vector<1x16xf32>,
        %parallel_loop3A_144 = vector.shape_cast %parallel_loop3A_143 : vector<1x16xf32> to vector<16xf32>
        %parallel_loop3A_145 = arith.constant 0 : i32
        %parallel_loop3A_146 = arith.addi %mul3A_3, %parallel_loop3A_145 : i32
        %parallel_loop3A_147 = arith.constant 0 : i32
        %parallel_loop3A_148 = arith.addi %parallel_loop3A_146, %parallel_loop3A_147 : i32
        %parallel_loop3A_149 = arith.index_cast %parallel_loop3A_120 : i32 to index
        %parallel_loop3A_150 = arith.index_cast %parallel_loop3A_148 : i32 to index
        %parallel_loop3A_151 = tpu.vector_load %arg18[%parallel_loop3A_149, %parallel_loop3A_150] {strides = array<i32>} : memref<48x128xf32, #tpu.memory_space<vmem>>, vector<1x16xf32>,
        %parallel_loop3A_152 = vector.shape_cast %parallel_loop3A_151 : vector<1x16xf32> to vector<16xf32>
        %parallel_loop3A_153 = arith.constant 0 : i32
        %parallel_loop3A_154 = arith.addi %mul3A_3, %parallel_loop3A_153 : i32
        %parallel_loop3A_155 = arith.constant 16 : i32
        %parallel_loop3A_156 = arith.addi %parallel_loop3A_154, %parallel_loop3A_155 : i32
        %parallel_loop3A_157 = arith.index_cast %parallel_loop3A_120 : i32 to index
        %parallel_loop3A_158 = arith.index_cast %parallel_loop3A_156 : i32 to index
        %parallel_loop3A_159 = tpu.vector_load %arg18[%parallel_loop3A_157, %parallel_loop3A_158] {strides = array<i32>} : memref<48x128xf32, #tpu.memory_space<vmem>>, vector<1x16xf32>,
        %parallel_loop3A_160 = vector.shape_cast %parallel_loop3A_159 : vector<1x16xf32> to vector<16xf32>
        %parallel_loop3A_161 = arith.constant 0 : i32
        %parallel_loop3A_162 = arith.addi %mul3A_3, %parallel_loop3A_161 : i32
        %parallel_loop3A_163 = arith.constant 32 : i32
        %parallel_loop3A_164 = arith.addi %parallel_loop3A_162, %parallel_loop3A_163 : i32
        %parallel_loop3A_165 = arith.index_cast %parallel_loop3A_120 : i32 to index
        %parallel_loop3A_166 = arith.index_cast %parallel_loop3A_164 : i32 to index
        %parallel_loop3A_167 = tpu.vector_load %arg18[%parallel_loop3A_165, %parallel_loop3A_166] {strides = array<i32>} : memref<48x128xf32, #tpu.memory_space<vmem>>, vector<1x16xf32>,
        %parallel_loop3A_168 = vector.shape_cast %parallel_loop3A_167 : vector<1x16xf32> to vector<16xf32>
        %parallel_loop3A_169 = arith.constant 0 : i32
        %parallel_loop3A_170 = arith.addi %mul3A_3, %parallel_loop3A_169 : i32
        %parallel_loop3A_171 = arith.constant 48 : i32
        %parallel_loop3A_172 = arith.addi %parallel_loop3A_170, %parallel_loop3A_171 : i32
        %parallel_loop3A_173 = arith.index_cast %parallel_loop3A_120 : i32 to index
        %parallel_loop3A_174 = arith.index_cast %parallel_loop3A_172 : i32 to index
        %parallel_loop3A_175 = tpu.vector_load %arg18[%parallel_loop3A_173, %parallel_loop3A_174] {strides = array<i32>} : memref<48x128xf32, #tpu.memory_space<vmem>>, vector<1x16xf32>,
        %parallel_loop3A_176 = vector.shape_cast %parallel_loop3A_175 : vector<1x16xf32> to vector<16xf32>
        %parallel_loop3A_177 = arith.addf %parallel_loop3A_126, %parallel_loop3A_152 : vector<16xf32>
        %parallel_loop3A_178 = arith.constant 2.000000e-01 : f32
        %parallel_loop3A_179 = vector.broadcast %parallel_loop3A_178 : f32 to vector<16xf32>
        %parallel_loop3A_180 = arith.mulf %parallel_loop3A_179, %parallel_loop3A_177 : vector<16xf32>
        %parallel_loop3A_181 = arith.maximumf %parallel_loop3A_177, %parallel_loop3A_180 : vector<16xf32>
        %parallel_loop3A_182 = arith.mulf %parallel_loop3A_181, %get3A_6 : vector<16xf32>
        %parallel_loop3A_183 = arith.addf %broadcast_in_dim3A_0, %parallel_loop3A_182 : vector<16xf32>
        %parallel_loop3A_184 = arith.addf %parallel_loop3A_132, %parallel_loop3A_160 : vector<16xf32>
        %parallel_loop3A_185 = arith.constant 2.000000e-01 : f32
        %parallel_loop3A_186 = vector.broadcast %parallel_loop3A_185 : f32 to vector<16xf32>
        %parallel_loop3A_187 = arith.mulf %parallel_loop3A_186, %parallel_loop3A_184 : vector<16xf32>
        %parallel_loop3A_188 = arith.maximumf %parallel_loop3A_184, %parallel_loop3A_187 : vector<16xf32>
        %parallel_loop3A_189 = arith.mulf %parallel_loop3A_188, %get3A_11 : vector<16xf32>
        %parallel_loop3A_190 = arith.addf %parallel_loop3A_183, %parallel_loop3A_189 : vector<16xf32>
        %parallel_loop3A_191 = arith.addf %parallel_loop3A_138, %parallel_loop3A_168 : vector<16xf32>
        %parallel_loop3A_192 = arith.constant 2.000000e-01 : f32
        %parallel_loop3A_193 = vector.broadcast %parallel_loop3A_192 : f32 to vector<16xf32>
        %parallel_loop3A_194 = arith.mulf %parallel_loop3A_193, %parallel_loop3A_191 : vector<16xf32>
        %parallel_loop3A_195 = arith.maximumf %parallel_loop3A_191, %parallel_loop3A_194 : vector<16xf32>
        %parallel_loop3A_196 = arith.mulf %parallel_loop3A_195, %get3A_16 : vector<16xf32>
        %parallel_loop3A_197 = arith.addf %parallel_loop3A_190, %parallel_loop3A_196 : vector<16xf32>
        %parallel_loop3A_198 = arith.addf %parallel_loop3A_144, %parallel_loop3A_176 : vector<16xf32>
        %parallel_loop3A_199 = arith.constant 2.000000e-01 : f32
        %parallel_loop3A_200 = vector.broadcast %parallel_loop3A_199 : f32 to vector<16xf32>
        %parallel_loop3A_201 = arith.mulf %parallel_loop3A_200, %parallel_loop3A_198 : vector<16xf32>
        %parallel_loop3A_202 = arith.maximumf %parallel_loop3A_198, %parallel_loop3A_201 : vector<16xf32>
        %parallel_loop3A_203 = arith.mulf %parallel_loop3A_202, %get3A_21 : vector<16xf32>
        %parallel_loop3A_204 = arith.addf %parallel_loop3A_197, %parallel_loop3A_203 : vector<16xf32>
        %parallel_loop3A_205 = vector.shape_cast %xor3A_23 : vector<16xi32> to vector<16x1xi32>
        %parallel_loop3A_206 = vector.shape_cast %parallel_loop3A_205 : vector<16x1xi32> to vector<16xi32>
        %parallel_loop3A_207 = tpu.dynamic_gather %parallel_loop3A_204[%parallel_loop3A_206] in [0] : vector<16xf32>, vector<16xi32> -> vector<16xf32>
        %parallel_loop3A_208 = arith.addf %parallel_loop3A_204, %parallel_loop3A_207 : vector<16xf32>
        %parallel_loop3A_209 = vector.shape_cast %xor3A_26 : vector<16xi32> to vector<16x1xi32>
        %parallel_loop3A_210 = vector.shape_cast %parallel_loop3A_209 : vector<16x1xi32> to vector<16xi32>
        %parallel_loop3A_211 = tpu.dynamic_gather %parallel_loop3A_208[%parallel_loop3A_210] in [0] : vector<16xf32>, vector<16xi32> -> vector<16xf32>
        %parallel_loop3A_212 = arith.addf %parallel_loop3A_208, %parallel_loop3A_211 : vector<16xf32>
        %parallel_loop3A_213 = vector.shape_cast %xor3A_29 : vector<16xi32> to vector<16x1xi32>
        %parallel_loop3A_214 = vector.shape_cast %parallel_loop3A_213 : vector<16x1xi32> to vector<16xi32>
        %parallel_loop3A_215 = tpu.dynamic_gather %parallel_loop3A_212[%parallel_loop3A_214] in [0] : vector<16xf32>, vector<16xi32> -> vector<16xf32>
        %parallel_loop3A_216 = arith.addf %parallel_loop3A_212, %parallel_loop3A_215 : vector<16xf32>
        %parallel_loop3A_217 = vector.shape_cast %xor3A_32 : vector<16xi32> to vector<16x1xi32>
        %parallel_loop3A_218 = vector.shape_cast %parallel_loop3A_217 : vector<16x1xi32> to vector<16xi32>
        %parallel_loop3A_219 = tpu.dynamic_gather %parallel_loop3A_216[%parallel_loop3A_218] in [0] : vector<16xf32>, vector<16xi32> -> vector<16xf32>
        %parallel_loop3A_220 = arith.addf %parallel_loop3A_216, %parallel_loop3A_219 : vector<16xf32>
        %parallel_loop3A_221 = math.exp %parallel_loop3A_220 : vector<16xf32>
        %parallel_loop3A_222 = arith.mulf %parallel_loop3A_126, %parallel_loop3A_221 : vector<16xf32>
        %parallel_loop3A_223 = arith.index_cast %parallel_loop3A_120 : i32 to index
        %parallel_loop3A_224 = arith.constant 0 : index
        %parallel_loop3A_225 = tpu.vector_load %arg18[%parallel_loop3A_223, %parallel_loop3A_224] {strides = array<i32>} : memref<48x128xf32, #tpu.memory_space<vmem>>, vector<1x16xf32>,
        %parallel_loop3A_226 = vector.shape_cast %parallel_loop3A_225 : vector<1x16xf32> to vector<16xf32>
        %parallel_loop3A_227 = vector.shape_cast %parallel_loop3A_222 : vector<16xf32> to vector<1x16xf32>
        tpu.vector_store %arg18[%parallel_loop3A_223, %parallel_loop3A_224], %parallel_loop3A_227 {strides = array<i32>} : memref<48x128xf32, #tpu.memory_space<vmem>>, vector<1x16xf32>,
        %parallel_loop3A_228 = arith.mulf %parallel_loop3A_132, %parallel_loop3A_221 : vector<16xf32>
        %parallel_loop3A_229 = arith.index_cast %parallel_loop3A_120 : i32 to index
        %parallel_loop3A_230 = arith.constant 16 : index
        %parallel_loop3A_231 = tpu.vector_load %arg18[%parallel_loop3A_229, %parallel_loop3A_230] {strides = array<i32>} : memref<48x128xf32, #tpu.memory_space<vmem>>, vector<1x16xf32>,
        %parallel_loop3A_232 = vector.shape_cast %parallel_loop3A_231 : vector<1x16xf32> to vector<16xf32>
        %parallel_loop3A_233 = vector.shape_cast %parallel_loop3A_228 : vector<16xf32> to vector<1x16xf32>
        tpu.vector_store %arg18[%parallel_loop3A_229, %parallel_loop3A_230], %parallel_loop3A_233 {strides = array<i32>} : memref<48x128xf32, #tpu.memory_space<vmem>>, vector<1x16xf32>,
        %parallel_loop3A_234 = arith.mulf %parallel_loop3A_138, %parallel_loop3A_221 : vector<16xf32>
        %parallel_loop3A_235 = arith.index_cast %parallel_loop3A_120 : i32 to index
        %parallel_loop3A_236 = arith.constant 32 : index
        %parallel_loop3A_237 = tpu.vector_load %arg18[%parallel_loop3A_235, %parallel_loop3A_236] {strides = array<i32>} : memref<48x128xf32, #tpu.memory_space<vmem>>, vector<1x16xf32>,
        %parallel_loop3A_238 = vector.shape_cast %parallel_loop3A_237 : vector<1x16xf32> to vector<16xf32>
        %parallel_loop3A_239 = vector.shape_cast %parallel_loop3A_234 : vector<16xf32> to vector<1x16xf32>
        tpu.vector_store %arg18[%parallel_loop3A_235, %parallel_loop3A_236], %parallel_loop3A_239 {strides = array<i32>} : memref<48x128xf32, #tpu.memory_space<vmem>>, vector<1x16xf32>,
        %parallel_loop3A_240 = arith.mulf %parallel_loop3A_144, %parallel_loop3A_221 : vector<16xf32>
        %parallel_loop3A_241 = arith.index_cast %parallel_loop3A_120 : i32 to index
        %parallel_loop3A_242 = arith.constant 48 : index
        %parallel_loop3A_243 = tpu.vector_load %arg18[%parallel_loop3A_241, %parallel_loop3A_242] {strides = array<i32>} : memref<48x128xf32, #tpu.memory_space<vmem>>, vector<1x16xf32>,
        %parallel_loop3A_244 = vector.shape_cast %parallel_loop3A_243 : vector<1x16xf32> to vector<16xf32>
        %parallel_loop3A_245 = vector.shape_cast %parallel_loop3A_240 : vector<16xf32> to vector<1x16xf32>
        tpu.vector_store %arg18[%parallel_loop3A_241, %parallel_loop3A_242], %parallel_loop3A_245 {strides = array<i32>} : memref<48x128xf32, #tpu.memory_space<vmem>>, vector<1x16xf32>,
        %parallel_loop3A_246 = arith.constant 0 : i32
        %parallel_loop3A_247 = vector.broadcast %parallel_loop3A_246 : i32 to vector<16xi32>
        %parallel_loop3A_248 = arith.cmpi eq, %iota3A, %parallel_loop3A_247 : vector<16xi32>
        %parallel_loop3A_249 = arith.select %parallel_loop3A_248, %parallel_loop3A_221, %broadcast_in_dim3A_0 : vector<16xi1>, vector<16xf32>
        %parallel_loop3A_250 = arith.index_cast %parallel_loop3A_120 : i32 to index
        %parallel_loop3A_251 = arith.constant 64 : index
        %parallel_loop3A_252 = tpu.vector_load %arg18[%parallel_loop3A_250, %parallel_loop3A_251] {strides = array<i32>} : memref<48x128xf32, #tpu.memory_space<vmem>>, vector<1x16xf32>,
        %parallel_loop3A_253 = vector.shape_cast %parallel_loop3A_252 : vector<1x16xf32> to vector<16xf32>
        %parallel_loop3A_254 = vector.shape_cast %parallel_loop3A_249 : vector<16xf32> to vector<1x16xf32>
        tpu.vector_store %arg18[%parallel_loop3A_250, %parallel_loop3A_251], %parallel_loop3A_254 {strides = array<i32>} : memref<48x128xf32, #tpu.memory_space<vmem>>, vector<1x16xf32>,
      } {sc.loop_unroll_factor = 4 : i64, sc.parallel_access}
      "tpu.region"() ({
        %run_scoped3A = tpu.sem_alloc : memref<!tpu.dma_semaphore, #tpu.memory_space<semaphore_mem>>
        %dma_start3A_120 = arith.constant 0 : i32
        %dma_start3A_121 = arith.constant 0 : i32
        %dma_start3A_122 = tpu.memref_slice %arg22[%dma_start3A_120, %dma_start3A_121] : memref<10240x128xf32, #tpu.memory_space<vmem_shared>> -> memref<10240x128xf32, #tpu.memory_space<vmem_shared>>
        tpu.enqueue_indirect_dma source(%arg18 : memref<48x128xf32, #tpu.memory_space<vmem>>) target(%dma_start3A_122 : memref<10240x128xf32, #tpu.memory_space<vmem_shared>>) offsets(%arg12 : memref<48xi32, #tpu.memory_space<vmem>>) semaphore(%run_scoped3A : memref<!tpu.dma_semaphore, #tpu.memory_space<semaphore_mem>>) {add = true}
        %dma_wait3A_123 = arith.constant 0 : i32
        %dma_wait3A_124 = arith.constant 0 : i32
        %dma_wait3A_125 = tpu.memref_slice %arg22[%dma_wait3A_123, %dma_wait3A_124] : memref<10240x128xf32, #tpu.memory_space<vmem_shared>> -> memref<10240x128xf32, #tpu.memory_space<vmem_shared>>
        tpu.wait_indirect_dma semaphore(%run_scoped3A : memref<!tpu.dma_semaphore, #tpu.memory_space<semaphore_mem>>) src(%arg18 : memref<48x128xf32, #tpu.memory_space<vmem>>) dst(%dma_wait3A_125 : memref<10240x128xf32, #tpu.memory_space<vmem_shared>>)
        tpu.yield
      }) : () -> ()
      %mul3A_76 = arith.constant 3 : i32
      %mul3A_77 = arith.muli %scan3A_59, %mul3A_76 : i32
      %add3A_78 = arith.constant 1 : i32
      %add3A_79 = arith.addi %mul3A_77, %add3A_78 : i32
      %dma_wait3A_80 = arith.constant 0 : i32
      %dma_wait3A_81 = arith.constant 0 : i32
      %dma_wait3A_82 = tpu.memref_slice %arg2[%dma_wait3A_80, %dma_wait3A_81] : memref<10240x128xf32, #tpu.memory_space<hbm>> -> memref<10240x128xf32, #tpu.memory_space<hbm>>
      tpu.wait_indirect_dma semaphore(%arg24 : memref<!tpu.dma_semaphore, #tpu.memory_space<semaphore_mem>>) src(%dma_wait3A_82 : memref<10240x128xf32, #tpu.memory_space<hbm>>) dst(%arg16 : memref<48x128xf32, #tpu.memory_space<vmem>>)
      %dma_wait3A_83 = arith.constant 0 : i32
      %dma_wait3A_84 = arith.constant 0 : i32
      %dma_wait3A_85 = tpu.memref_slice %arg3[%dma_wait3A_83, %dma_wait3A_84] : memref<10240x128xf32, #tpu.memory_space<hbm>> -> memref<10240x128xf32, #tpu.memory_space<hbm>>
      tpu.wait_indirect_dma semaphore(%arg27 : memref<!tpu.dma_semaphore, #tpu.memory_space<semaphore_mem>>) src(%dma_wait3A_85 : memref<10240x128xf32, #tpu.memory_space<hbm>>) dst(%arg19 : memref<48x128xf32, #tpu.memory_space<vmem>>)
      %add3A_86 = arith.constant 3 : i32
      %add3A_87 = arith.addi %add3A_79, %add3A_86 : i32
      %sub3A_88 = arith.constant 1 : i32
      %sub3A_89 = arith.subi %add3A_87, %sub3A_88 : i32
      %lt3A_90 = arith.constant 432 : i32
      %lt3A_91 = arith.cmpi slt, %sub3A_89, %lt3A_90 : i32
      %convert_element_type3A_92 = arith.extui %lt3A_91 : i1 to i32
      %cond3A_93 = arith.constant 0 : i32
      %cond3A_94 = arith.cmpi ne, %convert_element_type3A_92, %cond3A_93 : i32
      scf.if %cond3A_94 {
        %add3A_120 = arith.constant 3 : i32
        %add3A_121 = arith.addi %add3A_79, %add3A_120 : i32
        %sub3A_122 = arith.constant 1 : i32
        %sub3A_123 = arith.subi %add3A_121, %sub3A_122 : i32
        %mul3A_124 = arith.constant 48 : i32
        %mul3A_125 = arith.muli %sub3A_123, %mul3A_124 : i32
        %add3A_126 = arith.addi %mul3A_34, %mul3A_125 : i32
        "tpu.region"() ({
          %run_scoped3A = tpu.sem_alloc : memref<!tpu.dma_semaphore, #tpu.memory_space<semaphore_mem>>
          %dma_start3A_133 = tpu.memref_slice %arg4[%add3A_126] : memref<331776xi32, #tpu.memory_space<hbm>> -> memref<48xi32, #tpu.memory_space<hbm>>
          %dma_start3A_134 = tpu.memref_slice %arg4[%add3A_126] : memref<331776xi32, #tpu.memory_space<hbm>> -> memref<48xi32, #tpu.memory_space<hbm>>
          tpu.enqueue_dma source(%dma_start3A_134 : memref<48xi32, #tpu.memory_space<hbm>>) target(%arg9 : memref<48xi32, #tpu.memory_space<vmem>>) target_semaphore(%run_scoped3A : memref<!tpu.dma_semaphore, #tpu.memory_space<semaphore_mem>>)
          %dma_wait3A_135 = tpu.memref_slice %arg4[%add3A_126] : memref<331776xi32, #tpu.memory_space<hbm>> -> memref<48xi32, #tpu.memory_space<hbm>>
          %dma_wait3A_136 = tpu.memref_slice %arg4[%add3A_126] : memref<331776xi32, #tpu.memory_space<hbm>> -> memref<48xi32, #tpu.memory_space<hbm>>
          tpu.wait_dma2 semaphore(%run_scoped3A : memref<!tpu.dma_semaphore, #tpu.memory_space<semaphore_mem>>) src(%dma_wait3A_136 : memref<48xi32, #tpu.memory_space<hbm>>) dst(%arg9 : memref<48xi32, #tpu.memory_space<vmem>>)
          tpu.yield
        }) : () -> ()
        "tpu.region"() ({
          %run_scoped3A = tpu.sem_alloc : memref<!tpu.dma_semaphore, #tpu.memory_space<semaphore_mem>>
          %dma_start3A_133 = tpu.memref_slice %arg5[%add3A_126] : memref<331776xi32, #tpu.memory_space<hbm>> -> memref<48xi32, #tpu.memory_space<hbm>>
          %dma_start3A_134 = tpu.memref_slice %arg5[%add3A_126] : memref<331776xi32, #tpu.memory_space<hbm>> -> memref<48xi32, #tpu.memory_space<hbm>>
          tpu.enqueue_dma source(%dma_start3A_134 : memref<48xi32, #tpu.memory_space<hbm>>) target(%arg12 : memref<48xi32, #tpu.memory_space<vmem>>) target_semaphore(%run_scoped3A : memref<!tpu.dma_semaphore, #tpu.memory_space<semaphore_mem>>)
          %dma_wait3A_135 = tpu.memref_slice %arg5[%add3A_126] : memref<331776xi32, #tpu.memory_space<hbm>> -> memref<48xi32, #tpu.memory_space<hbm>>
          %dma_wait3A_136 = tpu.memref_slice %arg5[%add3A_126] : memref<331776xi32, #tpu.memory_space<hbm>> -> memref<48xi32, #tpu.memory_space<hbm>>
          tpu.wait_dma2 semaphore(%run_scoped3A : memref<!tpu.dma_semaphore, #tpu.memory_space<semaphore_mem>>) src(%dma_wait3A_136 : memref<48xi32, #tpu.memory_space<hbm>>) dst(%arg12 : memref<48xi32, #tpu.memory_space<vmem>>)
          tpu.yield
        }) : () -> ()
        %dma_start3A_127 = arith.constant 0 : i32
        %dma_start3A_128 = arith.constant 0 : i32
        %dma_start3A_129 = tpu.memref_slice %arg2[%dma_start3A_127, %dma_start3A_128] : memref<10240x128xf32, #tpu.memory_space<hbm>> -> memref<10240x128xf32, #tpu.memory_space<hbm>>
        tpu.enqueue_indirect_dma source(%dma_start3A_129 : memref<10240x128xf32, #tpu.memory_space<hbm>>) target(%arg15 : memref<48x128xf32, #tpu.memory_space<vmem>>) offsets(%arg9 : memref<48xi32, #tpu.memory_space<vmem>>) semaphore(%arg23 : memref<!tpu.dma_semaphore, #tpu.memory_space<semaphore_mem>>)
        %dma_start3A_130 = arith.constant 0 : i32
        %dma_start3A_131 = arith.constant 0 : i32
        %dma_start3A_132 = tpu.memref_slice %arg3[%dma_start3A_130, %dma_start3A_131] : memref<10240x128xf32, #tpu.memory_space<hbm>> -> memref<10240x128xf32, #tpu.memory_space<hbm>>
        tpu.enqueue_indirect_dma source(%dma_start3A_132 : memref<10240x128xf32, #tpu.memory_space<hbm>>) target(%arg18 : memref<48x128xf32, #tpu.memory_space<vmem>>) offsets(%arg12 : memref<48xi32, #tpu.memory_space<vmem>>) semaphore(%arg26 : memref<!tpu.dma_semaphore, #tpu.memory_space<semaphore_mem>>)
      } else {
      }
      %parallel_loop3A_95 = arith.constant 0 : i32
      %parallel_loop3A_96 = arith.constant 48 : i32
      %parallel_loop3A_97 = arith.constant 1 : i32
      scf.for %parallel_loop3A_120 = %parallel_loop3A_95 to %parallel_loop3A_96 step %parallel_loop3A_97  : i32 {
        %parallel_loop3A_121 = arith.constant 0 : i32
        %parallel_loop3A_122 = arith.addi %mul3A_3, %parallel_loop3A_121 : i32
        %parallel_loop3A_123 = arith.index_cast %parallel_loop3A_120 : i32 to index
        %parallel_loop3A_124 = arith.index_cast %parallel_loop3A_122 : i32 to index
        %parallel_loop3A_125 = tpu.vector_load %arg16[%parallel_loop3A_123, %parallel_loop3A_124] {strides = array<i32>} : memref<48x128xf32, #tpu.memory_space<vmem>>, vector<1x16xf32>,
        %parallel_loop3A_126 = vector.shape_cast %parallel_loop3A_125 : vector<1x16xf32> to vector<16xf32>
        %parallel_loop3A_127 = arith.constant 16 : i32
        %parallel_loop3A_128 = arith.addi %mul3A_3, %parallel_loop3A_127 : i32
        %parallel_loop3A_129 = arith.index_cast %parallel_loop3A_120 : i32 to index
        %parallel_loop3A_130 = arith.index_cast %parallel_loop3A_128 : i32 to index
        %parallel_loop3A_131 = tpu.vector_load %arg16[%parallel_loop3A_129, %parallel_loop3A_130] {strides = array<i32>} : memref<48x128xf32, #tpu.memory_space<vmem>>, vector<1x16xf32>,
        %parallel_loop3A_132 = vector.shape_cast %parallel_loop3A_131 : vector<1x16xf32> to vector<16xf32>
        %parallel_loop3A_133 = arith.constant 32 : i32
        %parallel_loop3A_134 = arith.addi %mul3A_3, %parallel_loop3A_133 : i32
        %parallel_loop3A_135 = arith.index_cast %parallel_loop3A_120 : i32 to index
        %parallel_loop3A_136 = arith.index_cast %parallel_loop3A_134 : i32 to index
        %parallel_loop3A_137 = tpu.vector_load %arg16[%parallel_loop3A_135, %parallel_loop3A_136] {strides = array<i32>} : memref<48x128xf32, #tpu.memory_space<vmem>>, vector<1x16xf32>,
        %parallel_loop3A_138 = vector.shape_cast %parallel_loop3A_137 : vector<1x16xf32> to vector<16xf32>
        %parallel_loop3A_139 = arith.constant 48 : i32
        %parallel_loop3A_140 = arith.addi %mul3A_3, %parallel_loop3A_139 : i32
        %parallel_loop3A_141 = arith.index_cast %parallel_loop3A_120 : i32 to index
        %parallel_loop3A_142 = arith.index_cast %parallel_loop3A_140 : i32 to index
        %parallel_loop3A_143 = tpu.vector_load %arg16[%parallel_loop3A_141, %parallel_loop3A_142] {strides = array<i32>} : memref<48x128xf32, #tpu.memory_space<vmem>>, vector<1x16xf32>,
        %parallel_loop3A_144 = vector.shape_cast %parallel_loop3A_143 : vector<1x16xf32> to vector<16xf32>
        %parallel_loop3A_145 = arith.constant 0 : i32
        %parallel_loop3A_146 = arith.addi %mul3A_3, %parallel_loop3A_145 : i32
        %parallel_loop3A_147 = arith.constant 0 : i32
        %parallel_loop3A_148 = arith.addi %parallel_loop3A_146, %parallel_loop3A_147 : i32
        %parallel_loop3A_149 = arith.index_cast %parallel_loop3A_120 : i32 to index
        %parallel_loop3A_150 = arith.index_cast %parallel_loop3A_148 : i32 to index
        %parallel_loop3A_151 = tpu.vector_load %arg19[%parallel_loop3A_149, %parallel_loop3A_150] {strides = array<i32>} : memref<48x128xf32, #tpu.memory_space<vmem>>, vector<1x16xf32>,
        %parallel_loop3A_152 = vector.shape_cast %parallel_loop3A_151 : vector<1x16xf32> to vector<16xf32>
        %parallel_loop3A_153 = arith.constant 0 : i32
        %parallel_loop3A_154 = arith.addi %mul3A_3, %parallel_loop3A_153 : i32
        %parallel_loop3A_155 = arith.constant 16 : i32
        %parallel_loop3A_156 = arith.addi %parallel_loop3A_154, %parallel_loop3A_155 : i32
        %parallel_loop3A_157 = arith.index_cast %parallel_loop3A_120 : i32 to index
        %parallel_loop3A_158 = arith.index_cast %parallel_loop3A_156 : i32 to index
        %parallel_loop3A_159 = tpu.vector_load %arg19[%parallel_loop3A_157, %parallel_loop3A_158] {strides = array<i32>} : memref<48x128xf32, #tpu.memory_space<vmem>>, vector<1x16xf32>,
        %parallel_loop3A_160 = vector.shape_cast %parallel_loop3A_159 : vector<1x16xf32> to vector<16xf32>
        %parallel_loop3A_161 = arith.constant 0 : i32
        %parallel_loop3A_162 = arith.addi %mul3A_3, %parallel_loop3A_161 : i32
        %parallel_loop3A_163 = arith.constant 32 : i32
        %parallel_loop3A_164 = arith.addi %parallel_loop3A_162, %parallel_loop3A_163 : i32
        %parallel_loop3A_165 = arith.index_cast %parallel_loop3A_120 : i32 to index
        %parallel_loop3A_166 = arith.index_cast %parallel_loop3A_164 : i32 to index
        %parallel_loop3A_167 = tpu.vector_load %arg19[%parallel_loop3A_165, %parallel_loop3A_166] {strides = array<i32>} : memref<48x128xf32, #tpu.memory_space<vmem>>, vector<1x16xf32>,
        %parallel_loop3A_168 = vector.shape_cast %parallel_loop3A_167 : vector<1x16xf32> to vector<16xf32>
        %parallel_loop3A_169 = arith.constant 0 : i32
        %parallel_loop3A_170 = arith.addi %mul3A_3, %parallel_loop3A_169 : i32
        %parallel_loop3A_171 = arith.constant 48 : i32
        %parallel_loop3A_172 = arith.addi %parallel_loop3A_170, %parallel_loop3A_171 : i32
        %parallel_loop3A_173 = arith.index_cast %parallel_loop3A_120 : i32 to index
        %parallel_loop3A_174 = arith.index_cast %parallel_loop3A_172 : i32 to index
        %parallel_loop3A_175 = tpu.vector_load %arg19[%parallel_loop3A_173, %parallel_loop3A_174] {strides = array<i32>} : memref<48x128xf32, #tpu.memory_space<vmem>>, vector<1x16xf32>,
        %parallel_loop3A_176 = vector.shape_cast %parallel_loop3A_175 : vector<1x16xf32> to vector<16xf32>
        %parallel_loop3A_177 = arith.addf %parallel_loop3A_126, %parallel_loop3A_152 : vector<16xf32>
        %parallel_loop3A_178 = arith.constant 2.000000e-01 : f32
        %parallel_loop3A_179 = vector.broadcast %parallel_loop3A_178 : f32 to vector<16xf32>
        %parallel_loop3A_180 = arith.mulf %parallel_loop3A_179, %parallel_loop3A_177 : vector<16xf32>
        %parallel_loop3A_181 = arith.maximumf %parallel_loop3A_177, %parallel_loop3A_180 : vector<16xf32>
        %parallel_loop3A_182 = arith.mulf %parallel_loop3A_181, %get3A_6 : vector<16xf32>
        %parallel_loop3A_183 = arith.addf %broadcast_in_dim3A_0, %parallel_loop3A_182 : vector<16xf32>
        %parallel_loop3A_184 = arith.addf %parallel_loop3A_132, %parallel_loop3A_160 : vector<16xf32>
        %parallel_loop3A_185 = arith.constant 2.000000e-01 : f32
        %parallel_loop3A_186 = vector.broadcast %parallel_loop3A_185 : f32 to vector<16xf32>
        %parallel_loop3A_187 = arith.mulf %parallel_loop3A_186, %parallel_loop3A_184 : vector<16xf32>
        %parallel_loop3A_188 = arith.maximumf %parallel_loop3A_184, %parallel_loop3A_187 : vector<16xf32>
        %parallel_loop3A_189 = arith.mulf %parallel_loop3A_188, %get3A_11 : vector<16xf32>
        %parallel_loop3A_190 = arith.addf %parallel_loop3A_183, %parallel_loop3A_189 : vector<16xf32>
        %parallel_loop3A_191 = arith.addf %parallel_loop3A_138, %parallel_loop3A_168 : vector<16xf32>
        %parallel_loop3A_192 = arith.constant 2.000000e-01 : f32
        %parallel_loop3A_193 = vector.broadcast %parallel_loop3A_192 : f32 to vector<16xf32>
        %parallel_loop3A_194 = arith.mulf %parallel_loop3A_193, %parallel_loop3A_191 : vector<16xf32>
        %parallel_loop3A_195 = arith.maximumf %parallel_loop3A_191, %parallel_loop3A_194 : vector<16xf32>
        %parallel_loop3A_196 = arith.mulf %parallel_loop3A_195, %get3A_16 : vector<16xf32>
        %parallel_loop3A_197 = arith.addf %parallel_loop3A_190, %parallel_loop3A_196 : vector<16xf32>
        %parallel_loop3A_198 = arith.addf %parallel_loop3A_144, %parallel_loop3A_176 : vector<16xf32>
        %parallel_loop3A_199 = arith.constant 2.000000e-01 : f32
        %parallel_loop3A_200 = vector.broadcast %parallel_loop3A_199 : f32 to vector<16xf32>
        %parallel_loop3A_201 = arith.mulf %parallel_loop3A_200, %parallel_loop3A_198 : vector<16xf32>
        %parallel_loop3A_202 = arith.maximumf %parallel_loop3A_198, %parallel_loop3A_201 : vector<16xf32>
        %parallel_loop3A_203 = arith.mulf %parallel_loop3A_202, %get3A_21 : vector<16xf32>
        %parallel_loop3A_204 = arith.addf %parallel_loop3A_197, %parallel_loop3A_203 : vector<16xf32>
        %parallel_loop3A_205 = vector.shape_cast %xor3A_23 : vector<16xi32> to vector<16x1xi32>
        %parallel_loop3A_206 = vector.shape_cast %parallel_loop3A_205 : vector<16x1xi32> to vector<16xi32>
        %parallel_loop3A_207 = tpu.dynamic_gather %parallel_loop3A_204[%parallel_loop3A_206] in [0] : vector<16xf32>, vector<16xi32> -> vector<16xf32>
        %parallel_loop3A_208 = arith.addf %parallel_loop3A_204, %parallel_loop3A_207 : vector<16xf32>
        %parallel_loop3A_209 = vector.shape_cast %xor3A_26 : vector<16xi32> to vector<16x1xi32>
        %parallel_loop3A_210 = vector.shape_cast %parallel_loop3A_209 : vector<16x1xi32> to vector<16xi32>
        %parallel_loop3A_211 = tpu.dynamic_gather %parallel_loop3A_208[%parallel_loop3A_210] in [0] : vector<16xf32>, vector<16xi32> -> vector<16xf32>
        %parallel_loop3A_212 = arith.addf %parallel_loop3A_208, %parallel_loop3A_211 : vector<16xf32>
        %parallel_loop3A_213 = vector.shape_cast %xor3A_29 : vector<16xi32> to vector<16x1xi32>
        %parallel_loop3A_214 = vector.shape_cast %parallel_loop3A_213 : vector<16x1xi32> to vector<16xi32>
        %parallel_loop3A_215 = tpu.dynamic_gather %parallel_loop3A_212[%parallel_loop3A_214] in [0] : vector<16xf32>, vector<16xi32> -> vector<16xf32>
        %parallel_loop3A_216 = arith.addf %parallel_loop3A_212, %parallel_loop3A_215 : vector<16xf32>
        %parallel_loop3A_217 = vector.shape_cast %xor3A_32 : vector<16xi32> to vector<16x1xi32>
        %parallel_loop3A_218 = vector.shape_cast %parallel_loop3A_217 : vector<16x1xi32> to vector<16xi32>
        %parallel_loop3A_219 = tpu.dynamic_gather %parallel_loop3A_216[%parallel_loop3A_218] in [0] : vector<16xf32>, vector<16xi32> -> vector<16xf32>
        %parallel_loop3A_220 = arith.addf %parallel_loop3A_216, %parallel_loop3A_219 : vector<16xf32>
        %parallel_loop3A_221 = math.exp %parallel_loop3A_220 : vector<16xf32>
        %parallel_loop3A_222 = arith.mulf %parallel_loop3A_126, %parallel_loop3A_221 : vector<16xf32>
        %parallel_loop3A_223 = arith.index_cast %parallel_loop3A_120 : i32 to index
        %parallel_loop3A_224 = arith.constant 0 : index
        %parallel_loop3A_225 = tpu.vector_load %arg19[%parallel_loop3A_223, %parallel_loop3A_224] {strides = array<i32>} : memref<48x128xf32, #tpu.memory_space<vmem>>, vector<1x16xf32>,
        %parallel_loop3A_226 = vector.shape_cast %parallel_loop3A_225 : vector<1x16xf32> to vector<16xf32>
        %parallel_loop3A_227 = vector.shape_cast %parallel_loop3A_222 : vector<16xf32> to vector<1x16xf32>
        tpu.vector_store %arg19[%parallel_loop3A_223, %parallel_loop3A_224], %parallel_loop3A_227 {strides = array<i32>} : memref<48x128xf32, #tpu.memory_space<vmem>>, vector<1x16xf32>,
        %parallel_loop3A_228 = arith.mulf %parallel_loop3A_132, %parallel_loop3A_221 : vector<16xf32>
        %parallel_loop3A_229 = arith.index_cast %parallel_loop3A_120 : i32 to index
        %parallel_loop3A_230 = arith.constant 16 : index
        %parallel_loop3A_231 = tpu.vector_load %arg19[%parallel_loop3A_229, %parallel_loop3A_230] {strides = array<i32>} : memref<48x128xf32, #tpu.memory_space<vmem>>, vector<1x16xf32>,
        %parallel_loop3A_232 = vector.shape_cast %parallel_loop3A_231 : vector<1x16xf32> to vector<16xf32>
        %parallel_loop3A_233 = vector.shape_cast %parallel_loop3A_228 : vector<16xf32> to vector<1x16xf32>
        tpu.vector_store %arg19[%parallel_loop3A_229, %parallel_loop3A_230], %parallel_loop3A_233 {strides = array<i32>} : memref<48x128xf32, #tpu.memory_space<vmem>>, vector<1x16xf32>,
        %parallel_loop3A_234 = arith.mulf %parallel_loop3A_138, %parallel_loop3A_221 : vector<16xf32>
        %parallel_loop3A_235 = arith.index_cast %parallel_loop3A_120 : i32 to index
        %parallel_loop3A_236 = arith.constant 32 : index
        %parallel_loop3A_237 = tpu.vector_load %arg19[%parallel_loop3A_235, %parallel_loop3A_236] {strides = array<i32>} : memref<48x128xf32, #tpu.memory_space<vmem>>, vector<1x16xf32>,
        %parallel_loop3A_238 = vector.shape_cast %parallel_loop3A_237 : vector<1x16xf32> to vector<16xf32>
        %parallel_loop3A_239 = vector.shape_cast %parallel_loop3A_234 : vector<16xf32> to vector<1x16xf32>
        tpu.vector_store %arg19[%parallel_loop3A_235, %parallel_loop3A_236], %parallel_loop3A_239 {strides = array<i32>} : memref<48x128xf32, #tpu.memory_space<vmem>>, vector<1x16xf32>,
        %parallel_loop3A_240 = arith.mulf %parallel_loop3A_144, %parallel_loop3A_221 : vector<16xf32>
        %parallel_loop3A_241 = arith.index_cast %parallel_loop3A_120 : i32 to index
        %parallel_loop3A_242 = arith.constant 48 : index
        %parallel_loop3A_243 = tpu.vector_load %arg19[%parallel_loop3A_241, %parallel_loop3A_242] {strides = array<i32>} : memref<48x128xf32, #tpu.memory_space<vmem>>, vector<1x16xf32>,
        %parallel_loop3A_244 = vector.shape_cast %parallel_loop3A_243 : vector<1x16xf32> to vector<16xf32>
        %parallel_loop3A_245 = vector.shape_cast %parallel_loop3A_240 : vector<16xf32> to vector<1x16xf32>
        tpu.vector_store %arg19[%parallel_loop3A_241, %parallel_loop3A_242], %parallel_loop3A_245 {strides = array<i32>} : memref<48x128xf32, #tpu.memory_space<vmem>>, vector<1x16xf32>,
        %parallel_loop3A_246 = arith.constant 0 : i32
        %parallel_loop3A_247 = vector.broadcast %parallel_loop3A_246 : i32 to vector<16xi32>
        %parallel_loop3A_248 = arith.cmpi eq, %iota3A, %parallel_loop3A_247 : vector<16xi32>
        %parallel_loop3A_249 = arith.select %parallel_loop3A_248, %parallel_loop3A_221, %broadcast_in_dim3A_0 : vector<16xi1>, vector<16xf32>
        %parallel_loop3A_250 = arith.index_cast %parallel_loop3A_120 : i32 to index
        %parallel_loop3A_251 = arith.constant 64 : index
        %parallel_loop3A_252 = tpu.vector_load %arg19[%parallel_loop3A_250, %parallel_loop3A_251] {strides = array<i32>} : memref<48x128xf32, #tpu.memory_space<vmem>>, vector<1x16xf32>,
        %parallel_loop3A_253 = vector.shape_cast %parallel_loop3A_252 : vector<1x16xf32> to vector<16xf32>
        %parallel_loop3A_254 = vector.shape_cast %parallel_loop3A_249 : vector<16xf32> to vector<1x16xf32>
        tpu.vector_store %arg19[%parallel_loop3A_250, %parallel_loop3A_251], %parallel_loop3A_254 {strides = array<i32>} : memref<48x128xf32, #tpu.memory_space<vmem>>, vector<1x16xf32>,
      } {sc.loop_unroll_factor = 4 : i64, sc.parallel_access}
      "tpu.region"() ({
        %run_scoped3A = tpu.sem_alloc : memref<!tpu.dma_semaphore, #tpu.memory_space<semaphore_mem>>
        %dma_start3A_120 = arith.constant 0 : i32
        %dma_start3A_121 = arith.constant 0 : i32
        %dma_start3A_122 = tpu.memref_slice %arg22[%dma_start3A_120, %dma_start3A_121] : memref<10240x128xf32, #tpu.memory_space<vmem_shared>> -> memref<10240x128xf32, #tpu.memory_space<vmem_shared>>
        tpu.enqueue_indirect_dma source(%arg19 : memref<48x128xf32, #tpu.memory_space<vmem>>) target(%dma_start3A_122 : memref<10240x128xf32, #tpu.memory_space<vmem_shared>>) offsets(%arg13 : memref<48xi32, #tpu.memory_space<vmem>>) semaphore(%run_scoped3A : memref<!tpu.dma_semaphore, #tpu.memory_space<semaphore_mem>>) {add = true}
        %dma_wait3A_123 = arith.constant 0 : i32
        %dma_wait3A_124 = arith.constant 0 : i32
        %dma_wait3A_125 = tpu.memref_slice %arg22[%dma_wait3A_123, %dma_wait3A_124] : memref<10240x128xf32, #tpu.memory_space<vmem_shared>> -> memref<10240x128xf32, #tpu.memory_space<vmem_shared>>
        tpu.wait_indirect_dma semaphore(%run_scoped3A : memref<!tpu.dma_semaphore, #tpu.memory_space<semaphore_mem>>) src(%arg19 : memref<48x128xf32, #tpu.memory_space<vmem>>) dst(%dma_wait3A_125 : memref<10240x128xf32, #tpu.memory_space<vmem_shared>>)
        tpu.yield
      }) : () -> ()
      %mul3A_98 = arith.constant 3 : i32
      %mul3A_99 = arith.muli %scan3A_59, %mul3A_98 : i32
      %add3A_100 = arith.constant 2 : i32
      %add3A_101 = arith.addi %mul3A_99, %add3A_100 : i32
      %dma_wait3A_102 = arith.constant 0 : i32
      %dma_wait3A_103 = arith.constant 0 : i32
      %dma_wait3A_104 = tpu.memref_slice %arg2[%dma_wait3A_102, %dma_wait3A_103] : memref<10240x128xf32, #tpu.memory_space<hbm>> -> memref<10240x128xf32, #tpu.memory_space<hbm>>
      tpu.wait_indirect_dma semaphore(%arg25 : memref<!tpu.dma_semaphore, #tpu.memory_space<semaphore_mem>>) src(%dma_wait3A_104 : memref<10240x128xf32, #tpu.memory_space<hbm>>) dst(%arg17 : memref<48x128xf32, #tpu.memory_space<vmem>>)
      %dma_wait3A_105 = arith.constant 0 : i32
      %dma_wait3A_106 = arith.constant 0 : i32
      %dma_wait3A_107 = tpu.memref_slice %arg3[%dma_wait3A_105, %dma_wait3A_106] : memref<10240x128xf32, #tpu.memory_space<hbm>> -> memref<10240x128xf32, #tpu.memory_space<hbm>>
      tpu.wait_indirect_dma semaphore(%arg28 : memref<!tpu.dma_semaphore, #tpu.memory_space<semaphore_mem>>) src(%dma_wait3A_107 : memref<10240x128xf32, #tpu.memory_space<hbm>>) dst(%arg20 : memref<48x128xf32, #tpu.memory_space<vmem>>)
      %add3A_108 = arith.constant 3 : i32
      %add3A_109 = arith.addi %add3A_101, %add3A_108 : i32
      %sub3A_110 = arith.constant 1 : i32
      %sub3A_111 = arith.subi %add3A_109, %sub3A_110 : i32
      %lt3A_112 = arith.constant 432 : i32
      %lt3A_113 = arith.cmpi slt, %sub3A_111, %lt3A_112 : i32
      %convert_element_type3A_114 = arith.extui %lt3A_113 : i1 to i32
      %cond3A_115 = arith.constant 0 : i32
      %cond3A_116 = arith.cmpi ne, %convert_element_type3A_114, %cond3A_115 : i32
      scf.if %cond3A_116 {
        %add3A_120 = arith.constant 3 : i32
        %add3A_121 = arith.addi %add3A_101, %add3A_120 : i32
        %sub3A_122 = arith.constant 1 : i32
        %sub3A_123 = arith.subi %add3A_121, %sub3A_122 : i32
        %mul3A_124 = arith.constant 48 : i32
        %mul3A_125 = arith.muli %sub3A_123, %mul3A_124 : i32
        %add3A_126 = arith.addi %mul3A_34, %mul3A_125 : i32
        "tpu.region"() ({
          %run_scoped3A = tpu.sem_alloc : memref<!tpu.dma_semaphore, #tpu.memory_space<semaphore_mem>>
          %dma_start3A_133 = tpu.memref_slice %arg4[%add3A_126] : memref<331776xi32, #tpu.memory_space<hbm>> -> memref<48xi32, #tpu.memory_space<hbm>>
          %dma_start3A_134 = tpu.memref_slice %arg4[%add3A_126] : memref<331776xi32, #tpu.memory_space<hbm>> -> memref<48xi32, #tpu.memory_space<hbm>>
          tpu.enqueue_dma source(%dma_start3A_134 : memref<48xi32, #tpu.memory_space<hbm>>) target(%arg10 : memref<48xi32, #tpu.memory_space<vmem>>) target_semaphore(%run_scoped3A : memref<!tpu.dma_semaphore, #tpu.memory_space<semaphore_mem>>)
          %dma_wait3A_135 = tpu.memref_slice %arg4[%add3A_126] : memref<331776xi32, #tpu.memory_space<hbm>> -> memref<48xi32, #tpu.memory_space<hbm>>
          %dma_wait3A_136 = tpu.memref_slice %arg4[%add3A_126] : memref<331776xi32, #tpu.memory_space<hbm>> -> memref<48xi32, #tpu.memory_space<hbm>>
          tpu.wait_dma2 semaphore(%run_scoped3A : memref<!tpu.dma_semaphore, #tpu.memory_space<semaphore_mem>>) src(%dma_wait3A_136 : memref<48xi32, #tpu.memory_space<hbm>>) dst(%arg10 : memref<48xi32, #tpu.memory_space<vmem>>)
          tpu.yield
        }) : () -> ()
        "tpu.region"() ({
          %run_scoped3A = tpu.sem_alloc : memref<!tpu.dma_semaphore, #tpu.memory_space<semaphore_mem>>
          %dma_start3A_133 = tpu.memref_slice %arg5[%add3A_126] : memref<331776xi32, #tpu.memory_space<hbm>> -> memref<48xi32, #tpu.memory_space<hbm>>
          %dma_start3A_134 = tpu.memref_slice %arg5[%add3A_126] : memref<331776xi32, #tpu.memory_space<hbm>> -> memref<48xi32, #tpu.memory_space<hbm>>
          tpu.enqueue_dma source(%dma_start3A_134 : memref<48xi32, #tpu.memory_space<hbm>>) target(%arg13 : memref<48xi32, #tpu.memory_space<vmem>>) target_semaphore(%run_scoped3A : memref<!tpu.dma_semaphore, #tpu.memory_space<semaphore_mem>>)
          %dma_wait3A_135 = tpu.memref_slice %arg5[%add3A_126] : memref<331776xi32, #tpu.memory_space<hbm>> -> memref<48xi32, #tpu.memory_space<hbm>>
          %dma_wait3A_136 = tpu.memref_slice %arg5[%add3A_126] : memref<331776xi32, #tpu.memory_space<hbm>> -> memref<48xi32, #tpu.memory_space<hbm>>
          tpu.wait_dma2 semaphore(%run_scoped3A : memref<!tpu.dma_semaphore, #tpu.memory_space<semaphore_mem>>) src(%dma_wait3A_136 : memref<48xi32, #tpu.memory_space<hbm>>) dst(%arg13 : memref<48xi32, #tpu.memory_space<vmem>>)
          tpu.yield
        }) : () -> ()
        %dma_start3A_127 = arith.constant 0 : i32
        %dma_start3A_128 = arith.constant 0 : i32
        %dma_start3A_129 = tpu.memref_slice %arg2[%dma_start3A_127, %dma_start3A_128] : memref<10240x128xf32, #tpu.memory_space<hbm>> -> memref<10240x128xf32, #tpu.memory_space<hbm>>
        tpu.enqueue_indirect_dma source(%dma_start3A_129 : memref<10240x128xf32, #tpu.memory_space<hbm>>) target(%arg16 : memref<48x128xf32, #tpu.memory_space<vmem>>) offsets(%arg10 : memref<48xi32, #tpu.memory_space<vmem>>) semaphore(%arg24 : memref<!tpu.dma_semaphore, #tpu.memory_space<semaphore_mem>>)
        %dma_start3A_130 = arith.constant 0 : i32
        %dma_start3A_131 = arith.constant 0 : i32
        %dma_start3A_132 = tpu.memref_slice %arg3[%dma_start3A_130, %dma_start3A_131] : memref<10240x128xf32, #tpu.memory_space<hbm>> -> memref<10240x128xf32, #tpu.memory_space<hbm>>
        tpu.enqueue_indirect_dma source(%dma_start3A_132 : memref<10240x128xf32, #tpu.memory_space<hbm>>) target(%arg19 : memref<48x128xf32, #tpu.memory_space<vmem>>) offsets(%arg13 : memref<48xi32, #tpu.memory_space<vmem>>) semaphore(%arg27 : memref<!tpu.dma_semaphore, #tpu.memory_space<semaphore_mem>>)
      } else {
      }
      %parallel_loop3A_117 = arith.constant 0 : i32
      %parallel_loop3A_118 = arith.constant 48 : i32
      %parallel_loop3A_119 = arith.constant 1 : i32
      scf.for %parallel_loop3A_120 = %parallel_loop3A_117 to %parallel_loop3A_118 step %parallel_loop3A_119  : i32 {
        %parallel_loop3A_121 = arith.constant 0 : i32
        %parallel_loop3A_122 = arith.addi %mul3A_3, %parallel_loop3A_121 : i32
        %parallel_loop3A_123 = arith.index_cast %parallel_loop3A_120 : i32 to index
        %parallel_loop3A_124 = arith.index_cast %parallel_loop3A_122 : i32 to index
        %parallel_loop3A_125 = tpu.vector_load %arg17[%parallel_loop3A_123, %parallel_loop3A_124] {strides = array<i32>} : memref<48x128xf32, #tpu.memory_space<vmem>>, vector<1x16xf32>,
        %parallel_loop3A_126 = vector.shape_cast %parallel_loop3A_125 : vector<1x16xf32> to vector<16xf32>
        %parallel_loop3A_127 = arith.constant 16 : i32
        %parallel_loop3A_128 = arith.addi %mul3A_3, %parallel_loop3A_127 : i32
        %parallel_loop3A_129 = arith.index_cast %parallel_loop3A_120 : i32 to index
        %parallel_loop3A_130 = arith.index_cast %parallel_loop3A_128 : i32 to index
        %parallel_loop3A_131 = tpu.vector_load %arg17[%parallel_loop3A_129, %parallel_loop3A_130] {strides = array<i32>} : memref<48x128xf32, #tpu.memory_space<vmem>>, vector<1x16xf32>,
        %parallel_loop3A_132 = vector.shape_cast %parallel_loop3A_131 : vector<1x16xf32> to vector<16xf32>
        %parallel_loop3A_133 = arith.constant 32 : i32
        %parallel_loop3A_134 = arith.addi %mul3A_3, %parallel_loop3A_133 : i32
        %parallel_loop3A_135 = arith.index_cast %parallel_loop3A_120 : i32 to index
        %parallel_loop3A_136 = arith.index_cast %parallel_loop3A_134 : i32 to index
        %parallel_loop3A_137 = tpu.vector_load %arg17[%parallel_loop3A_135, %parallel_loop3A_136] {strides = array<i32>} : memref<48x128xf32, #tpu.memory_space<vmem>>, vector<1x16xf32>,
        %parallel_loop3A_138 = vector.shape_cast %parallel_loop3A_137 : vector<1x16xf32> to vector<16xf32>
        %parallel_loop3A_139 = arith.constant 48 : i32
        %parallel_loop3A_140 = arith.addi %mul3A_3, %parallel_loop3A_139 : i32
        %parallel_loop3A_141 = arith.index_cast %parallel_loop3A_120 : i32 to index
        %parallel_loop3A_142 = arith.index_cast %parallel_loop3A_140 : i32 to index
        %parallel_loop3A_143 = tpu.vector_load %arg17[%parallel_loop3A_141, %parallel_loop3A_142] {strides = array<i32>} : memref<48x128xf32, #tpu.memory_space<vmem>>, vector<1x16xf32>,
        %parallel_loop3A_144 = vector.shape_cast %parallel_loop3A_143 : vector<1x16xf32> to vector<16xf32>
        %parallel_loop3A_145 = arith.constant 0 : i32
        %parallel_loop3A_146 = arith.addi %mul3A_3, %parallel_loop3A_145 : i32
        %parallel_loop3A_147 = arith.constant 0 : i32
        %parallel_loop3A_148 = arith.addi %parallel_loop3A_146, %parallel_loop3A_147 : i32
        %parallel_loop3A_149 = arith.index_cast %parallel_loop3A_120 : i32 to index
        %parallel_loop3A_150 = arith.index_cast %parallel_loop3A_148 : i32 to index
        %parallel_loop3A_151 = tpu.vector_load %arg20[%parallel_loop3A_149, %parallel_loop3A_150] {strides = array<i32>} : memref<48x128xf32, #tpu.memory_space<vmem>>, vector<1x16xf32>,
        %parallel_loop3A_152 = vector.shape_cast %parallel_loop3A_151 : vector<1x16xf32> to vector<16xf32>
        %parallel_loop3A_153 = arith.constant 0 : i32
        %parallel_loop3A_154 = arith.addi %mul3A_3, %parallel_loop3A_153 : i32
        %parallel_loop3A_155 = arith.constant 16 : i32
        %parallel_loop3A_156 = arith.addi %parallel_loop3A_154, %parallel_loop3A_155 : i32
        %parallel_loop3A_157 = arith.index_cast %parallel_loop3A_120 : i32 to index
        %parallel_loop3A_158 = arith.index_cast %parallel_loop3A_156 : i32 to index
        %parallel_loop3A_159 = tpu.vector_load %arg20[%parallel_loop3A_157, %parallel_loop3A_158] {strides = array<i32>} : memref<48x128xf32, #tpu.memory_space<vmem>>, vector<1x16xf32>,
        %parallel_loop3A_160 = vector.shape_cast %parallel_loop3A_159 : vector<1x16xf32> to vector<16xf32>
        %parallel_loop3A_161 = arith.constant 0 : i32
        %parallel_loop3A_162 = arith.addi %mul3A_3, %parallel_loop3A_161 : i32
        %parallel_loop3A_163 = arith.constant 32 : i32
        %parallel_loop3A_164 = arith.addi %parallel_loop3A_162, %parallel_loop3A_163 : i32
        %parallel_loop3A_165 = arith.index_cast %parallel_loop3A_120 : i32 to index
        %parallel_loop3A_166 = arith.index_cast %parallel_loop3A_164 : i32 to index
        %parallel_loop3A_167 = tpu.vector_load %arg20[%parallel_loop3A_165, %parallel_loop3A_166] {strides = array<i32>} : memref<48x128xf32, #tpu.memory_space<vmem>>, vector<1x16xf32>,
        %parallel_loop3A_168 = vector.shape_cast %parallel_loop3A_167 : vector<1x16xf32> to vector<16xf32>
        %parallel_loop3A_169 = arith.constant 0 : i32
        %parallel_loop3A_170 = arith.addi %mul3A_3, %parallel_loop3A_169 : i32
        %parallel_loop3A_171 = arith.constant 48 : i32
        %parallel_loop3A_172 = arith.addi %parallel_loop3A_170, %parallel_loop3A_171 : i32
        %parallel_loop3A_173 = arith.index_cast %parallel_loop3A_120 : i32 to index
        %parallel_loop3A_174 = arith.index_cast %parallel_loop3A_172 : i32 to index
        %parallel_loop3A_175 = tpu.vector_load %arg20[%parallel_loop3A_173, %parallel_loop3A_174] {strides = array<i32>} : memref<48x128xf32, #tpu.memory_space<vmem>>, vector<1x16xf32>,
        %parallel_loop3A_176 = vector.shape_cast %parallel_loop3A_175 : vector<1x16xf32> to vector<16xf32>
        %parallel_loop3A_177 = arith.addf %parallel_loop3A_126, %parallel_loop3A_152 : vector<16xf32>
        %parallel_loop3A_178 = arith.constant 2.000000e-01 : f32
        %parallel_loop3A_179 = vector.broadcast %parallel_loop3A_178 : f32 to vector<16xf32>
        %parallel_loop3A_180 = arith.mulf %parallel_loop3A_179, %parallel_loop3A_177 : vector<16xf32>
        %parallel_loop3A_181 = arith.maximumf %parallel_loop3A_177, %parallel_loop3A_180 : vector<16xf32>
        %parallel_loop3A_182 = arith.mulf %parallel_loop3A_181, %get3A_6 : vector<16xf32>
        %parallel_loop3A_183 = arith.addf %broadcast_in_dim3A_0, %parallel_loop3A_182 : vector<16xf32>
        %parallel_loop3A_184 = arith.addf %parallel_loop3A_132, %parallel_loop3A_160 : vector<16xf32>
        %parallel_loop3A_185 = arith.constant 2.000000e-01 : f32
        %parallel_loop3A_186 = vector.broadcast %parallel_loop3A_185 : f32 to vector<16xf32>
        %parallel_loop3A_187 = arith.mulf %parallel_loop3A_186, %parallel_loop3A_184 : vector<16xf32>
        %parallel_loop3A_188 = arith.maximumf %parallel_loop3A_184, %parallel_loop3A_187 : vector<16xf32>
        %parallel_loop3A_189 = arith.mulf %parallel_loop3A_188, %get3A_11 : vector<16xf32>
        %parallel_loop3A_190 = arith.addf %parallel_loop3A_183, %parallel_loop3A_189 : vector<16xf32>
        %parallel_loop3A_191 = arith.addf %parallel_loop3A_138, %parallel_loop3A_168 : vector<16xf32>
        %parallel_loop3A_192 = arith.constant 2.000000e-01 : f32
        %parallel_loop3A_193 = vector.broadcast %parallel_loop3A_192 : f32 to vector<16xf32>
        %parallel_loop3A_194 = arith.mulf %parallel_loop3A_193, %parallel_loop3A_191 : vector<16xf32>
        %parallel_loop3A_195 = arith.maximumf %parallel_loop3A_191, %parallel_loop3A_194 : vector<16xf32>
        %parallel_loop3A_196 = arith.mulf %parallel_loop3A_195, %get3A_16 : vector<16xf32>
        %parallel_loop3A_197 = arith.addf %parallel_loop3A_190, %parallel_loop3A_196 : vector<16xf32>
        %parallel_loop3A_198 = arith.addf %parallel_loop3A_144, %parallel_loop3A_176 : vector<16xf32>
        %parallel_loop3A_199 = arith.constant 2.000000e-01 : f32
        %parallel_loop3A_200 = vector.broadcast %parallel_loop3A_199 : f32 to vector<16xf32>
        %parallel_loop3A_201 = arith.mulf %parallel_loop3A_200, %parallel_loop3A_198 : vector<16xf32>
        %parallel_loop3A_202 = arith.maximumf %parallel_loop3A_198, %parallel_loop3A_201 : vector<16xf32>
        %parallel_loop3A_203 = arith.mulf %parallel_loop3A_202, %get3A_21 : vector<16xf32>
        %parallel_loop3A_204 = arith.addf %parallel_loop3A_197, %parallel_loop3A_203 : vector<16xf32>
        %parallel_loop3A_205 = vector.shape_cast %xor3A_23 : vector<16xi32> to vector<16x1xi32>
        %parallel_loop3A_206 = vector.shape_cast %parallel_loop3A_205 : vector<16x1xi32> to vector<16xi32>
        %parallel_loop3A_207 = tpu.dynamic_gather %parallel_loop3A_204[%parallel_loop3A_206] in [0] : vector<16xf32>, vector<16xi32> -> vector<16xf32>
        %parallel_loop3A_208 = arith.addf %parallel_loop3A_204, %parallel_loop3A_207 : vector<16xf32>
        %parallel_loop3A_209 = vector.shape_cast %xor3A_26 : vector<16xi32> to vector<16x1xi32>
        %parallel_loop3A_210 = vector.shape_cast %parallel_loop3A_209 : vector<16x1xi32> to vector<16xi32>
        %parallel_loop3A_211 = tpu.dynamic_gather %parallel_loop3A_208[%parallel_loop3A_210] in [0] : vector<16xf32>, vector<16xi32> -> vector<16xf32>
        %parallel_loop3A_212 = arith.addf %parallel_loop3A_208, %parallel_loop3A_211 : vector<16xf32>
        %parallel_loop3A_213 = vector.shape_cast %xor3A_29 : vector<16xi32> to vector<16x1xi32>
        %parallel_loop3A_214 = vector.shape_cast %parallel_loop3A_213 : vector<16x1xi32> to vector<16xi32>
        %parallel_loop3A_215 = tpu.dynamic_gather %parallel_loop3A_212[%parallel_loop3A_214] in [0] : vector<16xf32>, vector<16xi32> -> vector<16xf32>
        %parallel_loop3A_216 = arith.addf %parallel_loop3A_212, %parallel_loop3A_215 : vector<16xf32>
        %parallel_loop3A_217 = vector.shape_cast %xor3A_32 : vector<16xi32> to vector<16x1xi32>
        %parallel_loop3A_218 = vector.shape_cast %parallel_loop3A_217 : vector<16x1xi32> to vector<16xi32>
        %parallel_loop3A_219 = tpu.dynamic_gather %parallel_loop3A_216[%parallel_loop3A_218] in [0] : vector<16xf32>, vector<16xi32> -> vector<16xf32>
        %parallel_loop3A_220 = arith.addf %parallel_loop3A_216, %parallel_loop3A_219 : vector<16xf32>
        %parallel_loop3A_221 = math.exp %parallel_loop3A_220 : vector<16xf32>
        %parallel_loop3A_222 = arith.mulf %parallel_loop3A_126, %parallel_loop3A_221 : vector<16xf32>
        %parallel_loop3A_223 = arith.index_cast %parallel_loop3A_120 : i32 to index
        %parallel_loop3A_224 = arith.constant 0 : index
        %parallel_loop3A_225 = tpu.vector_load %arg20[%parallel_loop3A_223, %parallel_loop3A_224] {strides = array<i32>} : memref<48x128xf32, #tpu.memory_space<vmem>>, vector<1x16xf32>,
        %parallel_loop3A_226 = vector.shape_cast %parallel_loop3A_225 : vector<1x16xf32> to vector<16xf32>
        %parallel_loop3A_227 = vector.shape_cast %parallel_loop3A_222 : vector<16xf32> to vector<1x16xf32>
        tpu.vector_store %arg20[%parallel_loop3A_223, %parallel_loop3A_224], %parallel_loop3A_227 {strides = array<i32>} : memref<48x128xf32, #tpu.memory_space<vmem>>, vector<1x16xf32>,
        %parallel_loop3A_228 = arith.mulf %parallel_loop3A_132, %parallel_loop3A_221 : vector<16xf32>
        %parallel_loop3A_229 = arith.index_cast %parallel_loop3A_120 : i32 to index
        %parallel_loop3A_230 = arith.constant 16 : index
        %parallel_loop3A_231 = tpu.vector_load %arg20[%parallel_loop3A_229, %parallel_loop3A_230] {strides = array<i32>} : memref<48x128xf32, #tpu.memory_space<vmem>>, vector<1x16xf32>,
        %parallel_loop3A_232 = vector.shape_cast %parallel_loop3A_231 : vector<1x16xf32> to vector<16xf32>
        %parallel_loop3A_233 = vector.shape_cast %parallel_loop3A_228 : vector<16xf32> to vector<1x16xf32>
        tpu.vector_store %arg20[%parallel_loop3A_229, %parallel_loop3A_230], %parallel_loop3A_233 {strides = array<i32>} : memref<48x128xf32, #tpu.memory_space<vmem>>, vector<1x16xf32>,
        %parallel_loop3A_234 = arith.mulf %parallel_loop3A_138, %parallel_loop3A_221 : vector<16xf32>
        %parallel_loop3A_235 = arith.index_cast %parallel_loop3A_120 : i32 to index
        %parallel_loop3A_236 = arith.constant 32 : index
        %parallel_loop3A_237 = tpu.vector_load %arg20[%parallel_loop3A_235, %parallel_loop3A_236] {strides = array<i32>} : memref<48x128xf32, #tpu.memory_space<vmem>>, vector<1x16xf32>,
        %parallel_loop3A_238 = vector.shape_cast %parallel_loop3A_237 : vector<1x16xf32> to vector<16xf32>
        %parallel_loop3A_239 = vector.shape_cast %parallel_loop3A_234 : vector<16xf32> to vector<1x16xf32>
        tpu.vector_store %arg20[%parallel_loop3A_235, %parallel_loop3A_236], %parallel_loop3A_239 {strides = array<i32>} : memref<48x128xf32, #tpu.memory_space<vmem>>, vector<1x16xf32>,
        %parallel_loop3A_240 = arith.mulf %parallel_loop3A_144, %parallel_loop3A_221 : vector<16xf32>
        %parallel_loop3A_241 = arith.index_cast %parallel_loop3A_120 : i32 to index
        %parallel_loop3A_242 = arith.constant 48 : index
        %parallel_loop3A_243 = tpu.vector_load %arg20[%parallel_loop3A_241, %parallel_loop3A_242] {strides = array<i32>} : memref<48x128xf32, #tpu.memory_space<vmem>>, vector<1x16xf32>,
        %parallel_loop3A_244 = vector.shape_cast %parallel_loop3A_243 : vector<1x16xf32> to vector<16xf32>
        %parallel_loop3A_245 = vector.shape_cast %parallel_loop3A_240 : vector<16xf32> to vector<1x16xf32>
        tpu.vector_store %arg20[%parallel_loop3A_241, %parallel_loop3A_242], %parallel_loop3A_245 {strides = array<i32>} : memref<48x128xf32, #tpu.memory_space<vmem>>, vector<1x16xf32>,
        %parallel_loop3A_246 = arith.constant 0 : i32
        %parallel_loop3A_247 = vector.broadcast %parallel_loop3A_246 : i32 to vector<16xi32>
        %parallel_loop3A_248 = arith.cmpi eq, %iota3A, %parallel_loop3A_247 : vector<16xi32>
        %parallel_loop3A_249 = arith.select %parallel_loop3A_248, %parallel_loop3A_221, %broadcast_in_dim3A_0 : vector<16xi1>, vector<16xf32>
        %parallel_loop3A_250 = arith.index_cast %parallel_loop3A_120 : i32 to index
        %parallel_loop3A_251 = arith.constant 64 : index
        %parallel_loop3A_252 = tpu.vector_load %arg20[%parallel_loop3A_250, %parallel_loop3A_251] {strides = array<i32>} : memref<48x128xf32, #tpu.memory_space<vmem>>, vector<1x16xf32>,
        %parallel_loop3A_253 = vector.shape_cast %parallel_loop3A_252 : vector<1x16xf32> to vector<16xf32>
        %parallel_loop3A_254 = vector.shape_cast %parallel_loop3A_249 : vector<16xf32> to vector<1x16xf32>
        tpu.vector_store %arg20[%parallel_loop3A_250, %parallel_loop3A_251], %parallel_loop3A_254 {strides = array<i32>} : memref<48x128xf32, #tpu.memory_space<vmem>>, vector<1x16xf32>,
      } {sc.loop_unroll_factor = 4 : i64, sc.parallel_access}
      "tpu.region"() ({
        %run_scoped3A = tpu.sem_alloc : memref<!tpu.dma_semaphore, #tpu.memory_space<semaphore_mem>>
        %dma_start3A_120 = arith.constant 0 : i32
        %dma_start3A_121 = arith.constant 0 : i32
        %dma_start3A_122 = tpu.memref_slice %arg22[%dma_start3A_120, %dma_start3A_121] : memref<10240x128xf32, #tpu.memory_space<vmem_shared>> -> memref<10240x128xf32, #tpu.memory_space<vmem_shared>>
        tpu.enqueue_indirect_dma source(%arg20 : memref<48x128xf32, #tpu.memory_space<vmem>>) target(%dma_start3A_122 : memref<10240x128xf32, #tpu.memory_space<vmem_shared>>) offsets(%arg14 : memref<48xi32, #tpu.memory_space<vmem>>) semaphore(%run_scoped3A : memref<!tpu.dma_semaphore, #tpu.memory_space<semaphore_mem>>) {add = true}
        %dma_wait3A_123 = arith.constant 0 : i32
        %dma_wait3A_124 = arith.constant 0 : i32
        %dma_wait3A_125 = tpu.memref_slice %arg22[%dma_wait3A_123, %dma_wait3A_124] : memref<10240x128xf32, #tpu.memory_space<vmem_shared>> -> memref<10240x128xf32, #tpu.memory_space<vmem_shared>>
        tpu.wait_indirect_dma semaphore(%run_scoped3A : memref<!tpu.dma_semaphore, #tpu.memory_space<semaphore_mem>>) src(%arg20 : memref<48x128xf32, #tpu.memory_space<vmem>>) dst(%dma_wait3A_125 : memref<10240x128xf32, #tpu.memory_space<vmem_shared>>)
        tpu.yield
      }) : () -> ()
    }
    %scan3A_54 = arith.constant 144 : i32
    %barrier3A_55 = arith.constant 0 : index
    tpu.barrier barrier_id(%barrier3A_55)
    %mul3A_56 = arith.constant 10240 : i32
    %mul3A_57 = arith.muli %arg0, %mul3A_56 : i32
    %add3A_58 = arith.addi %mul3A_57, %mul3A_1 : i32
    "tpu.region"() ({
      %run_scoped3A = tpu.sem_alloc : memref<!tpu.dma_semaphore, #tpu.memory_space<semaphore_mem>>
      %dma_start3A_59 = arith.constant 0 : i32
      %dma_start3A_60 = tpu.memref_slice %arg8[%add3A_58, %dma_start3A_59] : memref<20480x128xf32, #tpu.memory_space<hbm>> -> memref<640x128xf32, #tpu.memory_space<hbm>>
      %dma_start3A_61 = arith.constant 0 : i32
      %dma_start3A_62 = tpu.memref_slice %arg22[%mul3A_1, %dma_start3A_61] : memref<10240x128xf32, #tpu.memory_space<vmem_shared>> -> memref<640x128xf32, #tpu.memory_space<vmem_shared>>
      tpu.enqueue_dma source(%dma_start3A_62 : memref<640x128xf32, #tpu.memory_space<vmem_shared>>) target(%dma_start3A_60 : memref<640x128xf32, #tpu.memory_space<hbm>>) target_semaphore(%run_scoped3A : memref<!tpu.dma_semaphore, #tpu.memory_space<semaphore_mem>>)
      %dma_wait3A = arith.constant 0 : i32
      %dma_wait3A_63 = tpu.memref_slice %arg8[%add3A_58, %dma_wait3A] : memref<20480x128xf32, #tpu.memory_space<hbm>> -> memref<640x128xf32, #tpu.memory_space<hbm>>
      %dma_wait3A_64 = arith.constant 0 : i32
      %dma_wait3A_65 = tpu.memref_slice %arg22[%mul3A_1, %dma_wait3A_64] : memref<10240x128xf32, #tpu.memory_space<vmem_shared>> -> memref<640x128xf32, #tpu.memory_space<vmem_shared>>
      tpu.wait_dma2 semaphore(%run_scoped3A : memref<!tpu.dma_semaphore, #tpu.memory_space<semaphore_mem>>) src(%dma_wait3A_65 : memref<640x128xf32, #tpu.memory_space<vmem_shared>>) dst(%dma_wait3A_63 : memref<640x128xf32, #tpu.memory_space<hbm>>)
      tpu.yield
    }) : () -> ()
    return
  }
}

module attributes {stable_mosaic.version = 14 : i64} {
  func.func @body(%arg0: i32, %arg1: memref<512x128xf32, #tpu.memory_space<vmem>>, %arg2: memref<128x128xf32, #tpu.memory_space<vmem>>, %arg3: memref<1x128xf32, #tpu.memory_space<vmem>>, %arg4: memref<128x128xf32, #tpu.memory_space<vmem>>, %arg5: memref<1x128xf32, #tpu.memory_space<vmem>>, %arg6: memref<512x128xf32, #tpu.memory_space<vmem>>, %arg7: memref<512x128xf32, #tpu.memory_space<vmem>>) attributes {dimension_semantics = [#tpu.dimension_semantics<arbitrary>], iteration_bounds = array<i64: 20>, scalar_prefetch = 0 : i64, scratch_operands = 0 : i64, tpu.core_type = #tpu.core_type<tc>, window_params = [{transform_indices = @transform_0, window_bounds = array<i64: 512, 128>}, {pipeline_mode = #tpu.pipeline_mode<synchronous>, transform_indices = @transform_1, window_bounds = array<i64: 128, 128>}, {pipeline_mode = #tpu.pipeline_mode<synchronous>, transform_indices = @transform_2, window_bounds = array<i64: 1, 128>}, {pipeline_mode = #tpu.pipeline_mode<synchronous>, transform_indices = @transform_3, window_bounds = array<i64: 128, 128>}, {pipeline_mode = #tpu.pipeline_mode<synchronous>, transform_indices = @transform_4, window_bounds = array<i64: 1, 128>}, {transform_indices = @transform_5, window_bounds = array<i64: 512, 128>}, {transform_indices = @transform_6, window_bounds = array<i64: 512, 128>}]} {
    %get3A = arith.constant 0 : index
    %get3A_0 = arith.constant 0 : index
    %get3A_1 = vector.load %arg1[%get3A, %get3A_0] : memref<512x128xf32, #tpu.memory_space<vmem>>, vector<512x128xf32>
    %get3A_2 = arith.constant 0 : index
    %get3A_3 = arith.constant 0 : index
    %get3A_4 = vector.load %arg2[%get3A_2, %get3A_3] : memref<128x128xf32, #tpu.memory_space<vmem>>, vector<128x128xf32>
    %dot_general3A = arith.constant dense<0.000000e+00> : vector<512x128xf32>
    %dot_general3A_5 = tpu.matmul %get3A_1, %get3A_4, %dot_general3A {dimension_numbers = #tpu.dot_dimension_numbers<[1], [0], [0], [1], [0, 0, 1, 1], [], []>, transpose_lhs_hint = false} : vector<512x128xf32>, vector<128x128xf32>, vector<512x128xf32> -> vector<512x128xf32>
    %get3A_6 = arith.constant 0 : index
    %get3A_7 = arith.constant 0 : index
    %get3A_8 = vector.load %arg3[%get3A_6, %get3A_7] : memref<1x128xf32, #tpu.memory_space<vmem>>, vector<1x128xf32>
    %add3A = vector.broadcast %get3A_8 : vector<1x128xf32> to vector<512x128xf32>
    %add3A_9 = arith.addf %dot_general3A_5, %add3A : vector<512x128xf32>
    %swap3A = arith.constant 0 : index
    %swap3A_10 = arith.constant 0 : index
    %swap3A_11 = vector.load %arg6[%swap3A, %swap3A_10] : memref<512x128xf32, #tpu.memory_space<vmem>>, vector<512x128xf32>
    tpu.vector_store %arg6[%swap3A, %swap3A_10], %add3A_9 {strides = array<i32>} : memref<512x128xf32, #tpu.memory_space<vmem>>, vector<512x128xf32>,
    %get3A_12 = arith.constant 0 : index
    %get3A_13 = arith.constant 0 : index
    %get3A_14 = vector.load %arg4[%get3A_12, %get3A_13] : memref<128x128xf32, #tpu.memory_space<vmem>>, vector<128x128xf32>
    %dot_general3A_15 = arith.constant dense<0.000000e+00> : vector<512x128xf32>
    %dot_general3A_16 = tpu.matmul %get3A_1, %get3A_14, %dot_general3A_15 {dimension_numbers = #tpu.dot_dimension_numbers<[1], [0], [0], [1], [0, 0, 1, 1], [], []>, transpose_lhs_hint = false} : vector<512x128xf32>, vector<128x128xf32>, vector<512x128xf32> -> vector<512x128xf32>
    %get3A_17 = arith.constant 0 : index
    %get3A_18 = arith.constant 0 : index
    %get3A_19 = vector.load %arg5[%get3A_17, %get3A_18] : memref<1x128xf32, #tpu.memory_space<vmem>>, vector<1x128xf32>
    %add3A_20 = vector.broadcast %get3A_19 : vector<1x128xf32> to vector<512x128xf32>
    %add3A_21 = arith.addf %dot_general3A_16, %add3A_20 : vector<512x128xf32>
    %swap3A_22 = arith.constant 0 : index
    %swap3A_23 = arith.constant 0 : index
    %swap3A_24 = vector.load %arg7[%swap3A_22, %swap3A_23] : memref<512x128xf32, #tpu.memory_space<vmem>>, vector<512x128xf32>
    tpu.vector_store %arg7[%swap3A_22, %swap3A_23], %add3A_21 {strides = array<i32>} : memref<512x128xf32, #tpu.memory_space<vmem>>, vector<512x128xf32>,
    return
  }
  func.func @transform_0(%arg0: i32) -> (i32, i32) {
    %c0_i32 = arith.constant 0 : i32
    %c0_i32_0 = arith.constant 0 : i32
    return %arg0, %c0_i32 : i32, i32
  }
  func.func @transform_1(%arg0: i32) -> (i32, i32) {
    %c0_i32 = arith.constant 0 : i32
    %c0_i32_0 = arith.constant 0 : i32
    %c0_i32_1 = arith.constant 0 : i32
    return %c0_i32, %c0_i32_0 : i32, i32
  }
  func.func @transform_2(%arg0: i32) -> (i32, i32) {
    %c0_i32 = arith.constant 0 : i32
    %c0_i32_0 = arith.constant 0 : i32
    %c0_i32_1 = arith.constant 0 : i32
    return %c0_i32, %c0_i32_0 : i32, i32
  }
  func.func @transform_3(%arg0: i32) -> (i32, i32) {
    %c0_i32 = arith.constant 0 : i32
    %c0_i32_0 = arith.constant 0 : i32
    %c0_i32_1 = arith.constant 0 : i32
    return %c0_i32, %c0_i32_0 : i32, i32
  }
  func.func @transform_4(%arg0: i32) -> (i32, i32) {
    %c0_i32 = arith.constant 0 : i32
    %c0_i32_0 = arith.constant 0 : i32
    %c0_i32_1 = arith.constant 0 : i32
    return %c0_i32, %c0_i32_0 : i32, i32
  }
  func.func @transform_5(%arg0: i32) -> (i32, i32) {
    %c0_i32 = arith.constant 0 : i32
    %c0_i32_0 = arith.constant 0 : i32
    return %arg0, %c0_i32 : i32, i32
  }
  func.func @transform_6(%arg0: i32) -> (i32, i32) {
    %c0_i32 = arith.constant 0 : i32
    %c0_i32_0 = arith.constant 0 : i32
    return %arg0, %c0_i32 : i32, i32
  }
}

module attributes {stable_mosaic.version = 14 : i64} {
  func.func @body(%arg0: i32, %arg1: memref<2x512x128xf32, #tpu.memory_space<vmem>>, %arg2: memref<1x128xf32, #tpu.memory_space<vmem>>, %arg3: memref<128x128xf32, #tpu.memory_space<vmem>>, %arg4: memref<1x128xf32, #tpu.memory_space<vmem>>, %arg5: memref<512x128xf32, #tpu.memory_space<vmem>>) attributes {dimension_semantics = [#tpu.dimension_semantics<arbitrary>], iteration_bounds = array<i64: 20>, scalar_prefetch = 0 : i64, scratch_operands = 0 : i64, tpu.core_type = #tpu.core_type<tc>, window_params = [{transform_indices = @transform_0, window_bounds = array<i64: 2, 512, 128>}, {pipeline_mode = #tpu.pipeline_mode<synchronous>, transform_indices = @transform_1, window_bounds = array<i64: 1, 128>}, {pipeline_mode = #tpu.pipeline_mode<synchronous>, transform_indices = @transform_2, window_bounds = array<i64: 128, 128>}, {pipeline_mode = #tpu.pipeline_mode<synchronous>, transform_indices = @transform_3, window_bounds = array<i64: 1, 128>}, {transform_indices = @transform_4, window_bounds = array<i64: 512, 128>}]} {
    %get3A = arith.constant 0 : index
    %get3A_0 = arith.constant 0 : index
    %get3A_1 = arith.constant 0 : index
    %get3A_2 = vector.load %arg1[%get3A, %get3A_0, %get3A_1] : memref<2x512x128xf32, #tpu.memory_space<vmem>>, vector<1x512x64xf32>
    %get3A_3 = vector.shape_cast %get3A_2 : vector<1x512x64xf32> to vector<512x64xf32>
    %get3A_4 = arith.constant 0 : index
    %get3A_5 = arith.constant 0 : index
    %get3A_6 = arith.constant 64 : index
    %get3A_7 = vector.load %arg1[%get3A_4, %get3A_5, %get3A_6] : memref<2x512x128xf32, #tpu.memory_space<vmem>>, vector<1x512x1xf32>
    %get3A_8 = vector.shape_cast %get3A_7 : vector<1x512x1xf32> to vector<512x1xf32>
    %add3A = arith.constant 1.000000e-16 : f32
    %add3A_9 = vector.broadcast %add3A : f32 to vector<512x1xf32>
    %add3A_10 = arith.addf %get3A_8, %add3A_9 : vector<512x1xf32>
    %div3A = vector.broadcast %add3A_10 : vector<512x1xf32> to vector<512x64xf32>
    %div3A_11 = arith.divf %get3A_3, %div3A : vector<512x64xf32>
    %get3A_12 = arith.constant 1 : index
    %get3A_13 = arith.constant 0 : index
    %get3A_14 = arith.constant 0 : index
    %get3A_15 = vector.load %arg1[%get3A_12, %get3A_13, %get3A_14] : memref<2x512x128xf32, #tpu.memory_space<vmem>>, vector<1x512x64xf32>
    %get3A_16 = vector.shape_cast %get3A_15 : vector<1x512x64xf32> to vector<512x64xf32>
    %get3A_17 = arith.constant 1 : index
    %get3A_18 = arith.constant 0 : index
    %get3A_19 = arith.constant 64 : index
    %get3A_20 = vector.load %arg1[%get3A_17, %get3A_18, %get3A_19] : memref<2x512x128xf32, #tpu.memory_space<vmem>>, vector<1x512x1xf32>
    %get3A_21 = vector.shape_cast %get3A_20 : vector<1x512x1xf32> to vector<512x1xf32>
    %add3A_22 = arith.constant 1.000000e-16 : f32
    %add3A_23 = vector.broadcast %add3A_22 : f32 to vector<512x1xf32>
    %add3A_24 = arith.addf %get3A_21, %add3A_23 : vector<512x1xf32>
    %div3A_25 = vector.broadcast %add3A_24 : vector<512x1xf32> to vector<512x64xf32>
    %div3A_26 = arith.divf %get3A_16, %div3A_25 : vector<512x64xf32>
    %concatenate3A = tpu.concatenate %div3A_11, %div3A_26 in 1 : vector<512x64xf32>, vector<512x64xf32> -> vector<512x128xf32>
    %get3A_27 = arith.constant 0 : index
    %get3A_28 = arith.constant 0 : index
    %get3A_29 = vector.load %arg2[%get3A_27, %get3A_28] : memref<1x128xf32, #tpu.memory_space<vmem>>, vector<1x128xf32>
    %add3A_30 = vector.broadcast %get3A_29 : vector<1x128xf32> to vector<512x128xf32>
    %add3A_31 = arith.addf %concatenate3A, %add3A_30 : vector<512x128xf32>
    %max3A = arith.constant 0.000000e+00 : f32
    %max3A_32 = vector.broadcast %max3A : f32 to vector<512x128xf32>
    %max3A_33 = arith.maximumf %add3A_31, %max3A_32 : vector<512x128xf32>
    %get3A_34 = arith.constant 0 : index
    %get3A_35 = arith.constant 0 : index
    %get3A_36 = vector.load %arg3[%get3A_34, %get3A_35] : memref<128x128xf32, #tpu.memory_space<vmem>>, vector<128x128xf32>
    %dot_general3A = arith.constant dense<0.000000e+00> : vector<512x128xf32>
    %dot_general3A_37 = tpu.matmul %max3A_33, %get3A_36, %dot_general3A {dimension_numbers = #tpu.dot_dimension_numbers<[1], [0], [0], [1], [0, 0, 1, 1], [], []>, transpose_lhs_hint = false} : vector<512x128xf32>, vector<128x128xf32>, vector<512x128xf32> -> vector<512x128xf32>
    %get3A_38 = arith.constant 0 : index
    %get3A_39 = arith.constant 0 : index
    %get3A_40 = vector.load %arg4[%get3A_38, %get3A_39] : memref<1x128xf32, #tpu.memory_space<vmem>>, vector<1x128xf32>
    %add3A_41 = vector.broadcast %get3A_40 : vector<1x128xf32> to vector<512x128xf32>
    %add3A_42 = arith.addf %dot_general3A_37, %add3A_41 : vector<512x128xf32>
    %swap3A = arith.constant 0 : index
    %swap3A_43 = arith.constant 0 : index
    %swap3A_44 = vector.load %arg5[%swap3A, %swap3A_43] : memref<512x128xf32, #tpu.memory_space<vmem>>, vector<512x128xf32>
    tpu.vector_store %arg5[%swap3A, %swap3A_43], %add3A_42 {strides = array<i32>} : memref<512x128xf32, #tpu.memory_space<vmem>>, vector<512x128xf32>,
    return
  }
  func.func @transform_0(%arg0: i32) -> (i32, i32, i32) {
    %c0_i32 = arith.constant 0 : i32
    %c0_i32_0 = arith.constant 0 : i32
    %c0_i32_1 = arith.constant 0 : i32
    return %c0_i32, %arg0, %c0_i32_0 : i32, i32, i32
  }
  func.func @transform_1(%arg0: i32) -> (i32, i32) {
    %c0_i32 = arith.constant 0 : i32
    %c0_i32_0 = arith.constant 0 : i32
    %c0_i32_1 = arith.constant 0 : i32
    return %c0_i32, %c0_i32_0 : i32, i32
  }
  func.func @transform_2(%arg0: i32) -> (i32, i32) {
    %c0_i32 = arith.constant 0 : i32
    %c0_i32_0 = arith.constant 0 : i32
    %c0_i32_1 = arith.constant 0 : i32
    return %c0_i32, %c0_i32_0 : i32, i32
  }
  func.func @transform_3(%arg0: i32) -> (i32, i32) {
    %c0_i32 = arith.constant 0 : i32
    %c0_i32_0 = arith.constant 0 : i32
    %c0_i32_1 = arith.constant 0 : i32
    return %c0_i32, %c0_i32_0 : i32, i32
  }
  func.func @transform_4(%arg0: i32) -> (i32, i32) {
    %c0_i32 = arith.constant 0 : i32
    %c0_i32_0 = arith.constant 0 : i32
    return %arg0, %c0_i32 : i32, i32
  }
}

module attributes {stable_mosaic.version = 14 : i64} {
  func.func @body(%arg0: i32, %arg1: memref<2x512x128xf32, #tpu.memory_space<vmem>>, %arg2: memref<1x64xf32, #tpu.memory_space<vmem>>, %arg3: memref<64x40xf32, #tpu.memory_space<vmem>>, %arg4: memref<1x40xf32, #tpu.memory_space<vmem>>, %arg5: memref<512x40xf32, #tpu.memory_space<vmem>>) attributes {dimension_semantics = [#tpu.dimension_semantics<arbitrary>], iteration_bounds = array<i64: 20>, scalar_prefetch = 0 : i64, scratch_operands = 0 : i64, tpu.core_type = #tpu.core_type<tc>, window_params = [{transform_indices = @transform_0, window_bounds = array<i64: 2, 512, 128>}, {pipeline_mode = #tpu.pipeline_mode<synchronous>, transform_indices = @transform_1, window_bounds = array<i64: 1, 64>}, {pipeline_mode = #tpu.pipeline_mode<synchronous>, transform_indices = @transform_2, window_bounds = array<i64: 64, 40>}, {pipeline_mode = #tpu.pipeline_mode<synchronous>, transform_indices = @transform_3, window_bounds = array<i64: 1, 40>}, {transform_indices = @transform_4, window_bounds = array<i64: 512, 40>}]} {
    %get3A = arith.constant 0 : index
    %get3A_0 = arith.constant 0 : index
    %get3A_1 = arith.constant 0 : index
    %get3A_2 = vector.load %arg1[%get3A, %get3A_0, %get3A_1] : memref<2x512x128xf32, #tpu.memory_space<vmem>>, vector<1x512x128xf32>
    %get3A_3 = vector.shape_cast %get3A_2 : vector<1x512x128xf32> to vector<512x128xf32>
    %get3A_4 = arith.constant 1 : index
    %get3A_5 = arith.constant 0 : index
    %get3A_6 = arith.constant 0 : index
    %get3A_7 = vector.load %arg1[%get3A_4, %get3A_5, %get3A_6] : memref<2x512x128xf32, #tpu.memory_space<vmem>>, vector<1x512x128xf32>
    %get3A_8 = vector.shape_cast %get3A_7 : vector<1x512x128xf32> to vector<512x128xf32>
    %add3A = arith.addf %get3A_3, %get3A_8 : vector<512x128xf32>
    %slice3A = vector.extract_strided_slice %add3A {offsets = [0, 0], sizes = [512, 64], strides = [1, 1]} : vector<512x128xf32> to vector<512x64xf32>
    %slice3A_9 = vector.extract_strided_slice %add3A {offsets = [0, 64], sizes = [512, 1], strides = [1, 1]} : vector<512x128xf32> to vector<512x1xf32>
    %add3A_10 = arith.constant 1.000000e-16 : f32
    %add3A_11 = vector.broadcast %add3A_10 : f32 to vector<512x1xf32>
    %add3A_12 = arith.addf %slice3A_9, %add3A_11 : vector<512x1xf32>
    %div3A = vector.broadcast %add3A_12 : vector<512x1xf32> to vector<512x64xf32>
    %div3A_13 = arith.divf %slice3A, %div3A : vector<512x64xf32>
    %get3A_14 = arith.constant 0 : index
    %get3A_15 = arith.constant 0 : index
    %get3A_16 = vector.load %arg2[%get3A_14, %get3A_15] : memref<1x64xf32, #tpu.memory_space<vmem>>, vector<1x64xf32>
    %add3A_17 = vector.broadcast %get3A_16 : vector<1x64xf32> to vector<512x64xf32>
    %add3A_18 = arith.addf %div3A_13, %add3A_17 : vector<512x64xf32>
    %max3A = arith.constant 0.000000e+00 : f32
    %max3A_19 = vector.broadcast %max3A : f32 to vector<512x64xf32>
    %max3A_20 = arith.maximumf %add3A_18, %max3A_19 : vector<512x64xf32>
    %get3A_21 = arith.constant 0 : index
    %get3A_22 = arith.constant 0 : index
    %get3A_23 = vector.load %arg3[%get3A_21, %get3A_22] : memref<64x40xf32, #tpu.memory_space<vmem>>, vector<64x40xf32>
    %dot_general3A = arith.constant dense<0.000000e+00> : vector<512x40xf32>
    %dot_general3A_24 = tpu.matmul %max3A_20, %get3A_23, %dot_general3A {dimension_numbers = #tpu.dot_dimension_numbers<[1], [0], [0], [1], [0, 0, 1, 1], [], []>, transpose_lhs_hint = false} : vector<512x64xf32>, vector<64x40xf32>, vector<512x40xf32> -> vector<512x40xf32>
    %get3A_25 = arith.constant 0 : index
    %get3A_26 = arith.constant 0 : index
    %get3A_27 = vector.load %arg4[%get3A_25, %get3A_26] : memref<1x40xf32, #tpu.memory_space<vmem>>, vector<1x40xf32>
    %add3A_28 = vector.broadcast %get3A_27 : vector<1x40xf32> to vector<512x40xf32>
    %add3A_29 = arith.addf %dot_general3A_24, %add3A_28 : vector<512x40xf32>
    %swap3A = arith.constant 0 : index
    %swap3A_30 = arith.constant 0 : index
    %swap3A_31 = vector.load %arg5[%swap3A, %swap3A_30] : memref<512x40xf32, #tpu.memory_space<vmem>>, vector<512x40xf32>
    tpu.vector_store %arg5[%swap3A, %swap3A_30], %add3A_29 {strides = array<i32>} : memref<512x40xf32, #tpu.memory_space<vmem>>, vector<512x40xf32>,
    return
  }
  func.func @transform_0(%arg0: i32) -> (i32, i32, i32) {
    %c0_i32 = arith.constant 0 : i32
    %c0_i32_0 = arith.constant 0 : i32
    %c0_i32_1 = arith.constant 0 : i32
    return %c0_i32, %arg0, %c0_i32_0 : i32, i32, i32
  }
  func.func @transform_1(%arg0: i32) -> (i32, i32) {
    %c0_i32 = arith.constant 0 : i32
    %c0_i32_0 = arith.constant 0 : i32
    %c0_i32_1 = arith.constant 0 : i32
    return %c0_i32, %c0_i32_0 : i32, i32
  }
  func.func @transform_2(%arg0: i32) -> (i32, i32) {
    %c0_i32 = arith.constant 0 : i32
    %c0_i32_0 = arith.constant 0 : i32
    %c0_i32_1 = arith.constant 0 : i32
    return %c0_i32, %c0_i32_0 : i32, i32
  }
  func.func @transform_3(%arg0: i32) -> (i32, i32) {
    %c0_i32 = arith.constant 0 : i32
    %c0_i32_0 = arith.constant 0 : i32
    %c0_i32_1 = arith.constant 0 : i32
    return %c0_i32, %c0_i32_0 : i32, i32
  }
  func.func @transform_4(%arg0: i32) -> (i32, i32) {
    %c0_i32 = arith.constant 0 : i32
    %c0_i32_0 = arith.constant 0 : i32
    return %arg0, %c0_i32 : i32, i32
  }
}

</mosaic_0001>

<sc_bundles>
// kernel: kernel.10.cloned.1.call-start
scs
__scs_entry_jumppad:
0x0: {  	(pc) =	sbr.rel $0x88, $3  }
0x1: {  	(tag) =	ssettag $0x0;
	lr =	simm.s32 $0x1  }
0x2: {  	[smem:$0x3F91] =	sst lr;
	_ =	strace $0xD0000000  }
0x3: {  	_ = 	snop  }
0x4: {  	_ = 	snop  }
0x5: {  	_ = 	snop  }
0x6: {  	_ = 	snop  }
0x7: {  	_ = 	snop  }
__scs_overlays_trampoline_lowered:
0x8: {  	[smem:$0x3FA0] =	sst s0  }
0x9: {  	[smem:$0x3FA1] =	sst s1  }
0xa: {  	[smem:$0x3FA2] =	sst s2  }
0xb: {  	[smem:$0x3FA3] =	sst s3  }
0xc: {  	[smem:$0x3FA4] =	sst s4  }
0xd: {  	[smem:$0x3FA5] =	sst s5  }
0xe: {  	[smem:$0x3FA6] =	sst s6  }
0xf: {  	[smem:$0x3FA7] =	sst s7  }
0x10: {  	[smem:$0x3FA8] =	sst s8  }
0x11: {  	[smem:$0x3FA9] =	sst s9;
	s0 =	simm.s32 @!p0 $0x0  }
0x12: {  	s1 =	sld [smem:$0x3F8F];
	s0 =	simm.s32 @p0 $0x1  }
0x13: {  	[smem:$0x3FAA] =	sst s0;
	s0 =	simm.s32 @!p1 $0x0  }
0x14: {  	s2 =	sld [smem:$0x3F8E];
	s0 =	simm.s32 @p1 $0x1  }
0x15: {  	[smem:$0x3FAB] =	sst s0;
	s0 =	simm.s32 @!p2 $0x0  }
0x16: {  	s3 =	sld [smem:$0x3FDB];
	s0 =	simm.s32 @p2 $0x1  }
0x17: {  	s4 =	simm.s32 $0x1BF5;
	[smem:$0x3FAD] =	sst s0  }
0x18: {  	s0 =	sld [smem:$0x3F90];
	_ =	swait.ge [sflag:s4], $0x0  }
0x19: {  	s7 =	sld [smem:$0x3F91]  }
0x1a: {  	s8 =	sadd.s32 $0xFFFFE003, lr  }
0x1b: {  	s9 =	sadd.s32 $0xFFFFFEF7, lr;
	s5 =	simm.s32 $0xFFFFFFFF;
	p2 =	slt.u32 s8, $0xFFFFF086  }
0x1c: {  	p1 =	slt.u32 s9, $0xF7A;
	s5 =	simm.s32 @!p2 $0x0  }
0x1d: {  	s5 =	simm.s32 @p1 $0x1;
	p0 =	seq.s32 s7, s2  }
0x1e: {  	s7 =	smul.u32 @!p0 $0xF7A, s2;
	p2 =	seq.s32 @!p0 s5, $0x0  }
0x1f: {  	s9 =	smul.u32 $0xF7A, s1;
	s8 =	simm.s32 @!p0 $0x1BF5;
	p2 =	por !p2, p0  }
0x20: {  	[sflag:s8] =	ssyncset.s32 @!p0 $0xFFFFF086;
	s6 =	sadd.s32 @!p0 s3, s7;
	s7 =	simm.s32 @!p0 $0x108  }
0x21: {  	s3 =	sadd.s32 s3, s9;
	s6 =	sadd.s32 @!p0 $0x88, s6;
	s7 =	simm.s32 @p2 $0x1082  }
0x22: {  	[simem:s7], [sflag:s8] =	dma.local @!p0 [hbm:s6], $0xF7A  }
0x23: {  	s9 =	sor.u32 $0xD0000000, s2;
	s6 =	simm.s32 $0x108;
	_ =	swait.ge @!p0 [sflag:s8], $0x0  }
0x24: {  	s3 =	sadd.s32 $0x88, s3;
	s6 =	simm.s32 @!p1 $0x1082;
	[sflag:s4] =	ssyncset.s32 $0xFFFFF086  }
0x25: {  	[simem:s6], [sflag:s4] =	dma.local [hbm:s3], $0xF7A  }
0x26: {  	[smem:$0x3F91] =	sst s1;
	(tag) =	ssettag s2;
	_ =	strace s9  }
0x27: {  	s1 =	sld [smem:$0x3FA1]  }
0x28: {  	s2 =	sld [smem:$0x3FA2]  }
0x29: {  	s4 =	sld [smem:$0x3FA4]  }
0x2a: {  	p0 =	seq.s32 s5, $0x0;
	s5 =	sld [smem:$0x3FA5]  }
0x2b: {  	s6 =	sld [smem:$0x3FA6]  }
0x2c: {  	s7 =	sld [smem:$0x3FA7]  }
0x2d: {  	s3 =	simm.s32 $0x108;
	s8 =	sld [smem:$0x3FA8]  }
0x2e: {  	s3 =	simm.s32 @!p0 $0x1082;
	s9 =	sld [smem:$0x3FA9]  }
0x2f: {  	lr =	sadd.s32 s0, s3;
	s0 =	sld [smem:$0x3FA0]  }
0x30: {  	s3 =	sld [smem:$0x3FA3]  }
0x31: {  	[smem:$0x3FAC] =	sst s10  }
0x32: {  	s10 =	sld [smem:$0x3FAA];
	_ =	sdelay $0x3  }
0x33: {  	p0 =	seq.s32 s10, $0x1;
	s10 =	sld [smem:$0x3FAC];
	_ =	sdelay $0x3  }
0x34: {  	[smem:$0x3FAC] =	sst s10  }
0x35: {  	s10 =	sld [smem:$0x3FAB];
	_ =	sdelay $0x3  }
0x36: {  	p1 =	seq.s32 s10, $0x1;
	s10 =	sld [smem:$0x3FAC];
	_ =	sdelay $0x3  }
0x37: {  	[smem:$0x3FAC] =	sst s10  }
0x38: {  	s10 =	sld [smem:$0x3FAD]  }
0x39: {  	_ = 	snop;
	(pc) =	sbr.ind lr, $3  }
0x3a: {  	_ = 	snop  }
0x3b: {  	_ = 	snop  }
0x3c: {  	p2 =	seq.s32 s10, $0x1;
	s10 =	sld [smem:$0x3FAC]  }
0x3d: {  	_ =	shalt  }
0x3e: {  	_ =	shalt  }
0x3f: {  	_ =	shalt  }
0x40: {  	_ =	shalt  }
0x41: {  	_ =	shalt  }
0x42: {  	_ =	shalt  }
0x43: {  	_ =	shalt  }
0x44: {  	_ =	shalt  }
0x45: {  	_ =	shalt  }
0x46: {  	_ =	shalt  }
0x47: {  	_ =	shalt  }
0x48: {  	_ =	shalt  }
0x49: {  	_ =	shalt  }
0x4a: {  	_ =	shalt  }
0x4b: {  	_ =	shalt  }
0x4c: {  	_ =	shalt  }
0x4d: {  	_ =	shalt  }
0x4e: {  	_ =	shalt  }
0x4f: {  	_ =	shalt  }
0x50: {  	_ =	shalt  }
0x51: {  	_ =	shalt  }
0x52: {  	_ =	shalt  }
0x53: {  	_ =	shalt  }
0x54: {  	_ =	shalt  }
0x55: {  	_ =	shalt  }
0x56: {  	_ =	shalt  }
0x57: {  	_ =	shalt  }
0x58: {  	_ =	shalt  }
0x59: {  	_ =	shalt  }
0x5a: {  	_ =	shalt  }
0x5b: {  	_ =	shalt  }
0x5c: {  	_ =	shalt  }
0x5d: {  	_ =	shalt  }
0x5e: {  	_ =	shalt  }
0x5f: {  	_ =	shalt  }
0x60: {  	_ =	shalt  }
0x61: {  	_ =	shalt  }
0x62: {  	_ =	shalt  }
0x63: {  	_ =	shalt  }
0x64: {  	_ =	shalt  }
0x65: {  	_ =	shalt  }
0x66: {  	_ =	shalt  }
0x67: {  	_ =	shalt  }
0x68: {  	_ =	shalt  }
0x69: {  	_ =	shalt  }
0x6a: {  	_ =	shalt  }
0x6b: {  	_ =	shalt  }
0x6c: {  	_ =	shalt  }
0x6d: {  	_ =	shalt  }
0x6e: {  	_ =	shalt  }
0x6f: {  	_ =	shalt  }
0x70: {  	_ =	shalt  }
0x71: {  	_ =	shalt  }
0x72: {  	_ =	shalt  }
0x73: {  	_ =	shalt  }
0x74: {  	_ =	shalt  }
0x75: {  	_ =	shalt  }
0x76: {  	_ =	shalt  }
0x77: {  	_ =	shalt  }
0x78: {  	_ =	shalt  }
0x79: {  	_ =	shalt  }
0x7a: {  	_ =	shalt  }
0x7b: {  	_ =	shalt  }
0x7c: {  	_ =	shalt  }
0x7d: {  	_ =	shalt  }
0x7e: {  	_ =	shalt  }
0x7f: {  	_ =	shalt  }
0x80: {  	_ =	shalt  }
0x81: {  	_ =	shalt  }
0x82: {  	_ =	shalt  }
0x83: {  	_ =	shalt  }
0x84: {  	_ =	shalt  }
0x85: {  	_ =	shalt  }
0x86: {  	_ =	shalt  }
0x87: {  	_ =	shalt  }
.Lfunc_end0:
.L_simem_size_0:
called_computation.1_lowered:
.L_overlay_start_0:
0x88: {  	s2 =	sld [smem:$0x3FD9]  }
0x89: {  	s3 =	sld [smem:$0x3FFE];
	_ =	sdelay $0x1  }
0x8a: {  	s1 =	srdreg.scid  }
0x8b: {  	s0 =	sand.u32 $0x1, s1  }
0x8c: {  	s17 =	sshll.u32 s0, $0xA;
	s2 =	sadd.s32 s3, s2  }
0x8d: {  	s2 =	sadd.s32 s2, s17  }
0x8e: {  	[smem:$0x3FB8] =	sst s2  }
0x8f: {  	_ = 	snop  }
0x90: {  	s2 =	sld [smem:$0x3FD0];
	(tm) =	ssettm $0x1  }
0x91: {  	s18 =	sld [smem:$0x3FFB];
	_ =	sdelay $0x3  }
0x92: {  	_ =	strace s18  }
0x93: {  	s3 =	sld [smem:$0x3FFC];
	_ =	sdelay $0x3  }
0x94: {  	_ =	strace s3  }
0x95: {  	s3 =	sld [smem:$0x3FFD];
	_ =	sdelay $0x3  }
0x96: {  	_ =	strace s3  }
0x97: {  	_ =	strace $0x8FFFFFFF  }
0x98: {  	s19 =	sld [smem:$0x3FDB];
	_ =	sdelay $0x1  }
0x99: {  	s4 =	simm.s32 $_scs_section_size  }
0x9a: {  	s5 =	simm.s32 $_size__tile_overlayer_lowered;
	s6 =	simm.s32 $_tile_overlayer_lowered  }
0x9b: {  	s22 =	simm.s32 $0x1BFF;
	s21 =	sshll.u32 s6, $0x1;
	s3 =	sadd.s32 s4, s19  }
0x9c: {  	s7 =	simm.s32 $0x0;
	s20 =	sshll.u32 s5, $0x1;
	s5 =	sadd.s32 s21, s3  }
0x9d: {  	[timem:s7], [sflag:s22] =	dma.local [hbm:s5], s20  }
0x9e: {  	_ =	swait.ge [sflag:s22], s20  }
0x9f: {  	s4 =	ssub.s32 $0x0, s20;
	[sflag:s22] =	ssyncset.done $0x0  }
0xa0: {  	[sflag:s22] =	ssyncadd.s32 s4;
	_ =	sdelay $0x1  }
0xa1: {  	s23 =	simm.s32 $0x1B8B  }
0xa2: {  	_ =	swait.ge [sflag:s23], $0x1  }
0xa3: {  	[sflag:s23] =	ssyncset.done $0x0  }
0xa4: {  	s25 =	simm.s32 $0x1B8E;
	s24 =	sld [smem:$0x3FFE];
	[sflag:s23] =	ssyncadd.s32 $0xFFFFFFFF  }
0xa5: {  	s26 =	simm.s32 $execute0_lowered;
	[smem:$0x3FD2] =	sst s25  }
0xa6: {  	s5 =	sshll.u32 s26, $0x1;
	_ =	strace $0x80000049;
	[dreg:$0x1] =	wrdreg $0xFFFFFFFF  }
0xa7: {  	s28 =	simm.s32 $_size_execute0_lowered;
	s3 =	sadd.s32 s3, s5;
	[dreg:$0x0] =	wrdreg $0x0  }
0xa8: {  	s5 =	sshll.u32 s28, $0x1;
	[dreg:$0x2] =	wrdreg s3  }
0xa9: {  	[dreg:$0x3] =	wrdreg s5  }
0xaa: {  	[dreg:$0x4] =	wrdreg $0xC0  }
0xab: {  	_ =	task [dreg:s7], $0x5FFFF  }
0xac: {  	[dreg:$0x1] =	wrdreg $0xFFFFFFFF  }
0xad: {  	[dreg:$0x0] =	wrdreg $0x60  }
0xae: {  	[dreg:$0x2] =	wrdreg s24  }
0xaf: {  	[dreg:$0x3] =	wrdreg s2  }
0xb0: {  	[dreg:$0x4] =	wrdreg $0x93800  }
0xb1: {  	[dreg:$0x5] =	wrdreg $0x9  }
0xb2: {  	_ =	task.clear_ibuf [dreg:s7], $0x6FFFF;
	_ =	strace $0x90000049  }
0xb3: {  	s29 =	simm.s32 $0x9;
	_ =	strace $0x8000004B  }
0xb4: {  	_ =	swait.ge [sflag:s29], $0x1  }
0xb5: {  	[sflag:s29] =	ssyncadd.s32 $0xFFFFFFFF  }
0xb6: {  	_ =	strace $0x9000004B  }
0xb7: {  	_ =	sfence  }
0xb8: {  	s30 =	sld [smem:$0x0];
	_ =	sdelay $0x2  }
0xb9: {  	s31 =	sshll.u32 s1, $0xD;
	s1 =	sshrl.u32 s1, $0x2  }
0xba: {  	s3 =	sand.u32 $0x4000, s31;
	s1 =	sadd.s32 s1, s30  }
0xbb: {  	s0 =	sor.u32 s3, s0;
	s1 =	sshll.u32 s1, $0x11  }
0xbc: {  	s0 =	sor.u32 s1, s0  }
0xbd: {  	s0 =	sadd.s32 $0x8F2B, s0  }
0xbe: {  	[sflag:s0] =	ssyncadd.remote.s32 $0x1  }
0xbf: {  	_ =	sfence.sel $0xFFFF  }
0xc0: {  	[dreg:$0x0] =	wrdreg $0xFFFFFFFF;
	(pc) =	sbr.abs _section_cstart, $3  }
0xc1: {  	[dreg:$0x1] =	wrdreg $0xFFFFFFFF  }
0xc2: {  	_ =	task.clear_ibuf [dreg:s7], $0x2FFFF;
	_ =	strace $0x9FFFFFFF  }
0xc3: {  	(tm) =	ssettm $0x7FFFFFFF  }
tec
execute0_lowered:
.L_overlay_start_1:
0x0: {  	(tag) =	ssettag $0x1  }
0x1: {  	s0 =	rddreg [dreg:$0x0]  }
0x2: {  	s1 =	rddreg [dreg:$0x1]  }
0x3: {  	s2 =	rddreg [dreg:$0x2];
	s4 =	simm.s32 $0x0  }
0x4: {  	s12 =	stileid.u32;
	s3 =	srdreg.scid;
	s28 =	simm.s32 $0x200  }
0x5: {  	s30 =	simm.s32 $0x6300;
	s31 =	simm.s32 $0x1;
	s29 =	simm.s32 $0x7B00  }
0x6: {  	s13 =	simm.s32 $0x0;
	[smem:$0x7FF] =	sst s4;
	s5 =	sadd.s32 $0xCE00, s0  }
0x7: {  	s7 =	smul.u32 $0x2800, s12;
	s3 =	sand.u32 $0x1, s3;
	s6 =	sadd.s32 $0x2C00, s0  }
0x8: {  	s8 =	sadd.s32 $0xD4E00, s0;
	s10 =	smul.u32 $0x50000, s12;
	s11 =	sshll.u32 s12, $0x1  }
0x9: {  	s21 =	sshll.u32 s12, $0x6;
	_ =	strace $0x8000004A;
	[dreg:$0x4] =	wrdreg s8  }
0xa: {  	s16 =	smul.u32 $0x28000, s3;
	s17 =	ssub.s32 $0x2, s3;
	s3 =	sor.u32 s3, s11  }
0xb: {  	s11 =	sor.u32 $0x1C07, s21;
	s21 =	simm.s32 $0x280;
	s8 =	simm.s32 $0x3  }
0xc: {  	v0 =	vimm.s32 $0xFEDCBA98;
	s9 =	sadd.s32 s7, s0;
	s18 =	sshrl.u32 s17, $0x1;
	s10 =	sshrl.u32 s10, $0x2  }
0xd: {  	v1 =	vimm.s32 $0x76543210;
	v2 =	vimm.s32 $0xBA98FEDC;
	s3 =	smul.u32 $0x2880, s3;
	[dreg:$0x6] =	wrdreg s11;
	s7 =	sadd.s32 s7, s16  }
0xe: {  	v3 =	vimm.s32 $0x32107654;
	v4 =	vimm.s32 $0xDCFE98BA;
	s19 =	ssub.s32 s17, s18;
	s20 =	sadd.s32 s10, s2;
	s9 =	sadd.s32 $0x5CE00, s9  }
0xf: {  	v5 =	vimm.s32 $0x54761032;
	v6 =	vimm.s32 $0xEFCDAB89;
	v7 =	vimm.s32 $0x67452301;
	s0 =	sadd.s32 s7, s0;
	[dreg:$0x5] =	wrdreg s9;
	s22 =	sshrl.u32 s3, $0x3  }
0x10: {  	v0 =	vunpack.c.l.s4.s8 v0;
	v1 =	vunpack.c.l.s4.s8 v1;
	v2 =	vunpack.c.l.s4.s8 v2;
	s14 =	sadd.s32 $0x90, s3;
	s15 =	sadd.s32 $0xC0, s3;
	s17 =	sor.u32 $0x60, s3  }
0x11: {  	v3 =	vunpack.c.l.s4.s8 v3;
	v4 =	vunpack.c.l.s4.s8 v4;
	v5 =	vunpack.c.l.s4.s8 v5;
	s26 =	smax.u32 s19, $0x1;
	s12 =	sshrl.u32 s20, $0x3;
	s20 =	simm.s32 $0x7  }
0x12: {  	v6 =	vunpack.c.l.s4.s8 v6;
	v7 =	vunpack.c.l.s4.s8 v7;
	v0 =	vunpack.c.0.s8.s32 v0;
	s3 =	simm.s32 $0x100;
	s7 =	simm.s32 $0x2;
	[dreg:$0xc] =	wrdreg s26  }
0x13: {  	v2 =	vunpack.c.0.s8.s32 v2;
	v3 =	vunpack.c.0.s8.s32 v3;
	v4 =	vunpack.c.0.s8.s32 v4;
	s23 =	sadd.s32 s1, s22;
	s24 =	sor.u32 $0x6, s22;
	[dreg:$0xd] =	wrdreg s12  }
0x14: {  	v5 =	vunpack.c.0.s8.s32 v5;
	v6 =	vunpack.c.0.s8.s32 v6;
	v7 =	vunpack.c.0.s8.s32 v7;
	s10 =	sadd.s32 s6, s22;
	s0 =	sadd.s32 $0x84E00, s0;
	[dreg:$0x7] =	wrdreg s23  }
0x15: {  	v1 =	vunpack.c.0.s8.s32 v1;
	v2 =	vcombine.low v3, v2;
	s22 =	simm.s32 $0x180;
	s26 =	simm.s32 $0x5;
	[dreg:$0x8] =	wrdreg s10  }
0x16: {  	v3 =	vcombine.low v5, v4;
	v4 =	vcombine.low v7, v6;
	v0 =	vand.u32 $0xF, v0;
	s25 =	sadd.s32 s1, s24;
	s9 =	sadd.s32 s6, s24;
	[dreg:$0xb] =	wrdreg s0  }
0x17: {  	vm0 =	vmmov $0x1;
	v0 =	vcombine.low v0, v1;
	s23 =	simm.s32 $0x30;
	s0 =	simm.s32 $0x4;
	[dreg:$0x9] =	wrdreg s25  }
0x18: {  	v1 =	vand.u32 $0xF, v2;
	v2 =	vand.u32 $0xF, v3;
	v3 =	vand.u32 $0xF, v4;
	s10 =	simm.s32 $0x6;
	[dreg:$0xa] =	wrdreg s9;
	s25 =	simm.s32 $0x4B00  }
.LBB2_1:
0x19: {  	[dreg:$0xe] =	wrdreg s13  }
0x1a: {  	s9 =	rddreg [dreg:$0x5]  }
0x1b: {  	[spmem:s12], [sflag:s11] =	dma.local [hbm:s9], $0x2800  }
0x1c: {  	_ =	swait.ge [sflag:s20], $0x2800  }
0x1d: {  	[sflag:s20] =	ssyncset.done $0x0  }
0x1e: {  	s24 =	simm.s32 $0x9300;
	s19 =	rddreg [dreg:$0x4];
	[sflag:s20] =	ssyncadd.s32 $0xFFFFD800  }
0x1f: {  	[tilespmem:s24], [sflag:$0x7] =	stream.linear.gather [hbm4b:s19+s4], $0x80, $0x38;
	[tilespmem:$0x1D380] =	vst v63  }
0x20: {  	_ =	swait.ge [sflag:s20], $0x80  }
0x21: {  	[sflag:s20] =	ssyncset.done $0x0  }
0x22: {  	[sflag:s20] =	ssyncadd.s32 $0xFFFFFF80  }
0x23: {  	[bflag:$0x0] =	sbarrier.arrive $0xFFFF  }
0x24: {  	v4 =	vld [tilespmem:$0x9300]  }
0x25: {  	v5 =	vld [tilespmem:$0x9310]  }
0x26: {  	v6 =	vld [tilespmem:$0x9320];
	s11 =	rddreg [dreg:$0x7]  }
0x27: {  	v7 =	vld [tilespmem:$0x9330];
	[tilespmem:s4], [sflag:$0x7] =	stream.linear.gather [hbm4b:s11+s4], $0x30, $0x38  }
0x28: {  	_ =	swait.ge [sflag:s20], $0x30  }
0x29: {  	[sflag:s20] =	ssyncset.done $0x0  }
0x2a: {  	s12 =	rddreg [dreg:$0x8];
	[sflag:s20] =	ssyncadd.s32 $0xFFFFFFD0  }
0x2b: {  	[tilespmem:s22], [sflag:$0x7] =	stream.linear.gather [hbm4b:s12+s4], $0x30, $0x38;
	[tilespmem:$0x1D380] =	vst v63  }
0x2c: {  	_ =	swait.ge [sflag:s20], $0x30  }
0x2d: {  	[sflag:s20] =	ssyncset.done $0x0  }
0x2e: {  	s13 =	simm.s32 $0x300;
	[sflag:s20] =	ssyncadd.s32 $0xFFFFFFD0  }
0x2f: {  	[tilespmem:s13], [sflag:$0x1] =	stream.indirect.gather [hbm4b:s5+s23], $0x80, s4, s23, $0xb8;
	[tilespmem:$0x1D380] =	vst v63  }
0x30: {  	_ = 	snop  }
0x31: {  	[tilespmem:s25], [sflag:$0x4] =	stream.indirect.gather [hbm4b:s5+s23], $0x80, s22, s23, $0xb8;
	[tilespmem:$0x1D380] =	vst v63  }
0x32: {  	s18 =	simm.s32 $0x80;
	s16 =	rddreg [dreg:$0x9]  }
0x33: {  	[tilespmem:s18], [sflag:$0x7] =	stream.linear.gather [hbm4b:s16+s4], $0x30, $0x38;
	[tilespmem:$0x1D380] =	vst v63  }
0x34: {  	_ =	swait.ge [sflag:s20], $0x30  }
0x35: {  	[sflag:s20] =	ssyncset.done $0x0  }
0x36: {  	s19 =	rddreg [dreg:$0xa];
	[sflag:s20] =	ssyncadd.s32 $0xFFFFFFD0  }
0x37: {  	[tilespmem:s28], [sflag:$0x7] =	stream.linear.gather [hbm4b:s19+s4], $0x30, $0x38;
	[tilespmem:$0x1D380] =	vst v63  }
0x38: {  	_ =	swait.ge [sflag:s20], $0x30  }
0x39: {  	[sflag:s20] =	ssyncset.done $0x0  }
0x3a: {  	s24 =	simm.s32 $0x1B00;
	[sflag:s20] =	ssyncadd.s32 $0xFFFFFFD0  }
0x3b: {  	[tilespmem:s24], [sflag:$0x2] =	stream.indirect.gather [hbm4b:s5+s23], $0x80, s18, s23, $0xb8;
	[tilespmem:$0x1D380] =	vst v63  }
0x3c: {  	s12 =	simm.s32 $0x0  }
0x3d: {  	[tilespmem:s30], [sflag:$0x5] =	stream.indirect.gather [hbm4b:s5+s23], $0x80, s28, s23, $0xb8;
	[tilespmem:$0x1D380] =	vst v63  }
.LBB2_2:
0x3e: {  	_ =	swait.ge [sflag:s31], $0x1800  }
0x3f: {  	s13 =	smul.u32 $0x90, s12;
	[sflag:s31] =	ssyncset.done $0x0  }
0x40: {  	[sflag:s31] =	ssyncadd.s32 $0xFFFFE800  }
0x41: {  	s9 =	sadd.s32 s13, s17;
	_ =	swait.ge [sflag:s0], $0x1800  }
0x42: {  	s9 =	sshrl.u32 s9, $0x3;
	[sflag:s0] =	ssyncset.done $0x0  }
0x43: {  	s11 =	sadd.s32 s1, s9;
	[sflag:s0] =	ssyncadd.s32 $0xFFFFE800  }
0x44: {  	[tilespmem:s3], [sflag:$0x7] =	stream.linear.gather [hbm4b:s11+s4], $0x30, $0x38;
	[tilespmem:$0x1D380] =	vst v63  }
0x45: {  	_ =	swait.ge [sflag:s20], $0x30  }
0x46: {  	[sflag:s20] =	ssyncset.done $0x0  }
0x47: {  	s9 =	sadd.s32 s6, s9;
	[sflag:s20] =	ssyncadd.s32 $0xFFFFFFD0  }
0x48: {  	[tilespmem:s21], [sflag:$0x7] =	stream.linear.gather [hbm4b:s9+s4], $0x30, $0x38;
	[tilespmem:$0x1D380] =	vst v63  }
0x49: {  	_ =	swait.ge [sflag:s20], $0x30  }
0x4a: {  	[sflag:s20] =	ssyncset.done $0x0  }
0x4b: {  	s16 =	simm.s32 $0x3300;
	[sflag:s20] =	ssyncadd.s32 $0xFFFFFFD0  }
0x4c: {  	[tilespmem:s16], [sflag:$0x3] =	stream.indirect.gather [hbm4b:s5+s23], $0x80, s3, s23, $0xb8;
	[tilespmem:$0x1D380] =	vst v63  }
0x4d: {  	s18 =	simm.s32 $0x400  }
0x4e: {  	[tilespmem:s29], [sflag:$0x6] =	stream.indirect.gather [hbm4b:s5+s23], $0x80, s21, s23, $0xb8;
	[tilespmem:$0x1D380] =	vst v63  }
0x4f: {  	s16 =	simm.s32 $0x4C00;
	v15 =	vld [tilespmem:s18+$0x80]  }
0x50: {  	v8 =	vld [tilespmem:s16+$0xC0]  }
0x51: {  	v18 =	vld [tilespmem:s18+$0x90]  }
0x52: {  	v10 =	vld [tilespmem:s16+$0xD0]  }
0x53: {  	v19 =	vld [tilespmem:s18+$0xA0]  }
0x54: {  	v11 =	vld [tilespmem:s16+$0xE0]  }
0x55: {  	v23 =	vld [tilespmem:s18+$0x0]  }
0x56: {  	v9 =	vld [tilespmem:s18+$0xB0]  }
0x57: {  	v12 =	vld [tilespmem:s16+$0xF0]  }
0x58: {  	v13 =	vld [tilespmem:s16+$0xFFFFFF40]  }
0x59: {  	v41 =	vld [tilespmem:s18+$0xFFFFFF80]  }
0x5a: {  	v16 =	vld [tilespmem:s16+$0xFFFFFFC0];
	v8 =	vadd.f32 v8, v15;
	[tilespmem:$0x1FFB0] =	vst v23  }
0x5b: {  	v26 =	vld [tilespmem:s18+$0xFFFFFF90]  }
0x5c: {  	v10 =	vadd.f32 v10, v18;
	v14 =	vmul.f32 $2.000000030e-01, v8  }
0x5d: {  	v20 =	vld [tilespmem:s16+$0x40]  }
0x5e: {  	v17 =	vld [tilespmem:s18+$0xFFFFFF00];
	v8 =	vmax.f32 v8, v14;
	v14 =	vmul.f32 $2.000000030e-01, v10  }
0x5f: {  	v22 =	vld [tilespmem:s16+$0xFFFFFF50]  }
0x60: {  	v10 =	vmax.f32 v10, v14;
	v14 =	vld [tilespmem:s18+$0xFFFFFF10];
	[tilespmem:$0x1FF90] =	vst v26  }
0x61: {  	v11 =	vadd.f32 v11, v19;
	v27 =	vld [tilespmem:s18+$0x10]  }
0x62: {  	v8 =	vmul.f32 v8, v4  }
0x63: {  	v21 =	vmul.f32 $2.000000030e-01, v11  }
0x64: {  	v8 =	vadd.f32 $0.0e+00, v8;
	v10 =	vmul.f32 v10, v5  }
0x65: {  	v12 =	vadd.f32 v12, v9;
	v11 =	vmax.f32 v11, v21  }
0x66: {  	v8 =	vadd.f32 v10, v8;
	v10 =	vmul.f32 v11, v6;
	v11 =	vadd.f32 v16, v41;
	v16 =	vld [tilespmem:s16+$0xFFFFFFD0];
	[tilespmem:$0x1FFC0] =	vst v27  }
0x67: {  	v21 =	vmul.f32 $2.000000030e-01, v12;
	v29 =	vld [tilespmem:s18+$0xFFFFFFA0];
	_ =	sdelay $0x1  }
0x68: {  	v12 =	vmax.f32 v12, v21;
	v20 =	vadd.f32 v20, v23;
	v8 =	vadd.f32 v10, v8  }
0x69: {  	v10 =	vmul.f32 v12, v7;
	v12 =	vadd.f32 v13, v17;
	v13 =	vmul.f32 $2.000000030e-01, v11;
	v23 =	vld [tilespmem:s16+$0x50]  }
0x6a: {  	v21 =	vld [tilespmem:s18+$0xFFFFFF20]  }
0x6b: {  	v24 =	vmul.f32 $2.000000030e-01, v20;
	v11 =	vmax.f32 v11, v13;
	v13 =	vld [tilespmem:s16+$0xFFFFFF60];
	[tilespmem:$0x1FFA0] =	vst v29  }
0x6c: {  	v31 =	vld [tilespmem:s18+$0x20]  }
0x6d: {  	v20 =	vmax.f32 v20, v24;
	v8 =	vadd.f32 v10, v8  }
0x6e: {  	v20 =	vmul.f32 v20, v4  }
0x6f: {  	v22 =	vadd.f32 v22, v14;
	v10 =	vmul.f32 $2.000000030e-01, v12;
	v25 =	vperm.xlane v8, v0  }
0x70: {  	v20 =	vadd.f32 $0.0e+00, v20;
	v11 =	vmul.f32 v11, v4;
	v16 =	vadd.f32 v16, v26  }
0x71: {  	v10 =	vmax.f32 v12, v10;
	v12 =	vmul.f32 $2.000000030e-01, v22;
	v8 =	vadd.f32 v8, v25;
	v26 =	vld [tilespmem:s16+$0xFFFFFFE0];
	[tilespmem:$0x1FFD0] =	vst v31  }
0x72: {  	v10 =	vmul.f32 v10, v4;
	v24 =	vmul.f32 $2.000000030e-01, v16;
	v11 =	vadd.f32 $0.0e+00, v11;
	v25 =	vld [tilespmem:s16+$0x60]  }
0x73: {  	v12 =	vmax.f32 v22, v12;
	v23 =	vadd.f32 v23, v27;
	v27 =	vperm.xlane v8, v1;
	v32 =	vld [tilespmem:s18+$0x30]  }
0x74: {  	v10 =	vadd.f32 $0.0e+00, v10;
	v13 =	vadd.f32 v13, v21;
	v16 =	vmax.f32 v16, v24;
	v22 =	vld [tilespmem:s18+$0xFFFFFF30]  }
0x75: {  	v12 =	vmul.f32 v12, v5;
	v28 =	vmul.f32 $2.000000030e-01, v23;
	v8 =	vadd.f32 v8, v27;
	v24 =	vld [tilespmem:s16+$0xFFFFFF70]  }
0x76: {  	v16 =	vmul.f32 v16, v5;
	v27 =	vmul.f32 $2.000000030e-01, v13;
	v26 =	vadd.f32 v26, v29;
	v42 =	vld [tilespmem:s18+$0xFFFFFFB0]  }
0x77: {  	v10 =	vadd.f32 v12, v10;
	v23 =	vmax.f32 v23, v28;
	v28 =	vperm.xlane v8, v2;
	v29 =	vld [tilespmem:s16+$0xFFFFFFF0]  }
0x78: {  	v23 =	vmul.f32 v23, v5;
	v13 =	vmax.f32 v13, v27;
	v12 =	vmul.f32 $2.000000030e-01, v26;
	[tilespmem:$0x1FFF0] =	vst v32  }
0x79: {  	v11 =	vadd.f32 v16, v11;
	v13 =	vmul.f32 v13, v6;
	v8 =	vadd.f32 v8, v28;
	v30 =	vld [tilespmem:s16+$0x70]  }
0x7a: {  	v20 =	vadd.f32 v23, v20;
	v12 =	vmax.f32 v26, v12;
	v25 =	vadd.f32 v25, v31  }
0x7b: {  	v23 =	vperm.xlane v8, v3;
	v12 =	vmul.f32 v12, v6;
	v16 =	vadd.f32 v24, v22  }
0x7c: {  	v10 =	vadd.f32 v13, v10;
	v26 =	vadd.f32 v29, v42;
	v24 =	vmul.f32 $2.000000030e-01, v25  }
0x7d: {  	v8 =	vadd.f32 v8, v23;
	v11 =	vadd.f32 v12, v11;
	v27 =	vmul.f32 $2.000000030e-01, v16  }
0x7e: {  	v24 =	vmax.f32 v25, v24;
	v25 =	vmul.f32 $2.000000030e-01, v26;
	v28 =	vadd.f32 v30, v32  }
0x7f: {  	v8 =	vmul.f32 $1.442695020e+00, v8;
	v16 =	vmax.f32 v16, v27;
	v24 =	vmul.f32 v24, v6  }
0x80: {  	v12 =	vmul.f32 v16, v7;
	v13 =	vmax.f32 v26, v25;
	v25 =	vmul.f32 $2.000000030e-01, v28  }
0x81: {  	s19 =	simm.s32 $0x600;
	(erf) = vpow2.f32 v8;
	v13 =	vmul.f32 v13, v7  }
0x82: {  	v27 =	vld [tilespmem:s19+$0x80];
	v16 =	vadd.f32 v24, v20;
	v10 =	vadd.f32 v12, v10;
	v20 =	vmax.f32 v28, v25  }
0x83: {  	v11 =	vadd.f32 v13, v11;
	v12 =	vmul.f32 v20, v7  }
0x84: {  	v13 =	vperm.xlane v10, v0  }
0x85: {  	v12 =	vadd.f32 v12, v16;
	v16 =	vperm.xlane v11, v0  }
0x86: {  	v10 =	vadd.f32 v10, v13  }
0x87: {  	s18 =	simm.s32 $0x4E00;
	[tilespmem:$0x1FFE0] =	vst v27;
	v8 =	vperm.xlane v12, v0;
	v11 =	vadd.f32 v11, v16  }
0x88: {  	v13 =	vperm.xlane v10, v1;
	v16 =	vld [tilespmem:s18+$0xC0]  }
0x89: {  	v24 =	vld [tilespmem:s18+$0xD0];
	v12 =	vadd.f32 v12, v8;
	v20 =	vperm.xlane v11, v1  }
0x8a: {  	v25 =	vld [tilespmem:s18+$0xE0];
	v13 =	vadd.f32 v10, v13  }
0x8b: {  	v45 =	vpop (erf);
	v8 =	vld [tilespmem:s19+$0x90];
	v23 =	vperm.xlane v12, v1;
	v11 =	vadd.f32 v11, v20  }
0x8c: {  	v9 =	vmul.f32 v45, v9;
	v10 =	vld [tilespmem:s19+$0xA0];
	v20 =	vperm.xlane v13, v2  }
0x8d: {  	v16 =	vadd.f32 v16, v27;
	v27 =	vld [tilespmem:s18+$0xF0];
	v12 =	vadd.f32 v12, v23;
	v26 =	vperm.xlane v11, v2  }
0x8e: {  	v23 =	vld [tilespmem:s19+$0xB0];
	v20 =	vadd.f32 v13, v20;
	[tilespmem:$0x1FF80] =	vst v9  }
0x8f: {  	v9 =	vld [tilespmem:s18+$0xFFFFFF40];
	v13 =	vperm.xlane v12, v2;
	v11 =	vadd.f32 v11, v26  }
0x90: {  	v24 =	vadd.f32 v24, v8;
	v43 =	vld [tilespmem:s19+$0xFFFFFF00];
	v26 =	vmul.f32 $2.000000030e-01, v16;
	v29 =	vperm.xlane v20, v3  }
0x91: {  	v25 =	vadd.f32 v25, v10;
	v31 =	vld [tilespmem:s18+$0xFFFFFFC0];
	v28 =	vadd.f32 v12, v13;
	v30 =	vperm.xlane v11, v3  }
0x92: {  	v13 =	vld [tilespmem:s19+$0xFFFFFF80];
	v16 =	vmax.f32 v16, v26;
	v26 =	vmul.f32 $2.000000030e-01, v24;
	v29 =	vadd.f32 v20, v29  }
0x93: {  	v34 =	vld [tilespmem:s18+$0x40];
	v16 =	vmul.f32 v16, v4;
	v27 =	vadd.f32 v27, v23;
	v20 =	vperm.xlane v28, v3  }
0x94: {  	v12 =	vld [tilespmem:s19+$0x0];
	v24 =	vmax.f32 v24, v26;
	v26 =	vmul.f32 $2.000000030e-01, v25;
	v11 =	vadd.f32 v11, v30  }
0x95: {  	v44 =	vld [tilespmem:s19+$0xFFFFFF10];
	v9 =	vadd.f32 v9, v43;
	v16 =	vadd.f32 $0.0e+00, v16;
	v24 =	vmul.f32 v24, v5  }
0x96: {  	v30 =	vld [tilespmem:s18+$0xFFFFFF50];
	v25 =	vmax.f32 v25, v26;
	v26 =	vmul.f32 $2.000000030e-01, v27;
	v28 =	vadd.f32 v28, v20  }
0x97: {  	v47 =	vld [tilespmem:s18+$0x50];
	v31 =	vadd.f32 v31, v13;
	v16 =	vadd.f32 v24, v16  }
0x98: {  	v46 =	vld [tilespmem:s19+$0xFFFFFF20];
	v24 =	vmul.f32 v25, v6;
	v25 =	vmax.f32 v27, v26;
	v26 =	vmul.f32 $1.442695020e+00, v29  }
0x99: {  	v20 =	vld [tilespmem:s19+$0xFFFFFF90];
	v29 =	vmul.f32 $1.442695020e+00, v11;
	v27 =	vadd.f32 v34, v12;
	v28 =	vmul.f32 $1.442695020e+00, v28  }
0x9a: {  	v11 =	vld [tilespmem:s18+$0xFFFFFFD0];
	v24 =	vadd.f32 v24, v16;
	v25 =	vmul.f32 v25, v7;
	v60 =	vmul.f32 $2.000000030e-01, v31  }
0x9b: {  	v16 =	vld [tilespmem:s19+$0x10];
	v48 =	vmul.f32 $2.000000030e-01, v27;
	(erf) = vpow2.f32 v26;
	v26 =	vadd.f32 v30, v44  }
0x9c: {  	v50 =	vld [tilespmem:s18+$0xFFFFFFE0];
	v25 =	vadd.f32 v25, v24;
	v24 =	vmul.f32 $2.000000030e-01, v9;
	v30 =	vmax.f32 v31, v60  }
0x9d: {  	v31 =	vld [tilespmem:s18+$0xFFFFFF60];
	v30 =	vmul.f32 v30, v4;
	v49 =	vmul.f32 $2.000000030e-01, v26  }
0x9e: {  	v51 =	vld [tilespmem:s18+$0x60];
	v27 =	vmax.f32 v27, v48;
	v61 =	vperm.xlane v25, v0;
	v9 =	vmax.f32 v9, v24  }
0x9f: {  	v24 =	vld [tilespmem:s19+$0xFFFFFFA0];
	v11 =	vadd.f32 v11, v20;
	v27 =	vmul.f32 v27, v4;
	v62 =	vmul.f32 v9, v4  }
0xa0: {  	v53 =	vld [tilespmem:s18+$0xFFFFFF70];
	v26 =	vmax.f32 v26, v49;
	v36 =	vadd.f32 v47, v16;
	v25 =	vadd.f32 v25, v61  }
0xa1: {  	v9 =	vld [tilespmem:s19+$0x20];
	v30 =	vadd.f32 $0.0e+00, v30;
	v63 =	vmul.f32 $2.000000030e-01, v11;
	v26 =	vmul.f32 v26, v5  }
0xa2: {  	v47 =	vld [tilespmem:s19+$0xFFFFFF30];
	v38 =	vadd.f32 $0.0e+00, v27;
	v31 =	vadd.f32 v31, v46;
	v52 =	vperm.xlane v25, v1  }
0xa3: {  	v39 =	vld [tilespmem:s18+$0xFFFFFFF0];
	v48 =	vadd.f32 $0.0e+00, v62;
	v37 =	vmul.f32 $2.000000030e-01, v36;
	v11 =	vmax.f32 v11, v63  }
0xa4: {  	v27 =	vld [tilespmem:s19+$0xFFFFFFB0];
	v54 =	vmul.f32 $2.000000030e-01, v31;
	v50 =	vadd.f32 v50, v24;
	v25 =	vadd.f32 v25, v52  }
0xa5: {  	v34 =	vmax.f32 v36, v37;
	v26 =	vadd.f32 v26, v48;
	v55 =	vmul.f32 v11, v5  }
0xa6: {  	v60 =	vld [tilespmem:s18+$0x70];
	v51 =	vadd.f32 v51, v9;
	v34 =	vmul.f32 v34, v5;
	v40 =	vperm.xlane v25, v2  }
0xa7: {  	v11 =	vld [tilespmem:s19+$0x30];
	v61 =	vadd.f32 v53, v47;
	v56 =	vmul.f32 $2.000000030e-01, v50;
	v31 =	vmax.f32 v31, v54  }
0xa8: {  	v30 =	vadd.f32 v55, v30;
	v55 =	vmul.f32 v45, v15;
	v25 =	vadd.f32 v25, v40  }
0xa9: {  	v48 =	vadd.f32 v39, v27;
	v62 =	vmul.f32 $2.000000030e-01, v51;
	v31 =	vmul.f32 v31, v6  }
0xaa: {  	v33 =	vmul.f32 $2.000000030e-01, v61;
	v50 =	vmax.f32 v50, v56;
	v63 =	vperm.xlane v25, v3  }
0xab: {  	v35 =	vmul.f32 $2.000000030e-01, v48;
	v51 =	vmax.f32 v51, v62;
	v50 =	vmul.f32 v50, v6  }
0xac: {  	v54 =	vadd.f32 v60, v11;
	v49 =	vmax.f32 v61, v33;
	v25 =	vadd.f32 v25, v63  }
0xad: {  	v26 =	vadd.f32 v31, v26;
	v51 =	vmul.f32 v51, v6;
	v49 =	vmul.f32 v49, v7  }
0xae: {  	v34 =	vadd.f32 v34, v38;
	v36 =	vmul.f32 $2.000000030e-01, v54;
	v25 =	vmul.f32 $1.442695020e+00, v25  }
0xaf: {  	s24 =	simm.s32 $0x800;
	v31 =	vmax.f32 v48, v35;
	v30 =	vadd.f32 v50, v30;
	v26 =	vadd.f32 v49, v26  }
0xb0: {  	s9 =	simm.s32 $0x5000;
	v15 =	vld [tilespmem:s24+$0xA0];
	v37 =	vmax.f32 v54, v36;
	(erf) = vpow2.f32 v25;
	v25 =	vmul.f32 v31, v7  }
0xb1: {  	v39 =	vld [tilespmem:s9+$0xE0];
	v31 =	vadd.f32 v51, v34;
	v34 =	vmul.f32 v37, v7;
	(erf) = vpow2.f32 v29  }
0xb2: {  	v38 =	vld [tilespmem:s9+$0xC0];
	v29 =	vpop (erf);
	v25 =	vadd.f32 v25, v30;
	(erf) = vpow2.f32 v28  }
0xb3: {  	v50 =	vmul.f32 v29, v17;
	v17 =	vld [tilespmem:s24+$0x80];
	v28 =	vperm.xlane v26, v0;
	v30 =	vadd.f32 v34, v31  }
0xb4: {  	v48 =	vmul.f32 v45, v19;
	v51 =	vmul.f32 v29, v14;
	v14 =	vld [tilespmem:s24+$0x90]  }
0xb5: {  	v52 =	vmul.f32 v29, v21;
	v26 =	vadd.f32 v26, v28;
	v21 =	vperm.xlane v30, v0;
	v28 =	vld [tilespmem:s9+$0xD0]  }
0xb6: {  	v49 =	vmul.f32 v45, v18;
	v54 =	vmul.f32 v29, v22  }
0xb7: {  	v56 =	vadd.f32 v39, v15;
	v31 =	vperm.xlane v25, v0;
	v22 =	vperm.xlane v26, v1  }
0xb8: {  	v53 =	vnsel vm0, $0x0, v29;
	v29 =	vadd.f32 v30, v21;
	v30 =	vld [tilespmem:s24+$0xB0];
	v18 =	vadd.f32 v38, v17  }
0xb9: {  	v37 =	vmul.f32 $2.000000030e-01, v56;
	v25 =	vadd.f32 v25, v31;
	v22 =	vadd.f32 v26, v22;
	v26 =	vld [tilespmem:s9+$0xF0];
	v21 =	vpop (erf)  }
0xba: {  	v28 =	vadd.f32 v28, v14;
	v57 =	vmul.f32 v21, v23;
	v23 =	vmul.f32 $2.000000030e-01, v18  }
0xbb: {  	v31 =	vperm.xlane v25, v1;
	v19 =	vperm.xlane v29, v1  }
0xbc: {  	v40 =	vperm.xlane v22, v2;
	v60 =	vmul.f32 $2.000000030e-01, v28;
	v23 =	vmax.f32 v18, v23  }
0xbd: {  	v59 =	vld [tilespmem:s9+$0xFFFFFFC0];
	v25 =	vadd.f32 v25, v31;
	v29 =	vadd.f32 v29, v19;
	v61 =	vmul.f32 v23, v4  }
0xbe: {  	v19 =	vld [tilespmem:s24+$0xFFFFFF80];
	v22 =	vadd.f32 v22, v40;
	v28 =	vmax.f32 v28, v60;
	v63 =	vadd.f32 v26, v30  }
0xbf: {  	v32 =	vld [tilespmem:s9+$0xFFFFFF40];
	v58 =	vperm.xlane v25, v2;
	v28 =	vmul.f32 v28, v5;
	v26 =	vadd.f32 $0.0e+00, v61  }
0xc0: {  	v62 =	vld [tilespmem:s9+$0x40];
	v56 =	vmax.f32 v56, v37;
	v38 =	vperm.xlane v22, v3;
	v39 =	vmul.f32 $2.000000030e-01, v63  }
0xc1: {  	v56 =	vmul.f32 v56, v6;
	v36 =	vperm.xlane v29, v2;
	v18 =	vld [tilespmem:s24+$0x0];
	v28 =	vadd.f32 v28, v26  }
0xc2: {  	v23 =	vld [tilespmem:s24+$0xFFFFFF00];
	v58 =	vadd.f32 v25, v58;
	v61 =	vadd.f32 v22, v38;
	v22 =	vmax.f32 v63, v39  }
0xc3: {  	v59 =	vadd.f32 v59, v19;
	v40 =	vmul.f32 v22, v7;
	v28 =	vadd.f32 v56, v28  }
0xc4: {  	v35 =	vld [tilespmem:s9+$0xFFFFFF50];
	v29 =	vadd.f32 v29, v36;
	v31 =	vperm.xlane v58, v3  }
0xc5: {  	v25 =	vld [tilespmem:s24+$0xFFFFFF10];
	v33 =	vmul.f32 $2.000000030e-01, v59;
	v56 =	vadd.f32 v40, v28  }
0xc6: {  	v60 =	vld [tilespmem:s9+$0xFFFFFFD0];
	v36 =	vperm.xlane v29, v3;
	v62 =	vadd.f32 v62, v18;
	v58 =	vadd.f32 v58, v31  }
0xc7: {  	v26 =	vld [tilespmem:s24+$0xFFFFFF90];
	v31 =	vadd.f32 v32, v23;
	v33 =	vmax.f32 v59, v33;
	v59 =	vperm.xlane v56, v0  }
0xc8: {  	v34 =	vld [tilespmem:s9+$0x50];
	v63 =	vadd.f32 v29, v36;
	v29 =	vmul.f32 $1.442695020e+00, v61  }
0xc9: {  	v22 =	vld [tilespmem:s24+$0x10];
	v61 =	vmul.f32 $2.000000030e-01, v62;
	v32 =	vmul.f32 $2.000000030e-01, v31;
	v56 =	vadd.f32 v56, v59  }
0xca: {  	v35 =	vadd.f32 v35, v25;
	(erf) = vpow2.f32 v29;
	v38 =	vmul.f32 v33, v4;
	v28 =	vld [tilespmem:s24+$0xFFFFFF20]  }
0xcb: {  	v40 =	vld [tilespmem:s9+$0xFFFFFF60];
	v37 =	vmax.f32 v62, v61;
	v29 =	vmax.f32 v31, v32;
	v62 =	vperm.xlane v56, v1  }
0xcc: {  	v32 =	vadd.f32 v60, v26;
	v60 =	vmul.f32 v29, v4;
	v29 =	vld [tilespmem:s24+$0x20];
	v59 =	vmul.f32 $2.000000030e-01, v35  }
0xcd: {  	v56 =	vadd.f32 v56, v62;
	v62 =	vadd.f32 $0.0e+00, v38;
	v38 =	vld [tilespmem:$0x1FF80];
	[tilespmem:s16+$0xFFFFFF40] =	vst v53  }
0xce: {  	v36 =	vmax.f32 v35, v59;
	v59 =	vld [tilespmem:s9+$0x60];
	[tilespmem:s16+$0xFFFFFF00] =	vst v50  }
0xcf: {  	v61 =	vmul.f32 $2.000000030e-01, v32;
	[tilespmem:s16+$0xFFFFFF10] =	vst v51  }
0xd0: {  	v33 =	vadd.f32 v34, v22;
	[tilespmem:s16+$0xFFFFFF20] =	vst v52  }
0xd1: {  	v60 =	vadd.f32 $0.0e+00, v60;
	v40 =	vadd.f32 v40, v28;
	v36 =	vmul.f32 v36, v5;
	[tilespmem:s16+$0xFFFFFF30] =	vst v54  }
0xd2: {  	v37 =	vmul.f32 v37, v4;
	v32 =	vmax.f32 v32, v61;
	v35 =	vmul.f32 $2.000000030e-01, v33;
	[tilespmem:s16+$0x80] =	vst v55  }
0xd3: {  	v61 =	vpop (erf);
	[tilespmem:s18+$0xB0] =	vst v57;
	v53 =	vadd.f32 v36, v60;
	v60 =	vmul.f32 $2.000000030e-01, v40;
	v59 =	vadd.f32 v59, v29  }
0xd4: {  	v39 =	vld [tilespmem:s9+$0xFFFFFFE0];
	v37 =	vadd.f32 $0.0e+00, v37;
	v33 =	vmax.f32 v33, v35;
	v41 =	vmul.f32 v61, v41;
	[tilespmem:s16+$0xB0] =	vst v38  }
0xd5: {  	v33 =	vmul.f32 v33, v5;
	v40 =	vmax.f32 v40, v60;
	v60 =	vmul.f32 $2.000000030e-01, v59;
	v55 =	vld [tilespmem:$0x1FF90]  }
0xd6: {  	v31 =	vld [tilespmem:s24+$0xFFFFFFA0];
	[tilespmem:s16+$0xFFFFFF80] =	vst v41  }
0xd7: {  	v36 =	vperm.xlane v56, v2;
	v33 =	vadd.f32 v33, v37;
	v37 =	vmax.f32 v59, v60;
	v60 =	vld [tilespmem:$0x1FFA0];
	_ =	sdelay $0x1  }
0xd8: {  	v34 =	vld [tilespmem:s24+$0xFFFFFF30];
	v32 =	vmul.f32 v32, v5;
	v51 =	vadd.f32 v56, v36  }
0xd9: {  	v35 =	vld [tilespmem:s9+$0xFFFFFF70];
	v55 =	vmul.f32 v61, v55  }
0xda: {  	v52 =	vld [tilespmem:s9+$0xFFFFFFF0];
	v32 =	vadd.f32 v32, v62;
	v62 =	vperm.xlane v51, v3  }
0xdb: {  	v39 =	vadd.f32 v39, v31;
	v38 =	vld [tilespmem:s24+$0xFFFFFFB0];
	v50 =	vmul.f32 v61, v60;
	[tilespmem:s16+$0xFFFFFF90] =	vst v55  }
0xdc: {  	v42 =	vmul.f32 v61, v42;
	v51 =	vadd.f32 v51, v62;
	v62 =	vld [tilespmem:$0x1FFB0]  }
0xdd: {  	v56 =	vmul.f32 $2.000000030e-01, v39;
	v57 =	vld [tilespmem:$0x1FFC0];
	[tilespmem:s16+$0xFFFFFFA0] =	vst v50  }
0xde: {  	v35 =	vadd.f32 v35, v34;
	[tilespmem:s16+$0xFFFFFFB0] =	vst v42  }
0xdf: {  	v45 =	vnsel vm0, $0x0, v45;
	v40 =	vmul.f32 v40, v6;
	v39 =	vmax.f32 v39, v56;
	[tilespmem:s16+$0x90] =	vst v49  }
0xe0: {  	v54 =	vld [tilespmem:s9+$0x70];
	v59 =	vmul.f32 $2.000000030e-01, v35;
	v52 =	vadd.f32 v52, v38;
	v55 =	vnsel vm0, $0x0, v61;
	[tilespmem:s16+$0xA0] =	vst v48  }
0xe1: {  	v36 =	vld [tilespmem:s24+$0x30];
	v41 =	vpop (erf);
	v40 =	vadd.f32 v40, v53;
	v39 =	vmul.f32 v39, v6;
	v37 =	vmul.f32 v37, v6;
	[tilespmem:s16+$0xFFFFFFC0] =	vst v55  }
0xe2: {  	v53 =	vmul.f32 $2.000000030e-01, v52;
	v42 =	vnsel vm0, $0x0, v41;
	[tilespmem:s16+$0xC0] =	vst v45;
	v56 =	vmul.f32 v41, v62  }
0xe3: {  	v61 =	vmul.f32 $1.442695020e+00, v51;
	[tilespmem:s16+$0x40] =	vst v42;
	v57 =	vmul.f32 v41, v57  }
0xe4: {  	v60 =	vmul.f32 $1.442695020e+00, v63;
	v50 =	vmul.f32 $1.442695020e+00, v58;
	v63 =	vmax.f32 v52, v53;
	v62 =	vpop (erf);
	[tilespmem:s16+$0x0] =	vst v56  }
0xe5: {  	(erf) = vpow2.f32 v61;
	v53 =	vnsel vm0, $0x0, v62;
	v58 =	vmul.f32 v62, v44;
	[tilespmem:s16+$0x10] =	vst v57  }
0xe6: {  	v54 =	vadd.f32 v54, v36;
	(erf) = vpow2.f32 v50;
	v57 =	vmul.f32 v62, v43;
	[tilespmem:s18+$0xFFFFFF40] =	vst v53  }
0xe7: {  	(erf) = vpow2.f32 v60;
	v60 =	vmul.f32 v62, v46;
	[tilespmem:s18+$0xFFFFFF10] =	vst v58  }
0xe8: {  	v35 =	vmax.f32 v35, v59;
	v52 =	vmul.f32 $2.000000030e-01, v54;
	[tilespmem:s18+$0xFFFFFF00] =	vst v57  }
0xe9: {  	v32 =	vadd.f32 v39, v32;
	v33 =	vadd.f32 v37, v33;
	v35 =	vmul.f32 v35, v7;
	v61 =	vld [tilespmem:$0x1FFD0];
	[tilespmem:s18+$0xFFFFFF20] =	vst v60  }
0xea: {  	v55 =	vmul.f32 v63, v7;
	v37 =	vmax.f32 v54, v52;
	v44 =	vmul.f32 v62, v47;
	v62 =	vld [tilespmem:$0x1FFE0]  }
0xeb: {  	v35 =	vadd.f32 v35, v40;
	v37 =	vmul.f32 v37, v7;
	v63 =	vld [tilespmem:$0x1FFF0]  }
0xec: {  	v32 =	vadd.f32 v55, v32  }
0xed: {  	v59 =	vperm.xlane v35, v0;
	v42 =	vadd.f32 v37, v33  }
0xee: {  	v48 =	vperm.xlane v32, v0;
	v37 =	vnsel vm0, $0x0, v21  }
0xef: {  	v43 =	vadd.f32 v35, v59;
	v46 =	vperm.xlane v42, v0;
	v45 =	vmul.f32 v41, v61  }
0xf0: {  	s11 =	simm.s32 $0x8;
	s19 =	simm.s32 $0x5000;
	s24 =	simm.s32 $0xA00;
	v40 =	vadd.f32 v32, v48;
	v39 =	vmul.f32 v21, v62;
	v33 =	vmul.f32 v41, v63  }
.LBB2_3:
0xf1: {  	v35 =	vld [tilespmem:s24+$0x80];
	v41 =	vperm.xlane v43, v1;
	v42 =	vadd.f32 v42, v46;
	s9 =	sadd.s32 $0x200, s9;
	[tilespmem:s18+$0xFFFFFF30] =	vst v44;
	v44 =	vmul.f32 v21, v8  }
0xf2: {  	s11 =	sadd.s32 $0x4, s11;
	v47 =	vmul.f32 v21, v10;
	v32 =	vmov v17;
	v8 =	vld [tilespmem:s9+$0xC0];
	v46 =	vperm.xlane v40, v1;
	v21 =	vpop (erf);
	[tilespmem:s16+$0x20] =	vst v45  }
0xf3: {  	p0 =	slt.u32 s11, $0x2C;
	v10 =	vld [tilespmem:s24+$0x90];
	v41 =	vadd.f32 v43, v41;
	v50 =	vperm.xlane v42, v1;
	v30 =	vmul.f32 v21, v30;
	v43 =	vpop (erf);
	[tilespmem:s16+$0x30] =	vst v33;
	s16 =	smov.u32 s18;
	s18 =	smov.u32 s19  }
0xf4: {  	s19 =	smov.u32 s9;
	v45 =	vld [tilespmem:s9+$0xD0];
	v40 =	vadd.f32 v40, v46;
	v13 =	vmul.f32 v43, v13;
	v20 =	vmul.f32 v43, v20;
	[tilespmem:s16+$0x80] =	vst v39;
	v33 =	vpop (erf)  }
0xf5: {  	v24 =	vmul.f32 v43, v24;
	v39 =	vld [tilespmem:s24+$0xA0];
	v46 =	vperm.xlane v41, v2;
	v42 =	vadd.f32 v42, v50;
	[tilespmem:s18+$0xB0] =	vst v30  }
0xf6: {  	v48 =	vld [tilespmem:s9+$0xE0];
	v49 =	vperm.xlane v40, v2;
	[tilespmem:s16+$0xFFFFFF80] =	vst v13;
	v13 =	vmul.f32 v43, v27;
	v27 =	vnsel vm0, $0x0, v43;
	v17 =	vmovc v35  }
0xf7: {  	v30 =	vld [tilespmem:s24+$0xB0];
	v35 =	vadd.f32 v8, v17;
	v41 =	vadd.f32 v41, v46;
	v46 =	vperm.xlane v42, v2;
	[tilespmem:s16+$0xFFFFFF90] =	vst v20  }
0xf8: {  	v12 =	vmul.f32 v33, v12;
	v16 =	vmul.f32 v33, v16;
	v20 =	vld [tilespmem:s9+$0xF0];
	v40 =	vadd.f32 v40, v49;
	[tilespmem:s16+$0xFFFFFFA0] =	vst v24  }
0xf9: {  	v8 =	vmovc v14;
	v24 =	vld [tilespmem:s9+$0xFFFFFF40];
	v43 =	vmul.f32 $2.000000030e-01, v35;
	v45 =	vadd.f32 v45, v10;
	v42 =	vadd.f32 v42, v46;
	[tilespmem:s16+$0xFFFFFFB0] =	vst v13  }
0xfa: {  	v14 =	vmovc v10;
	v13 =	vperm.xlane v41, v3;
	v46 =	vld [tilespmem:s24+$0xFFFFFF80];
	v49 =	vperm.xlane v40, v3;
	[tilespmem:s16+$0x0] =	vst v12;
	v12 =	vnsel vm0, $0x0, v33  }
0xfb: {  	v10 =	vmovc v15;
	v50 =	vld [tilespmem:s9+$0xFFFFFFC0];
	v35 =	vmax.f32 v35, v43;
	v43 =	vmul.f32 $2.000000030e-01, v45;
	v48 =	vadd.f32 v48, v39;
	[tilespmem:s16+$0x10] =	vst v16  }
0xfc: {  	v41 =	vadd.f32 v41, v13;
	v52 =	vperm.xlane v42, v3;
	v16 =	vld [tilespmem:s24+$0x0];
	v51 =	vmul.f32 v35, v4;
	[tilespmem:s16+$0x90] =	vst v44  }
0xfd: {  	v15 =	vmovc v39;
	v44 =	vld [tilespmem:s9+$0x40];
	v53 =	vmax.f32 v45, v43;
	v43 =	vmul.f32 $2.000000030e-01, v48;
	v20 =	vadd.f32 v20, v30;
	[tilespmem:s16+$0xA0] =	vst v47  }
0xfe: {  	v40 =	vadd.f32 v40, v49;
	v13 =	vmovc v19;
	v35 =	vld [tilespmem:s24+$0xFFFFFF00];
	v45 =	vadd.f32 $0.0e+00, v51;
	v47 =	vmul.f32 v53, v5;
	[tilespmem:s16+$0xFFFFFFC0] =	vst v27  }
0xff: {  	v42 =	vadd.f32 v42, v52;
	v39 =	vld [tilespmem:s24+$0xFFFFFF10];
	v27 =	vmax.f32 v48, v43;
	v43 =	vmul.f32 $2.000000030e-01, v20;
	[tilespmem:s16+$0x40] =	vst v12;
	v19 =	vmovc v46  }
0x100: {  	v46 =	vld [tilespmem:s9+$0xFFFFFF50];
	v48 =	vadd.f32 v50, v19;
	v45 =	vadd.f32 v47, v45;
	v27 =	vmul.f32 v27, v6;
	[tilespmem:s16+$0xC0] =	vst v37  }
0x101: {  	v41 =	vmul.f32 $1.442695020e+00, v41;
	v12 =	vmovc v18;
	v37 =	vld [tilespmem:s24+$0xFFFFFF90];
	v49 =	vmax.f32 v20, v43;
	v43 =	vmul.f32 $1.442695020e+00, v40;
	v18 =	vmovc v16  }
0x102: {  	v20 =	vmovc v26;
	v47 =	vld [tilespmem:s9+$0xFFFFFFD0];
	v44 =	vadd.f32 v44, v18;
	v52 =	vadd.f32 v27, v45;
	v51 =	vmul.f32 v49, v7  }
0x103: {  	v42 =	vmul.f32 $1.442695020e+00, v42;
	v16 =	vmovc v22;
	v53 =	vmul.f32 $2.000000030e-01, v48;
	v45 =	vadd.f32 v24, v35;
	v22 =	vld [tilespmem:s24+$0x10];
	v24 =	vmovc v31  }
0x104: {  	v40 =	vmovc v9;
	v9 =	vmovc v29;
	v49 =	vld [tilespmem:s9+$0x50];
	v31 =	vmul.f32 $2.000000030e-01, v44;
	v50 =	vadd.f32 v51, v52;
	(erf) = vpow2.f32 v41  }
0x105: {  	v52 =	vmax.f32 v48, v53;
	v48 =	vmovc v34;
	v27 =	vmovc v38;
	v41 =	vld [tilespmem:s24+$0xFFFFFF20];
	v29 =	vmul.f32 $2.000000030e-01, v45;
	v46 =	vadd.f32 v46, v39  }
0x106: {  	v34 =	vmul.f32 v52, v4;
	v38 =	vld [tilespmem:s9+$0xFFFFFF60];
	v44 =	vmax.f32 v44, v31;
	v51 =	vperm.xlane v50, v0;
	v26 =	vmovc v37  }
0x107: {  	v29 =	vmax.f32 v45, v29;
	v37 =	vmul.f32 $2.000000030e-01, v46;
	v31 =	vld [tilespmem:s24+$0xFFFFFFA0];
	v45 =	vadd.f32 v47, v26;
	v47 =	vmovc v11;
	v11 =	vmovc v36  }
0x108: {  	v44 =	vmul.f32 v44, v4;
	v36 =	vmul.f32 v29, v4;
	v52 =	vld [tilespmem:s9+$0xFFFFFFE0];
	v50 =	vadd.f32 v50, v51  }
0x109: {  	v37 =	vmax.f32 v46, v37;
	v46 =	vmul.f32 $2.000000030e-01, v45;
	v29 =	vld [tilespmem:s24+$0x20];
	v49 =	vadd.f32 v49, v22  }
0x10a: {  	v51 =	vadd.f32 $0.0e+00, v34;
	v36 =	vadd.f32 $0.0e+00, v36;
	v53 =	vld [tilespmem:s9+$0x60];
	v54 =	vperm.xlane v50, v1  }
0x10b: {  	v34 =	vld [tilespmem:s24+$0xFFFFFF30];
	v55 =	vadd.f32 v38, v41;
	v45 =	vmax.f32 v45, v46;
	v46 =	vmul.f32 $2.000000030e-01, v49  }
0x10c: {  	v44 =	vadd.f32 $0.0e+00, v44;
	v37 =	vmul.f32 v37, v5;
	v56 =	vld [tilespmem:s9+$0xFFFFFF70];
	v50 =	vadd.f32 v50, v54  }
0x10d: {  	v54 =	vmul.f32 $2.000000030e-01, v55;
	v38 =	vld [tilespmem:s24+$0xFFFFFFB0];
	v52 =	vadd.f32 v52, v31;
	v46 =	vmax.f32 v49, v46;
	v49 =	vpop (erf)  }
0x10e: {  	v37 =	vadd.f32 v37, v36;
	v45 =	vmul.f32 v45, v5;
	v57 =	vld [tilespmem:s9+$0xFFFFFFF0];
	v58 =	vperm.xlane v50, v2  }
0x10f: {  	v46 =	vmul.f32 v46, v5;
	v59 =	vmul.f32 $2.000000030e-01, v52;
	v36 =	vld [tilespmem:s24+$0x30];
	v53 =	vadd.f32 v53, v29  }
0x110: {  	v45 =	vadd.f32 v45, v51;
	v54 =	vmax.f32 v55, v54;
	v51 =	vld [tilespmem:s9+$0x70];
	v50 =	vadd.f32 v50, v58  }
0x111: {  	v55 =	vadd.f32 v56, v34;
	v52 =	vmax.f32 v52, v59;
	v56 =	vmul.f32 $2.000000030e-01, v53  }
0x112: {  	v54 =	vmul.f32 v54, v6;
	v44 =	vadd.f32 v46, v44;
	v46 =	vperm.xlane v50, v3  }
0x113: {  	v58 =	vmul.f32 $2.000000030e-01, v55;
	v57 =	vadd.f32 v57, v38;
	v53 =	vmax.f32 v53, v56  }
0x114: {  	v52 =	vmul.f32 v52, v6;
	v53 =	vmul.f32 v53, v6;
	v46 =	vadd.f32 v50, v46  }
0x115: {  	v50 =	vmax.f32 v55, v58;
	v55 =	vmul.f32 $2.000000030e-01, v57;
	v51 =	vadd.f32 v51, v36  }
0x116: {  	v37 =	vadd.f32 v54, v37;
	v45 =	vadd.f32 v52, v45;
	v46 =	vmul.f32 $1.442695020e+00, v46  }
0x117: {  	v44 =	vadd.f32 v53, v44;
	v52 =	vmax.f32 v57, v55;
	v53 =	vmul.f32 $2.000000030e-01, v51  }
0x118: {  	v50 =	vmul.f32 v50, v7;
	(erf) = vpow2.f32 v46;
	v46 =	vnsel vm0, $0x0, v49  }
0x119: {  	v52 =	vmul.f32 v52, v7;
	v51 =	vmax.f32 v51, v53;
	[tilespmem:s18+$0xFFFFFF40] =	vst v46;
	(erf) = vpow2.f32 v43  }
0x11a: {  	v43 =	vadd.f32 v50, v37;
	v37 =	vmul.f32 v51, v7;
	(erf) = vpow2.f32 v42  }
.Ltmp0:
0x11b: {  	v50 =	vadd.f32 v52, v45;
	v45 =	vmul.f32 v49, v23;
	v51 =	vmul.f32 v49, v25;
	v23 =	vmovc v35;
	(pc) =	sbr.rel @p0 .LBB2_3-.Ltmp0, $4  }
0x11c: {  	v52 =	vmul.f32 v49, v28;
	v25 =	vmovc v39;
	v35 =	vperm.xlane v43, v0;
	v42 =	vadd.f32 v37, v44  }
0x11d: {  	v28 =	vmovc v41;
	v39 =	vperm.xlane v50, v0;
	v44 =	vmul.f32 v49, v48;
	v37 =	vnsel vm0, $0x0, v21;
	[tilespmem:s18+$0xFFFFFF00] =	vst v45  }
0x11e: {  	v43 =	vadd.f32 v43, v35;
	v45 =	vmul.f32 v33, v40;
	v46 =	vperm.xlane v42, v0;
	[tilespmem:s18+$0xFFFFFF10] =	vst v51  }
0x11f: {  	s24 =	sadd.s32 $0x200, s24;
	v33 =	vmul.f32 v33, v47;
	v40 =	vadd.f32 v50, v39;
	v39 =	vmul.f32 v21, v32;
	[tilespmem:s18+$0xFFFFFF20] =	vst v52  }
0x120: {  	v32 =	vperm.xlane v43, v1;
	_ =	sdelay $0x1  }
0x121: {  	v32 =	vadd.f32 v43, v32;
	_ =	sdelay $0x1  }
0x122: {  	v35 =	vperm.xlane v32, v2;
	_ =	sdelay $0x1  }
0x123: {  	v32 =	vadd.f32 v32, v35  }
0x124: {  	v41 =	vadd.f32 v42, v46;
	v50 =	vperm.xlane v40, v1  }
0x125: {  	v51 =	vperm.xlane v32, v3  }
0x126: {  	[tilespmem:s18+$0xFFFFFF30] =	vst v44;
	v52 =	vpop (erf);
	v53 =	vperm.xlane v41, v1;
	v35 =	vadd.f32 v40, v50  }
0x127: {  	[tilespmem:s16+$0x20] =	vst v45;
	v30 =	vmul.f32 v52, v30;
	v54 =	vpop (erf);
	v32 =	vadd.f32 v32, v51  }
0x128: {  	[tilespmem:s18+$0xC0] =	vst v37;
	v13 =	vmul.f32 v54, v13;
	v56 =	vadd.f32 v41, v53;
	v55 =	vperm.xlane v35, v2  }
0x129: {  	v20 =	vmul.f32 v54, v20;
	[tilespmem:s19+$0xB0] =	vst v30;
	v32 =	vmul.f32 $1.442695020e+00, v32  }
0x12a: {  	v24 =	vmul.f32 v54, v24;
	[tilespmem:s18+$0xFFFFFF80] =	vst v13;
	v57 =	vperm.xlane v56, v2;
	v30 =	vadd.f32 v35, v55  }
0x12b: {  	v13 =	vmul.f32 v54, v27;
	v27 =	vpop (erf);
	[tilespmem:s18+$0xFFFFFF90] =	vst v20;
	(erf) = vpow2.f32 v32  }
0x12c: {  	[tilespmem:s18+$0xFFFFFFA0] =	vst v24;
	v12 =	vmul.f32 v27, v12;
	v24 =	vadd.f32 v56, v57;
	v20 =	vperm.xlane v30, v3  }
0x12d: {  	[tilespmem:s18+$0xFFFFFFB0] =	vst v13  }
0x12e: {  	v10 =	vmul.f32 v21, v10;
	[tilespmem:s18+$0x0] =	vst v12;
	v12 =	vperm.xlane v24, v3;
	v13 =	vadd.f32 v30, v20  }
0x12f: {  	[tilespmem:s16+$0x30] =	vst v33  }
0x130: {  	v8 =	vmul.f32 v21, v8;
	[tilespmem:s18+$0xA0] =	vst v10;
	v10 =	vadd.f32 v24, v12;
	v13 =	vmul.f32 $1.442695020e+00, v13  }
0x131: {  	[tilespmem:s18+$0x80] =	vst v39  }
0x132: {  	[tilespmem:s18+$0x90] =	vst v8;
	v8 =	vnsel vm0, $0x0, v54;
	v16 =	vmul.f32 v27, v16;
	(erf) = vpow2.f32 v13  }
0x133: {  	[tilespmem:s18+$0xFFFFFFC0] =	vst v8;
	v8 =	vmul.f32 $1.442695020e+00, v10  }
0x134: {  	[tilespmem:s18+$0x10] =	vst v16;
	v12 =	vnsel vm0, $0x0, v27;
	v10 =	vpop (erf)  }
0x135: {  	[tilespmem:s18+$0x40] =	vst v12;
	(erf) = vpow2.f32 v8;
	v12 =	vnsel vm0, $0x0, v10;
	v8 =	vmul.f32 v10, v25  }
0x136: {  	v13 =	vmul.f32 v10, v23;
	[tilespmem:s19+$0xFFFFFF40] =	vst v12  }
0x137: {  	v12 =	vmul.f32 v10, v28;
	[tilespmem:s19+$0xFFFFFF10] =	vst v8;
	v8 =	vmul.f32 v27, v9  }
0x138: {  	v10 =	vmul.f32 v10, v34;
	[tilespmem:s19+$0xFFFFFF00] =	vst v13  }
0x139: {  	[tilespmem:s19+$0xFFFFFF20] =	vst v12  }
0x13a: {  	v9 =	vmul.f32 v27, v11;
	[tilespmem:s19+$0xFFFFFF30] =	vst v10  }
0x13b: {  	v10 =	vmul.f32 v52, v17;
	[tilespmem:s18+$0x20] =	vst v8;
	v8 =	vpop (erf)  }
0x13c: {  	[tilespmem:s18+$0x30] =	vst v9;
	v9 =	vmul.f32 v8, v19;
	v11 =	vmul.f32 v8, v26  }
0x13d: {  	[tilespmem:s19+$0x80] =	vst v10;
	v10 =	vmul.f32 v8, v31;
	v12 =	vmul.f32 v8, v38;
	v8 =	vnsel vm0, $0x0, v8  }
0x13e: {  	[tilespmem:s19+$0xFFFFFFC0] =	vst v8  }
0x13f: {  	[tilespmem:s19+$0xFFFFFF80] =	vst v9  }
0x140: {  	[tilespmem:s19+$0xFFFFFF90] =	vst v11  }
0x141: {  	[tilespmem:s19+$0xFFFFFFA0] =	vst v10  }
0x142: {  	v8 =	vnsel vm0, $0x0, v52;
	[tilespmem:s19+$0xFFFFFFB0] =	vst v12;
	v12 =	vmul.f32 v52, v14;
	v9 =	vpop (erf)  }
0x143: {  	[tilespmem:s19+$0xC0] =	vst v8;
	v10 =	vmul.f32 v9, v18  }
0x144: {  	[tilespmem:s19+$0x90] =	vst v12;
	v11 =	vmul.f32 v9, v22  }
0x145: {  	[tilespmem:s19+$0x0] =	vst v10;
	v10 =	vmul.f32 v52, v15  }
0x146: {  	[tilespmem:s19+$0x10] =	vst v11  }
0x147: {  	v8 =	vmul.f32 v9, v36;
	[tilespmem:s19+$0xA0] =	vst v10;
	v10 =	vnsel vm0, $0x0, v9  }
0x148: {  	[tilespmem:s19+$0x40] =	vst v10;
	v10 =	vmul.f32 v9, v29  }
0x149: {  	[tilespmem:s19+$0x30] =	vst v8  }
0x14a: {  	[tilespmem:s19+$0x20] =	vst v10  }
0x14b: {  	[spmem:s2] =	stream.indirect.scatter.add.f32 [tilespmem:s25], [sflag:$0x7], $0x80, s22, s23, $0xb8;
	[tilespmem:$0x1D380] =	vst v63  }
0x14c: {  	_ =	swait.ge [sflag:s20], $0x1800  }
0x14d: {  	[sflag:s20] =	ssyncset.done $0x0  }
0x14e: {  	[sflag:s20] =	ssyncadd.s32 $0xFFFFE800  }
0x14f: {  	_ =	swait.ge [sflag:s7], $0x1800  }
0x150: {  	[sflag:s7] =	ssyncset.done $0x0  }
0x151: {  	p0 =	seq.s32 s12, $0x47;
	[sflag:s7] =	ssyncadd.s32 $0xFFFFE800  }
0x152: {  	s9 =	sadd.s32 @!p0 s13, s14;
	_ =	swait.ge [sflag:s26], $0x1800  }
0x153: {  	s9 =	sshrl.u32 @!p0 s9, $0x3;
	[sflag:s26] =	ssyncset.done $0x0  }
0x154: {  	s16 =	simm.s32 @!p0 $0x0;
	s11 =	sadd.s32 @!p0 s1, s9;
	[sflag:s26] =	ssyncadd.s32 $0xFFFFE800  }
0x155: {  	[tilespmem:s16], [sflag:$0x7] =	stream.linear.gather @!p0 [hbm4b:s11+s16], $0x30, $0x38;
	[tilespmem:$0x1D380] =	vst v63  }
0x156: {  	s11 =	simm.s32 @!p0 $0x7  }
0x157: {  	_ =	swait.ge @!p0 [sflag:s11], $0x30  }
0x158: {  	[sflag:s11] =	ssyncset.done @!p0 $0x0  }
0x159: {  	s9 =	sadd.s32 @!p0 s6, s9;
	s18 =	simm.s32 @!p0 $0x180;
	[sflag:s11] =	ssyncadd.s32 @!p0 $0xFFFFFFD0  }
0x15a: {  	[tilespmem:s18], [sflag:$0x7] =	stream.linear.gather @!p0 [hbm4b:s9+s16], $0x30, $0x38;
	[tilespmem:$0x1D380] =	vst v63  }
0x15b: {  	_ =	swait.ge @!p0 [sflag:s11], $0x30  }
0x15c: {  	[sflag:s11] =	ssyncset.done @!p0 $0x0  }
0x15d: {  	s9 =	simm.s32 @!p0 $0x30;
	[sflag:s11] =	ssyncadd.s32 @!p0 $0xFFFFFFD0;
	s11 =	simm.s32 @!p0 $0x300  }
0x15e: {  	[tilespmem:s11], [sflag:$0x1] =	stream.indirect.gather @!p0 [hbm4b:s5+s9], $0x80, s16, s9, $0xb8;
	[tilespmem:$0x1D380] =	vst v63  }
0x15f: {  	s11 =	simm.s32 @!p0 $0x4B00  }
0x160: {  	[tilespmem:s11], [sflag:$0x4] =	stream.indirect.gather @!p0 [hbm4b:s5+s9], $0x80, s18, s9, $0xb8;
	[tilespmem:$0x1D380] =	vst v63  }
0x161: {  	s18 =	simm.s32 $0x1C00  }
0x162: {  	s16 =	simm.s32 $0x6400;
	v15 =	vld [tilespmem:s18+$0x80]  }
0x163: {  	v8 =	vld [tilespmem:s16+$0xC0]  }
0x164: {  	v18 =	vld [tilespmem:s18+$0x90]  }
0x165: {  	v10 =	vld [tilespmem:s16+$0xD0]  }
0x166: {  	v19 =	vld [tilespmem:s18+$0xA0]  }
0x167: {  	v11 =	vld [tilespmem:s16+$0xE0]  }
0x168: {  	v23 =	vld [tilespmem:s18+$0x0]  }
0x169: {  	v9 =	vld [tilespmem:s18+$0xB0]  }
0x16a: {  	v12 =	vld [tilespmem:s16+$0xF0]  }
0x16b: {  	v13 =	vld [tilespmem:s16+$0xFFFFFF40]  }
0x16c: {  	v41 =	vld [tilespmem:s18+$0xFFFFFF80]  }
0x16d: {  	v16 =	vld [tilespmem:s16+$0xFFFFFFC0];
	v8 =	vadd.f32 v8, v15;
	[tilespmem:$0x1FF30] =	vst v23  }
0x16e: {  	v26 =	vld [tilespmem:s18+$0xFFFFFF90]  }
0x16f: {  	v10 =	vadd.f32 v10, v18;
	v14 =	vmul.f32 $2.000000030e-01, v8  }
0x170: {  	v20 =	vld [tilespmem:s16+$0x40]  }
0x171: {  	v17 =	vld [tilespmem:s18+$0xFFFFFF00];
	v8 =	vmax.f32 v8, v14;
	v14 =	vmul.f32 $2.000000030e-01, v10  }
0x172: {  	v22 =	vld [tilespmem:s16+$0xFFFFFF50]  }
0x173: {  	v10 =	vmax.f32 v10, v14;
	v14 =	vld [tilespmem:s18+$0xFFFFFF10];
	[tilespmem:$0x1FF10] =	vst v26  }
0x174: {  	v11 =	vadd.f32 v11, v19;
	v27 =	vld [tilespmem:s18+$0x10]  }
0x175: {  	v8 =	vmul.f32 v8, v4  }
0x176: {  	v21 =	vmul.f32 $2.000000030e-01, v11  }
0x177: {  	v8 =	vadd.f32 $0.0e+00, v8;
	v10 =	vmul.f32 v10, v5  }
0x178: {  	v12 =	vadd.f32 v12, v9;
	v11 =	vmax.f32 v11, v21  }
0x179: {  	v8 =	vadd.f32 v10, v8;
	v10 =	vmul.f32 v11, v6;
	v11 =	vadd.f32 v16, v41;
	v16 =	vld [tilespmem:s16+$0xFFFFFFD0];
	[tilespmem:$0x1FF40] =	vst v27  }
0x17a: {  	v21 =	vmul.f32 $2.000000030e-01, v12;
	v29 =	vld [tilespmem:s18+$0xFFFFFFA0];
	_ =	sdelay $0x1  }
0x17b: {  	v12 =	vmax.f32 v12, v21;
	v20 =	vadd.f32 v20, v23;
	v8 =	vadd.f32 v10, v8  }
0x17c: {  	v10 =	vmul.f32 v12, v7;
	v12 =	vadd.f32 v13, v17;
	v13 =	vmul.f32 $2.000000030e-01, v11;
	v23 =	vld [tilespmem:s16+$0x50]  }
0x17d: {  	v21 =	vld [tilespmem:s18+$0xFFFFFF20]  }
0x17e: {  	v24 =	vmul.f32 $2.000000030e-01, v20;
	v11 =	vmax.f32 v11, v13;
	v13 =	vld [tilespmem:s16+$0xFFFFFF60];
	[tilespmem:$0x1FF20] =	vst v29  }
0x17f: {  	v31 =	vld [tilespmem:s18+$0x20]  }
0x180: {  	v20 =	vmax.f32 v20, v24;
	v8 =	vadd.f32 v10, v8  }
0x181: {  	v20 =	vmul.f32 v20, v4  }
0x182: {  	v22 =	vadd.f32 v22, v14;
	v10 =	vmul.f32 $2.000000030e-01, v12;
	v25 =	vperm.xlane v8, v0  }
0x183: {  	v20 =	vadd.f32 $0.0e+00, v20;
	v11 =	vmul.f32 v11, v4;
	v16 =	vadd.f32 v16, v26  }
0x184: {  	v10 =	vmax.f32 v12, v10;
	v12 =	vmul.f32 $2.000000030e-01, v22;
	v8 =	vadd.f32 v8, v25;
	v26 =	vld [tilespmem:s16+$0xFFFFFFE0];
	[tilespmem:$0x1FF50] =	vst v31  }
0x185: {  	v10 =	vmul.f32 v10, v4;
	v24 =	vmul.f32 $2.000000030e-01, v16;
	v11 =	vadd.f32 $0.0e+00, v11;
	v25 =	vld [tilespmem:s16+$0x60]  }
0x186: {  	v12 =	vmax.f32 v22, v12;
	v23 =	vadd.f32 v23, v27;
	v27 =	vperm.xlane v8, v1;
	v58 =	vld [tilespmem:s18+$0x30]  }
0x187: {  	v10 =	vadd.f32 $0.0e+00, v10;
	v13 =	vadd.f32 v13, v21;
	v16 =	vmax.f32 v16, v24;
	v22 =	vld [tilespmem:s18+$0xFFFFFF30]  }
0x188: {  	v12 =	vmul.f32 v12, v5;
	v28 =	vmul.f32 $2.000000030e-01, v23;
	v8 =	vadd.f32 v8, v27;
	v24 =	vld [tilespmem:s16+$0xFFFFFF70]  }
0x189: {  	v16 =	vmul.f32 v16, v5;
	v27 =	vmul.f32 $2.000000030e-01, v13;
	v26 =	vadd.f32 v26, v29;
	v42 =	vld [tilespmem:s18+$0xFFFFFFB0]  }
0x18a: {  	v10 =	vadd.f32 v12, v10;
	v23 =	vmax.f32 v23, v28;
	v28 =	vperm.xlane v8, v2;
	v29 =	vld [tilespmem:s16+$0xFFFFFFF0]  }
0x18b: {  	v23 =	vmul.f32 v23, v5;
	v13 =	vmax.f32 v13, v27;
	v12 =	vmul.f32 $2.000000030e-01, v26;
	[tilespmem:$0x1FF70] =	vst v58  }
0x18c: {  	v11 =	vadd.f32 v16, v11;
	v13 =	vmul.f32 v13, v6;
	v8 =	vadd.f32 v8, v28;
	v30 =	vld [tilespmem:s16+$0x70]  }
0x18d: {  	v20 =	vadd.f32 v23, v20;
	v12 =	vmax.f32 v26, v12;
	v25 =	vadd.f32 v25, v31  }
0x18e: {  	v23 =	vperm.xlane v8, v3;
	v12 =	vmul.f32 v12, v6;
	v16 =	vadd.f32 v24, v22  }
0x18f: {  	v10 =	vadd.f32 v13, v10;
	v26 =	vadd.f32 v29, v42;
	v24 =	vmul.f32 $2.000000030e-01, v25  }
0x190: {  	v8 =	vadd.f32 v8, v23;
	v11 =	vadd.f32 v12, v11;
	v27 =	vmul.f32 $2.000000030e-01, v16  }
0x191: {  	v24 =	vmax.f32 v25, v24;
	v25 =	vmul.f32 $2.000000030e-01, v26;
	v28 =	vadd.f32 v30, v58  }
0x192: {  	v8 =	vmul.f32 $1.442695020e+00, v8;
	v16 =	vmax.f32 v16, v27;
	v24 =	vmul.f32 v24, v6  }
0x193: {  	v12 =	vmul.f32 v16, v7;
	v13 =	vmax.f32 v26, v25;
	v25 =	vmul.f32 $2.000000030e-01, v28  }
0x194: {  	s19 =	simm.s32 $0x1E00;
	(erf) = vpow2.f32 v8;
	v13 =	vmul.f32 v13, v7  }
0x195: {  	v27 =	vld [tilespmem:s19+$0x80];
	v16 =	vadd.f32 v24, v20;
	v10 =	vadd.f32 v12, v10;
	v20 =	vmax.f32 v28, v25  }
0x196: {  	v11 =	vadd.f32 v13, v11;
	v12 =	vmul.f32 v20, v7  }
0x197: {  	v13 =	vperm.xlane v10, v0  }
0x198: {  	v12 =	vadd.f32 v12, v16;
	v16 =	vperm.xlane v11, v0  }
0x199: {  	v10 =	vadd.f32 v10, v13  }
0x19a: {  	s18 =	simm.s32 $0x6600;
	[tilespmem:$0x1FF60] =	vst v27;
	v8 =	vperm.xlane v12, v0;
	v11 =	vadd.f32 v11, v16  }
0x19b: {  	v13 =	vperm.xlane v10, v1;
	v16 =	vld [tilespmem:s18+$0xC0]  }
0x19c: {  	v24 =	vld [tilespmem:s18+$0xD0];
	v12 =	vadd.f32 v12, v8;
	v20 =	vperm.xlane v11, v1  }
0x19d: {  	v25 =	vld [tilespmem:s18+$0xE0];
	v13 =	vadd.f32 v10, v13  }
0x19e: {  	v45 =	vpop (erf);
	v8 =	vld [tilespmem:s19+$0x90];
	v23 =	vperm.xlane v12, v1;
	v11 =	vadd.f32 v11, v20  }
0x19f: {  	v9 =	vmul.f32 v45, v9;
	v10 =	vld [tilespmem:s19+$0xA0];
	v20 =	vperm.xlane v13, v2  }
0x1a0: {  	v16 =	vadd.f32 v16, v27;
	v27 =	vld [tilespmem:s18+$0xF0];
	v12 =	vadd.f32 v12, v23;
	v26 =	vperm.xlane v11, v2  }
0x1a1: {  	v23 =	vld [tilespmem:s19+$0xB0];
	v20 =	vadd.f32 v13, v20;
	[tilespmem:$0x1FF00] =	vst v9  }
0x1a2: {  	v9 =	vld [tilespmem:s18+$0xFFFFFF40];
	v13 =	vperm.xlane v12, v2;
	v11 =	vadd.f32 v11, v26  }
0x1a3: {  	v24 =	vadd.f32 v24, v8;
	v43 =	vld [tilespmem:s19+$0xFFFFFF00];
	v26 =	vmul.f32 $2.000000030e-01, v16;
	v29 =	vperm.xlane v20, v3  }
0x1a4: {  	v25 =	vadd.f32 v25, v10;
	v31 =	vld [tilespmem:s18+$0xFFFFFFC0];
	v28 =	vadd.f32 v12, v13;
	v30 =	vperm.xlane v11, v3  }
0x1a5: {  	v13 =	vld [tilespmem:s19+$0xFFFFFF80];
	v16 =	vmax.f32 v16, v26;
	v26 =	vmul.f32 $2.000000030e-01, v24;
	v29 =	vadd.f32 v20, v29  }
0x1a6: {  	v59 =	vld [tilespmem:s18+$0x40];
	v16 =	vmul.f32 v16, v4;
	v27 =	vadd.f32 v27, v23;
	v20 =	vperm.xlane v28, v3  }
0x1a7: {  	v12 =	vld [tilespmem:s19+$0x0];
	v24 =	vmax.f32 v24, v26;
	v26 =	vmul.f32 $2.000000030e-01, v25;
	v11 =	vadd.f32 v11, v30  }
0x1a8: {  	v44 =	vld [tilespmem:s19+$0xFFFFFF10];
	v9 =	vadd.f32 v9, v43;
	v16 =	vadd.f32 $0.0e+00, v16;
	v24 =	vmul.f32 v24, v5  }
0x1a9: {  	v30 =	vld [tilespmem:s18+$0xFFFFFF50];
	v25 =	vmax.f32 v25, v26;
	v26 =	vmul.f32 $2.000000030e-01, v27;
	v28 =	vadd.f32 v28, v20  }
0x1aa: {  	v47 =	vld [tilespmem:s18+$0x50];
	v31 =	vadd.f32 v31, v13;
	v16 =	vadd.f32 v24, v16  }
0x1ab: {  	v46 =	vld [tilespmem:s19+$0xFFFFFF20];
	v24 =	vmul.f32 v25, v6;
	v25 =	vmax.f32 v27, v26;
	v26 =	vmul.f32 $1.442695020e+00, v29  }
0x1ac: {  	v20 =	vld [tilespmem:s19+$0xFFFFFF90];
	v29 =	vmul.f32 $1.442695020e+00, v11;
	v27 =	vadd.f32 v59, v12;
	v28 =	vmul.f32 $1.442695020e+00, v28  }
0x1ad: {  	v11 =	vld [tilespmem:s18+$0xFFFFFFD0];
	v24 =	vadd.f32 v24, v16;
	v25 =	vmul.f32 v25, v7;
	v60 =	vmul.f32 $2.000000030e-01, v31  }
0x1ae: {  	v16 =	vld [tilespmem:s19+$0x10];
	v48 =	vmul.f32 $2.000000030e-01, v27;
	(erf) = vpow2.f32 v26;
	v26 =	vadd.f32 v30, v44  }
0x1af: {  	v50 =	vld [tilespmem:s18+$0xFFFFFFE0];
	v25 =	vadd.f32 v25, v24;
	v24 =	vmul.f32 $2.000000030e-01, v9;
	v30 =	vmax.f32 v31, v60  }
0x1b0: {  	v31 =	vld [tilespmem:s18+$0xFFFFFF60];
	v30 =	vmul.f32 v30, v4;
	v49 =	vmul.f32 $2.000000030e-01, v26  }
0x1b1: {  	v51 =	vld [tilespmem:s18+$0x60];
	v27 =	vmax.f32 v27, v48;
	v61 =	vperm.xlane v25, v0;
	v9 =	vmax.f32 v9, v24  }
0x1b2: {  	v24 =	vld [tilespmem:s19+$0xFFFFFFA0];
	v11 =	vadd.f32 v11, v20;
	v27 =	vmul.f32 v27, v4;
	v62 =	vmul.f32 v9, v4  }
0x1b3: {  	v53 =	vld [tilespmem:s18+$0xFFFFFF70];
	v26 =	vmax.f32 v26, v49;
	v36 =	vadd.f32 v47, v16;
	v25 =	vadd.f32 v25, v61  }
0x1b4: {  	v9 =	vld [tilespmem:s19+$0x20];
	v30 =	vadd.f32 $0.0e+00, v30;
	v63 =	vmul.f32 $2.000000030e-01, v11;
	v26 =	vmul.f32 v26, v5  }
0x1b5: {  	v47 =	vld [tilespmem:s19+$0xFFFFFF30];
	v38 =	vadd.f32 $0.0e+00, v27;
	v31 =	vadd.f32 v31, v46;
	v52 =	vperm.xlane v25, v1  }
0x1b6: {  	v39 =	vld [tilespmem:s18+$0xFFFFFFF0];
	v48 =	vadd.f32 $0.0e+00, v62;
	v37 =	vmul.f32 $2.000000030e-01, v36;
	v11 =	vmax.f32 v11, v63  }
0x1b7: {  	v27 =	vld [tilespmem:s19+$0xFFFFFFB0];
	v54 =	vmul.f32 $2.000000030e-01, v31;
	v50 =	vadd.f32 v50, v24;
	v25 =	vadd.f32 v25, v52  }
0x1b8: {  	v34 =	vmax.f32 v36, v37;
	v26 =	vadd.f32 v26, v48;
	v55 =	vmul.f32 v11, v5  }
0x1b9: {  	v60 =	vld [tilespmem:s18+$0x70];
	v51 =	vadd.f32 v51, v9;
	v34 =	vmul.f32 v34, v5;
	v40 =	vperm.xlane v25, v2  }
0x1ba: {  	v11 =	vld [tilespmem:s19+$0x30];
	v61 =	vadd.f32 v53, v47;
	v56 =	vmul.f32 $2.000000030e-01, v50;
	v31 =	vmax.f32 v31, v54  }
0x1bb: {  	v30 =	vadd.f32 v55, v30;
	v55 =	vmul.f32 v45, v15;
	v25 =	vadd.f32 v25, v40  }
0x1bc: {  	v48 =	vadd.f32 v39, v27;
	v62 =	vmul.f32 $2.000000030e-01, v51;
	v31 =	vmul.f32 v31, v6  }
0x1bd: {  	v32 =	vmul.f32 $2.000000030e-01, v61;
	v50 =	vmax.f32 v50, v56;
	v63 =	vperm.xlane v25, v3  }
0x1be: {  	v33 =	vmul.f32 $2.000000030e-01, v48;
	v51 =	vmax.f32 v51, v62;
	v50 =	vmul.f32 v50, v6  }
0x1bf: {  	v54 =	vadd.f32 v60, v11;
	v49 =	vmax.f32 v61, v32;
	v25 =	vadd.f32 v25, v63  }
0x1c0: {  	v26 =	vadd.f32 v31, v26;
	v51 =	vmul.f32 v51, v6;
	v49 =	vmul.f32 v49, v7  }
0x1c1: {  	v34 =	vadd.f32 v34, v38;
	v35 =	vmul.f32 $2.000000030e-01, v54;
	v25 =	vmul.f32 $1.442695020e+00, v25  }
0x1c2: {  	s9 =	simm.s32 $0x6800;
	v31 =	vmax.f32 v48, v33;
	v30 =	vadd.f32 v50, v30;
	v26 =	vadd.f32 v49, v26  }
0x1c3: {  	s24 =	simm.s32 $0x2000;
	v37 =	vld [tilespmem:s9+$0xC0];
	v36 =	vmax.f32 v54, v35;
	(erf) = vpow2.f32 v25;
	v25 =	vmul.f32 v31, v7  }
0x1c4: {  	v15 =	vld [tilespmem:s24+$0xA0];
	v31 =	vadd.f32 v51, v34;
	v34 =	vmul.f32 v36, v7;
	(erf) = vpow2.f32 v29  }
0x1c5: {  	v38 =	vld [tilespmem:s9+$0xE0];
	v29 =	vpop (erf);
	v25 =	vadd.f32 v25, v30;
	(erf) = vpow2.f32 v28  }
0x1c6: {  	v50 =	vmul.f32 v29, v17;
	v17 =	vld [tilespmem:s24+$0x80];
	v28 =	vperm.xlane v26, v0;
	v30 =	vadd.f32 v34, v31  }
0x1c7: {  	v48 =	vmul.f32 v45, v19;
	v51 =	vmul.f32 v29, v14;
	v14 =	vld [tilespmem:s24+$0x90]  }
0x1c8: {  	v52 =	vmul.f32 v29, v21;
	v26 =	vadd.f32 v26, v28;
	v21 =	vperm.xlane v30, v0;
	v28 =	vld [tilespmem:s9+$0xD0]  }
0x1c9: {  	v49 =	vmul.f32 v45, v18;
	v54 =	vmul.f32 v29, v22  }
0x1ca: {  	v56 =	vadd.f32 v38, v15;
	v31 =	vperm.xlane v25, v0;
	v22 =	vperm.xlane v26, v1  }
0x1cb: {  	v53 =	vnsel vm0, $0x0, v29;
	v29 =	vadd.f32 v30, v21;
	v30 =	vld [tilespmem:s24+$0xB0];
	v18 =	vadd.f32 v37, v17  }
0x1cc: {  	v35 =	vmul.f32 $2.000000030e-01, v56;
	v25 =	vadd.f32 v25, v31;
	v22 =	vadd.f32 v26, v22;
	v26 =	vld [tilespmem:s9+$0xF0];
	v21 =	vpop (erf)  }
0x1cd: {  	v28 =	vadd.f32 v28, v14;
	v57 =	vmul.f32 v21, v23;
	v23 =	vmul.f32 $2.000000030e-01, v18  }
0x1ce: {  	v31 =	vperm.xlane v25, v1;
	v19 =	vperm.xlane v29, v1  }
0x1cf: {  	v39 =	vperm.xlane v22, v2;
	v60 =	vmul.f32 $2.000000030e-01, v28;
	v23 =	vmax.f32 v18, v23  }
0x1d0: {  	v59 =	vld [tilespmem:s9+$0xFFFFFFC0];
	v25 =	vadd.f32 v25, v31;
	v29 =	vadd.f32 v29, v19;
	v61 =	vmul.f32 v23, v4  }
0x1d1: {  	v19 =	vld [tilespmem:s24+$0xFFFFFF80];
	v22 =	vadd.f32 v22, v39;
	v28 =	vmax.f32 v28, v60;
	v63 =	vadd.f32 v26, v30  }
0x1d2: {  	v32 =	vld [tilespmem:s9+$0xFFFFFF40];
	v58 =	vperm.xlane v25, v2;
	v28 =	vmul.f32 v28, v5;
	v26 =	vadd.f32 $0.0e+00, v61  }
0x1d3: {  	v62 =	vld [tilespmem:s9+$0x40];
	v56 =	vmax.f32 v56, v35;
	v36 =	vperm.xlane v22, v3;
	v37 =	vmul.f32 $2.000000030e-01, v63  }
0x1d4: {  	v56 =	vmul.f32 v56, v6;
	v40 =	vperm.xlane v29, v2;
	v18 =	vld [tilespmem:s24+$0x0];
	v28 =	vadd.f32 v28, v26  }
0x1d5: {  	v23 =	vld [tilespmem:s24+$0xFFFFFF00];
	v58 =	vadd.f32 v25, v58;
	v61 =	vadd.f32 v22, v36;
	v22 =	vmax.f32 v63, v37  }
0x1d6: {  	v59 =	vadd.f32 v59, v19;
	v39 =	vmul.f32 v22, v7;
	v28 =	vadd.f32 v56, v28  }
0x1d7: {  	v38 =	vld [tilespmem:s9+$0xFFFFFF50];
	v29 =	vadd.f32 v29, v40;
	v31 =	vperm.xlane v58, v3  }
0x1d8: {  	v25 =	vld [tilespmem:s24+$0xFFFFFF10];
	v36 =	vmul.f32 $2.000000030e-01, v59;
	v56 =	vadd.f32 v39, v28  }
0x1d9: {  	v60 =	vld [tilespmem:s9+$0xFFFFFFD0];
	v40 =	vperm.xlane v29, v3;
	v62 =	vadd.f32 v62, v18;
	v58 =	vadd.f32 v58, v31  }
0x1da: {  	v26 =	vld [tilespmem:s24+$0xFFFFFF90];
	v31 =	vadd.f32 v32, v23;
	v33 =	vmax.f32 v59, v36;
	v59 =	vperm.xlane v56, v0  }
0x1db: {  	v34 =	vld [tilespmem:s9+$0x50];
	v63 =	vadd.f32 v29, v40;
	v29 =	vmul.f32 $1.442695020e+00, v61  }
0x1dc: {  	v22 =	vld [tilespmem:s24+$0x10];
	v61 =	vmul.f32 $2.000000030e-01, v62;
	v32 =	vmul.f32 $2.000000030e-01, v31;
	v56 =	vadd.f32 v56, v59  }
0x1dd: {  	v40 =	vld [tilespmem:s9+$0xFFFFFF60];
	v35 =	vadd.f32 v38, v25;
	(erf) = vpow2.f32 v29;
	v38 =	vmul.f32 v33, v4  }
0x1de: {  	v28 =	vld [tilespmem:s24+$0xFFFFFF20];
	v37 =	vmax.f32 v62, v61;
	v29 =	vmax.f32 v31, v32;
	v62 =	vperm.xlane v56, v1  }
0x1df: {  	v32 =	vadd.f32 v60, v26;
	v60 =	vmul.f32 v29, v4;
	v29 =	vld [tilespmem:s24+$0x20];
	v59 =	vmul.f32 $2.000000030e-01, v35  }
0x1e0: {  	v56 =	vadd.f32 v56, v62;
	v62 =	vadd.f32 $0.0e+00, v38;
	v38 =	vld [tilespmem:$0x1FF00];
	[tilespmem:s16+$0xFFFFFF40] =	vst v53  }
0x1e1: {  	v36 =	vmax.f32 v35, v59;
	v59 =	vld [tilespmem:s9+$0x60];
	[tilespmem:s16+$0xFFFFFF00] =	vst v50  }
0x1e2: {  	v61 =	vmul.f32 $2.000000030e-01, v32;
	[tilespmem:s16+$0xFFFFFF10] =	vst v51  }
0x1e3: {  	v33 =	vadd.f32 v34, v22;
	[tilespmem:s16+$0xFFFFFF20] =	vst v52  }
0x1e4: {  	v60 =	vadd.f32 $0.0e+00, v60;
	v40 =	vadd.f32 v40, v28;
	v36 =	vmul.f32 v36, v5;
	[tilespmem:s16+$0xFFFFFF30] =	vst v54  }
0x1e5: {  	v37 =	vmul.f32 v37, v4;
	v32 =	vmax.f32 v32, v61;
	v35 =	vmul.f32 $2.000000030e-01, v33;
	[tilespmem:s16+$0x80] =	vst v55  }
0x1e6: {  	v61 =	vpop (erf);
	[tilespmem:s18+$0xB0] =	vst v57;
	v53 =	vadd.f32 v36, v60;
	v60 =	vmul.f32 $2.000000030e-01, v40;
	v59 =	vadd.f32 v59, v29  }
0x1e7: {  	v39 =	vld [tilespmem:s9+$0xFFFFFFE0];
	v37 =	vadd.f32 $0.0e+00, v37;
	v33 =	vmax.f32 v33, v35;
	v41 =	vmul.f32 v61, v41;
	[tilespmem:s16+$0xB0] =	vst v38  }
0x1e8: {  	v33 =	vmul.f32 v33, v5;
	v40 =	vmax.f32 v40, v60;
	v60 =	vmul.f32 $2.000000030e-01, v59;
	v55 =	vld [tilespmem:$0x1FF10]  }
0x1e9: {  	v31 =	vld [tilespmem:s24+$0xFFFFFFA0];
	[tilespmem:s16+$0xFFFFFF80] =	vst v41  }
0x1ea: {  	v36 =	vperm.xlane v56, v2;
	v33 =	vadd.f32 v33, v37;
	v37 =	vmax.f32 v59, v60;
	v60 =	vld [tilespmem:$0x1FF20];
	_ =	sdelay $0x1  }
0x1eb: {  	v34 =	vld [tilespmem:s24+$0xFFFFFF30];
	v32 =	vmul.f32 v32, v5;
	v51 =	vadd.f32 v56, v36  }
0x1ec: {  	v35 =	vld [tilespmem:s9+$0xFFFFFF70];
	v55 =	vmul.f32 v61, v55  }
0x1ed: {  	v52 =	vld [tilespmem:s9+$0xFFFFFFF0];
	v32 =	vadd.f32 v32, v62;
	v62 =	vperm.xlane v51, v3  }
0x1ee: {  	v39 =	vadd.f32 v39, v31;
	v38 =	vld [tilespmem:s24+$0xFFFFFFB0];
	v50 =	vmul.f32 v61, v60;
	[tilespmem:s16+$0xFFFFFF90] =	vst v55  }
0x1ef: {  	v42 =	vmul.f32 v61, v42;
	v51 =	vadd.f32 v51, v62;
	v62 =	vld [tilespmem:$0x1FF30]  }
0x1f0: {  	v56 =	vmul.f32 $2.000000030e-01, v39;
	v57 =	vld [tilespmem:$0x1FF40];
	[tilespmem:s16+$0xFFFFFFA0] =	vst v50  }
0x1f1: {  	v35 =	vadd.f32 v35, v34;
	[tilespmem:s16+$0xFFFFFFB0] =	vst v42  }
0x1f2: {  	v45 =	vnsel vm0, $0x0, v45;
	v40 =	vmul.f32 v40, v6;
	v39 =	vmax.f32 v39, v56;
	[tilespmem:s16+$0x90] =	vst v49  }
0x1f3: {  	v54 =	vld [tilespmem:s9+$0x70];
	v59 =	vmul.f32 $2.000000030e-01, v35;
	v52 =	vadd.f32 v52, v38;
	v55 =	vnsel vm0, $0x0, v61;
	[tilespmem:s16+$0xA0] =	vst v48  }
0x1f4: {  	v36 =	vld [tilespmem:s24+$0x30];
	v41 =	vpop (erf);
	v40 =	vadd.f32 v40, v53;
	v39 =	vmul.f32 v39, v6;
	v37 =	vmul.f32 v37, v6;
	[tilespmem:s16+$0xFFFFFFC0] =	vst v55  }
0x1f5: {  	v53 =	vmul.f32 $2.000000030e-01, v52;
	v42 =	vnsel vm0, $0x0, v41;
	[tilespmem:s16+$0xC0] =	vst v45;
	v56 =	vmul.f32 v41, v62  }
0x1f6: {  	v61 =	vmul.f32 $1.442695020e+00, v51;
	[tilespmem:s16+$0x40] =	vst v42;
	v57 =	vmul.f32 v41, v57  }
0x1f7: {  	v60 =	vmul.f32 $1.442695020e+00, v63;
	v50 =	vmul.f32 $1.442695020e+00, v58;
	v63 =	vmax.f32 v52, v53;
	v62 =	vpop (erf);
	[tilespmem:s16+$0x0] =	vst v56  }
0x1f8: {  	(erf) = vpow2.f32 v61;
	v53 =	vnsel vm0, $0x0, v62;
	v58 =	vmul.f32 v62, v44;
	[tilespmem:s16+$0x10] =	vst v57  }
0x1f9: {  	v54 =	vadd.f32 v54, v36;
	(erf) = vpow2.f32 v50;
	v57 =	vmul.f32 v62, v43;
	[tilespmem:s18+$0xFFFFFF40] =	vst v53  }
0x1fa: {  	(erf) = vpow2.f32 v60;
	v60 =	vmul.f32 v62, v46;
	[tilespmem:s18+$0xFFFFFF10] =	vst v58  }
0x1fb: {  	v35 =	vmax.f32 v35, v59;
	v52 =	vmul.f32 $2.000000030e-01, v54;
	[tilespmem:s18+$0xFFFFFF00] =	vst v57  }
0x1fc: {  	v32 =	vadd.f32 v39, v32;
	v33 =	vadd.f32 v37, v33;
	v35 =	vmul.f32 v35, v7;
	v61 =	vld [tilespmem:$0x1FF50];
	[tilespmem:s18+$0xFFFFFF20] =	vst v60  }
0x1fd: {  	v55 =	vmul.f32 v63, v7;
	v37 =	vmax.f32 v54, v52;
	v44 =	vmul.f32 v62, v47;
	v62 =	vld [tilespmem:$0x1FF60]  }
0x1fe: {  	v35 =	vadd.f32 v35, v40;
	v37 =	vmul.f32 v37, v7;
	v63 =	vld [tilespmem:$0x1FF70]  }
0x1ff: {  	v32 =	vadd.f32 v55, v32  }
0x200: {  	v59 =	vperm.xlane v35, v0;
	v42 =	vadd.f32 v37, v33  }
0x201: {  	v48 =	vperm.xlane v32, v0;
	v37 =	vnsel vm0, $0x0, v21  }
0x202: {  	v43 =	vadd.f32 v35, v59;
	v46 =	vperm.xlane v42, v0;
	v45 =	vmul.f32 v41, v61  }
0x203: {  	s11 =	simm.s32 $0x8;
	s19 =	simm.s32 $0x6800;
	s24 =	simm.s32 $0x2200;
	v40 =	vadd.f32 v32, v48;
	v39 =	vmul.f32 v21, v62;
	v33 =	vmul.f32 v41, v63  }
.LBB2_5:
0x204: {  	v35 =	vld [tilespmem:s24+$0x80];
	v41 =	vperm.xlane v43, v1;
	v42 =	vadd.f32 v42, v46;
	s9 =	sadd.s32 $0x200, s9;
	[tilespmem:s18+$0xFFFFFF30] =	vst v44;
	v44 =	vmul.f32 v21, v8  }
0x205: {  	s11 =	sadd.s32 $0x4, s11;
	v47 =	vmul.f32 v21, v10;
	v32 =	vmov v17;
	v8 =	vld [tilespmem:s9+$0xC0];
	v46 =	vperm.xlane v40, v1;
	v21 =	vpop (erf);
	[tilespmem:s16+$0x20] =	vst v45  }
0x206: {  	p1 =	slt.u32 s11, $0x2C;
	v10 =	vld [tilespmem:s24+$0x90];
	v41 =	vadd.f32 v43, v41;
	v50 =	vperm.xlane v42, v1;
	v30 =	vmul.f32 v21, v30;
	v43 =	vpop (erf);
	[tilespmem:s16+$0x30] =	vst v33;
	s16 =	smov.u32 s18;
	s18 =	smov.u32 s19  }
0x207: {  	s19 =	smov.u32 s9;
	v45 =	vld [tilespmem:s9+$0xD0];
	v40 =	vadd.f32 v40, v46;
	v13 =	vmul.f32 v43, v13;
	v20 =	vmul.f32 v43, v20;
	[tilespmem:s16+$0x80] =	vst v39;
	v33 =	vpop (erf)  }
0x208: {  	v24 =	vmul.f32 v43, v24;
	v39 =	vld [tilespmem:s24+$0xA0];
	v46 =	vperm.xlane v41, v2;
	v42 =	vadd.f32 v42, v50;
	[tilespmem:s18+$0xB0] =	vst v30  }
0x209: {  	v48 =	vld [tilespmem:s9+$0xE0];
	v49 =	vperm.xlane v40, v2;
	[tilespmem:s16+$0xFFFFFF80] =	vst v13;
	v13 =	vmul.f32 v43, v27;
	v27 =	vnsel vm0, $0x0, v43;
	v17 =	vmovc v35  }
0x20a: {  	v30 =	vld [tilespmem:s24+$0xB0];
	v35 =	vadd.f32 v8, v17;
	v41 =	vadd.f32 v41, v46;
	v46 =	vperm.xlane v42, v2;
	[tilespmem:s16+$0xFFFFFF90] =	vst v20  }
0x20b: {  	v12 =	vmul.f32 v33, v12;
	v16 =	vmul.f32 v33, v16;
	v20 =	vld [tilespmem:s9+$0xF0];
	v40 =	vadd.f32 v40, v49;
	[tilespmem:s16+$0xFFFFFFA0] =	vst v24  }
0x20c: {  	v8 =	vmovc v14;
	v24 =	vld [tilespmem:s9+$0xFFFFFF40];
	v43 =	vmul.f32 $2.000000030e-01, v35;
	v45 =	vadd.f32 v45, v10;
	v42 =	vadd.f32 v42, v46;
	[tilespmem:s16+$0xFFFFFFB0] =	vst v13  }
0x20d: {  	v14 =	vmovc v10;
	v13 =	vperm.xlane v41, v3;
	v46 =	vld [tilespmem:s24+$0xFFFFFF80];
	v49 =	vperm.xlane v40, v3;
	[tilespmem:s16+$0x0] =	vst v12;
	v12 =	vnsel vm0, $0x0, v33  }
0x20e: {  	v10 =	vmovc v15;
	v50 =	vld [tilespmem:s9+$0xFFFFFFC0];
	v35 =	vmax.f32 v35, v43;
	v43 =	vmul.f32 $2.000000030e-01, v45;
	v48 =	vadd.f32 v48, v39;
	[tilespmem:s16+$0x10] =	vst v16  }
0x20f: {  	v41 =	vadd.f32 v41, v13;
	v52 =	vperm.xlane v42, v3;
	v16 =	vld [tilespmem:s24+$0x0];
	v51 =	vmul.f32 v35, v4;
	[tilespmem:s16+$0x90] =	vst v44  }
0x210: {  	v15 =	vmovc v39;
	v44 =	vld [tilespmem:s9+$0x40];
	v53 =	vmax.f32 v45, v43;
	v43 =	vmul.f32 $2.000000030e-01, v48;
	v20 =	vadd.f32 v20, v30;
	[tilespmem:s16+$0xA0] =	vst v47  }
0x211: {  	v40 =	vadd.f32 v40, v49;
	v13 =	vmovc v19;
	v35 =	vld [tilespmem:s24+$0xFFFFFF00];
	v45 =	vadd.f32 $0.0e+00, v51;
	v47 =	vmul.f32 v53, v5;
	[tilespmem:s16+$0xFFFFFFC0] =	vst v27  }
0x212: {  	v42 =	vadd.f32 v42, v52;
	v39 =	vld [tilespmem:s24+$0xFFFFFF10];
	v27 =	vmax.f32 v48, v43;
	v43 =	vmul.f32 $2.000000030e-01, v20;
	[tilespmem:s16+$0x40] =	vst v12;
	v19 =	vmovc v46  }
0x213: {  	v46 =	vld [tilespmem:s9+$0xFFFFFF50];
	v48 =	vadd.f32 v50, v19;
	v45 =	vadd.f32 v47, v45;
	v27 =	vmul.f32 v27, v6;
	[tilespmem:s16+$0xC0] =	vst v37  }
0x214: {  	v41 =	vmul.f32 $1.442695020e+00, v41;
	v12 =	vmovc v18;
	v37 =	vld [tilespmem:s24+$0xFFFFFF90];
	v49 =	vmax.f32 v20, v43;
	v43 =	vmul.f32 $1.442695020e+00, v40;
	v18 =	vmovc v16  }
0x215: {  	v20 =	vmovc v26;
	v47 =	vld [tilespmem:s9+$0xFFFFFFD0];
	v44 =	vadd.f32 v44, v18;
	v52 =	vadd.f32 v27, v45;
	v51 =	vmul.f32 v49, v7  }
0x216: {  	v42 =	vmul.f32 $1.442695020e+00, v42;
	v16 =	vmovc v22;
	v53 =	vmul.f32 $2.000000030e-01, v48;
	v45 =	vadd.f32 v24, v35;
	v22 =	vld [tilespmem:s24+$0x10];
	v24 =	vmovc v31  }
0x217: {  	v40 =	vmovc v9;
	v9 =	vmovc v29;
	v49 =	vld [tilespmem:s9+$0x50];
	v31 =	vmul.f32 $2.000000030e-01, v44;
	v50 =	vadd.f32 v51, v52;
	(erf) = vpow2.f32 v41  }
0x218: {  	v52 =	vmax.f32 v48, v53;
	v48 =	vmovc v34;
	v27 =	vmovc v38;
	v41 =	vld [tilespmem:s24+$0xFFFFFF20];
	v29 =	vmul.f32 $2.000000030e-01, v45;
	v46 =	vadd.f32 v46, v39  }
0x219: {  	v34 =	vmul.f32 v52, v4;
	v38 =	vld [tilespmem:s9+$0xFFFFFF60];
	v44 =	vmax.f32 v44, v31;
	v51 =	vperm.xlane v50, v0;
	v26 =	vmovc v37  }
0x21a: {  	v29 =	vmax.f32 v45, v29;
	v37 =	vmul.f32 $2.000000030e-01, v46;
	v31 =	vld [tilespmem:s24+$0xFFFFFFA0];
	v45 =	vadd.f32 v47, v26;
	v47 =	vmovc v11;
	v11 =	vmovc v36  }
0x21b: {  	v44 =	vmul.f32 v44, v4;
	v36 =	vmul.f32 v29, v4;
	v52 =	vld [tilespmem:s9+$0xFFFFFFE0];
	v50 =	vadd.f32 v50, v51  }
0x21c: {  	v37 =	vmax.f32 v46, v37;
	v46 =	vmul.f32 $2.000000030e-01, v45;
	v29 =	vld [tilespmem:s24+$0x20];
	v49 =	vadd.f32 v49, v22  }
0x21d: {  	v51 =	vadd.f32 $0.0e+00, v34;
	v36 =	vadd.f32 $0.0e+00, v36;
	v53 =	vld [tilespmem:s9+$0x60];
	v54 =	vperm.xlane v50, v1  }
0x21e: {  	v34 =	vld [tilespmem:s24+$0xFFFFFF30];
	v55 =	vadd.f32 v38, v41;
	v45 =	vmax.f32 v45, v46;
	v46 =	vmul.f32 $2.000000030e-01, v49  }
0x21f: {  	v44 =	vadd.f32 $0.0e+00, v44;
	v37 =	vmul.f32 v37, v5;
	v56 =	vld [tilespmem:s9+$0xFFFFFF70];
	v50 =	vadd.f32 v50, v54  }
0x220: {  	v54 =	vmul.f32 $2.000000030e-01, v55;
	v38 =	vld [tilespmem:s24+$0xFFFFFFB0];
	v52 =	vadd.f32 v52, v31;
	v46 =	vmax.f32 v49, v46;
	v49 =	vpop (erf)  }
0x221: {  	v37 =	vadd.f32 v37, v36;
	v45 =	vmul.f32 v45, v5;
	v57 =	vld [tilespmem:s9+$0xFFFFFFF0];
	v58 =	vperm.xlane v50, v2  }
0x222: {  	v46 =	vmul.f32 v46, v5;
	v59 =	vmul.f32 $2.000000030e-01, v52;
	v36 =	vld [tilespmem:s24+$0x30];
	v53 =	vadd.f32 v53, v29  }
0x223: {  	v45 =	vadd.f32 v45, v51;
	v54 =	vmax.f32 v55, v54;
	v51 =	vld [tilespmem:s9+$0x70];
	v50 =	vadd.f32 v50, v58  }
0x224: {  	v55 =	vadd.f32 v56, v34;
	v52 =	vmax.f32 v52, v59;
	v56 =	vmul.f32 $2.000000030e-01, v53  }
0x225: {  	v54 =	vmul.f32 v54, v6;
	v44 =	vadd.f32 v46, v44;
	v46 =	vperm.xlane v50, v3  }
0x226: {  	v58 =	vmul.f32 $2.000000030e-01, v55;
	v57 =	vadd.f32 v57, v38;
	v53 =	vmax.f32 v53, v56  }
0x227: {  	v52 =	vmul.f32 v52, v6;
	v53 =	vmul.f32 v53, v6;
	v46 =	vadd.f32 v50, v46  }
0x228: {  	v50 =	vmax.f32 v55, v58;
	v55 =	vmul.f32 $2.000000030e-01, v57;
	v51 =	vadd.f32 v51, v36  }
0x229: {  	v37 =	vadd.f32 v54, v37;
	v45 =	vadd.f32 v52, v45;
	v46 =	vmul.f32 $1.442695020e+00, v46  }
0x22a: {  	v44 =	vadd.f32 v53, v44;
	v52 =	vmax.f32 v57, v55;
	v53 =	vmul.f32 $2.000000030e-01, v51  }
0x22b: {  	v50 =	vmul.f32 v50, v7;
	(erf) = vpow2.f32 v46;
	v46 =	vnsel vm0, $0x0, v49  }
0x22c: {  	v52 =	vmul.f32 v52, v7;
	v51 =	vmax.f32 v51, v53;
	[tilespmem:s18+$0xFFFFFF40] =	vst v46;
	(erf) = vpow2.f32 v43  }
0x22d: {  	v43 =	vadd.f32 v50, v37;
	v37 =	vmul.f32 v51, v7;
	(erf) = vpow2.f32 v42  }
.Ltmp1:
0x22e: {  	v50 =	vadd.f32 v52, v45;
	v45 =	vmul.f32 v49, v23;
	v51 =	vmul.f32 v49, v25;
	v23 =	vmovc v35;
	(pc) =	sbr.rel @p1 .LBB2_5-.Ltmp1, $4  }
0x22f: {  	v52 =	vmul.f32 v49, v28;
	v25 =	vmovc v39;
	v35 =	vperm.xlane v43, v0;
	v42 =	vadd.f32 v37, v44  }
0x230: {  	v28 =	vmovc v41;
	v39 =	vperm.xlane v50, v0;
	v44 =	vmul.f32 v49, v48;
	v37 =	vnsel vm0, $0x0, v21;
	[tilespmem:s18+$0xFFFFFF00] =	vst v45  }
0x231: {  	v43 =	vadd.f32 v43, v35;
	v45 =	vmul.f32 v33, v40;
	v46 =	vperm.xlane v42, v0;
	[tilespmem:s18+$0xFFFFFF10] =	vst v51  }
0x232: {  	s24 =	sadd.s32 $0x200, s24;
	v33 =	vmul.f32 v33, v47;
	v40 =	vadd.f32 v50, v39;
	v39 =	vmul.f32 v21, v32;
	[tilespmem:s18+$0xFFFFFF20] =	vst v52  }
0x233: {  	v32 =	vperm.xlane v43, v1;
	_ =	sdelay $0x1  }
0x234: {  	v32 =	vadd.f32 v43, v32;
	_ =	sdelay $0x1  }
0x235: {  	v35 =	vperm.xlane v32, v2;
	_ =	sdelay $0x1  }
0x236: {  	v32 =	vadd.f32 v32, v35  }
0x237: {  	v41 =	vadd.f32 v42, v46;
	v50 =	vperm.xlane v40, v1  }
0x238: {  	v51 =	vperm.xlane v32, v3  }
0x239: {  	[tilespmem:s18+$0xFFFFFF30] =	vst v44;
	v52 =	vpop (erf);
	v53 =	vperm.xlane v41, v1;
	v35 =	vadd.f32 v40, v50  }
0x23a: {  	[tilespmem:s16+$0x20] =	vst v45;
	v30 =	vmul.f32 v52, v30;
	v54 =	vpop (erf);
	v32 =	vadd.f32 v32, v51  }
0x23b: {  	[tilespmem:s18+$0xC0] =	vst v37;
	v13 =	vmul.f32 v54, v13;
	v56 =	vadd.f32 v41, v53;
	v55 =	vperm.xlane v35, v2  }
0x23c: {  	v20 =	vmul.f32 v54, v20;
	[tilespmem:s19+$0xB0] =	vst v30;
	v32 =	vmul.f32 $1.442695020e+00, v32  }
0x23d: {  	v24 =	vmul.f32 v54, v24;
	[tilespmem:s18+$0xFFFFFF80] =	vst v13;
	v57 =	vperm.xlane v56, v2;
	v30 =	vadd.f32 v35, v55  }
0x23e: {  	v13 =	vmul.f32 v54, v27;
	v27 =	vpop (erf);
	[tilespmem:s18+$0xFFFFFF90] =	vst v20;
	(erf) = vpow2.f32 v32  }
0x23f: {  	[tilespmem:s18+$0xFFFFFFA0] =	vst v24;
	v12 =	vmul.f32 v27, v12;
	v24 =	vadd.f32 v56, v57;
	v20 =	vperm.xlane v30, v3  }
0x240: {  	[tilespmem:s18+$0xFFFFFFB0] =	vst v13  }
0x241: {  	v10 =	vmul.f32 v21, v10;
	[tilespmem:s18+$0x0] =	vst v12;
	v12 =	vperm.xlane v24, v3;
	v13 =	vadd.f32 v30, v20  }
0x242: {  	[tilespmem:s16+$0x30] =	vst v33  }
0x243: {  	v8 =	vmul.f32 v21, v8;
	[tilespmem:s18+$0xA0] =	vst v10;
	v10 =	vadd.f32 v24, v12;
	v13 =	vmul.f32 $1.442695020e+00, v13  }
0x244: {  	[tilespmem:s18+$0x80] =	vst v39  }
0x245: {  	[tilespmem:s18+$0x90] =	vst v8;
	v8 =	vnsel vm0, $0x0, v54;
	v16 =	vmul.f32 v27, v16;
	(erf) = vpow2.f32 v13  }
0x246: {  	[tilespmem:s18+$0xFFFFFFC0] =	vst v8;
	v8 =	vmul.f32 $1.442695020e+00, v10  }
0x247: {  	[tilespmem:s18+$0x10] =	vst v16;
	v12 =	vnsel vm0, $0x0, v27;
	v10 =	vpop (erf)  }
0x248: {  	[tilespmem:s18+$0x40] =	vst v12;
	(erf) = vpow2.f32 v8;
	v12 =	vnsel vm0, $0x0, v10;
	v8 =	vmul.f32 v10, v25  }
0x249: {  	v13 =	vmul.f32 v10, v23;
	[tilespmem:s19+$0xFFFFFF40] =	vst v12  }
0x24a: {  	v12 =	vmul.f32 v10, v28;
	[tilespmem:s19+$0xFFFFFF10] =	vst v8;
	v8 =	vmul.f32 v27, v9  }
0x24b: {  	v10 =	vmul.f32 v10, v34;
	[tilespmem:s19+$0xFFFFFF00] =	vst v13  }
0x24c: {  	[tilespmem:s19+$0xFFFFFF20] =	vst v12  }
0x24d: {  	v9 =	vmul.f32 v27, v11;
	[tilespmem:s19+$0xFFFFFF30] =	vst v10  }
0x24e: {  	v10 =	vmul.f32 v52, v17;
	[tilespmem:s18+$0x20] =	vst v8;
	v8 =	vpop (erf)  }
0x24f: {  	[tilespmem:s18+$0x30] =	vst v9;
	v9 =	vmul.f32 v8, v19;
	v11 =	vmul.f32 v8, v26  }
0x250: {  	[tilespmem:s19+$0x80] =	vst v10;
	v10 =	vmul.f32 v8, v31;
	v12 =	vmul.f32 v8, v38;
	v8 =	vnsel vm0, $0x0, v8  }
0x251: {  	[tilespmem:s19+$0xFFFFFFC0] =	vst v8  }
0x252: {  	[tilespmem:s19+$0xFFFFFF80] =	vst v9  }
0x253: {  	[tilespmem:s19+$0xFFFFFF90] =	vst v11  }
0x254: {  	[tilespmem:s19+$0xFFFFFFA0] =	vst v10  }
0x255: {  	v8 =	vnsel vm0, $0x0, v52;
	[tilespmem:s19+$0xFFFFFFB0] =	vst v12;
	v12 =	vmul.f32 v52, v14;
	v9 =	vpop (erf)  }
0x256: {  	[tilespmem:s19+$0xC0] =	vst v8;
	v10 =	vmul.f32 v9, v18  }
0x257: {  	[tilespmem:s19+$0x90] =	vst v12;
	v11 =	vmul.f32 v9, v22  }
0x258: {  	[tilespmem:s19+$0x0] =	vst v10;
	v10 =	vmul.f32 v52, v15  }
0x259: {  	[tilespmem:s19+$0x10] =	vst v11  }
0x25a: {  	v8 =	vmul.f32 v9, v36;
	[tilespmem:s19+$0xA0] =	vst v10;
	v10 =	vnsel vm0, $0x0, v9  }
0x25b: {  	[tilespmem:s19+$0x40] =	vst v10;
	v10 =	vmul.f32 v9, v29  }
0x25c: {  	[tilespmem:s19+$0x30] =	vst v8  }
0x25d: {  	[tilespmem:s19+$0x20] =	vst v10  }
0x25e: {  	[spmem:s2] =	stream.indirect.scatter.add.f32 [tilespmem:s30], [sflag:$0x7], $0x80, s28, s23, $0xb8;
	[tilespmem:$0x1D380] =	vst v63  }
0x25f: {  	_ =	swait.ge [sflag:s20], $0x1800  }
0x260: {  	[sflag:s20] =	ssyncset.done $0x0  }
0x261: {  	[sflag:s20] =	ssyncadd.s32 $0xFFFFE800  }
0x262: {  	_ =	swait.ge [sflag:s8], $0x1800  }
0x263: {  	[sflag:s8] =	ssyncset.done $0x0  }
0x264: {  	[sflag:s8] =	ssyncadd.s32 $0xFFFFE800  }
0x265: {  	s9 =	sadd.s32 @!p0 s13, s15;
	_ =	swait.ge [sflag:s10], $0x1800  }
0x266: {  	s13 =	simm.s32 @!p0 $0x0;
	s9 =	sshrl.u32 @!p0 s9, $0x3;
	[sflag:s10] =	ssyncset.done $0x0  }
0x267: {  	s16 =	simm.s32 @!p0 $0x80;
	s11 =	sadd.s32 @!p0 s1, s9;
	[sflag:s10] =	ssyncadd.s32 $0xFFFFE800  }
0x268: {  	[tilespmem:s16], [sflag:$0x7] =	stream.linear.gather @!p0 [hbm4b:s11+s13], $0x30, $0x38;
	[tilespmem:$0x1D380] =	vst v63  }
0x269: {  	s11 =	simm.s32 @!p0 $0x7  }
0x26a: {  	_ =	swait.ge @!p0 [sflag:s11], $0x30  }
0x26b: {  	[sflag:s11] =	ssyncset.done @!p0 $0x0  }
0x26c: {  	s9 =	sadd.s32 @!p0 s6, s9;
	s18 =	simm.s32 @!p0 $0x200;
	[sflag:s11] =	ssyncadd.s32 @!p0 $0xFFFFFFD0  }
0x26d: {  	[tilespmem:s18], [sflag:$0x7] =	stream.linear.gather @!p0 [hbm4b:s9+s13], $0x30, $0x38;
	[tilespmem:$0x1D380] =	vst v63  }
0x26e: {  	_ =	swait.ge @!p0 [sflag:s11], $0x30  }
0x26f: {  	[sflag:s11] =	ssyncset.done @!p0 $0x0  }
0x270: {  	s9 =	simm.s32 @!p0 $0x30;
	[sflag:s11] =	ssyncadd.s32 @!p0 $0xFFFFFFD0;
	s11 =	simm.s32 @!p0 $0x1B00  }
0x271: {  	[tilespmem:s11], [sflag:$0x2] =	stream.indirect.gather @!p0 [hbm4b:s5+s9], $0x80, s16, s9, $0xb8;
	[tilespmem:$0x1D380] =	vst v63  }
0x272: {  	s11 =	simm.s32 @!p0 $0x6300  }
0x273: {  	[tilespmem:s11], [sflag:$0x5] =	stream.indirect.gather @!p0 [hbm4b:s5+s9], $0x80, s18, s9, $0xb8;
	[tilespmem:$0x1D380] =	vst v63  }
0x274: {  	s18 =	simm.s32 $0x3400  }
0x275: {  	s13 =	simm.s32 $0x7C00;
	v15 =	vld [tilespmem:s18+$0x80]  }
0x276: {  	v8 =	vld [tilespmem:s13+$0xC0]  }
0x277: {  	v18 =	vld [tilespmem:s18+$0x90]  }
0x278: {  	v10 =	vld [tilespmem:s13+$0xD0]  }
0x279: {  	v19 =	vld [tilespmem:s18+$0xA0]  }
0x27a: {  	v11 =	vld [tilespmem:s13+$0xE0]  }
0x27b: {  	v23 =	vld [tilespmem:s18+$0x0]  }
0x27c: {  	v9 =	vld [tilespmem:s18+$0xB0]  }
0x27d: {  	v12 =	vld [tilespmem:s13+$0xF0]  }
0x27e: {  	v13 =	vld [tilespmem:s13+$0xFFFFFF40]  }
0x27f: {  	v41 =	vld [tilespmem:s18+$0xFFFFFF80]  }
0x280: {  	v16 =	vld [tilespmem:s13+$0xFFFFFFC0];
	v8 =	vadd.f32 v8, v15;
	[tilespmem:$0x1FEB0] =	vst v23  }
0x281: {  	v26 =	vld [tilespmem:s18+$0xFFFFFF90]  }
0x282: {  	v10 =	vadd.f32 v10, v18;
	v14 =	vmul.f32 $2.000000030e-01, v8  }
0x283: {  	v20 =	vld [tilespmem:s13+$0x40]  }
0x284: {  	v17 =	vld [tilespmem:s18+$0xFFFFFF00];
	v8 =	vmax.f32 v8, v14;
	v14 =	vmul.f32 $2.000000030e-01, v10  }
0x285: {  	v22 =	vld [tilespmem:s13+$0xFFFFFF50]  }
0x286: {  	v10 =	vmax.f32 v10, v14;
	v14 =	vld [tilespmem:s18+$0xFFFFFF10];
	[tilespmem:$0x1FE90] =	vst v26  }
0x287: {  	v11 =	vadd.f32 v11, v19;
	v27 =	vld [tilespmem:s18+$0x10]  }
0x288: {  	v8 =	vmul.f32 v8, v4  }
0x289: {  	v21 =	vmul.f32 $2.000000030e-01, v11  }
0x28a: {  	v8 =	vadd.f32 $0.0e+00, v8;
	v10 =	vmul.f32 v10, v5  }
0x28b: {  	v12 =	vadd.f32 v12, v9;
	v11 =	vmax.f32 v11, v21  }
0x28c: {  	v8 =	vadd.f32 v10, v8;
	v10 =	vmul.f32 v11, v6;
	v11 =	vadd.f32 v16, v41;
	v16 =	vld [tilespmem:s13+$0xFFFFFFD0];
	[tilespmem:$0x1FEC0] =	vst v27  }
0x28d: {  	v21 =	vmul.f32 $2.000000030e-01, v12;
	v29 =	vld [tilespmem:s18+$0xFFFFFFA0];
	_ =	sdelay $0x1  }
0x28e: {  	v12 =	vmax.f32 v12, v21;
	v20 =	vadd.f32 v20, v23;
	v8 =	vadd.f32 v10, v8  }
0x28f: {  	v10 =	vmul.f32 v12, v7;
	v12 =	vadd.f32 v13, v17;
	v13 =	vmul.f32 $2.000000030e-01, v11;
	v23 =	vld [tilespmem:s13+$0x50]  }
0x290: {  	v21 =	vld [tilespmem:s18+$0xFFFFFF20]  }
0x291: {  	v24 =	vmul.f32 $2.000000030e-01, v20;
	v11 =	vmax.f32 v11, v13;
	v13 =	vld [tilespmem:s13+$0xFFFFFF60];
	[tilespmem:$0x1FEA0] =	vst v29  }
0x292: {  	v31 =	vld [tilespmem:s18+$0x20]  }
0x293: {  	v20 =	vmax.f32 v20, v24;
	v8 =	vadd.f32 v10, v8  }
0x294: {  	v20 =	vmul.f32 v20, v4  }
0x295: {  	v22 =	vadd.f32 v22, v14;
	v10 =	vmul.f32 $2.000000030e-01, v12;
	v25 =	vperm.xlane v8, v0  }
0x296: {  	v20 =	vadd.f32 $0.0e+00, v20;
	v11 =	vmul.f32 v11, v4;
	v16 =	vadd.f32 v16, v26  }
0x297: {  	v10 =	vmax.f32 v12, v10;
	v12 =	vmul.f32 $2.000000030e-01, v22;
	v8 =	vadd.f32 v8, v25;
	v26 =	vld [tilespmem:s13+$0xFFFFFFE0];
	[tilespmem:$0x1FED0] =	vst v31  }
0x298: {  	v10 =	vmul.f32 v10, v4;
	v24 =	vmul.f32 $2.000000030e-01, v16;
	v11 =	vadd.f32 $0.0e+00, v11;
	v25 =	vld [tilespmem:s13+$0x60]  }
0x299: {  	v12 =	vmax.f32 v22, v12;
	v23 =	vadd.f32 v23, v27;
	v27 =	vperm.xlane v8, v1;
	v58 =	vld [tilespmem:s18+$0x30]  }
0x29a: {  	v10 =	vadd.f32 $0.0e+00, v10;
	v13 =	vadd.f32 v13, v21;
	v16 =	vmax.f32 v16, v24;
	v22 =	vld [tilespmem:s18+$0xFFFFFF30]  }
0x29b: {  	v12 =	vmul.f32 v12, v5;
	v28 =	vmul.f32 $2.000000030e-01, v23;
	v8 =	vadd.f32 v8, v27;
	v24 =	vld [tilespmem:s13+$0xFFFFFF70]  }
0x29c: {  	v16 =	vmul.f32 v16, v5;
	v27 =	vmul.f32 $2.000000030e-01, v13;
	v26 =	vadd.f32 v26, v29;
	v42 =	vld [tilespmem:s18+$0xFFFFFFB0]  }
0x29d: {  	v10 =	vadd.f32 v12, v10;
	v23 =	vmax.f32 v23, v28;
	v28 =	vperm.xlane v8, v2;
	v29 =	vld [tilespmem:s13+$0xFFFFFFF0]  }
0x29e: {  	v23 =	vmul.f32 v23, v5;
	v13 =	vmax.f32 v13, v27;
	v12 =	vmul.f32 $2.000000030e-01, v26;
	[tilespmem:$0x1FEF0] =	vst v58  }
0x29f: {  	v11 =	vadd.f32 v16, v11;
	v13 =	vmul.f32 v13, v6;
	v8 =	vadd.f32 v8, v28;
	v30 =	vld [tilespmem:s13+$0x70]  }
0x2a0: {  	v20 =	vadd.f32 v23, v20;
	v12 =	vmax.f32 v26, v12;
	v25 =	vadd.f32 v25, v31  }
0x2a1: {  	v23 =	vperm.xlane v8, v3;
	v12 =	vmul.f32 v12, v6;
	v16 =	vadd.f32 v24, v22  }
0x2a2: {  	v10 =	vadd.f32 v13, v10;
	v26 =	vadd.f32 v29, v42;
	v24 =	vmul.f32 $2.000000030e-01, v25  }
0x2a3: {  	v8 =	vadd.f32 v8, v23;
	v11 =	vadd.f32 v12, v11;
	v27 =	vmul.f32 $2.000000030e-01, v16  }
0x2a4: {  	v24 =	vmax.f32 v25, v24;
	v25 =	vmul.f32 $2.000000030e-01, v26;
	v28 =	vadd.f32 v30, v58  }
0x2a5: {  	v8 =	vmul.f32 $1.442695020e+00, v8;
	v16 =	vmax.f32 v16, v27;
	v24 =	vmul.f32 v24, v6  }
0x2a6: {  	v12 =	vmul.f32 v16, v7;
	v13 =	vmax.f32 v26, v25;
	v25 =	vmul.f32 $2.000000030e-01, v28  }
0x2a7: {  	s19 =	simm.s32 $0x3600;
	(erf) = vpow2.f32 v8;
	v13 =	vmul.f32 v13, v7  }
0x2a8: {  	v27 =	vld [tilespmem:s19+$0x80];
	v16 =	vadd.f32 v24, v20;
	v10 =	vadd.f32 v12, v10;
	v20 =	vmax.f32 v28, v25  }
0x2a9: {  	v11 =	vadd.f32 v13, v11;
	v12 =	vmul.f32 v20, v7  }
0x2aa: {  	v13 =	vperm.xlane v10, v0  }
0x2ab: {  	v12 =	vadd.f32 v12, v16;
	v16 =	vperm.xlane v11, v0  }
0x2ac: {  	v10 =	vadd.f32 v10, v13  }
0x2ad: {  	s16 =	simm.s32 $0x7E00;
	[tilespmem:$0x1FEE0] =	vst v27;
	v8 =	vperm.xlane v12, v0;
	v11 =	vadd.f32 v11, v16  }
0x2ae: {  	v13 =	vperm.xlane v10, v1;
	v16 =	vld [tilespmem:s16+$0xC0]  }
0x2af: {  	v24 =	vld [tilespmem:s16+$0xD0];
	v12 =	vadd.f32 v12, v8;
	v20 =	vperm.xlane v11, v1  }
0x2b0: {  	v25 =	vld [tilespmem:s16+$0xE0];
	v13 =	vadd.f32 v10, v13  }
0x2b1: {  	v45 =	vpop (erf);
	v8 =	vld [tilespmem:s19+$0x90];
	v23 =	vperm.xlane v12, v1;
	v11 =	vadd.f32 v11, v20  }
0x2b2: {  	v9 =	vmul.f32 v45, v9;
	v10 =	vld [tilespmem:s19+$0xA0];
	v20 =	vperm.xlane v13, v2  }
0x2b3: {  	v16 =	vadd.f32 v16, v27;
	v27 =	vld [tilespmem:s16+$0xF0];
	v12 =	vadd.f32 v12, v23;
	v26 =	vperm.xlane v11, v2  }
0x2b4: {  	v23 =	vld [tilespmem:s19+$0xB0];
	v20 =	vadd.f32 v13, v20;
	[tilespmem:$0x1FE80] =	vst v9  }
0x2b5: {  	v9 =	vld [tilespmem:s16+$0xFFFFFF40];
	v13 =	vperm.xlane v12, v2;
	v11 =	vadd.f32 v11, v26  }
0x2b6: {  	v24 =	vadd.f32 v24, v8;
	v43 =	vld [tilespmem:s19+$0xFFFFFF00];
	v26 =	vmul.f32 $2.000000030e-01, v16;
	v29 =	vperm.xlane v20, v3  }
0x2b7: {  	v25 =	vadd.f32 v25, v10;
	v31 =	vld [tilespmem:s16+$0xFFFFFFC0];
	v28 =	vadd.f32 v12, v13;
	v30 =	vperm.xlane v11, v3  }
0x2b8: {  	v13 =	vld [tilespmem:s19+$0xFFFFFF80];
	v16 =	vmax.f32 v16, v26;
	v26 =	vmul.f32 $2.000000030e-01, v24;
	v29 =	vadd.f32 v20, v29  }
0x2b9: {  	v59 =	vld [tilespmem:s16+$0x40];
	v16 =	vmul.f32 v16, v4;
	v27 =	vadd.f32 v27, v23;
	v20 =	vperm.xlane v28, v3  }
0x2ba: {  	v12 =	vld [tilespmem:s19+$0x0];
	v24 =	vmax.f32 v24, v26;
	v26 =	vmul.f32 $2.000000030e-01, v25;
	v11 =	vadd.f32 v11, v30  }
0x2bb: {  	v44 =	vld [tilespmem:s19+$0xFFFFFF10];
	v9 =	vadd.f32 v9, v43;
	v16 =	vadd.f32 $0.0e+00, v16;
	v24 =	vmul.f32 v24, v5  }
0x2bc: {  	v30 =	vld [tilespmem:s16+$0xFFFFFF50];
	v25 =	vmax.f32 v25, v26;
	v26 =	vmul.f32 $2.000000030e-01, v27;
	v28 =	vadd.f32 v28, v20  }
0x2bd: {  	v47 =	vld [tilespmem:s16+$0x50];
	v31 =	vadd.f32 v31, v13;
	v16 =	vadd.f32 v24, v16  }
0x2be: {  	v46 =	vld [tilespmem:s19+$0xFFFFFF20];
	v24 =	vmul.f32 v25, v6;
	v25 =	vmax.f32 v27, v26;
	v26 =	vmul.f32 $1.442695020e+00, v29  }
0x2bf: {  	v20 =	vld [tilespmem:s19+$0xFFFFFF90];
	v29 =	vmul.f32 $1.442695020e+00, v11;
	v27 =	vadd.f32 v59, v12;
	v28 =	vmul.f32 $1.442695020e+00, v28  }
0x2c0: {  	v11 =	vld [tilespmem:s16+$0xFFFFFFD0];
	v24 =	vadd.f32 v24, v16;
	v25 =	vmul.f32 v25, v7;
	v60 =	vmul.f32 $2.000000030e-01, v31  }
0x2c1: {  	v16 =	vld [tilespmem:s19+$0x10];
	v48 =	vmul.f32 $2.000000030e-01, v27;
	(erf) = vpow2.f32 v26;
	v26 =	vadd.f32 v30, v44  }
0x2c2: {  	v50 =	vld [tilespmem:s16+$0xFFFFFFE0];
	v25 =	vadd.f32 v25, v24;
	v24 =	vmul.f32 $2.000000030e-01, v9;
	v30 =	vmax.f32 v31, v60  }
0x2c3: {  	v31 =	vld [tilespmem:s16+$0xFFFFFF60];
	v30 =	vmul.f32 v30, v4;
	v49 =	vmul.f32 $2.000000030e-01, v26  }
0x2c4: {  	v51 =	vld [tilespmem:s16+$0x60];
	v27 =	vmax.f32 v27, v48;
	v61 =	vperm.xlane v25, v0;
	v9 =	vmax.f32 v9, v24  }
0x2c5: {  	v24 =	vld [tilespmem:s19+$0xFFFFFFA0];
	v11 =	vadd.f32 v11, v20;
	v27 =	vmul.f32 v27, v4;
	v62 =	vmul.f32 v9, v4  }
0x2c6: {  	v53 =	vld [tilespmem:s16+$0xFFFFFF70];
	v26 =	vmax.f32 v26, v49;
	v36 =	vadd.f32 v47, v16;
	v25 =	vadd.f32 v25, v61  }
0x2c7: {  	v9 =	vld [tilespmem:s19+$0x20];
	v30 =	vadd.f32 $0.0e+00, v30;
	v63 =	vmul.f32 $2.000000030e-01, v11;
	v26 =	vmul.f32 v26, v5  }
0x2c8: {  	v47 =	vld [tilespmem:s19+$0xFFFFFF30];
	v38 =	vadd.f32 $0.0e+00, v27;
	v31 =	vadd.f32 v31, v46;
	v52 =	vperm.xlane v25, v1  }
0x2c9: {  	v39 =	vld [tilespmem:s16+$0xFFFFFFF0];
	v48 =	vadd.f32 $0.0e+00, v62;
	v37 =	vmul.f32 $2.000000030e-01, v36;
	v11 =	vmax.f32 v11, v63  }
0x2ca: {  	v27 =	vld [tilespmem:s19+$0xFFFFFFB0];
	v54 =	vmul.f32 $2.000000030e-01, v31;
	v50 =	vadd.f32 v50, v24;
	v25 =	vadd.f32 v25, v52  }
0x2cb: {  	v34 =	vmax.f32 v36, v37;
	v26 =	vadd.f32 v26, v48;
	v55 =	vmul.f32 v11, v5  }
0x2cc: {  	v60 =	vld [tilespmem:s16+$0x70];
	v51 =	vadd.f32 v51, v9;
	v34 =	vmul.f32 v34, v5;
	v40 =	vperm.xlane v25, v2  }
0x2cd: {  	v11 =	vld [tilespmem:s19+$0x30];
	v61 =	vadd.f32 v53, v47;
	v56 =	vmul.f32 $2.000000030e-01, v50;
	v31 =	vmax.f32 v31, v54  }
0x2ce: {  	v30 =	vadd.f32 v55, v30;
	v55 =	vmul.f32 v45, v15;
	v25 =	vadd.f32 v25, v40  }
0x2cf: {  	v48 =	vadd.f32 v39, v27;
	v62 =	vmul.f32 $2.000000030e-01, v51;
	v31 =	vmul.f32 v31, v6  }
0x2d0: {  	v32 =	vmul.f32 $2.000000030e-01, v61;
	v50 =	vmax.f32 v50, v56;
	v63 =	vperm.xlane v25, v3  }
0x2d1: {  	v33 =	vmul.f32 $2.000000030e-01, v48;
	v51 =	vmax.f32 v51, v62;
	v50 =	vmul.f32 v50, v6  }
0x2d2: {  	v54 =	vadd.f32 v60, v11;
	v49 =	vmax.f32 v61, v32;
	v25 =	vadd.f32 v25, v63  }
0x2d3: {  	v26 =	vadd.f32 v31, v26;
	v51 =	vmul.f32 v51, v6;
	v49 =	vmul.f32 v49, v7  }
0x2d4: {  	v34 =	vadd.f32 v34, v38;
	v35 =	vmul.f32 $2.000000030e-01, v54;
	v25 =	vmul.f32 $1.442695020e+00, v25  }
0x2d5: {  	s9 =	simm.s32 $0x8000;
	v31 =	vmax.f32 v48, v33;
	v30 =	vadd.f32 v50, v30;
	v26 =	vadd.f32 v49, v26  }
0x2d6: {  	s24 =	simm.s32 $0x3800;
	v37 =	vld [tilespmem:s9+$0xC0];
	v36 =	vmax.f32 v54, v35;
	(erf) = vpow2.f32 v25;
	v25 =	vmul.f32 v31, v7  }
0x2d7: {  	v15 =	vld [tilespmem:s24+$0xA0];
	v31 =	vadd.f32 v51, v34;
	v34 =	vmul.f32 v36, v7;
	(erf) = vpow2.f32 v29  }
0x2d8: {  	v38 =	vld [tilespmem:s9+$0xE0];
	v29 =	vpop (erf);
	v25 =	vadd.f32 v25, v30;
	(erf) = vpow2.f32 v28  }
0x2d9: {  	v50 =	vmul.f32 v29, v17;
	v17 =	vld [tilespmem:s24+$0x80];
	v28 =	vperm.xlane v26, v0;
	v30 =	vadd.f32 v34, v31  }
0x2da: {  	v48 =	vmul.f32 v45, v19;
	v51 =	vmul.f32 v29, v14;
	v14 =	vld [tilespmem:s24+$0x90]  }
0x2db: {  	v52 =	vmul.f32 v29, v21;
	v26 =	vadd.f32 v26, v28;
	v21 =	vperm.xlane v30, v0;
	v28 =	vld [tilespmem:s9+$0xD0]  }
0x2dc: {  	v49 =	vmul.f32 v45, v18;
	v54 =	vmul.f32 v29, v22  }
0x2dd: {  	v56 =	vadd.f32 v38, v15;
	v31 =	vperm.xlane v25, v0;
	v22 =	vperm.xlane v26, v1  }
0x2de: {  	v53 =	vnsel vm0, $0x0, v29;
	v29 =	vadd.f32 v30, v21;
	v30 =	vld [tilespmem:s24+$0xB0];
	v18 =	vadd.f32 v37, v17  }
0x2df: {  	v35 =	vmul.f32 $2.000000030e-01, v56;
	v25 =	vadd.f32 v25, v31;
	v22 =	vadd.f32 v26, v22;
	v26 =	vld [tilespmem:s9+$0xF0];
	v21 =	vpop (erf)  }
0x2e0: {  	v28 =	vadd.f32 v28, v14;
	v57 =	vmul.f32 v21, v23;
	v23 =	vmul.f32 $2.000000030e-01, v18  }
0x2e1: {  	v31 =	vperm.xlane v25, v1;
	v19 =	vperm.xlane v29, v1  }
0x2e2: {  	v39 =	vperm.xlane v22, v2;
	v60 =	vmul.f32 $2.000000030e-01, v28;
	v23 =	vmax.f32 v18, v23  }
0x2e3: {  	v59 =	vld [tilespmem:s9+$0xFFFFFFC0];
	v25 =	vadd.f32 v25, v31;
	v29 =	vadd.f32 v29, v19;
	v61 =	vmul.f32 v23, v4  }
0x2e4: {  	v19 =	vld [tilespmem:s24+$0xFFFFFF80];
	v22 =	vadd.f32 v22, v39;
	v28 =	vmax.f32 v28, v60;
	v63 =	vadd.f32 v26, v30  }
0x2e5: {  	v32 =	vld [tilespmem:s9+$0xFFFFFF40];
	v58 =	vperm.xlane v25, v2;
	v28 =	vmul.f32 v28, v5;
	v26 =	vadd.f32 $0.0e+00, v61  }
0x2e6: {  	v62 =	vld [tilespmem:s9+$0x40];
	v56 =	vmax.f32 v56, v35;
	v36 =	vperm.xlane v22, v3;
	v37 =	vmul.f32 $2.000000030e-01, v63  }
0x2e7: {  	v56 =	vmul.f32 v56, v6;
	v40 =	vperm.xlane v29, v2;
	v18 =	vld [tilespmem:s24+$0x0];
	v28 =	vadd.f32 v28, v26  }
0x2e8: {  	v23 =	vld [tilespmem:s24+$0xFFFFFF00];
	v58 =	vadd.f32 v25, v58;
	v61 =	vadd.f32 v22, v36;
	v22 =	vmax.f32 v63, v37  }
0x2e9: {  	v59 =	vadd.f32 v59, v19;
	v39 =	vmul.f32 v22, v7;
	v28 =	vadd.f32 v56, v28  }
0x2ea: {  	v38 =	vld [tilespmem:s9+$0xFFFFFF50];
	v29 =	vadd.f32 v29, v40;
	v31 =	vperm.xlane v58, v3  }
0x2eb: {  	v25 =	vld [tilespmem:s24+$0xFFFFFF10];
	v36 =	vmul.f32 $2.000000030e-01, v59;
	v56 =	vadd.f32 v39, v28  }
0x2ec: {  	v60 =	vld [tilespmem:s9+$0xFFFFFFD0];
	v40 =	vperm.xlane v29, v3;
	v62 =	vadd.f32 v62, v18;
	v58 =	vadd.f32 v58, v31  }
0x2ed: {  	v26 =	vld [tilespmem:s24+$0xFFFFFF90];
	v31 =	vadd.f32 v32, v23;
	v33 =	vmax.f32 v59, v36;
	v59 =	vperm.xlane v56, v0  }
0x2ee: {  	v34 =	vld [tilespmem:s9+$0x50];
	v63 =	vadd.f32 v29, v40;
	v29 =	vmul.f32 $1.442695020e+00, v61  }
0x2ef: {  	v22 =	vld [tilespmem:s24+$0x10];
	v61 =	vmul.f32 $2.000000030e-01, v62;
	v32 =	vmul.f32 $2.000000030e-01, v31;
	v56 =	vadd.f32 v56, v59  }
0x2f0: {  	v40 =	vld [tilespmem:s9+$0xFFFFFF60];
	v35 =	vadd.f32 v38, v25;
	(erf) = vpow2.f32 v29;
	v38 =	vmul.f32 v33, v4  }
0x2f1: {  	v28 =	vld [tilespmem:s24+$0xFFFFFF20];
	v37 =	vmax.f32 v62, v61;
	v29 =	vmax.f32 v31, v32;
	v62 =	vperm.xlane v56, v1  }
0x2f2: {  	v32 =	vadd.f32 v60, v26;
	v60 =	vmul.f32 v29, v4;
	v29 =	vld [tilespmem:s24+$0x20];
	v59 =	vmul.f32 $2.000000030e-01, v35  }
0x2f3: {  	v56 =	vadd.f32 v56, v62;
	v62 =	vadd.f32 $0.0e+00, v38;
	v38 =	vld [tilespmem:$0x1FE80];
	[tilespmem:s13+$0xFFFFFF40] =	vst v53  }
0x2f4: {  	v36 =	vmax.f32 v35, v59;
	v59 =	vld [tilespmem:s9+$0x60];
	[tilespmem:s13+$0xFFFFFF00] =	vst v50  }
0x2f5: {  	v61 =	vmul.f32 $2.000000030e-01, v32;
	[tilespmem:s13+$0xFFFFFF10] =	vst v51  }
0x2f6: {  	v33 =	vadd.f32 v34, v22;
	[tilespmem:s13+$0xFFFFFF20] =	vst v52  }
0x2f7: {  	v60 =	vadd.f32 $0.0e+00, v60;
	v40 =	vadd.f32 v40, v28;
	v36 =	vmul.f32 v36, v5;
	[tilespmem:s13+$0xFFFFFF30] =	vst v54  }
0x2f8: {  	v37 =	vmul.f32 v37, v4;
	v32 =	vmax.f32 v32, v61;
	v35 =	vmul.f32 $2.000000030e-01, v33;
	[tilespmem:s13+$0x80] =	vst v55  }
0x2f9: {  	v61 =	vpop (erf);
	[tilespmem:s16+$0xB0] =	vst v57;
	v53 =	vadd.f32 v36, v60;
	v60 =	vmul.f32 $2.000000030e-01, v40;
	v59 =	vadd.f32 v59, v29  }
0x2fa: {  	v39 =	vld [tilespmem:s9+$0xFFFFFFE0];
	v37 =	vadd.f32 $0.0e+00, v37;
	v33 =	vmax.f32 v33, v35;
	v41 =	vmul.f32 v61, v41;
	[tilespmem:s13+$0xB0] =	vst v38  }
0x2fb: {  	v33 =	vmul.f32 v33, v5;
	v40 =	vmax.f32 v40, v60;
	v60 =	vmul.f32 $2.000000030e-01, v59;
	v55 =	vld [tilespmem:$0x1FE90]  }
0x2fc: {  	v31 =	vld [tilespmem:s24+$0xFFFFFFA0];
	[tilespmem:s13+$0xFFFFFF80] =	vst v41  }
0x2fd: {  	v36 =	vperm.xlane v56, v2;
	v33 =	vadd.f32 v33, v37;
	v37 =	vmax.f32 v59, v60;
	v60 =	vld [tilespmem:$0x1FEA0];
	_ =	sdelay $0x1  }
0x2fe: {  	v34 =	vld [tilespmem:s24+$0xFFFFFF30];
	v32 =	vmul.f32 v32, v5;
	v51 =	vadd.f32 v56, v36  }
0x2ff: {  	v35 =	vld [tilespmem:s9+$0xFFFFFF70];
	v55 =	vmul.f32 v61, v55  }
0x300: {  	v52 =	vld [tilespmem:s9+$0xFFFFFFF0];
	v32 =	vadd.f32 v32, v62;
	v62 =	vperm.xlane v51, v3  }
0x301: {  	v39 =	vadd.f32 v39, v31;
	v38 =	vld [tilespmem:s24+$0xFFFFFFB0];
	v50 =	vmul.f32 v61, v60;
	[tilespmem:s13+$0xFFFFFF90] =	vst v55  }
0x302: {  	v42 =	vmul.f32 v61, v42;
	v51 =	vadd.f32 v51, v62;
	v62 =	vld [tilespmem:$0x1FEB0]  }
0x303: {  	v56 =	vmul.f32 $2.000000030e-01, v39;
	v57 =	vld [tilespmem:$0x1FEC0];
	[tilespmem:s13+$0xFFFFFFA0] =	vst v50  }
0x304: {  	v35 =	vadd.f32 v35, v34;
	[tilespmem:s13+$0xFFFFFFB0] =	vst v42  }
0x305: {  	v45 =	vnsel vm0, $0x0, v45;
	v40 =	vmul.f32 v40, v6;
	v39 =	vmax.f32 v39, v56;
	[tilespmem:s13+$0x90] =	vst v49  }
0x306: {  	v54 =	vld [tilespmem:s9+$0x70];
	v59 =	vmul.f32 $2.000000030e-01, v35;
	v52 =	vadd.f32 v52, v38;
	v55 =	vnsel vm0, $0x0, v61;
	[tilespmem:s13+$0xA0] =	vst v48  }
0x307: {  	v36 =	vld [tilespmem:s24+$0x30];
	v41 =	vpop (erf);
	v40 =	vadd.f32 v40, v53;
	v39 =	vmul.f32 v39, v6;
	v37 =	vmul.f32 v37, v6;
	[tilespmem:s13+$0xFFFFFFC0] =	vst v55  }
0x308: {  	v53 =	vmul.f32 $2.000000030e-01, v52;
	v42 =	vnsel vm0, $0x0, v41;
	[tilespmem:s13+$0xC0] =	vst v45;
	v56 =	vmul.f32 v41, v62  }
0x309: {  	v61 =	vmul.f32 $1.442695020e+00, v51;
	[tilespmem:s13+$0x40] =	vst v42;
	v57 =	vmul.f32 v41, v57  }
0x30a: {  	v60 =	vmul.f32 $1.442695020e+00, v63;
	v50 =	vmul.f32 $1.442695020e+00, v58;
	v63 =	vmax.f32 v52, v53;
	v62 =	vpop (erf);
	[tilespmem:s13+$0x0] =	vst v56  }
0x30b: {  	(erf) = vpow2.f32 v61;
	v53 =	vnsel vm0, $0x0, v62;
	v58 =	vmul.f32 v62, v44;
	[tilespmem:s13+$0x10] =	vst v57  }
0x30c: {  	v54 =	vadd.f32 v54, v36;
	(erf) = vpow2.f32 v50;
	v57 =	vmul.f32 v62, v43;
	[tilespmem:s16+$0xFFFFFF40] =	vst v53  }
0x30d: {  	(erf) = vpow2.f32 v60;
	v60 =	vmul.f32 v62, v46;
	[tilespmem:s16+$0xFFFFFF10] =	vst v58  }
0x30e: {  	v35 =	vmax.f32 v35, v59;
	v52 =	vmul.f32 $2.000000030e-01, v54;
	[tilespmem:s16+$0xFFFFFF00] =	vst v57  }
0x30f: {  	v32 =	vadd.f32 v39, v32;
	v33 =	vadd.f32 v37, v33;
	v35 =	vmul.f32 v35, v7;
	v61 =	vld [tilespmem:$0x1FED0];
	[tilespmem:s16+$0xFFFFFF20] =	vst v60  }
0x310: {  	v55 =	vmul.f32 v63, v7;
	v37 =	vmax.f32 v54, v52;
	v44 =	vmul.f32 v62, v47;
	v62 =	vld [tilespmem:$0x1FEE0]  }
0x311: {  	v35 =	vadd.f32 v35, v40;
	v37 =	vmul.f32 v37, v7;
	v63 =	vld [tilespmem:$0x1FEF0]  }
0x312: {  	v32 =	vadd.f32 v55, v32  }
0x313: {  	v59 =	vperm.xlane v35, v0;
	v42 =	vadd.f32 v37, v33  }
0x314: {  	v48 =	vperm.xlane v32, v0;
	v37 =	vnsel vm0, $0x0, v21  }
0x315: {  	v43 =	vadd.f32 v35, v59;
	v46 =	vperm.xlane v42, v0;
	v45 =	vmul.f32 v41, v61  }
0x316: {  	s11 =	simm.s32 $0x8;
	s18 =	simm.s32 $0x8000;
	s19 =	simm.s32 $0x3A00;
	v40 =	vadd.f32 v32, v48;
	v39 =	vmul.f32 v21, v62;
	v33 =	vmul.f32 v41, v63  }
.LBB2_7:
0x317: {  	v35 =	vld [tilespmem:s19+$0x80];
	v41 =	vperm.xlane v43, v1;
	v42 =	vadd.f32 v42, v46;
	s9 =	sadd.s32 $0x200, s9;
	[tilespmem:s16+$0xFFFFFF30] =	vst v44;
	v44 =	vmul.f32 v21, v8  }
0x318: {  	s11 =	sadd.s32 $0x4, s11;
	v47 =	vmul.f32 v21, v10;
	v32 =	vmov v17;
	v8 =	vld [tilespmem:s9+$0xC0];
	v46 =	vperm.xlane v40, v1;
	v21 =	vpop (erf);
	[tilespmem:s13+$0x20] =	vst v45  }
0x319: {  	p0 =	slt.u32 s11, $0x2C;
	v10 =	vld [tilespmem:s19+$0x90];
	v41 =	vadd.f32 v43, v41;
	v50 =	vperm.xlane v42, v1;
	v30 =	vmul.f32 v21, v30;
	v43 =	vpop (erf);
	[tilespmem:s13+$0x30] =	vst v33;
	s13 =	smov.u32 s16;
	s16 =	smov.u32 s18  }
0x31a: {  	s18 =	smov.u32 s9;
	v45 =	vld [tilespmem:s9+$0xD0];
	v40 =	vadd.f32 v40, v46;
	v13 =	vmul.f32 v43, v13;
	v20 =	vmul.f32 v43, v20;
	[tilespmem:s13+$0x80] =	vst v39;
	v33 =	vpop (erf)  }
0x31b: {  	v24 =	vmul.f32 v43, v24;
	v39 =	vld [tilespmem:s19+$0xA0];
	v46 =	vperm.xlane v41, v2;
	v42 =	vadd.f32 v42, v50;
	[tilespmem:s16+$0xB0] =	vst v30  }
0x31c: {  	v48 =	vld [tilespmem:s9+$0xE0];
	v49 =	vperm.xlane v40, v2;
	[tilespmem:s13+$0xFFFFFF80] =	vst v13;
	v13 =	vmul.f32 v43, v27;
	v27 =	vnsel vm0, $0x0, v43;
	v17 =	vmovc v35  }
0x31d: {  	v30 =	vld [tilespmem:s19+$0xB0];
	v35 =	vadd.f32 v8, v17;
	v41 =	vadd.f32 v41, v46;
	v46 =	vperm.xlane v42, v2;
	[tilespmem:s13+$0xFFFFFF90] =	vst v20  }
0x31e: {  	v12 =	vmul.f32 v33, v12;
	v16 =	vmul.f32 v33, v16;
	v20 =	vld [tilespmem:s9+$0xF0];
	v40 =	vadd.f32 v40, v49;
	[tilespmem:s13+$0xFFFFFFA0] =	vst v24  }
0x31f: {  	v8 =	vmovc v14;
	v24 =	vld [tilespmem:s9+$0xFFFFFF40];
	v43 =	vmul.f32 $2.000000030e-01, v35;
	v45 =	vadd.f32 v45, v10;
	v42 =	vadd.f32 v42, v46;
	[tilespmem:s13+$0xFFFFFFB0] =	vst v13  }
0x320: {  	v14 =	vmovc v10;
	v13 =	vperm.xlane v41, v3;
	v46 =	vld [tilespmem:s19+$0xFFFFFF80];
	v49 =	vperm.xlane v40, v3;
	[tilespmem:s13+$0x0] =	vst v12;
	v12 =	vnsel vm0, $0x0, v33  }
0x321: {  	v10 =	vmovc v15;
	v50 =	vld [tilespmem:s9+$0xFFFFFFC0];
	v35 =	vmax.f32 v35, v43;
	v43 =	vmul.f32 $2.000000030e-01, v45;
	v48 =	vadd.f32 v48, v39;
	[tilespmem:s13+$0x10] =	vst v16  }
0x322: {  	v41 =	vadd.f32 v41, v13;
	v52 =	vperm.xlane v42, v3;
	v16 =	vld [tilespmem:s19+$0x0];
	v51 =	vmul.f32 v35, v4;
	[tilespmem:s13+$0x90] =	vst v44  }
0x323: {  	v15 =	vmovc v39;
	v44 =	vld [tilespmem:s9+$0x40];
	v53 =	vmax.f32 v45, v43;
	v43 =	vmul.f32 $2.000000030e-01, v48;
	v20 =	vadd.f32 v20, v30;
	[tilespmem:s13+$0xA0] =	vst v47  }
0x324: {  	v40 =	vadd.f32 v40, v49;
	v13 =	vmovc v19;
	v35 =	vld [tilespmem:s19+$0xFFFFFF00];
	v45 =	vadd.f32 $0.0e+00, v51;
	v47 =	vmul.f32 v53, v5;
	[tilespmem:s13+$0xFFFFFFC0] =	vst v27  }
0x325: {  	v42 =	vadd.f32 v42, v52;
	v39 =	vld [tilespmem:s19+$0xFFFFFF10];
	v27 =	vmax.f32 v48, v43;
	v43 =	vmul.f32 $2.000000030e-01, v20;
	[tilespmem:s13+$0x40] =	vst v12;
	v19 =	vmovc v46  }
0x326: {  	v46 =	vld [tilespmem:s9+$0xFFFFFF50];
	v48 =	vadd.f32 v50, v19;
	v45 =	vadd.f32 v47, v45;
	v27 =	vmul.f32 v27, v6;
	[tilespmem:s13+$0xC0] =	vst v37  }
0x327: {  	v41 =	vmul.f32 $1.442695020e+00, v41;
	v12 =	vmovc v18;
	v37 =	vld [tilespmem:s19+$0xFFFFFF90];
	v49 =	vmax.f32 v20, v43;
	v43 =	vmul.f32 $1.442695020e+00, v40;
	v18 =	vmovc v16  }
0x328: {  	v20 =	vmovc v26;
	v47 =	vld [tilespmem:s9+$0xFFFFFFD0];
	v44 =	vadd.f32 v44, v18;
	v52 =	vadd.f32 v27, v45;
	v51 =	vmul.f32 v49, v7  }
0x329: {  	v42 =	vmul.f32 $1.442695020e+00, v42;
	v16 =	vmovc v22;
	v53 =	vmul.f32 $2.000000030e-01, v48;
	v45 =	vadd.f32 v24, v35;
	v22 =	vld [tilespmem:s19+$0x10];
	v24 =	vmovc v31  }
0x32a: {  	v40 =	vmovc v9;
	v9 =	vmovc v29;
	v49 =	vld [tilespmem:s9+$0x50];
	v31 =	vmul.f32 $2.000000030e-01, v44;
	v50 =	vadd.f32 v51, v52;
	(erf) = vpow2.f32 v41  }
0x32b: {  	v52 =	vmax.f32 v48, v53;
	v48 =	vmovc v34;
	v27 =	vmovc v38;
	v41 =	vld [tilespmem:s19+$0xFFFFFF20];
	v29 =	vmul.f32 $2.000000030e-01, v45;
	v46 =	vadd.f32 v46, v39  }
0x32c: {  	v34 =	vmul.f32 v52, v4;
	v38 =	vld [tilespmem:s9+$0xFFFFFF60];
	v44 =	vmax.f32 v44, v31;
	v51 =	vperm.xlane v50, v0;
	v26 =	vmovc v37  }
0x32d: {  	v29 =	vmax.f32 v45, v29;
	v37 =	vmul.f32 $2.000000030e-01, v46;
	v31 =	vld [tilespmem:s19+$0xFFFFFFA0];
	v45 =	vadd.f32 v47, v26;
	v47 =	vmovc v11;
	v11 =	vmovc v36  }
0x32e: {  	v44 =	vmul.f32 v44, v4;
	v36 =	vmul.f32 v29, v4;
	v52 =	vld [tilespmem:s9+$0xFFFFFFE0];
	v50 =	vadd.f32 v50, v51  }
0x32f: {  	v37 =	vmax.f32 v46, v37;
	v46 =	vmul.f32 $2.000000030e-01, v45;
	v29 =	vld [tilespmem:s19+$0x20];
	v49 =	vadd.f32 v49, v22  }
0x330: {  	v51 =	vadd.f32 $0.0e+00, v34;
	v36 =	vadd.f32 $0.0e+00, v36;
	v53 =	vld [tilespmem:s9+$0x60];
	v54 =	vperm.xlane v50, v1  }
0x331: {  	v34 =	vld [tilespmem:s19+$0xFFFFFF30];
	v55 =	vadd.f32 v38, v41;
	v45 =	vmax.f32 v45, v46;
	v46 =	vmul.f32 $2.000000030e-01, v49  }
0x332: {  	v44 =	vadd.f32 $0.0e+00, v44;
	v37 =	vmul.f32 v37, v5;
	v56 =	vld [tilespmem:s9+$0xFFFFFF70];
	v50 =	vadd.f32 v50, v54  }
0x333: {  	v54 =	vmul.f32 $2.000000030e-01, v55;
	v38 =	vld [tilespmem:s19+$0xFFFFFFB0];
	v52 =	vadd.f32 v52, v31;
	v46 =	vmax.f32 v49, v46;
	v49 =	vpop (erf)  }
0x334: {  	v37 =	vadd.f32 v37, v36;
	v45 =	vmul.f32 v45, v5;
	v57 =	vld [tilespmem:s9+$0xFFFFFFF0];
	v58 =	vperm.xlane v50, v2  }
0x335: {  	v46 =	vmul.f32 v46, v5;
	v59 =	vmul.f32 $2.000000030e-01, v52;
	v36 =	vld [tilespmem:s19+$0x30];
	v53 =	vadd.f32 v53, v29  }
0x336: {  	v45 =	vadd.f32 v45, v51;
	v54 =	vmax.f32 v55, v54;
	v51 =	vld [tilespmem:s9+$0x70];
	v50 =	vadd.f32 v50, v58  }
0x337: {  	v55 =	vadd.f32 v56, v34;
	v52 =	vmax.f32 v52, v59;
	v56 =	vmul.f32 $2.000000030e-01, v53  }
0x338: {  	v54 =	vmul.f32 v54, v6;
	v44 =	vadd.f32 v46, v44;
	v46 =	vperm.xlane v50, v3  }
0x339: {  	v58 =	vmul.f32 $2.000000030e-01, v55;
	v57 =	vadd.f32 v57, v38;
	v53 =	vmax.f32 v53, v56  }
0x33a: {  	v52 =	vmul.f32 v52, v6;
	v53 =	vmul.f32 v53, v6;
	v46 =	vadd.f32 v50, v46  }
0x33b: {  	v50 =	vmax.f32 v55, v58;
	v55 =	vmul.f32 $2.000000030e-01, v57;
	v51 =	vadd.f32 v51, v36  }
0x33c: {  	v37 =	vadd.f32 v54, v37;
	v45 =	vadd.f32 v52, v45;
	v46 =	vmul.f32 $1.442695020e+00, v46  }
0x33d: {  	v44 =	vadd.f32 v53, v44;
	v52 =	vmax.f32 v57, v55;
	v53 =	vmul.f32 $2.000000030e-01, v51  }
0x33e: {  	v50 =	vmul.f32 v50, v7;
	(erf) = vpow2.f32 v46;
	v46 =	vnsel vm0, $0x0, v49  }
0x33f: {  	v52 =	vmul.f32 v52, v7;
	v51 =	vmax.f32 v51, v53;
	[tilespmem:s16+$0xFFFFFF40] =	vst v46;
	(erf) = vpow2.f32 v43  }
0x340: {  	v43 =	vadd.f32 v50, v37;
	v37 =	vmul.f32 v51, v7;
	(erf) = vpow2.f32 v42  }
.Ltmp2:
0x341: {  	v50 =	vadd.f32 v52, v45;
	v45 =	vmul.f32 v49, v23;
	v51 =	vmul.f32 v49, v25;
	v23 =	vmovc v35;
	(pc) =	sbr.rel @p0 .LBB2_7-.Ltmp2, $4  }
0x342: {  	v52 =	vmul.f32 v49, v28;
	v25 =	vmovc v39;
	v35 =	vperm.xlane v43, v0;
	v42 =	vadd.f32 v37, v44  }
0x343: {  	v28 =	vmovc v41;
	v39 =	vperm.xlane v50, v0;
	v44 =	vmul.f32 v49, v48;
	v37 =	vnsel vm0, $0x0, v21;
	[tilespmem:s16+$0xFFFFFF00] =	vst v45  }
0x344: {  	v43 =	vadd.f32 v43, v35;
	v45 =	vmul.f32 v33, v40;
	v46 =	vperm.xlane v42, v0;
	[tilespmem:s16+$0xFFFFFF10] =	vst v51  }
0x345: {  	s19 =	sadd.s32 $0x200, s19;
	v33 =	vmul.f32 v33, v47;
	v40 =	vadd.f32 v50, v39;
	v39 =	vmul.f32 v21, v32;
	[tilespmem:s16+$0xFFFFFF20] =	vst v52  }
0x346: {  	v32 =	vperm.xlane v43, v1;
	_ =	sdelay $0x1  }
0x347: {  	v32 =	vadd.f32 v43, v32;
	_ =	sdelay $0x1  }
0x348: {  	v35 =	vperm.xlane v32, v2;
	_ =	sdelay $0x1  }
0x349: {  	v32 =	vadd.f32 v32, v35  }
0x34a: {  	[tilespmem:s16+$0xFFFFFF30] =	vst v44;
	v54 =	vperm.xlane v40, v1  }
0x34b: {  	v41 =	vadd.f32 v42, v46;
	[tilespmem:s13+$0x20] =	vst v45;
	v55 =	vperm.xlane v32, v3  }
0x34c: {  	[tilespmem:s16+$0xC0] =	vst v37;
	v35 =	vadd.f32 v40, v54  }
0x34d: {  	v8 =	vmul.f32 v21, v8;
	[tilespmem:s13+$0x30] =	vst v33;
	v56 =	vperm.xlane v41, v1;
	v32 =	vadd.f32 v32, v55  }
0x34e: {  	v10 =	vmul.f32 v21, v10;
	[tilespmem:s16+$0x80] =	vst v39;
	v43 =	vpop (erf);
	v58 =	vperm.xlane v35, v2  }
0x34f: {  	[tilespmem:s16+$0x90] =	vst v8;
	v30 =	vmul.f32 v43, v30;
	v59 =	vadd.f32 v41, v56;
	v32 =	vmul.f32 $1.442695020e+00, v32  }
0x350: {  	[tilespmem:s16+$0xA0] =	vst v10;
	v57 =	vpop (erf);
	v52 =	vmul.f32 v43, v17;
	v60 =	vadd.f32 v35, v58  }
0x351: {  	v8 =	vnsel vm0, $0x0, v57;
	[tilespmem:s18+$0xB0] =	vst v30;
	v63 =	vperm.xlane v59, v2;
	(erf) = vpow2.f32 v32  }
0x352: {  	v13 =	vmul.f32 v57, v13;
	[tilespmem:s16+$0xFFFFFFC0] =	vst v8;
	v35 =	vperm.xlane v60, v3  }
0x353: {  	v20 =	vmul.f32 v57, v20;
	[tilespmem:s18+$0x80] =	vst v52;
	v40 =	vadd.f32 v59, v63  }
0x354: {  	v24 =	vmul.f32 v57, v24;
	[tilespmem:s16+$0xFFFFFF80] =	vst v13;
	v41 =	vadd.f32 v60, v35  }
0x355: {  	v61 =	vmul.f32 v57, v27;
	[tilespmem:s16+$0xFFFFFF90] =	vst v20;
	v42 =	vperm.xlane v40, v3  }
0x356: {  	v62 =	vpop (erf);
	[tilespmem:s16+$0xFFFFFFA0] =	vst v24;
	v13 =	vmul.f32 $1.442695020e+00, v41  }
0x357: {  	v12 =	vmul.f32 v62, v12;
	v46 =	vnsel vm0, $0x0, v62;
	[tilespmem:s16+$0xFFFFFFB0] =	vst v61;
	v45 =	vadd.f32 v40, v42  }
0x358: {  	v16 =	vmul.f32 v62, v16;
	[tilespmem:s16+$0x40] =	vst v46;
	(erf) = vpow2.f32 v13  }
0x359: {  	v51 =	vmul.f32 v62, v11;
	[tilespmem:s16+$0x0] =	vst v12;
	v8 =	vmul.f32 $1.442695020e+00, v45  }
0x35a: {  	v61 =	vmul.f32 v43, v15;
	[tilespmem:s16+$0x10] =	vst v16;
	v47 =	vpop (erf)  }
0x35b: {  	[tilespmem:s16+$0x30] =	vst v51;
	(erf) = vpow2.f32 v8;
	v8 =	vmul.f32 v47, v25  }
0x35c: {  	[tilespmem:s18+$0xA0] =	vst v61;
	v60 =	vmul.f32 v43, v14  }
0x35d: {  	[tilespmem:s18+$0xFFFFFF10] =	vst v8;
	v8 =	vmul.f32 v62, v9  }
0x35e: {  	[tilespmem:s18+$0x90] =	vst v60;
	v48 =	vnsel vm0, $0x0, v47;
	v49 =	vmul.f32 v47, v23  }
0x35f: {  	[tilespmem:s18+$0xFFFFFF40] =	vst v48  }
0x360: {  	v50 =	vmul.f32 v47, v28;
	[tilespmem:s18+$0xFFFFFF00] =	vst v49  }
0x361: {  	v10 =	vmul.f32 v47, v34;
	[tilespmem:s16+$0x20] =	vst v8;
	v8 =	vpop (erf)  }
0x362: {  	[tilespmem:s18+$0xFFFFFF20] =	vst v50;
	v53 =	vmul.f32 v8, v19;
	v54 =	vmul.f32 v8, v26  }
0x363: {  	[tilespmem:s18+$0xFFFFFF30] =	vst v10;
	v55 =	vmul.f32 v8, v31;
	v57 =	vmul.f32 v8, v38;
	v8 =	vnsel vm0, $0x0, v8  }
0x364: {  	[tilespmem:s18+$0xFFFFFFC0] =	vst v8  }
0x365: {  	[tilespmem:s18+$0xFFFFFF80] =	vst v53  }
0x366: {  	[tilespmem:s18+$0xFFFFFF90] =	vst v54  }
0x367: {  	[tilespmem:s18+$0xFFFFFFA0] =	vst v55  }
0x368: {  	v56 =	vpop (erf);
	v8 =	vnsel vm0, $0x0, v43;
	[tilespmem:s18+$0xFFFFFFB0] =	vst v57  }
0x369: {  	v58 =	vmul.f32 v56, v18;
	v62 =	vnsel vm0, $0x0, v56;
	[tilespmem:s18+$0xC0] =	vst v8  }
0x36a: {  	v59 =	vmul.f32 v56, v22;
	[tilespmem:s18+$0x40] =	vst v62  }
0x36b: {  	v63 =	vmul.f32 v56, v29;
	[tilespmem:s18+$0x0] =	vst v58  }
0x36c: {  	s12 =	sadd.s32 $0x1, s12;
	v8 =	vmul.f32 v56, v36;
	[tilespmem:s18+$0x10] =	vst v59  }
0x36d: {  	p0 =	sne.s32 s12, $0x48;
	[tilespmem:s18+$0x20] =	vst v63  }
.Ltmp3:
0x36e: {  	[tilespmem:s18+$0x30] =	vst v8;
	(pc) =	sbr.rel @p0 .LBB2_2-.Ltmp3, $4  }
0x36f: {  	[spmem:s2] =	stream.indirect.scatter.add.f32 [tilespmem:s29], [sflag:$0x7], $0x80, s21, s23, $0xb8;
	[tilespmem:$0x1D380] =	vst v63  }
0x370: {  	_ =	swait.ge [sflag:s20], $0x1800  }
0x371: {  	[sflag:s20] =	ssyncset.done $0x0  }
0x372: {  	[sflag:s20] =	ssyncadd.s32 $0xFFFFE800  }
0x373: {  	[bflag:$0x0] =	sbarrier.arrive $0xFFFF  }
0x374: {  	s11 =	rddreg [dreg:$0x6]  }
0x375: {  	s9 =	rddreg [dreg:$0xb]  }
0x376: {  	s12 =	rddreg [dreg:$0xd]  }
0x377: {  	[hbm:s9], [sflag:s11] =	dma.local [spmem:s12], $0x2800  }
0x378: {  	_ =	swait.ge [sflag:s20], $0x2800  }
0x379: {  	s13 =	rddreg [dreg:$0xe]  }
0x37a: {  	s24 =	rddreg [dreg:$0xc];
	s13 =	sadd.s32 $0x1, s13  }
0x37b: {  	p0 =	sne.s32 s13, s24  }
.Ltmp4:
0x37c: {  	_ = 	snop;
	(pc) =	sbr.rel @p0 .LBB2_1-.Ltmp4, $3  }
0x37d: {  	_ =	sdelay $0x1  }
0x37e: {  	[sflag:s20] =	ssyncset.done $0x0  }
0x37f: {  	[sflag:s20] =	ssyncadd.s32 $0xFFFFD800  }
0x380: {  	_ =	sfence.sel $0x180000  }
0x381: {  	[bflag:$0x0] =	sbarrier.arrive $0xFFFF  }
0x382: {  	_ =	strace $0x9000004A  }
0x383: {  	s0 =	stileid.u32;
	[bflag:$0x2] =	sbarrier.arrive $0xFFFF  }
0x384: {  	p0 =	sne.s32 s0, $0x0;
	s0 =	rddreg [dreg:$0x3]  }
0x385: {  	s0 =	sadd.s32 @!p0 $0x100000, s0  }
0x386: {  	[sflag:s0] =	ssyncadd.tile.s32 @!p0 $0x1;
	_ =	shalt  }
.Lfunc_end2:
_tile_overlayer_lowered:
.L_overlay_start_2:
0x387: {  	(tag) =	ssettag $0x2  }
0x388: {  	s0 =	rddreg [dreg:$0x0];
	s2 =	stileid.u32  }
0x389: {  	s1 =	rddreg [dreg:$0x1];
	p0 =	sne.s32 s2, $0x0  }
0x38a: {  	s3 =	rddreg [dreg:$0x2];
	[bflag:$0x3] =	sbarrier.arrive $0xFFFF;
	s2 =	simm.s32 @!p0 $0x1C07  }
0x38b: {  	[timem:s3], [sflag:s2] =	dma.local @!p0 [hbm:s0], s1  }
0x38c: {  	s0 =	simm.s32 @!p0 $0x7  }
0x38d: {  	_ =	swait.ge @!p0 [sflag:s0], s1  }
0x38e: {  	s1 =	ssub.s32 @!p0 $0x0, s1;
	[sflag:s0] =	ssyncset.done @!p0 $0x0  }
0x38f: {  	[sflag:s0] =	ssyncadd.s32 @!p0 s1  }
0x390: {  	[bflag:$0x3] =	sbarrier.arrive $0xFFFF  }
0x391: {  	_ =	shalt  }

// kernel: kernel.7.cloned.1.call-start
scs
__scs_entry_jumppad:
0x0: {  	(pc) =	sbr.rel $0x88, $3  }
0x1: {  	(tag) =	ssettag $0x0;
	lr =	simm.s32 $0x1  }
0x2: {  	[smem:$0x3F91] =	sst lr;
	_ =	strace $0xD0000000  }
0x3: {  	_ = 	snop  }
0x4: {  	_ = 	snop  }
0x5: {  	_ = 	snop  }
0x6: {  	_ = 	snop  }
0x7: {  	_ = 	snop  }
__scs_overlays_trampoline_lowered:
0x8: {  	[smem:$0x3FA0] =	sst s0  }
0x9: {  	[smem:$0x3FA1] =	sst s1  }
0xa: {  	[smem:$0x3FA2] =	sst s2  }
0xb: {  	[smem:$0x3FA3] =	sst s3  }
0xc: {  	[smem:$0x3FA4] =	sst s4  }
0xd: {  	[smem:$0x3FA5] =	sst s5  }
0xe: {  	[smem:$0x3FA6] =	sst s6  }
0xf: {  	[smem:$0x3FA7] =	sst s7  }
0x10: {  	[smem:$0x3FA8] =	sst s8  }
0x11: {  	[smem:$0x3FA9] =	sst s9;
	s0 =	simm.s32 @!p0 $0x0  }
0x12: {  	s1 =	sld [smem:$0x3F8F];
	s0 =	simm.s32 @p0 $0x1  }
0x13: {  	[smem:$0x3FAA] =	sst s0;
	s0 =	simm.s32 @!p1 $0x0  }
0x14: {  	s2 =	sld [smem:$0x3F8E];
	s0 =	simm.s32 @p1 $0x1  }
0x15: {  	[smem:$0x3FAB] =	sst s0;
	s0 =	simm.s32 @!p2 $0x0  }
0x16: {  	s3 =	sld [smem:$0x3FDB];
	s0 =	simm.s32 @p2 $0x1  }
0x17: {  	s4 =	simm.s32 $0x1BF5;
	[smem:$0x3FAD] =	sst s0  }
0x18: {  	s0 =	sld [smem:$0x3F90];
	_ =	swait.ge [sflag:s4], $0x0  }
0x19: {  	s7 =	sld [smem:$0x3F91]  }
0x1a: {  	s8 =	sadd.s32 $0xFFFFE003, lr  }
0x1b: {  	s9 =	sadd.s32 $0xFFFFFEF7, lr;
	s5 =	simm.s32 $0xFFFFFFFF;
	p2 =	slt.u32 s8, $0xFFFFF086  }
0x1c: {  	p1 =	slt.u32 s9, $0xF7A;
	s5 =	simm.s32 @!p2 $0x0  }
0x1d: {  	s5 =	simm.s32 @p1 $0x1;
	p0 =	seq.s32 s7, s2  }
0x1e: {  	s7 =	smul.u32 @!p0 $0xF7A, s2;
	p2 =	seq.s32 @!p0 s5, $0x0  }
0x1f: {  	s9 =	smul.u32 $0xF7A, s1;
	s8 =	simm.s32 @!p0 $0x1BF5;
	p2 =	por !p2, p0  }
0x20: {  	[sflag:s8] =	ssyncset.s32 @!p0 $0xFFFFF086;
	s6 =	sadd.s32 @!p0 s3, s7;
	s7 =	simm.s32 @!p0 $0x108  }
0x21: {  	s3 =	sadd.s32 s3, s9;
	s6 =	sadd.s32 @!p0 $0x88, s6;
	s7 =	simm.s32 @p2 $0x1082  }
0x22: {  	[simem:s7], [sflag:s8] =	dma.local @!p0 [hbm:s6], $0xF7A  }
0x23: {  	s9 =	sor.u32 $0xD0000000, s2;
	s6 =	simm.s32 $0x108;
	_ =	swait.ge @!p0 [sflag:s8], $0x0  }
0x24: {  	s3 =	sadd.s32 $0x88, s3;
	s6 =	simm.s32 @!p1 $0x1082;
	[sflag:s4] =	ssyncset.s32 $0xFFFFF086  }
0x25: {  	[simem:s6], [sflag:s4] =	dma.local [hbm:s3], $0xF7A  }
0x26: {  	[smem:$0x3F91] =	sst s1;
	(tag) =	ssettag s2;
	_ =	strace s9  }
0x27: {  	s1 =	sld [smem:$0x3FA1]  }
0x28: {  	s2 =	sld [smem:$0x3FA2]  }
0x29: {  	s4 =	sld [smem:$0x3FA4]  }
0x2a: {  	p0 =	seq.s32 s5, $0x0;
	s5 =	sld [smem:$0x3FA5]  }
0x2b: {  	s6 =	sld [smem:$0x3FA6]  }
0x2c: {  	s7 =	sld [smem:$0x3FA7]  }
0x2d: {  	s3 =	simm.s32 $0x108;
	s8 =	sld [smem:$0x3FA8]  }
0x2e: {  	s3 =	simm.s32 @!p0 $0x1082;
	s9 =	sld [smem:$0x3FA9]  }
0x2f: {  	lr =	sadd.s32 s0, s3;
	s0 =	sld [smem:$0x3FA0]  }
0x30: {  	s3 =	sld [smem:$0x3FA3]  }
0x31: {  	[smem:$0x3FAC] =	sst s10  }
0x32: {  	s10 =	sld [smem:$0x3FAA];
	_ =	sdelay $0x3  }
0x33: {  	p0 =	seq.s32 s10, $0x1;
	s10 =	sld [smem:$0x3FAC];
	_ =	sdelay $0x3  }
0x34: {  	[smem:$0x3FAC] =	sst s10  }
0x35: {  	s10 =	sld [smem:$0x3FAB];
	_ =	sdelay $0x3  }
0x36: {  	p1 =	seq.s32 s10, $0x1;
	s10 =	sld [smem:$0x3FAC];
	_ =	sdelay $0x3  }
0x37: {  	[smem:$0x3FAC] =	sst s10  }
0x38: {  	s10 =	sld [smem:$0x3FAD]  }
0x39: {  	_ = 	snop;
	(pc) =	sbr.ind lr, $3  }
0x3a: {  	_ = 	snop  }
0x3b: {  	_ = 	snop  }
0x3c: {  	p2 =	seq.s32 s10, $0x1;
	s10 =	sld [smem:$0x3FAC]  }
0x3d: {  	_ =	shalt  }
0x3e: {  	_ =	shalt  }
0x3f: {  	_ =	shalt  }
0x40: {  	_ =	shalt  }
0x41: {  	_ =	shalt  }
0x42: {  	_ =	shalt  }
0x43: {  	_ =	shalt  }
0x44: {  	_ =	shalt  }
0x45: {  	_ =	shalt  }
0x46: {  	_ =	shalt  }
0x47: {  	_ =	shalt  }
0x48: {  	_ =	shalt  }
0x49: {  	_ =	shalt  }
0x4a: {  	_ =	shalt  }
0x4b: {  	_ =	shalt  }
0x4c: {  	_ =	shalt  }
0x4d: {  	_ =	shalt  }
0x4e: {  	_ =	shalt  }
0x4f: {  	_ =	shalt  }
0x50: {  	_ =	shalt  }
0x51: {  	_ =	shalt  }
0x52: {  	_ =	shalt  }
0x53: {  	_ =	shalt  }
0x54: {  	_ =	shalt  }
0x55: {  	_ =	shalt  }
0x56: {  	_ =	shalt  }
0x57: {  	_ =	shalt  }
0x58: {  	_ =	shalt  }
0x59: {  	_ =	shalt  }
0x5a: {  	_ =	shalt  }
0x5b: {  	_ =	shalt  }
0x5c: {  	_ =	shalt  }
0x5d: {  	_ =	shalt  }
0x5e: {  	_ =	shalt  }
0x5f: {  	_ =	shalt  }
0x60: {  	_ =	shalt  }
0x61: {  	_ =	shalt  }
0x62: {  	_ =	shalt  }
0x63: {  	_ =	shalt  }
0x64: {  	_ =	shalt  }
0x65: {  	_ =	shalt  }
0x66: {  	_ =	shalt  }
0x67: {  	_ =	shalt  }
0x68: {  	_ =	shalt  }
0x69: {  	_ =	shalt  }
0x6a: {  	_ =	shalt  }
0x6b: {  	_ =	shalt  }
0x6c: {  	_ =	shalt  }
0x6d: {  	_ =	shalt  }
0x6e: {  	_ =	shalt  }
0x6f: {  	_ =	shalt  }
0x70: {  	_ =	shalt  }
0x71: {  	_ =	shalt  }
0x72: {  	_ =	shalt  }
0x73: {  	_ =	shalt  }
0x74: {  	_ =	shalt  }
0x75: {  	_ =	shalt  }
0x76: {  	_ =	shalt  }
0x77: {  	_ =	shalt  }
0x78: {  	_ =	shalt  }
0x79: {  	_ =	shalt  }
0x7a: {  	_ =	shalt  }
0x7b: {  	_ =	shalt  }
0x7c: {  	_ =	shalt  }
0x7d: {  	_ =	shalt  }
0x7e: {  	_ =	shalt  }
0x7f: {  	_ =	shalt  }
0x80: {  	_ =	shalt  }
0x81: {  	_ =	shalt  }
0x82: {  	_ =	shalt  }
0x83: {  	_ =	shalt  }
0x84: {  	_ =	shalt  }
0x85: {  	_ =	shalt  }
0x86: {  	_ =	shalt  }
0x87: {  	_ =	shalt  }
.Lfunc_end0:
.L_simem_size_0:
called_computation_lowered:
.L_overlay_start_0:
0x88: {  	s2 =	sld [smem:$0x3FD9]  }
0x89: {  	s3 =	sld [smem:$0x3FFE];
	_ =	sdelay $0x1  }
0x8a: {  	s1 =	srdreg.scid  }
0x8b: {  	s0 =	sand.u32 $0x1, s1  }
0x8c: {  	s17 =	sshll.u32 s0, $0xA;
	s2 =	sadd.s32 s3, s2  }
0x8d: {  	s2 =	sadd.s32 s2, s17  }
0x8e: {  	[smem:$0x3FB8] =	sst s2  }
0x8f: {  	_ = 	snop  }
0x90: {  	s2 =	sld [smem:$0x3FD0];
	(tm) =	ssettm $0x1  }
0x91: {  	s18 =	sld [smem:$0x3FFB];
	_ =	sdelay $0x3  }
0x92: {  	_ =	strace s18  }
0x93: {  	s3 =	sld [smem:$0x3FFC];
	_ =	sdelay $0x3  }
0x94: {  	_ =	strace s3  }
0x95: {  	s3 =	sld [smem:$0x3FFD];
	_ =	sdelay $0x3  }
0x96: {  	_ =	strace s3  }
0x97: {  	_ =	strace $0x8FFFFFFF  }
0x98: {  	s19 =	sld [smem:$0x3FDB];
	_ =	sdelay $0x1  }
0x99: {  	s4 =	simm.s32 $_scs_section_size  }
0x9a: {  	s5 =	simm.s32 $_size__tile_overlayer_lowered;
	s6 =	simm.s32 $_tile_overlayer_lowered  }
0x9b: {  	s22 =	simm.s32 $0x1BFF;
	s21 =	sshll.u32 s6, $0x1;
	s3 =	sadd.s32 s4, s19  }
0x9c: {  	s7 =	simm.s32 $0x0;
	s20 =	sshll.u32 s5, $0x1;
	s5 =	sadd.s32 s21, s3  }
0x9d: {  	[timem:s7], [sflag:s22] =	dma.local [hbm:s5], s20  }
0x9e: {  	_ =	swait.ge [sflag:s22], s20  }
0x9f: {  	s4 =	ssub.s32 $0x0, s20;
	[sflag:s22] =	ssyncset.done $0x0  }
0xa0: {  	[sflag:s22] =	ssyncadd.s32 s4;
	_ =	sdelay $0x1  }
0xa1: {  	s23 =	simm.s32 $0x1B8B  }
0xa2: {  	_ =	swait.ge [sflag:s23], $0x1  }
0xa3: {  	[sflag:s23] =	ssyncset.done $0x0  }
0xa4: {  	s25 =	simm.s32 $0x1B8E;
	s24 =	sld [smem:$0x3FFE];
	[sflag:s23] =	ssyncadd.s32 $0xFFFFFFFF  }
0xa5: {  	s26 =	simm.s32 $execute0_lowered;
	[smem:$0x3FD2] =	sst s25  }
0xa6: {  	s5 =	sshll.u32 s26, $0x1;
	_ =	strace $0x80000046;
	[dreg:$0x1] =	wrdreg $0xFFFFFFFF  }
0xa7: {  	s28 =	simm.s32 $_size_execute0_lowered;
	s3 =	sadd.s32 s3, s5;
	[dreg:$0x0] =	wrdreg $0x0  }
0xa8: {  	s5 =	sshll.u32 s28, $0x1;
	[dreg:$0x2] =	wrdreg s3  }
0xa9: {  	[dreg:$0x3] =	wrdreg s5  }
0xaa: {  	[dreg:$0x4] =	wrdreg $0xC0  }
0xab: {  	_ =	task [dreg:s7], $0x5FFFF  }
0xac: {  	[dreg:$0x1] =	wrdreg $0xFFFFFFFF  }
0xad: {  	[dreg:$0x0] =	wrdreg $0x60  }
0xae: {  	[dreg:$0x2] =	wrdreg s24  }
0xaf: {  	[dreg:$0x3] =	wrdreg s2  }
0xb0: {  	[dreg:$0x4] =	wrdreg $0x93800  }
0xb1: {  	[dreg:$0x5] =	wrdreg $0x9  }
0xb2: {  	_ =	task.clear_ibuf [dreg:s7], $0x6FFFF;
	_ =	strace $0x90000046  }
0xb3: {  	s29 =	simm.s32 $0x9;
	_ =	strace $0x80000048  }
0xb4: {  	_ =	swait.ge [sflag:s29], $0x1  }
0xb5: {  	[sflag:s29] =	ssyncadd.s32 $0xFFFFFFFF  }
0xb6: {  	_ =	strace $0x90000048  }
0xb7: {  	_ =	sfence  }
0xb8: {  	s30 =	sld [smem:$0x0];
	_ =	sdelay $0x2  }
0xb9: {  	s31 =	sshll.u32 s1, $0xD;
	s1 =	sshrl.u32 s1, $0x2  }
0xba: {  	s3 =	sand.u32 $0x4000, s31;
	s1 =	sadd.s32 s1, s30  }
0xbb: {  	s0 =	sor.u32 s3, s0;
	s1 =	sshll.u32 s1, $0x11  }
0xbc: {  	s0 =	sor.u32 s1, s0  }
0xbd: {  	s0 =	sadd.s32 $0x8F2B, s0  }
0xbe: {  	[sflag:s0] =	ssyncadd.remote.s32 $0x1  }
0xbf: {  	_ =	sfence.sel $0xFFFF  }
0xc0: {  	[dreg:$0x0] =	wrdreg $0xFFFFFFFF;
	(pc) =	sbr.abs _section_cstart, $3  }
0xc1: {  	[dreg:$0x1] =	wrdreg $0xFFFFFFFF  }
0xc2: {  	_ =	task.clear_ibuf [dreg:s7], $0x2FFFF;
	_ =	strace $0x9FFFFFFF  }
0xc3: {  	(tm) =	ssettm $0x7FFFFFFF  }
tec
execute0_lowered:
.L_overlay_start_1:
0x0: {  	(tag) =	ssettag $0x1  }
0x1: {  	s0 =	rddreg [dreg:$0x0]  }
0x2: {  	s2 =	rddreg [dreg:$0x1]  }
0x3: {  	s3 =	rddreg [dreg:$0x2]  }
0x4: {  	s4 =	simm.s32 $0x0;
	s13 =	stileid.u32;
	s1 =	srdreg.scid  }
0x5: {  	s29 =	simm.s32 $0x7;
	[smem:$0x7FF] =	sst s4;
	s8 =	smul.u32 $0x2800, s13  }
0x6: {  	s1 =	sand.u32 $0x1, s1;
	s5 =	sadd.s32 $0x34E00, s0;
	s6 =	sadd.s32 $0xCE00, s0  }
0x7: {  	s7 =	sadd.s32 $0x2C00, s0;
	s10 =	smul.u32 $0x50000, s13;
	s11 =	sadd.s32 $0x2A00, s0  }
0x8: {  	s16 =	sshll.u32 s13, $0x6;
	s18 =	smul.u32 $0x5100, s13;
	s13 =	simm.s32 $0x4  }
0x9: {  	_ =	strace $0x80000047;
	s9 =	smul.u32 $0x28000, s1;
	[dreg:$0x4] =	wrdreg s11  }
0xa: {  	s12 =	ssub.s32 $0x2, s1;
	s17 =	sshll.u32 s1, $0x6;
	s16 =	sor.u32 $0x1C07, s16  }
0xb: {  	s26 =	sshll.u32 s1, $0x8;
	s1 =	simm.s32 $0x3;
	s30 =	sadd.s32 s8, s0  }
0xc: {  	s31 =	sshrl.u32 s12, $0x1;
	s10 =	sshrl.u32 s10, $0x2;
	s19 =	sor.u32 $0x10, s17  }
0xd: {  	s20 =	sor.u32 $0x20, s17;
	[dreg:$0x6] =	wrdreg s17;
	s21 =	sor.u32 $0x30, s17  }
0xe: {  	v0 =	vimm.s32 $0xFEDCBA98;
	s22 =	sshrl.u32 s18, $0x3;
	s17 =	simm.s32 $0x7B00;
	[dreg:$0x8] =	wrdreg s16  }
0xf: {  	v1 =	vimm.s32 $0x76543210;
	v2 =	vimm.s32 $0xBA98FEDC;
	v3 =	vimm.s32 $0x32107654;
	s8 =	sadd.s32 s8, s9;
	s14 =	ssub.s32 s12, s31;
	[dreg:$0x9] =	wrdreg s19  }
0x10: {  	v4 =	vimm.s32 $0xDCFE98BA;
	v5 =	vimm.s32 $0x54761032;
	s15 =	sadd.s32 s10, s3;
	s11 =	sadd.s32 $0x5CE00, s30;
	[dreg:$0xa] =	wrdreg s20  }
0x11: {  	v6 =	vimm.s32 $0xEFCDAB89;
	v7 =	vimm.s32 $0x67452301;
	v0 =	vunpack.c.l.s4.s8 v0;
	[dreg:$0xb] =	wrdreg s21;
	s23 =	sadd.s32 s2, s22;
	s24 =	sadd.s32 s7, s22  }
0x12: {  	v1 =	vunpack.c.l.s4.s8 v1;
	v2 =	vunpack.c.l.s4.s8 v2;
	v3 =	vunpack.c.l.s4.s8 v3;
	s9 =	sor.u32 $0x6, s22;
	s20 =	sor.u32 $0x90, s18;
	[dreg:$0x5] =	wrdreg s15  }
0x13: {  	v4 =	vunpack.c.l.s4.s8 v4;
	v5 =	vunpack.c.l.s4.s8 v5;
	v6 =	vunpack.c.l.s4.s8 v6;
	s21 =	sor.u32 $0xC0, s18;
	s31 =	sshrl.u32 s26, $0x2;
	[dreg:$0x7] =	wrdreg s11  }
0x14: {  	v7 =	vunpack.c.l.s4.s8 v7;
	v2 =	vunpack.c.0.s8.s32 v2;
	v3 =	vunpack.c.0.s8.s32 v3;
	s19 =	simm.s32 $0x5;
	s22 =	simm.s32 $0x6;
	[dreg:$0xc] =	wrdreg s23  }
0x15: {  	v0 =	vunpack.c.0.s8.s32 v0;
	v4 =	vunpack.c.0.s8.s32 v4;
	v5 =	vunpack.c.0.s8.s32 v5;
	s10 =	simm.s32 $0x0;
	s0 =	sadd.s32 s8, s0;
	[dreg:$0xd] =	wrdreg s24  }
0x16: {  	v6 =	vunpack.c.0.s8.s32 v6;
	v7 =	vunpack.c.0.s8.s32 v7;
	s25 =	sadd.s32 s2, s9;
	s9 =	sadd.s32 s7, s9;
	s23 =	sor.u32 $0x60, s18;
	v2 =	vcombine.low v3, v2  }
0x17: {  	s30 =	smax.u32 s14, $0x1;
	s26 =	sor.u32 $0x1C00, s31;
	s28 =	sor.u32 $0x3400, s31;
	v3 =	vcombine.low v5, v4;
	v4 =	vand.u32 $0xF, v0;
	v0 =	vmov s31  }
0x18: {  	v1 =	vunpack.c.0.s8.s32 v1;
	s8 =	simm.s32 $0x200;
	s11 =	simm.s32 $0x1;
	[dreg:$0xe] =	wrdreg s25  }
0x19: {  	v5 =	vcombine.low v7, v6;
	s14 =	simm.s32 $0x100;
	s15 =	simm.s32 $0x280;
	[dreg:$0xf] =	wrdreg s9  }
0x1a: {  	vm0 =	vmmov $0x1;
	s18 =	simm.s32 $0x2;
	s0 =	sadd.s32 $0x84E00, s0;
	[dreg:$0x11] =	wrdreg s30;
	v1 =	vcombine.low v4, v1  }
0x1b: {  	s25 =	sor.u32 $0x400, s31;
	[dreg:$0x10] =	wrdreg s0;
	s0 =	simm.s32 $0x30;
	v2 =	vand.u32 $0xF, v2;
	v3 =	vand.u32 $0xF, v3;
	v4 =	vand.u32 $0xF, v5  }
.LBB2_1:
0x1c: {  	[dreg:$0x12] =	wrdreg s10  }
0x1d: {  	s9 =	rddreg [dreg:$0x5]  }
0x1e: {  	s31 =	rddreg [dreg:$0x7];
	s30 =	sshrl.u32 s9, $0x3  }
0x1f: {  	[dreg:$0x13] =	wrdreg s30  }
0x20: {  	[spmem:s30], [sflag:s16] =	dma.local [hbm:s31], $0x2800  }
0x21: {  	_ =	swait.ge [sflag:s29], $0x2800  }
0x22: {  	[sflag:s29] =	ssyncset.done $0x0  }
0x23: {  	s16 =	simm.s32 $0x9300;
	s12 =	rddreg [dreg:$0x4];
	[sflag:s29] =	ssyncadd.s32 $0xFFFFD800  }
0x24: {  	[tilespmem:s16], [sflag:$0x7] =	stream.linear.gather [hbm4b:s12+s4], $0x80, $0x38;
	[tilespmem:$0x1D380] =	vst v63  }
0x25: {  	_ =	swait.ge [sflag:s29], $0x80  }
0x26: {  	[sflag:s29] =	ssyncset.done $0x0  }
0x27: {  	[sflag:s29] =	ssyncadd.s32 $0xFFFFFF80  }
0x28: {  	[bflag:$0x0] =	sbarrier.arrive $0xFFFF  }
0x29: {  	s24 =	rddreg [dreg:$0x6]  }
0x2a: {  	s30 =	rddreg [dreg:$0x9]  }
0x2b: {  	s31 =	rddreg [dreg:$0xa];
	v5 =	vld [tilespmem:s24+$0x9300]  }
0x2c: {  	s10 =	rddreg [dreg:$0xb];
	v6 =	vld [tilespmem:s30+$0x9300]  }
0x2d: {  	s12 =	rddreg [dreg:$0xc];
	v7 =	vld [tilespmem:s31+$0x9300]  }
0x2e: {  	v8 =	vld [tilespmem:s10+$0x9300];
	[tilespmem:s4], [sflag:$0x7] =	stream.linear.gather [hbm4b:s12+s4], $0x30, $0x38  }
0x2f: {  	_ =	swait.ge [sflag:s29], $0x30  }
0x30: {  	[sflag:s29] =	ssyncset.done $0x0  }
0x31: {  	s24 =	simm.s32 $0x180;
	s16 =	rddreg [dreg:$0xd];
	[sflag:s29] =	ssyncadd.s32 $0xFFFFFFD0  }
0x32: {  	[tilespmem:s24], [sflag:$0x7] =	stream.linear.gather [hbm4b:s16+s4], $0x30, $0x38;
	[tilespmem:$0x1D380] =	vst v63  }
0x33: {  	_ =	swait.ge [sflag:s29], $0x30  }
0x34: {  	[sflag:s29] =	ssyncset.done $0x0  }
0x35: {  	s30 =	simm.s32 $0x300;
	[sflag:s29] =	ssyncadd.s32 $0xFFFFFFD0  }
0x36: {  	[tilespmem:s30], [sflag:$0x1] =	stream.indirect.gather [hbm4b:s5+s0], $0x80, s4, s0, $0xb8;
	[tilespmem:$0x1D380] =	vst v63  }
0x37: {  	s31 =	simm.s32 $0x4B00  }
0x38: {  	[tilespmem:s31], [sflag:$0x4] =	stream.indirect.gather [hbm4b:s6+s0], $0x80, s24, s0, $0xb8;
	[tilespmem:$0x1D380] =	vst v63  }
0x39: {  	s16 =	simm.s32 $0x80;
	s12 =	rddreg [dreg:$0xe]  }
0x3a: {  	[tilespmem:s16], [sflag:$0x7] =	stream.linear.gather [hbm4b:s12+s4], $0x30, $0x38;
	[tilespmem:$0x1D380] =	vst v63  }
0x3b: {  	_ =	swait.ge [sflag:s29], $0x30  }
0x3c: {  	[sflag:s29] =	ssyncset.done $0x0  }
0x3d: {  	s24 =	rddreg [dreg:$0xf];
	[sflag:s29] =	ssyncadd.s32 $0xFFFFFFD0  }
0x3e: {  	[tilespmem:s8], [sflag:$0x7] =	stream.linear.gather [hbm4b:s24+s4], $0x30, $0x38;
	[tilespmem:$0x1D380] =	vst v63  }
0x3f: {  	_ =	swait.ge [sflag:s29], $0x30  }
0x40: {  	[sflag:s29] =	ssyncset.done $0x0  }
0x41: {  	s30 =	simm.s32 $0x1B00;
	[sflag:s29] =	ssyncadd.s32 $0xFFFFFFD0  }
0x42: {  	[tilespmem:s30], [sflag:$0x2] =	stream.indirect.gather [hbm4b:s5+s0], $0x80, s16, s0, $0xb8;
	[tilespmem:$0x1D380] =	vst v63  }
0x43: {  	s31 =	simm.s32 $0x6300;
	s12 =	simm.s32 $0x0  }
0x44: {  	[tilespmem:s31], [sflag:$0x5] =	stream.indirect.gather [hbm4b:s6+s0], $0x80, s8, s0, $0xb8;
	[tilespmem:$0x1D380] =	vst v63  }
.LBB2_2:
0x45: {  	_ =	swait.ge [sflag:s11], $0x1800  }
0x46: {  	s10 =	smul.u32 $0x90, s12;
	[sflag:s11] =	ssyncset.done $0x0  }
0x47: {  	[sflag:s11] =	ssyncadd.s32 $0xFFFFE800  }
0x48: {  	s9 =	sadd.s32 s10, s23;
	_ =	swait.ge [sflag:s13], $0x1800  }
0x49: {  	s9 =	sshrl.u32 s9, $0x3;
	[sflag:s13] =	ssyncset.done $0x0  }
0x4a: {  	s16 =	sadd.s32 s2, s9;
	[sflag:s13] =	ssyncadd.s32 $0xFFFFE800  }
0x4b: {  	[tilespmem:s14], [sflag:$0x7] =	stream.linear.gather [hbm4b:s16+s4], $0x30, $0x38;
	[tilespmem:$0x1D380] =	vst v63  }
0x4c: {  	_ =	swait.ge [sflag:s29], $0x30  }
0x4d: {  	[sflag:s29] =	ssyncset.done $0x0  }
0x4e: {  	s9 =	sadd.s32 s7, s9;
	[sflag:s29] =	ssyncadd.s32 $0xFFFFFFD0  }
0x4f: {  	[tilespmem:s15], [sflag:$0x7] =	stream.linear.gather [hbm4b:s9+s4], $0x30, $0x38;
	[tilespmem:$0x1D380] =	vst v63  }
0x50: {  	_ =	swait.ge [sflag:s29], $0x30  }
0x51: {  	[sflag:s29] =	ssyncset.done $0x0  }
0x52: {  	s24 =	simm.s32 $0x3300;
	[sflag:s29] =	ssyncadd.s32 $0xFFFFFFD0  }
0x53: {  	[tilespmem:s24], [sflag:$0x3] =	stream.indirect.gather [hbm4b:s5+s0], $0x80, s14, s0, $0xb8;
	[tilespmem:$0x1D380] =	vst v63  }
0x54: {  	s24 =	simm.s32 $0x4C00  }
0x55: {  	[tilespmem:s17], [sflag:$0x6] =	stream.indirect.gather [hbm4b:s6+s0], $0x80, s15, s0, $0xb8;
	[tilespmem:$0x1D380] =	vst v63  }
0x56: {  	v11 =	vld.idx.msk [tilespmem:v0+s24+$0x80 ss:$0x1], $0xffff  }
0x57: {  	v15 =	vld [tilespmem:s25+$0x80]  }
0x58: {  	v12 =	vld.idx.msk [tilespmem:v0+s24+$0x90 ss:$0x1], $0xffff  }
0x59: {  	v9 =	vld [tilespmem:s25+$0x90]  }
0x5a: {  	v13 =	vld.idx.msk [tilespmem:v0+s24+$0xA0 ss:$0x1], $0xffff  }
0x5b: {  	v10 =	vld [tilespmem:s25+$0xA0]  }
0x5c: {  	v14 =	vld.idx.msk [tilespmem:v0+s24+$0xB0 ss:$0x1], $0xffff  }
0x5d: {  	v16 =	vld [tilespmem:s25+$0xB0];
	v11 =	vadd.f32 v11, v15  }
0x5e: {  	v17 =	vld.idx.msk [tilespmem:v0+s24+$0xFFFFFF00 ss:$0x1], $0xffff  }
0x5f: {  	v19 =	vld.idx.msk [tilespmem:v0+s24+$0xFFFFFF80 ss:$0x1], $0xffff;
	v12 =	vadd.f32 v12, v9;
	v18 =	vmul.f32 $2.000000030e-01, v11  }
0x60: {  	v20 =	vld.idx.msk [tilespmem:v0+s24+$0x0 ss:$0x1], $0xffff  }
0x61: {  	v32 =	vld [tilespmem:s25+$0xFFFFFF80];
	v13 =	vadd.f32 v13, v10;
	v11 =	vmax.f32 v11, v18;
	v18 =	vmul.f32 $2.000000030e-01, v12  }
0x62: {  	v34 =	vld [tilespmem:s25+$0xFFFFFF00];
	v21 =	vmul.f32 v11, v5  }
0x63: {  	v22 =	vld.idx.msk [tilespmem:v0+s24+$0xFFFFFF10 ss:$0x1], $0xffff;
	v12 =	vmax.f32 v12, v18;
	v18 =	vmul.f32 $2.000000030e-01, v13  }
0x64: {  	v23 =	vld.idx.msk [tilespmem:v0+s24+$0xFFFFFF90 ss:$0x1], $0xffff;
	v14 =	vadd.f32 v14, v16;
	v21 =	vadd.f32 $0.0e+00, v21;
	v12 =	vmul.f32 v12, v6  }
0x65: {  	v11 =	vld [tilespmem:s25+$0x0];
	v13 =	vmax.f32 v13, v18  }
0x66: {  	v24 =	vld.idx.msk [tilespmem:v0+s24+$0x10 ss:$0x1], $0xffff;
	v18 =	vmul.f32 $2.000000030e-01, v14;
	v12 =	vadd.f32 v12, v21;
	v13 =	vmul.f32 v13, v7  }
0x67: {  	v35 =	vld [tilespmem:s25+$0xFFFFFF10];
	v21 =	vadd.f32 v19, v32  }
0x68: {  	v19 =	vld [tilespmem:s25+$0x10];
	v14 =	vmax.f32 v14, v18;
	v12 =	vadd.f32 v13, v12  }
0x69: {  	v33 =	vld [tilespmem:s25+$0xFFFFFF90];
	v13 =	vmul.f32 v14, v8;
	v14 =	vadd.f32 v17, v34;
	v17 =	vmul.f32 $2.000000030e-01, v21  }
0x6a: {  	v18 =	vadd.f32 v20, v11  }
0x6b: {  	v26 =	vld.idx.msk [tilespmem:v0+s24+$0xFFFFFFA0 ss:$0x1], $0xffff;
	v12 =	vadd.f32 v13, v12;
	v20 =	vmul.f32 $2.000000030e-01, v14;
	v17 =	vmax.f32 v21, v17  }
0x6c: {  	v37 =	vld [tilespmem:s25+$0xFFFFFF20];
	v21 =	vmul.f32 $2.000000030e-01, v18;
	v17 =	vmul.f32 v17, v5  }
0x6d: {  	v36 =	vld [tilespmem:s25+$0xFFFFFFA0];
	v24 =	vadd.f32 v24, v19;
	v25 =	vperm.xlane v12, v1;
	v14 =	vmax.f32 v14, v20  }
0x6e: {  	v13 =	vld.idx.msk [tilespmem:v0+s24+$0xFFFFFF20 ss:$0x1], $0xffff;
	v20 =	vadd.f32 v22, v35;
	v18 =	vmax.f32 v18, v21;
	v21 =	vadd.f32 v23, v33  }
0x6f: {  	v29 =	vld.idx.msk [tilespmem:v0+s24+$0xFFFFFF30 ss:$0x1], $0xffff;
	v14 =	vmul.f32 v14, v5;
	v18 =	vmul.f32 v18, v5;
	v12 =	vadd.f32 v12, v25  }
0x70: {  	v22 =	vld.idx.msk [tilespmem:v0+s24+$0x20 ss:$0x1], $0xffff;
	v17 =	vadd.f32 $0.0e+00, v17;
	v23 =	vmul.f32 $2.000000030e-01, v20;
	v27 =	vmul.f32 $2.000000030e-01, v21  }
0x71: {  	v25 =	vld [tilespmem:s25+$0x20];
	v14 =	vadd.f32 $0.0e+00, v14;
	v18 =	vadd.f32 $0.0e+00, v18;
	v28 =	vperm.xlane v12, v2  }
0x72: {  	v30 =	vld.idx.msk [tilespmem:v0+s24+$0xFFFFFFB0 ss:$0x1], $0xffff;
	v20 =	vmax.f32 v20, v23;
	v23 =	vmul.f32 $2.000000030e-01, v24;
	v21 =	vmax.f32 v21, v27  }
0x73: {  	v39 =	vld [tilespmem:s25+$0xFFFFFF30];
	v13 =	vadd.f32 v13, v37;
	v20 =	vmul.f32 v20, v6;
	v21 =	vmul.f32 v21, v6  }
0x74: {  	v38 =	vld [tilespmem:s25+$0xFFFFFFB0];
	v12 =	vadd.f32 v12, v28;
	v23 =	vmax.f32 v24, v23;
	v24 =	vadd.f32 v26, v36  }
0x75: {  	v26 =	vld.idx.msk [tilespmem:v0+s24+$0x30 ss:$0x1], $0xffff;
	v14 =	vadd.f32 v20, v14;
	v20 =	vmul.f32 $2.000000030e-01, v13;
	v23 =	vmul.f32 v23, v6  }
0x76: {  	v28 =	vld [tilespmem:s25+$0x30];
	v22 =	vadd.f32 v22, v25;
	v17 =	vadd.f32 v21, v17;
	v27 =	vperm.xlane v12, v3  }
0x77: {  	v21 =	vmul.f32 $2.000000030e-01, v24;
	v13 =	vmax.f32 v13, v20;
	v18 =	vadd.f32 v23, v18  }
0x78: {  	v20 =	vmul.f32 $2.000000030e-01, v22;
	v23 =	vadd.f32 v29, v39;
	v12 =	vadd.f32 v12, v27  }
0x79: {  	v13 =	vmul.f32 v13, v7;
	v21 =	vmax.f32 v24, v21;
	v24 =	vadd.f32 v30, v38  }
0x7a: {  	v21 =	vmul.f32 v21, v7;
	v20 =	vmax.f32 v22, v20;
	v22 =	vmul.f32 $2.000000030e-01, v23  }
0x7b: {  	v26 =	vadd.f32 v26, v28;
	v27 =	vperm.xlane v12, v4;
	v29 =	vmul.f32 $2.000000030e-01, v24  }
0x7c: {  	v20 =	vmul.f32 v20, v7;
	v13 =	vadd.f32 v13, v14;
	v14 =	vmax.f32 v23, v22  }
0x7d: {  	v22 =	vmul.f32 $2.000000030e-01, v26;
	v12 =	vadd.f32 v12, v27;
	v23 =	vmax.f32 v24, v29  }
0x7e: {  	v17 =	vadd.f32 v21, v17;
	v14 =	vmul.f32 v14, v8;
	v21 =	vmul.f32 v23, v8  }
0x7f: {  	v18 =	vadd.f32 v20, v18;
	v20 =	vmax.f32 v26, v22;
	v12 =	vmul.f32 $1.442695020e+00, v12  }
0x80: {  	v13 =	vadd.f32 v14, v13;
	v14 =	vmul.f32 v20, v8;
	v17 =	vadd.f32 v21, v17  }
0x81: {  	(erf) = vpow2.f32 v12  }
0x82: {  	v12 =	vperm.xlane v13, v1;
	v14 =	vadd.f32 v14, v18;
	v18 =	vperm.xlane v17, v1  }
0x83: {  	s16 =	simm.s32 $0x4E00  }
0x84: {  	v43 =	vld.idx.msk [tilespmem:v0+s16+$0x0 ss:$0x1], $0xffff;
	v12 =	vadd.f32 v13, v12;
	v13 =	vperm.xlane v14, v1;
	v18 =	vadd.f32 v17, v18  }
0x85: {  	s30 =	sadd.s32 $0x200, s25;
	v20 =	vld.idx.msk [tilespmem:v0+s16+$0x80 ss:$0x1], $0xffff  }
0x86: {  	v17 =	vld [tilespmem:s30+$0x80];
	v21 =	vperm.xlane v12, v2;
	v22 =	vadd.f32 v14, v13;
	v14 =	vperm.xlane v18, v2  }
0x87: {  	v23 =	vld.idx.msk [tilespmem:v0+s16+$0x90 ss:$0x1], $0xffff  }
0x88: {  	v13 =	vld [tilespmem:s30+$0x90];
	v21 =	vadd.f32 v12, v21;
	v12 =	vperm.xlane v22, v2  }
0x89: {  	v24 =	vld.idx.msk [tilespmem:v0+s16+$0xA0 ss:$0x1], $0xffff;
	v18 =	vadd.f32 v18, v14  }
0x8a: {  	v26 =	vperm.xlane v21, v3;
	v22 =	vadd.f32 v22, v12;
	v12 =	vld [tilespmem:s30+$0xA0];
	v14 =	vpop (erf)  }
0x8b: {  	v30 =	vld.idx.msk [tilespmem:v0+s16+$0xFFFFFF00 ss:$0x1], $0xffff;
	v27 =	vperm.xlane v18, v3;
	v41 =	vmul.f32 v14, v16;
	v16 =	vadd.f32 v20, v17  }
0x8c: {  	v29 =	vld.idx.msk [tilespmem:v0+s16+$0xB0 ss:$0x1], $0xffff;
	v20 =	vadd.f32 v21, v26;
	v21 =	vperm.xlane v22, v3;
	v42 =	vmul.f32 v14, v15  }
0x8d: {  	v26 =	vld [tilespmem:s30+$0xB0];
	v27 =	vadd.f32 v18, v27;
	v18 =	vadd.f32 v23, v13;
	v15 =	vmul.f32 $2.000000030e-01, v16  }
0x8e: {  	v21 =	vadd.f32 v22, v21;
	v22 =	vld.idx.msk [tilespmem:v0+s16+$0xFFFFFF80 ss:$0x1], $0xffff;
	v23 =	vperm.xlane v20, v4  }
0x8f: {  	v44 =	vmul.f32 $2.000000030e-01, v18;
	v24 =	vadd.f32 v24, v12;
	v15 =	vmax.f32 v16, v15;
	v16 =	vld [tilespmem:s30+$0xFFFFFF80]  }
0x90: {  	v31 =	vperm.xlane v27, v4;
	v20 =	vadd.f32 v20, v23;
	v45 =	vmul.f32 v15, v5;
	v15 =	vld [tilespmem:s30+$0x0]  }
0x91: {  	v23 =	vperm.xlane v21, v4;
	v44 =	vmax.f32 v18, v44;
	v46 =	vmul.f32 $2.000000030e-01, v24;
	v18 =	vld [tilespmem:s30+$0xFFFFFF00]  }
0x92: {  	v29 =	vadd.f32 v29, v26;
	v27 =	vadd.f32 v27, v31;
	v31 =	vld.idx.msk [tilespmem:v0+s16+$0xFFFFFF10 ss:$0x1], $0xffff;
	v44 =	vmul.f32 v44, v6  }
0x93: {  	v21 =	vadd.f32 v21, v23;
	v55 =	vmul.f32 $1.442695020e+00, v20;
	v20 =	vld [tilespmem:s30+$0xFFFFFF10];
	v45 =	vadd.f32 $0.0e+00, v45  }
0x94: {  	v24 =	vmax.f32 v24, v46;
	v54 =	vmul.f32 $2.000000030e-01, v29;
	v27 =	vmul.f32 $1.442695020e+00, v27  }
0x95: {  	v56 =	vld.idx.msk [tilespmem:v0+s16+$0x10 ss:$0x1], $0xffff;
	v24 =	vmul.f32 v24, v7;
	v48 =	vmul.f32 $1.442695020e+00, v21;
	v23 =	vadd.f32 v44, v45  }
0x96: {  	v21 =	vld [tilespmem:s30+$0x10];
	(erf) = vpow2.f32 v55;
	v22 =	vadd.f32 v22, v16;
	v29 =	vmax.f32 v29, v54  }
0x97: {  	v47 =	vld.idx.msk [tilespmem:v0+s16+$0xFFFFFF90 ss:$0x1], $0xffff;
	v43 =	vadd.f32 v43, v15;
	v29 =	vmul.f32 v29, v8;
	v24 =	vadd.f32 v24, v23  }
0x98: {  	v59 =	vld.idx.msk [tilespmem:v0+s16+$0xFFFFFFA0 ss:$0x1], $0xffff;
	v30 =	vadd.f32 v30, v18;
	v57 =	vmul.f32 $2.000000030e-01, v22;
	v31 =	vadd.f32 v31, v20  }
0x99: {  	(erf) = vpow2.f32 v27;
	v23 =	vld [tilespmem:s30+$0xFFFFFF90];
	v49 =	vmul.f32 $2.000000030e-01, v43;
	v24 =	vadd.f32 v29, v24  }
0x9a: {  	v63 =	vld.idx.msk [tilespmem:v0+s16+$0x20 ss:$0x1], $0xffff;
	v58 =	vmul.f32 $2.000000030e-01, v30;
	v22 =	vmax.f32 v22, v57;
	v50 =	vmul.f32 $2.000000030e-01, v31  }
0x9b: {  	v55 =	vld.idx.msk [tilespmem:v0+s16+$0xFFFFFFB0 ss:$0x1], $0xffff;
	v45 =	vadd.f32 v56, v21;
	v27 =	vmax.f32 v43, v49;
	v62 =	vperm.xlane v24, v1  }
0x9c: {  	v29 =	vld.idx.msk [tilespmem:v0+s16+$0xFFFFFF20 ss:$0x1], $0xffff;
	v22 =	vmul.f32 v22, v5;
	v30 =	vmax.f32 v30, v58;
	v49 =	vmul.f32 v27, v5  }
0x9d: {  	v27 =	vld [tilespmem:s30+$0xFFFFFF20];
	v30 =	vmul.f32 v30, v5;
	v31 =	vmax.f32 v31, v50;
	v43 =	vadd.f32 v24, v62  }
0x9e: {  	v60 =	vmul.f32 $2.000000030e-01, v45;
	v47 =	vadd.f32 v47, v23;
	v51 =	vadd.f32 $0.0e+00, v22;
	v22 =	vld [tilespmem:s30+$0x20]  }
0x9f: {  	v31 =	vmul.f32 v31, v6;
	v24 =	vld [tilespmem:s30+$0xFFFFFFA0];
	v30 =	vadd.f32 $0.0e+00, v30;
	v53 =	vperm.xlane v43, v2  }
0xa0: {  	v54 =	vld.idx.msk [tilespmem:v0+s16+$0xFFFFFF30 ss:$0x1], $0xffff;
	v49 =	vadd.f32 $0.0e+00, v49;
	v45 =	vmax.f32 v45, v60;
	v52 =	vmul.f32 $2.000000030e-01, v47  }
0xa1: {  	v45 =	vmul.f32 v45, v6;
	v56 =	vadd.f32 v31, v30;
	v30 =	vld [tilespmem:s30+$0xFFFFFFB0];
	v43 =	vadd.f32 v43, v53  }
0xa2: {  	v47 =	vmax.f32 v47, v52;
	v61 =	vadd.f32 v29, v27;
	v29 =	vld [tilespmem:s30+$0xFFFFFF30]  }
0xa3: {  	v31 =	vld [tilespmem:s30+$0x30];
	v45 =	vadd.f32 v45, v49;
	v47 =	vmul.f32 v47, v6;
	v62 =	vperm.xlane v43, v3  }
0xa4: {  	v53 =	vld.idx.msk [tilespmem:v0+s16+$0x30 ss:$0x1], $0xffff;
	v44 =	vadd.f32 v63, v22;
	v46 =	vadd.f32 v59, v24;
	v57 =	vmul.f32 $2.000000030e-01, v61  }
0xa5: {  	v40 =	vnsel vm0, $0x0, v14;
	v47 =	vadd.f32 v47, v51;
	v43 =	vadd.f32 v43, v62  }
0xa6: {  	v59 =	vmul.f32 $2.000000030e-01, v44;
	v63 =	vmul.f32 $2.000000030e-01, v46;
	v58 =	vmax.f32 v61, v57  }
0xa7: {  	v50 =	vmul.f32 v58, v7;
	v61 =	vadd.f32 v54, v29;
	v60 =	vperm.xlane v43, v4  }
0xa8: {  	v44 =	vmax.f32 v44, v59;
	v62 =	vadd.f32 v55, v30;
	v46 =	vmax.f32 v46, v63  }
0xa9: {  	v44 =	vmul.f32 v44, v7;
	v53 =	vadd.f32 v53, v31;
	v43 =	vadd.f32 v43, v60  }
0xaa: {  	v46 =	vmul.f32 v46, v7;
	v50 =	vadd.f32 v50, v56;
	v63 =	vmul.f32 $2.000000030e-01, v61  }
0xab: {  	v55 =	vmul.f32 $2.000000030e-01, v62;
	v44 =	vadd.f32 v44, v45;
	v43 =	vmul.f32 $1.442695020e+00, v43  }
0xac: {  	v56 =	vmul.f32 $2.000000030e-01, v53;
	v46 =	vadd.f32 v46, v47;
	v51 =	vmax.f32 v61, v63  }
0xad: {  	v47 =	vmax.f32 v62, v55;
	v51 =	vmul.f32 v51, v8;
	(erf) = vpow2.f32 v43  }
0xae: {  	[tilespmem:s24+$0xC0] =	vst v40;
	v57 =	vpop (erf);
	v58 =	vmul.f32 v47, v8;
	v45 =	vmax.f32 v53, v56;
	(erf) = vpow2.f32 v48  }
0xaf: {  	[tilespmem:s24+$0xB0] =	vst v41;
	v34 =	vmul.f32 v57, v34;
	v45 =	vmul.f32 v45, v8;
	v59 =	vadd.f32 v51, v50  }
0xb0: {  	[tilespmem:s24+$0x80] =	vst v42;
	v37 =	vmul.f32 v57, v37;
	v60 =	vmul.f32 v57, v35;
	v46 =	vadd.f32 v58, v46  }
0xb1: {  	v35 =	vpop (erf);
	[tilespmem:s24+$0xFFFFFF00] =	vst v34;
	v62 =	vmul.f32 v57, v39;
	v40 =	vadd.f32 v45, v44;
	v61 =	vperm.xlane v59, v1  }
0xb2: {  	v34 =	vnsel vm0, $0x0, v57;
	[tilespmem:s24+$0xFFFFFF20] =	vst v37;
	v39 =	vmul.f32 v35, v32;
	v63 =	vperm.xlane v46, v1  }
0xb3: {  	v37 =	vmul.f32 v35, v33;
	[tilespmem:s24+$0xFFFFFF10] =	vst v60;
	v43 =	vperm.xlane v40, v1;
	v41 =	vadd.f32 v59, v61  }
0xb4: {  	s31 =	simm.s32 $0x5000;
	s9 =	simm.s32 $0x4;
	v33 =	vmul.f32 v35, v36;
	v32 =	vmul.f32 v35, v38;
	[tilespmem:s24+$0xFFFFFF30] =	vst v62;
	v42 =	vadd.f32 v46, v63  }
.LBB2_3:
0xb5: {  	v36 =	vld.idx.msk [tilespmem:v0+s31+$0x80 ss:$0x1], $0xffff;
	s9 =	sadd.s32 $0x4, s9;
	v38 =	vperm.xlane v41, v2;
	v40 =	vadd.f32 v40, v43;
	s30 =	sadd.s32 $0x200, s30;
	v43 =	vmul.f32 v14, v9  }
0xb6: {  	v35 =	vnsel vm0, $0x0, v35;
	v44 =	vld [tilespmem:s30+$0x80];
	p0 =	slt.u32 s9, $0x2C;
	v9 =	vperm.xlane v42, v2;
	[tilespmem:s24+$0xFFFFFF80] =	vst v39;
	v39 =	vmul.f32 v14, v10;
	v14 =	vpop (erf)  }
0xb7: {  	v10 =	vld.idx.msk [tilespmem:v0+s31+$0x90 ss:$0x1], $0xffff;
	v38 =	vadd.f32 v41, v38;
	v41 =	vperm.xlane v40, v2;
	v26 =	vmul.f32 v14, v26;
	v45 =	vpop (erf)  }
0xb8: {  	v46 =	vld [tilespmem:s30+$0x90];
	v42 =	vadd.f32 v42, v9;
	[tilespmem:s24+$0xFFFFFF90] =	vst v37;
	v11 =	vmul.f32 v45, v11;
	v19 =	vmul.f32 v45, v19  }
0xb9: {  	v37 =	vld.idx.msk [tilespmem:v0+s31+$0xA0 ss:$0x1], $0xffff;
	v47 =	vperm.xlane v38, v3;
	v40 =	vadd.f32 v40, v41;
	[tilespmem:s16+$0xB0] =	vst v26;
	v41 =	vnsel vm0, $0x0, v45  }
0xba: {  	v50 =	vnsel vm0, $0x0, v14;
	v25 =	vmul.f32 v45, v25;
	v48 =	vld [tilespmem:s30+$0xA0];
	v49 =	vperm.xlane v42, v3;
	[tilespmem:s24+$0xFFFFFFA0] =	vst v33;
	v9 =	vmovc v13  }
0xbb: {  	v13 =	vld.idx.msk [tilespmem:v0+s31+$0xB0 ss:$0x1], $0xffff;
	v33 =	vadd.f32 v36, v44;
	v36 =	vadd.f32 v38, v47;
	v38 =	vperm.xlane v40, v3  }
0xbc: {  	v28 =	vmul.f32 v45, v28;
	v47 =	vmul.f32 v14, v17;
	v26 =	vld [tilespmem:s30+$0xB0];
	v42 =	vadd.f32 v42, v49;
	[tilespmem:s24+$0xFFFFFFB0] =	vst v32  }
0xbd: {  	v45 =	vld.idx.msk [tilespmem:v0+s31+$0xFFFFFF00 ss:$0x1], $0xffff;
	v32 =	vmul.f32 $2.000000030e-01, v33;
	v10 =	vadd.f32 v10, v46;
	v38 =	vadd.f32 v40, v38;
	[tilespmem:s24+$0x0] =	vst v11  }
0xbe: {  	v17 =	vmov v44;
	v40 =	vperm.xlane v36, v4;
	v11 =	vld.idx.msk [tilespmem:v0+s31+$0xFFFFFF80 ss:$0x1], $0xffff;
	v49 =	vperm.xlane v42, v4;
	[tilespmem:s24+$0x10] =	vst v19  }
0xbf: {  	v19 =	vld.idx.msk [tilespmem:v0+s31+$0x0 ss:$0x1], $0xffff;
	v33 =	vmax.f32 v33, v32;
	v44 =	vmul.f32 $2.000000030e-01, v10;
	v37 =	vadd.f32 v37, v48;
	[tilespmem:s24+$0x20] =	vst v25  }
0xc0: {  	v36 =	vadd.f32 v36, v40;
	v40 =	vperm.xlane v38, v4;
	v32 =	vld [tilespmem:s30+$0xFFFFFF80];
	v25 =	vmul.f32 v33, v5;
	[tilespmem:s24+$0x30] =	vst v28  }
0xc1: {  	v28 =	vld [tilespmem:s30+$0x0];
	v52 =	vmax.f32 v10, v44;
	v44 =	vmul.f32 $2.000000030e-01, v37;
	v51 =	vadd.f32 v13, v26;
	[tilespmem:s16+$0x80] =	vst v47;
	v13 =	vmovc v46  }
0xc2: {  	v42 =	vadd.f32 v42, v49;
	v10 =	vmovc v12;
	v33 =	vld [tilespmem:s30+$0xFFFFFF00];
	v25 =	vadd.f32 $0.0e+00, v25;
	v46 =	vmul.f32 v52, v6;
	[tilespmem:s24+$0x90] =	vst v43  }
0xc3: {  	v38 =	vadd.f32 v38, v40;
	v43 =	vld.idx.msk [tilespmem:v0+s31+$0xFFFFFF10 ss:$0x1], $0xffff;
	v12 =	vmax.f32 v37, v44;
	v37 =	vmul.f32 $2.000000030e-01, v51;
	[tilespmem:s24+$0xA0] =	vst v39  }
0xc4: {  	v36 =	vmul.f32 $1.442695020e+00, v36;
	v39 =	vld.idx.msk [tilespmem:v0+s31+$0xFFFFFF90 ss:$0x1], $0xffff;
	v25 =	vadd.f32 v46, v25;
	v46 =	vmul.f32 v12, v7;
	[tilespmem:s24+$0xFFFFFF40] =	vst v34  }
0xc5: {  	v40 =	vadd.f32 v11, v32;
	v44 =	vld.idx.msk [tilespmem:v0+s31+$0x10 ss:$0x1], $0xffff;
	v47 =	vmax.f32 v51, v37;
	v37 =	vmul.f32 $1.442695020e+00, v42;
	[tilespmem:s24+$0xFFFFFFC0] =	vst v35  }
0xc6: {  	v34 =	vld [tilespmem:s30+$0xFFFFFF10];
	v35 =	vadd.f32 v19, v28;
	v49 =	vadd.f32 v46, v25;
	v25 =	vmul.f32 v47, v8;
	[tilespmem:s24+$0x40] =	vst v41;
	s24 =	smov.u32 s16;
	s16 =	smov.u32 s31  }
0xc7: {  	v38 =	vmul.f32 $1.442695020e+00, v38;
	v11 =	vmovc v15;
	v12 =	vmovc v48;
	v41 =	vadd.f32 v45, v33;
	v42 =	vld [tilespmem:s30+$0xFFFFFF90];
	v45 =	vmul.f32 $2.000000030e-01, v40;
	[tilespmem:s24+$0xC0] =	vst v50  }
0xc8: {  	v15 =	vmovc v28;
	v46 =	vld [tilespmem:s30+$0x10];
	v47 =	vmul.f32 $2.000000030e-01, v35;
	v25 =	vadd.f32 v25, v49;
	(erf) = vpow2.f32 v36;
	v36 =	vmovc v23  }
0xc9: {  	v19 =	vmovc v21;
	v48 =	vld.idx.msk [tilespmem:v0+s31+$0xFFFFFF20 ss:$0x1], $0xffff;
	v51 =	vmul.f32 $2.000000030e-01, v41;
	v28 =	vmax.f32 v40, v45;
	(erf) = vpow2.f32 v37;
	v37 =	vmovc v27  }
0xca: {  	v40 =	vld.idx.msk [tilespmem:v0+s31+$0xFFFFFFA0 ss:$0x1], $0xffff;
	v50 =	vmul.f32 v28, v5;
	v27 =	vmax.f32 v35, v47;
	v28 =	vperm.xlane v25, v1  }
0xcb: {  	v49 =	vmax.f32 v41, v51;
	v35 =	vadd.f32 v43, v34;
	v41 =	vld.idx.msk [tilespmem:v0+s31+$0x20 ss:$0x1], $0xffff;
	v43 =	vmul.f32 v27, v5  }
0xcc: {  	v27 =	vld [tilespmem:s30+$0xFFFFFF20];
	v45 =	vmul.f32 v49, v5;
	v39 =	vadd.f32 v39, v42;
	v47 =	vadd.f32 v25, v28;
	v23 =	vmovc v42  }
0xcd: {  	v42 =	vadd.f32 $0.0e+00, v50;
	v54 =	vmul.f32 $2.000000030e-01, v35;
	v44 =	vadd.f32 v44, v46;
	v21 =	vmovc v46;
	v46 =	vmovc v24;
	v24 =	vld [tilespmem:s30+$0xFFFFFFA0]  }
0xce: {  	v25 =	vmovc v22;
	v51 =	vmovc v29;
	v45 =	vadd.f32 $0.0e+00, v45;
	v49 =	vmul.f32 $2.000000030e-01, v39;
	v50 =	vperm.xlane v47, v2;
	v22 =	vld [tilespmem:s30+$0x20]  }
0xcf: {  	v53 =	vmovc v30;
	v43 =	vadd.f32 $0.0e+00, v43;
	v28 =	vmovc v31;
	v52 =	vld.idx.msk [tilespmem:v0+s31+$0xFFFFFF30 ss:$0x1], $0xffff;
	v29 =	vmax.f32 v35, v54;
	v56 =	vmul.f32 $2.000000030e-01, v44  }
0xd0: {  	v30 =	vmul.f32 v29, v6;
	v54 =	vld.idx.msk [tilespmem:v0+s31+$0xFFFFFFB0 ss:$0x1], $0xffff;
	v29 =	vmax.f32 v39, v49;
	v39 =	vadd.f32 v47, v50  }
0xd1: {  	v47 =	vadd.f32 v48, v27;
	v31 =	vmul.f32 v29, v6;
	v48 =	vld.idx.msk [tilespmem:v0+s31+$0x30 ss:$0x1], $0xffff;
	v55 =	vmax.f32 v44, v56;
	v44 =	vpop (erf)  }
0xd2: {  	v29 =	vld [tilespmem:s30+$0xFFFFFF30];
	v40 =	vadd.f32 v40, v24;
	v49 =	vmul.f32 v55, v6;
	v50 =	vperm.xlane v39, v3;
	v35 =	vpop (erf)  }
0xd3: {  	v45 =	vadd.f32 v30, v45;
	v55 =	vmul.f32 $2.000000030e-01, v47;
	v30 =	vld [tilespmem:s30+$0xFFFFFFB0];
	v41 =	vadd.f32 v41, v22  }
0xd4: {  	v42 =	vadd.f32 v31, v42;
	v56 =	vmul.f32 $2.000000030e-01, v40;
	v31 =	vld [tilespmem:s30+$0x30];
	v39 =	vadd.f32 v39, v50  }
0xd5: {  	v43 =	vadd.f32 v49, v43;
	v47 =	vmax.f32 v47, v55;
	v49 =	vmul.f32 $2.000000030e-01, v41  }
0xd6: {  	v47 =	vmul.f32 v47, v7;
	v40 =	vmax.f32 v40, v56;
	v50 =	vperm.xlane v39, v4  }
0xd7: {  	v52 =	vadd.f32 v52, v29;
	v40 =	vmul.f32 v40, v7;
	v41 =	vmax.f32 v41, v49  }
0xd8: {  	v49 =	vadd.f32 v54, v30;
	v41 =	vmul.f32 v41, v7;
	v39 =	vadd.f32 v39, v50  }
0xd9: {  	v45 =	vadd.f32 v47, v45;
	v47 =	vmul.f32 $2.000000030e-01, v52;
	v48 =	vadd.f32 v48, v31  }
0xda: {  	v40 =	vadd.f32 v40, v42;
	v42 =	vmul.f32 $2.000000030e-01, v49;
	v39 =	vmul.f32 $1.442695020e+00, v39  }
0xdb: {  	v41 =	vadd.f32 v41, v43;
	v47 =	vmax.f32 v52, v47;
	v43 =	vmul.f32 $2.000000030e-01, v48  }
0xdc: {  	v47 =	vmul.f32 v47, v8;
	v42 =	vmax.f32 v49, v42;
	(erf) = vpow2.f32 v39  }
0xdd: {  	v39 =	vmul.f32 v42, v8;
	v42 =	vmax.f32 v48, v43;
	(erf) = vpow2.f32 v38  }
0xde: {  	v43 =	vmul.f32 v44, v18;
	v18 =	vmovc v33;
	v38 =	vadd.f32 v47, v45;
	v42 =	vmul.f32 v42, v8  }
.Ltmp0:
0xdf: {  	v37 =	vmul.f32 v44, v37;
	v33 =	vadd.f32 v39, v40;
	v39 =	vmul.f32 v44, v20;
	v20 =	vmovc v34;
	(pc) =	sbr.rel @p0 .LBB2_3-.Ltmp0, $4  }
0xe0: {  	v47 =	vmul.f32 v44, v51;
	v45 =	vperm.xlane v38, v1;
	v40 =	vadd.f32 v42, v41;
	[tilespmem:s24+$0xFFFFFF00] =	vst v43  }
0xe1: {  	v34 =	vnsel vm0, $0x0, v44;
	v42 =	vperm.xlane v33, v1;
	[tilespmem:s24+$0xFFFFFF10] =	vst v39;
	v39 =	vmul.f32 v35, v16;
	v16 =	vmovc v32  }
0xe2: {  	v41 =	vadd.f32 v38, v45;
	v43 =	vperm.xlane v40, v1;
	[tilespmem:s24+$0xFFFFFF20] =	vst v37;
	v37 =	vmul.f32 v35, v36  }
0xe3: {  	s31 =	sadd.s32 $0x200, s31;
	v32 =	vmul.f32 v35, v53;
	v42 =	vadd.f32 v33, v42;
	[tilespmem:s24+$0xFFFFFF30] =	vst v47;
	v33 =	vmul.f32 v35, v46  }
0xe4: {  	v36 =	vperm.xlane v41, v2;
	_ =	sdelay $0x1  }
0xe5: {  	v36 =	vadd.f32 v41, v36;
	_ =	sdelay $0x1  }
0xe6: {  	v41 =	vperm.xlane v36, v3  }
0xe7: {  	v38 =	vperm.xlane v42, v2  }
0xe8: {  	v36 =	vadd.f32 v36, v41  }
0xe9: {  	v40 =	vadd.f32 v40, v43;
	v38 =	vadd.f32 v42, v38  }
0xea: {  	v48 =	vperm.xlane v36, v4  }
0xeb: {  	[tilespmem:s24+$0xFFFFFF80] =	vst v39;
	v63 =	vperm.xlane v40, v2;
	v42 =	vperm.xlane v38, v3  }
0xec: {  	[tilespmem:s24+$0xFFFFFF90] =	vst v37;
	v44 =	vpop (erf);
	v36 =	vadd.f32 v36, v48  }
0xed: {  	[tilespmem:s24+$0xFFFFFF40] =	vst v34;
	v26 =	vmul.f32 v44, v26;
	v40 =	vadd.f32 v40, v63;
	v38 =	vadd.f32 v38, v42  }
0xee: {  	v9 =	vmul.f32 v14, v9;
	[tilespmem:s24+$0xFFFFFFA0] =	vst v33;
	v36 =	vmul.f32 $1.442695020e+00, v36  }
0xef: {  	v50 =	vpop (erf);
	[tilespmem:s16+$0xB0] =	vst v26;
	v49 =	vperm.xlane v40, v3;
	v26 =	vperm.xlane v38, v4  }
0xf0: {  	[tilespmem:s24+$0xFFFFFFB0] =	vst v32;
	v11 =	vmul.f32 v50, v11;
	(erf) = vpow2.f32 v36  }
0xf1: {  	[tilespmem:s24+$0x90] =	vst v9;
	v19 =	vmul.f32 v50, v19;
	v51 =	vadd.f32 v40, v49;
	v26 =	vadd.f32 v38, v26  }
0xf2: {  	v10 =	vmul.f32 v14, v10;
	[tilespmem:s24+$0x0] =	vst v11  }
0xf3: {  	[tilespmem:s24+$0x10] =	vst v19;
	v11 =	vperm.xlane v51, v4;
	v19 =	vmul.f32 $1.442695020e+00, v26  }
0xf4: {  	v17 =	vmul.f32 v44, v17;
	[tilespmem:s24+$0xA0] =	vst v10;
	v10 =	vnsel vm0, $0x0, v35  }
0xf5: {  	v13 =	vmul.f32 v44, v13;
	[tilespmem:s24+$0xFFFFFFC0] =	vst v10;
	v11 =	vadd.f32 v51, v11;
	(erf) = vpow2.f32 v19  }
0xf6: {  	v25 =	vmul.f32 v50, v25;
	[tilespmem:s16+$0x80] =	vst v17  }
0xf7: {  	[tilespmem:s16+$0x90] =	vst v13;
	v9 =	vmul.f32 $1.442695020e+00, v11  }
0xf8: {  	[tilespmem:s24+$0x20] =	vst v25;
	v11 =	vnsel vm0, $0x0, v44  }
0xf9: {  	v28 =	vmul.f32 v50, v28;
	[tilespmem:s16+$0xC0] =	vst v11;
	(erf) = vpow2.f32 v9;
	v9 =	vnsel vm0, $0x0, v50;
	v10 =	vpop (erf)  }
0xfa: {  	[tilespmem:s24+$0x40] =	vst v9;
	v9 =	vmul.f32 v10, v18;
	v11 =	vmul.f32 v10, v20  }
0xfb: {  	[tilespmem:s24+$0x30] =	vst v28;
	v14 =	vmul.f32 v10, v27;
	v17 =	vmul.f32 v10, v29;
	v10 =	vnsel vm0, $0x0, v10  }
0xfc: {  	[tilespmem:s16+$0xFFFFFF40] =	vst v10  }
0xfd: {  	[tilespmem:s16+$0xFFFFFF00] =	vst v9  }
0xfe: {  	[tilespmem:s16+$0xFFFFFF10] =	vst v11;
	v9 =	vpop (erf)  }
0xff: {  	[tilespmem:s16+$0xFFFFFF20] =	vst v14;
	v11 =	vmul.f32 v9, v16  }
0x100: {  	[tilespmem:s16+$0xFFFFFF30] =	vst v17;
	v14 =	vmul.f32 v9, v23  }
0x101: {  	v16 =	vmul.f32 v9, v24;
	[tilespmem:s16+$0xFFFFFF80] =	vst v11  }
0x102: {  	v17 =	vpop (erf);
	[tilespmem:s16+$0xFFFFFF90] =	vst v14  }
0x103: {  	v10 =	vnsel vm0, $0x0, v17;
	[tilespmem:s16+$0xFFFFFFA0] =	vst v16  }
0x104: {  	v11 =	vmul.f32 v9, v30;
	v9 =	vnsel vm0, $0x0, v9;
	[tilespmem:s16+$0x40] =	vst v10  }
0x105: {  	v14 =	vmul.f32 v17, v15;
	[tilespmem:s16+$0xFFFFFFC0] =	vst v9  }
0x106: {  	v15 =	vmul.f32 v17, v21;
	[tilespmem:s16+$0xFFFFFFB0] =	vst v11  }
0x107: {  	v11 =	vmul.f32 v17, v22;
	[tilespmem:s16+$0x0] =	vst v14  }
0x108: {  	v14 =	vmul.f32 v17, v31;
	[tilespmem:s16+$0x10] =	vst v15  }
0x109: {  	[tilespmem:s16+$0x20] =	vst v11;
	v11 =	vmul.f32 v44, v12  }
0x10a: {  	[tilespmem:s16+$0x30] =	vst v14  }
0x10b: {  	s9 =	simm.s32 $0x180;
	s24 =	simm.s32 $0x4B00;
	[tilespmem:s16+$0xA0] =	vst v11  }
0x10c: {  	[spmem:s3] =	stream.indirect.scatter.add.f32 [tilespmem:s24], [sflag:$0x7], $0x80, s9, s0, $0xb8;
	[tilespmem:$0x1D380] =	vst v63  }
0x10d: {  	_ =	swait.ge [sflag:s29], $0x1800  }
0x10e: {  	[sflag:s29] =	ssyncset.done $0x0  }
0x10f: {  	[sflag:s29] =	ssyncadd.s32 $0xFFFFE800  }
0x110: {  	_ =	swait.ge [sflag:s18], $0x1800  }
0x111: {  	[sflag:s18] =	ssyncset.done $0x0  }
0x112: {  	p0 =	seq.s32 s12, $0x8F;
	[sflag:s18] =	ssyncadd.s32 $0xFFFFE800  }
0x113: {  	s9 =	sadd.s32 @!p0 s10, s20;
	_ =	swait.ge [sflag:s19], $0x1800  }
0x114: {  	s9 =	sshrl.u32 @!p0 s9, $0x3;
	[sflag:s19] =	ssyncset.done $0x0  }
0x115: {  	s24 =	simm.s32 @!p0 $0x0;
	s16 =	sadd.s32 @!p0 s2, s9;
	[sflag:s19] =	ssyncadd.s32 $0xFFFFE800  }
0x116: {  	[tilespmem:s24], [sflag:$0x7] =	stream.linear.gather @!p0 [hbm4b:s16+s24], $0x30, $0x38;
	[tilespmem:$0x1D380] =	vst v63  }
0x117: {  	s16 =	simm.s32 @!p0 $0x7  }
0x118: {  	_ =	swait.ge @!p0 [sflag:s16], $0x30  }
0x119: {  	[sflag:s16] =	ssyncset.done @!p0 $0x0  }
0x11a: {  	s30 =	simm.s32 @!p0 $0x180;
	s9 =	sadd.s32 @!p0 s7, s9;
	[sflag:s16] =	ssyncadd.s32 @!p0 $0xFFFFFFD0  }
0x11b: {  	[tilespmem:s30], [sflag:$0x7] =	stream.linear.gather @!p0 [hbm4b:s9+s24], $0x30, $0x38;
	[tilespmem:$0x1D380] =	vst v63  }
0x11c: {  	_ =	swait.ge @!p0 [sflag:s16], $0x30  }
0x11d: {  	[sflag:s16] =	ssyncset.done @!p0 $0x0  }
0x11e: {  	s9 =	simm.s32 @!p0 $0x30;
	[sflag:s16] =	ssyncadd.s32 @!p0 $0xFFFFFFD0;
	s16 =	simm.s32 @!p0 $0x300  }
0x11f: {  	[tilespmem:s16], [sflag:$0x1] =	stream.indirect.gather @!p0 [hbm4b:s5+s9], $0x80, s24, s9, $0xb8;
	[tilespmem:$0x1D380] =	vst v63  }
0x120: {  	s16 =	simm.s32 @!p0 $0x4B00;
	s24 =	simm.s32 $0x6400  }
0x121: {  	[tilespmem:s16], [sflag:$0x4] =	stream.indirect.gather @!p0 [hbm4b:s6+s9], $0x80, s30, s9, $0xb8;
	[tilespmem:$0x1D380] =	vst v63  }
0x122: {  	v11 =	vld.idx.msk [tilespmem:v0+s24+$0x80 ss:$0x1], $0xffff  }
0x123: {  	v15 =	vld [tilespmem:s26+$0x80]  }
0x124: {  	v12 =	vld.idx.msk [tilespmem:v0+s24+$0x90 ss:$0x1], $0xffff  }
0x125: {  	v9 =	vld [tilespmem:s26+$0x90]  }
0x126: {  	v13 =	vld.idx.msk [tilespmem:v0+s24+$0xA0 ss:$0x1], $0xffff  }
0x127: {  	v10 =	vld [tilespmem:s26+$0xA0]  }
0x128: {  	v14 =	vld.idx.msk [tilespmem:v0+s24+$0xB0 ss:$0x1], $0xffff  }
0x129: {  	v16 =	vld [tilespmem:s26+$0xB0];
	v11 =	vadd.f32 v11, v15  }
0x12a: {  	v17 =	vld.idx.msk [tilespmem:v0+s24+$0xFFFFFF00 ss:$0x1], $0xffff  }
0x12b: {  	v19 =	vld.idx.msk [tilespmem:v0+s24+$0xFFFFFF80 ss:$0x1], $0xffff;
	v12 =	vadd.f32 v12, v9;
	v18 =	vmul.f32 $2.000000030e-01, v11  }
0x12c: {  	v20 =	vld.idx.msk [tilespmem:v0+s24+$0x0 ss:$0x1], $0xffff  }
0x12d: {  	v32 =	vld [tilespmem:s26+$0xFFFFFF80];
	v13 =	vadd.f32 v13, v10;
	v11 =	vmax.f32 v11, v18;
	v18 =	vmul.f32 $2.000000030e-01, v12  }
0x12e: {  	v34 =	vld [tilespmem:s26+$0xFFFFFF00];
	v21 =	vmul.f32 v11, v5  }
0x12f: {  	v22 =	vld.idx.msk [tilespmem:v0+s24+$0xFFFFFF10 ss:$0x1], $0xffff;
	v12 =	vmax.f32 v12, v18;
	v18 =	vmul.f32 $2.000000030e-01, v13  }
0x130: {  	v23 =	vld.idx.msk [tilespmem:v0+s24+$0xFFFFFF90 ss:$0x1], $0xffff;
	v14 =	vadd.f32 v14, v16;
	v21 =	vadd.f32 $0.0e+00, v21;
	v12 =	vmul.f32 v12, v6  }
0x131: {  	v11 =	vld [tilespmem:s26+$0x0];
	v13 =	vmax.f32 v13, v18  }
0x132: {  	v24 =	vld.idx.msk [tilespmem:v0+s24+$0x10 ss:$0x1], $0xffff;
	v18 =	vmul.f32 $2.000000030e-01, v14;
	v12 =	vadd.f32 v12, v21;
	v13 =	vmul.f32 v13, v7  }
0x133: {  	v35 =	vld [tilespmem:s26+$0xFFFFFF10];
	v21 =	vadd.f32 v19, v32  }
0x134: {  	v19 =	vld [tilespmem:s26+$0x10];
	v14 =	vmax.f32 v14, v18;
	v12 =	vadd.f32 v13, v12  }
0x135: {  	v33 =	vld [tilespmem:s26+$0xFFFFFF90];
	v13 =	vmul.f32 v14, v8;
	v14 =	vadd.f32 v17, v34;
	v17 =	vmul.f32 $2.000000030e-01, v21  }
0x136: {  	v18 =	vadd.f32 v20, v11  }
0x137: {  	v26 =	vld.idx.msk [tilespmem:v0+s24+$0xFFFFFFA0 ss:$0x1], $0xffff;
	v12 =	vadd.f32 v13, v12;
	v20 =	vmul.f32 $2.000000030e-01, v14;
	v17 =	vmax.f32 v21, v17  }
0x138: {  	v37 =	vld [tilespmem:s26+$0xFFFFFF20];
	v21 =	vmul.f32 $2.000000030e-01, v18;
	v17 =	vmul.f32 v17, v5  }
0x139: {  	v36 =	vld [tilespmem:s26+$0xFFFFFFA0];
	v24 =	vadd.f32 v24, v19;
	v25 =	vperm.xlane v12, v1;
	v14 =	vmax.f32 v14, v20  }
0x13a: {  	v13 =	vld.idx.msk [tilespmem:v0+s24+$0xFFFFFF20 ss:$0x1], $0xffff;
	v20 =	vadd.f32 v22, v35;
	v18 =	vmax.f32 v18, v21;
	v21 =	vadd.f32 v23, v33  }
0x13b: {  	v29 =	vld.idx.msk [tilespmem:v0+s24+$0xFFFFFF30 ss:$0x1], $0xffff;
	v14 =	vmul.f32 v14, v5;
	v18 =	vmul.f32 v18, v5;
	v12 =	vadd.f32 v12, v25  }
0x13c: {  	v22 =	vld.idx.msk [tilespmem:v0+s24+$0x20 ss:$0x1], $0xffff;
	v17 =	vadd.f32 $0.0e+00, v17;
	v23 =	vmul.f32 $2.000000030e-01, v20;
	v27 =	vmul.f32 $2.000000030e-01, v21  }
0x13d: {  	v25 =	vld [tilespmem:s26+$0x20];
	v14 =	vadd.f32 $0.0e+00, v14;
	v18 =	vadd.f32 $0.0e+00, v18;
	v28 =	vperm.xlane v12, v2  }
0x13e: {  	v30 =	vld.idx.msk [tilespmem:v0+s24+$0xFFFFFFB0 ss:$0x1], $0xffff;
	v20 =	vmax.f32 v20, v23;
	v23 =	vmul.f32 $2.000000030e-01, v24;
	v21 =	vmax.f32 v21, v27  }
0x13f: {  	v39 =	vld [tilespmem:s26+$0xFFFFFF30];
	v13 =	vadd.f32 v13, v37;
	v20 =	vmul.f32 v20, v6;
	v21 =	vmul.f32 v21, v6  }
0x140: {  	v38 =	vld [tilespmem:s26+$0xFFFFFFB0];
	v12 =	vadd.f32 v12, v28;
	v23 =	vmax.f32 v24, v23;
	v24 =	vadd.f32 v26, v36  }
0x141: {  	v26 =	vld.idx.msk [tilespmem:v0+s24+$0x30 ss:$0x1], $0xffff;
	v14 =	vadd.f32 v20, v14;
	v20 =	vmul.f32 $2.000000030e-01, v13;
	v23 =	vmul.f32 v23, v6  }
0x142: {  	v28 =	vld [tilespmem:s26+$0x30];
	v22 =	vadd.f32 v22, v25;
	v17 =	vadd.f32 v21, v17;
	v27 =	vperm.xlane v12, v3  }
0x143: {  	v21 =	vmul.f32 $2.000000030e-01, v24;
	v13 =	vmax.f32 v13, v20;
	v18 =	vadd.f32 v23, v18  }
0x144: {  	v20 =	vmul.f32 $2.000000030e-01, v22;
	v23 =	vadd.f32 v29, v39;
	v12 =	vadd.f32 v12, v27  }
0x145: {  	v13 =	vmul.f32 v13, v7;
	v21 =	vmax.f32 v24, v21;
	v24 =	vadd.f32 v30, v38  }
0x146: {  	v21 =	vmul.f32 v21, v7;
	v20 =	vmax.f32 v22, v20;
	v22 =	vmul.f32 $2.000000030e-01, v23  }
0x147: {  	v26 =	vadd.f32 v26, v28;
	v27 =	vperm.xlane v12, v4;
	v29 =	vmul.f32 $2.000000030e-01, v24  }
0x148: {  	v20 =	vmul.f32 v20, v7;
	v13 =	vadd.f32 v13, v14;
	v14 =	vmax.f32 v23, v22  }
0x149: {  	v22 =	vmul.f32 $2.000000030e-01, v26;
	v12 =	vadd.f32 v12, v27;
	v23 =	vmax.f32 v24, v29  }
0x14a: {  	v17 =	vadd.f32 v21, v17;
	v14 =	vmul.f32 v14, v8;
	v21 =	vmul.f32 v23, v8  }
0x14b: {  	v18 =	vadd.f32 v20, v18;
	v20 =	vmax.f32 v26, v22;
	v12 =	vmul.f32 $1.442695020e+00, v12  }
0x14c: {  	v13 =	vadd.f32 v14, v13;
	v14 =	vmul.f32 v20, v8;
	v17 =	vadd.f32 v21, v17  }
0x14d: {  	(erf) = vpow2.f32 v12  }
0x14e: {  	v12 =	vperm.xlane v13, v1;
	v14 =	vadd.f32 v14, v18;
	v18 =	vperm.xlane v17, v1  }
0x14f: {  	s16 =	simm.s32 $0x6600  }
0x150: {  	v52 =	vld.idx.msk [tilespmem:v0+s16+$0x0 ss:$0x1], $0xffff;
	v12 =	vadd.f32 v13, v12;
	v13 =	vperm.xlane v14, v1;
	v18 =	vadd.f32 v17, v18  }
0x151: {  	s30 =	sadd.s32 $0x200, s26;
	v20 =	vld.idx.msk [tilespmem:v0+s16+$0x80 ss:$0x1], $0xffff  }
0x152: {  	v17 =	vld [tilespmem:s30+$0x80];
	v21 =	vperm.xlane v12, v2;
	v22 =	vadd.f32 v14, v13;
	v14 =	vperm.xlane v18, v2  }
0x153: {  	v23 =	vld.idx.msk [tilespmem:v0+s16+$0x90 ss:$0x1], $0xffff  }
0x154: {  	v13 =	vld [tilespmem:s30+$0x90];
	v21 =	vadd.f32 v12, v21;
	v12 =	vperm.xlane v22, v2  }
0x155: {  	v24 =	vld.idx.msk [tilespmem:v0+s16+$0xA0 ss:$0x1], $0xffff;
	v18 =	vadd.f32 v18, v14  }
0x156: {  	v26 =	vperm.xlane v21, v3;
	v22 =	vadd.f32 v22, v12;
	v12 =	vld [tilespmem:s30+$0xA0];
	v14 =	vpop (erf)  }
0x157: {  	v30 =	vld.idx.msk [tilespmem:v0+s16+$0xFFFFFF00 ss:$0x1], $0xffff;
	v27 =	vperm.xlane v18, v3;
	v41 =	vmul.f32 v14, v16;
	v16 =	vadd.f32 v20, v17  }
0x158: {  	v29 =	vld.idx.msk [tilespmem:v0+s16+$0xB0 ss:$0x1], $0xffff;
	v20 =	vadd.f32 v21, v26;
	v21 =	vperm.xlane v22, v3;
	v42 =	vmul.f32 v14, v15  }
0x159: {  	v26 =	vld [tilespmem:s30+$0xB0];
	v27 =	vadd.f32 v18, v27;
	v18 =	vadd.f32 v23, v13;
	v15 =	vmul.f32 $2.000000030e-01, v16  }
0x15a: {  	v21 =	vadd.f32 v22, v21;
	v22 =	vld.idx.msk [tilespmem:v0+s16+$0xFFFFFF80 ss:$0x1], $0xffff;
	v23 =	vperm.xlane v20, v4  }
0x15b: {  	v53 =	vmul.f32 $2.000000030e-01, v18;
	v24 =	vadd.f32 v24, v12;
	v15 =	vmax.f32 v16, v15;
	v16 =	vld [tilespmem:s30+$0xFFFFFF80]  }
0x15c: {  	v31 =	vperm.xlane v27, v4;
	v20 =	vadd.f32 v20, v23;
	v45 =	vmul.f32 v15, v5;
	v15 =	vld [tilespmem:s30+$0x0]  }
0x15d: {  	v23 =	vperm.xlane v21, v4;
	v44 =	vmax.f32 v18, v53;
	v46 =	vmul.f32 $2.000000030e-01, v24;
	v18 =	vld [tilespmem:s30+$0xFFFFFF00]  }
0x15e: {  	v29 =	vadd.f32 v29, v26;
	v27 =	vadd.f32 v27, v31;
	v31 =	vld.idx.msk [tilespmem:v0+s16+$0xFFFFFF10 ss:$0x1], $0xffff;
	v44 =	vmul.f32 v44, v6  }
0x15f: {  	v21 =	vadd.f32 v21, v23;
	v55 =	vmul.f32 $1.442695020e+00, v20;
	v20 =	vld [tilespmem:s30+$0xFFFFFF10];
	v45 =	vadd.f32 $0.0e+00, v45  }
0x160: {  	v24 =	vmax.f32 v24, v46;
	v54 =	vmul.f32 $2.000000030e-01, v29;
	v27 =	vmul.f32 $1.442695020e+00, v27  }
0x161: {  	v56 =	vld.idx.msk [tilespmem:v0+s16+$0x10 ss:$0x1], $0xffff;
	v24 =	vmul.f32 v24, v7;
	v48 =	vmul.f32 $1.442695020e+00, v21;
	v23 =	vadd.f32 v44, v45  }
0x162: {  	v21 =	vld [tilespmem:s30+$0x10];
	(erf) = vpow2.f32 v55;
	v22 =	vadd.f32 v22, v16;
	v29 =	vmax.f32 v29, v54  }
0x163: {  	v47 =	vld.idx.msk [tilespmem:v0+s16+$0xFFFFFF90 ss:$0x1], $0xffff;
	v43 =	vadd.f32 v52, v15;
	v29 =	vmul.f32 v29, v8;
	v24 =	vadd.f32 v24, v23  }
0x164: {  	v59 =	vld.idx.msk [tilespmem:v0+s16+$0xFFFFFFA0 ss:$0x1], $0xffff;
	v30 =	vadd.f32 v30, v18;
	v57 =	vmul.f32 $2.000000030e-01, v22;
	v31 =	vadd.f32 v31, v20  }
0x165: {  	(erf) = vpow2.f32 v27;
	v23 =	vld [tilespmem:s30+$0xFFFFFF90];
	v49 =	vmul.f32 $2.000000030e-01, v43;
	v24 =	vadd.f32 v29, v24  }
0x166: {  	v63 =	vld.idx.msk [tilespmem:v0+s16+$0x20 ss:$0x1], $0xffff;
	v58 =	vmul.f32 $2.000000030e-01, v30;
	v22 =	vmax.f32 v22, v57;
	v50 =	vmul.f32 $2.000000030e-01, v31  }
0x167: {  	v55 =	vld.idx.msk [tilespmem:v0+s16+$0xFFFFFFB0 ss:$0x1], $0xffff;
	v45 =	vadd.f32 v56, v21;
	v27 =	vmax.f32 v43, v49;
	v62 =	vperm.xlane v24, v1  }
0x168: {  	v29 =	vld.idx.msk [tilespmem:v0+s16+$0xFFFFFF20 ss:$0x1], $0xffff;
	v22 =	vmul.f32 v22, v5;
	v30 =	vmax.f32 v30, v58;
	v49 =	vmul.f32 v27, v5  }
0x169: {  	v27 =	vld [tilespmem:s30+$0xFFFFFF20];
	v30 =	vmul.f32 v30, v5;
	v31 =	vmax.f32 v31, v50;
	v43 =	vadd.f32 v24, v62  }
0x16a: {  	v60 =	vmul.f32 $2.000000030e-01, v45;
	v47 =	vadd.f32 v47, v23;
	v51 =	vadd.f32 $0.0e+00, v22;
	v22 =	vld [tilespmem:s30+$0x20]  }
0x16b: {  	v31 =	vmul.f32 v31, v6;
	v24 =	vld [tilespmem:s30+$0xFFFFFFA0];
	v30 =	vadd.f32 $0.0e+00, v30;
	v53 =	vperm.xlane v43, v2  }
0x16c: {  	v54 =	vld.idx.msk [tilespmem:v0+s16+$0xFFFFFF30 ss:$0x1], $0xffff;
	v49 =	vadd.f32 $0.0e+00, v49;
	v45 =	vmax.f32 v45, v60;
	v52 =	vmul.f32 $2.000000030e-01, v47  }
0x16d: {  	v45 =	vmul.f32 v45, v6;
	v56 =	vadd.f32 v31, v30;
	v30 =	vld [tilespmem:s30+$0xFFFFFFB0];
	v43 =	vadd.f32 v43, v53  }
0x16e: {  	v47 =	vmax.f32 v47, v52;
	v61 =	vadd.f32 v29, v27;
	v29 =	vld [tilespmem:s30+$0xFFFFFF30]  }
0x16f: {  	v31 =	vld [tilespmem:s30+$0x30];
	v45 =	vadd.f32 v45, v49;
	v47 =	vmul.f32 v47, v6;
	v62 =	vperm.xlane v43, v3  }
0x170: {  	v53 =	vld.idx.msk [tilespmem:v0+s16+$0x30 ss:$0x1], $0xffff;
	v44 =	vadd.f32 v63, v22;
	v46 =	vadd.f32 v59, v24;
	v57 =	vmul.f32 $2.000000030e-01, v61  }
0x171: {  	v40 =	vnsel vm0, $0x0, v14;
	v47 =	vadd.f32 v47, v51;
	v43 =	vadd.f32 v43, v62  }
0x172: {  	v59 =	vmul.f32 $2.000000030e-01, v44;
	v63 =	vmul.f32 $2.000000030e-01, v46;
	v58 =	vmax.f32 v61, v57  }
0x173: {  	v50 =	vmul.f32 v58, v7;
	v61 =	vadd.f32 v54, v29;
	v60 =	vperm.xlane v43, v4  }
0x174: {  	v44 =	vmax.f32 v44, v59;
	v62 =	vadd.f32 v55, v30;
	v46 =	vmax.f32 v46, v63  }
0x175: {  	v44 =	vmul.f32 v44, v7;
	v53 =	vadd.f32 v53, v31;
	v43 =	vadd.f32 v43, v60  }
0x176: {  	v46 =	vmul.f32 v46, v7;
	v50 =	vadd.f32 v50, v56;
	v63 =	vmul.f32 $2.000000030e-01, v61  }
0x177: {  	v55 =	vmul.f32 $2.000000030e-01, v62;
	v44 =	vadd.f32 v44, v45;
	v43 =	vmul.f32 $1.442695020e+00, v43  }
0x178: {  	v56 =	vmul.f32 $2.000000030e-01, v53;
	v46 =	vadd.f32 v46, v47;
	v51 =	vmax.f32 v61, v63  }
0x179: {  	v47 =	vmax.f32 v62, v55;
	v51 =	vmul.f32 v51, v8;
	(erf) = vpow2.f32 v43  }
0x17a: {  	[tilespmem:s24+$0xC0] =	vst v40;
	v57 =	vpop (erf);
	v58 =	vmul.f32 v47, v8;
	v45 =	vmax.f32 v53, v56;
	(erf) = vpow2.f32 v48  }
0x17b: {  	[tilespmem:s24+$0xB0] =	vst v41;
	v34 =	vmul.f32 v57, v34;
	v45 =	vmul.f32 v45, v8;
	v59 =	vadd.f32 v51, v50  }
0x17c: {  	[tilespmem:s24+$0x80] =	vst v42;
	v37 =	vmul.f32 v57, v37;
	v60 =	vmul.f32 v57, v35;
	v46 =	vadd.f32 v58, v46  }
0x17d: {  	v35 =	vpop (erf);
	[tilespmem:s24+$0xFFFFFF00] =	vst v34;
	v62 =	vmul.f32 v57, v39;
	v40 =	vadd.f32 v45, v44;
	v61 =	vperm.xlane v59, v1  }
0x17e: {  	v34 =	vnsel vm0, $0x0, v57;
	[tilespmem:s24+$0xFFFFFF20] =	vst v37;
	v39 =	vmul.f32 v35, v32;
	v63 =	vperm.xlane v46, v1  }
0x17f: {  	v37 =	vmul.f32 v35, v33;
	[tilespmem:s24+$0xFFFFFF10] =	vst v60;
	v43 =	vperm.xlane v40, v1;
	v41 =	vadd.f32 v59, v61  }
0x180: {  	s31 =	simm.s32 $0x6800;
	s9 =	simm.s32 $0x4;
	v33 =	vmul.f32 v35, v36;
	v32 =	vmul.f32 v35, v38;
	[tilespmem:s24+$0xFFFFFF30] =	vst v62;
	v42 =	vadd.f32 v46, v63  }
.LBB2_5:
0x181: {  	v36 =	vld.idx.msk [tilespmem:v0+s31+$0x80 ss:$0x1], $0xffff;
	s9 =	sadd.s32 $0x4, s9;
	v38 =	vperm.xlane v41, v2;
	v40 =	vadd.f32 v40, v43;
	s30 =	sadd.s32 $0x200, s30;
	v43 =	vmul.f32 v14, v9  }
0x182: {  	v35 =	vnsel vm0, $0x0, v35;
	v44 =	vld [tilespmem:s30+$0x80];
	p1 =	slt.u32 s9, $0x2C;
	v9 =	vperm.xlane v42, v2;
	[tilespmem:s24+$0xFFFFFF80] =	vst v39;
	v39 =	vmul.f32 v14, v10;
	v14 =	vpop (erf)  }
0x183: {  	v10 =	vld.idx.msk [tilespmem:v0+s31+$0x90 ss:$0x1], $0xffff;
	v38 =	vadd.f32 v41, v38;
	v41 =	vperm.xlane v40, v2;
	v26 =	vmul.f32 v14, v26;
	v45 =	vpop (erf)  }
0x184: {  	v46 =	vld [tilespmem:s30+$0x90];
	v42 =	vadd.f32 v42, v9;
	[tilespmem:s24+$0xFFFFFF90] =	vst v37;
	v11 =	vmul.f32 v45, v11;
	v19 =	vmul.f32 v45, v19  }
0x185: {  	v37 =	vld.idx.msk [tilespmem:v0+s31+$0xA0 ss:$0x1], $0xffff;
	v47 =	vperm.xlane v38, v3;
	v40 =	vadd.f32 v40, v41;
	[tilespmem:s16+$0xB0] =	vst v26;
	v41 =	vnsel vm0, $0x0, v45  }
0x186: {  	v50 =	vnsel vm0, $0x0, v14;
	v25 =	vmul.f32 v45, v25;
	v48 =	vld [tilespmem:s30+$0xA0];
	v49 =	vperm.xlane v42, v3;
	[tilespmem:s24+$0xFFFFFFA0] =	vst v33;
	v9 =	vmovc v13  }
0x187: {  	v13 =	vld.idx.msk [tilespmem:v0+s31+$0xB0 ss:$0x1], $0xffff;
	v33 =	vadd.f32 v36, v44;
	v36 =	vadd.f32 v38, v47;
	v38 =	vperm.xlane v40, v3  }
0x188: {  	v28 =	vmul.f32 v45, v28;
	v47 =	vmul.f32 v14, v17;
	v26 =	vld [tilespmem:s30+$0xB0];
	v42 =	vadd.f32 v42, v49;
	[tilespmem:s24+$0xFFFFFFB0] =	vst v32  }
0x189: {  	v45 =	vld.idx.msk [tilespmem:v0+s31+$0xFFFFFF00 ss:$0x1], $0xffff;
	v32 =	vmul.f32 $2.000000030e-01, v33;
	v10 =	vadd.f32 v10, v46;
	v38 =	vadd.f32 v40, v38;
	[tilespmem:s24+$0x0] =	vst v11  }
0x18a: {  	v17 =	vmov v44;
	v40 =	vperm.xlane v36, v4;
	v11 =	vld.idx.msk [tilespmem:v0+s31+$0xFFFFFF80 ss:$0x1], $0xffff;
	v49 =	vperm.xlane v42, v4;
	[tilespmem:s24+$0x10] =	vst v19  }
0x18b: {  	v19 =	vld.idx.msk [tilespmem:v0+s31+$0x0 ss:$0x1], $0xffff;
	v33 =	vmax.f32 v33, v32;
	v44 =	vmul.f32 $2.000000030e-01, v10;
	v37 =	vadd.f32 v37, v48;
	[tilespmem:s24+$0x20] =	vst v25  }
0x18c: {  	v36 =	vadd.f32 v36, v40;
	v40 =	vperm.xlane v38, v4;
	v32 =	vld [tilespmem:s30+$0xFFFFFF80];
	v25 =	vmul.f32 v33, v5;
	[tilespmem:s24+$0x30] =	vst v28  }
0x18d: {  	v28 =	vld [tilespmem:s30+$0x0];
	v52 =	vmax.f32 v10, v44;
	v44 =	vmul.f32 $2.000000030e-01, v37;
	v51 =	vadd.f32 v13, v26;
	[tilespmem:s16+$0x80] =	vst v47;
	v13 =	vmovc v46  }
0x18e: {  	v42 =	vadd.f32 v42, v49;
	v10 =	vmovc v12;
	v33 =	vld [tilespmem:s30+$0xFFFFFF00];
	v25 =	vadd.f32 $0.0e+00, v25;
	v46 =	vmul.f32 v52, v6;
	[tilespmem:s24+$0x90] =	vst v43  }
0x18f: {  	v38 =	vadd.f32 v38, v40;
	v43 =	vld.idx.msk [tilespmem:v0+s31+$0xFFFFFF10 ss:$0x1], $0xffff;
	v12 =	vmax.f32 v37, v44;
	v37 =	vmul.f32 $2.000000030e-01, v51;
	[tilespmem:s24+$0xA0] =	vst v39  }
0x190: {  	v36 =	vmul.f32 $1.442695020e+00, v36;
	v39 =	vld.idx.msk [tilespmem:v0+s31+$0xFFFFFF90 ss:$0x1], $0xffff;
	v25 =	vadd.f32 v46, v25;
	v46 =	vmul.f32 v12, v7;
	[tilespmem:s24+$0xFFFFFF40] =	vst v34  }
0x191: {  	v40 =	vadd.f32 v11, v32;
	v44 =	vld.idx.msk [tilespmem:v0+s31+$0x10 ss:$0x1], $0xffff;
	v47 =	vmax.f32 v51, v37;
	v37 =	vmul.f32 $1.442695020e+00, v42;
	[tilespmem:s24+$0xFFFFFFC0] =	vst v35  }
0x192: {  	v34 =	vld [tilespmem:s30+$0xFFFFFF10];
	v35 =	vadd.f32 v19, v28;
	v49 =	vadd.f32 v46, v25;
	v25 =	vmul.f32 v47, v8;
	[tilespmem:s24+$0x40] =	vst v41;
	s24 =	smov.u32 s16;
	s16 =	smov.u32 s31  }
0x193: {  	v38 =	vmul.f32 $1.442695020e+00, v38;
	v11 =	vmovc v15;
	v12 =	vmovc v48;
	v41 =	vadd.f32 v45, v33;
	v42 =	vld [tilespmem:s30+$0xFFFFFF90];
	v45 =	vmul.f32 $2.000000030e-01, v40;
	[tilespmem:s24+$0xC0] =	vst v50  }
0x194: {  	v15 =	vmovc v28;
	v46 =	vld [tilespmem:s30+$0x10];
	v47 =	vmul.f32 $2.000000030e-01, v35;
	v25 =	vadd.f32 v25, v49;
	(erf) = vpow2.f32 v36;
	v36 =	vmovc v23  }
0x195: {  	v19 =	vmovc v21;
	v48 =	vld.idx.msk [tilespmem:v0+s31+$0xFFFFFF20 ss:$0x1], $0xffff;
	v51 =	vmul.f32 $2.000000030e-01, v41;
	v28 =	vmax.f32 v40, v45;
	(erf) = vpow2.f32 v37;
	v37 =	vmovc v27  }
0x196: {  	v40 =	vld.idx.msk [tilespmem:v0+s31+$0xFFFFFFA0 ss:$0x1], $0xffff;
	v50 =	vmul.f32 v28, v5;
	v27 =	vmax.f32 v35, v47;
	v28 =	vperm.xlane v25, v1  }
0x197: {  	v49 =	vmax.f32 v41, v51;
	v35 =	vadd.f32 v43, v34;
	v41 =	vld.idx.msk [tilespmem:v0+s31+$0x20 ss:$0x1], $0xffff;
	v43 =	vmul.f32 v27, v5  }
0x198: {  	v27 =	vld [tilespmem:s30+$0xFFFFFF20];
	v45 =	vmul.f32 v49, v5;
	v39 =	vadd.f32 v39, v42;
	v47 =	vadd.f32 v25, v28;
	v23 =	vmovc v42  }
0x199: {  	v42 =	vadd.f32 $0.0e+00, v50;
	v54 =	vmul.f32 $2.000000030e-01, v35;
	v44 =	vadd.f32 v44, v46;
	v21 =	vmovc v46;
	v46 =	vmovc v24;
	v24 =	vld [tilespmem:s30+$0xFFFFFFA0]  }
0x19a: {  	v25 =	vmovc v22;
	v51 =	vmovc v29;
	v45 =	vadd.f32 $0.0e+00, v45;
	v49 =	vmul.f32 $2.000000030e-01, v39;
	v50 =	vperm.xlane v47, v2;
	v22 =	vld [tilespmem:s30+$0x20]  }
0x19b: {  	v53 =	vmovc v30;
	v43 =	vadd.f32 $0.0e+00, v43;
	v28 =	vmovc v31;
	v52 =	vld.idx.msk [tilespmem:v0+s31+$0xFFFFFF30 ss:$0x1], $0xffff;
	v29 =	vmax.f32 v35, v54;
	v56 =	vmul.f32 $2.000000030e-01, v44  }
0x19c: {  	v30 =	vmul.f32 v29, v6;
	v54 =	vld.idx.msk [tilespmem:v0+s31+$0xFFFFFFB0 ss:$0x1], $0xffff;
	v29 =	vmax.f32 v39, v49;
	v39 =	vadd.f32 v47, v50  }
0x19d: {  	v47 =	vadd.f32 v48, v27;
	v31 =	vmul.f32 v29, v6;
	v48 =	vld.idx.msk [tilespmem:v0+s31+$0x30 ss:$0x1], $0xffff;
	v55 =	vmax.f32 v44, v56;
	v44 =	vpop (erf)  }
0x19e: {  	v29 =	vld [tilespmem:s30+$0xFFFFFF30];
	v40 =	vadd.f32 v40, v24;
	v49 =	vmul.f32 v55, v6;
	v50 =	vperm.xlane v39, v3;
	v35 =	vpop (erf)  }
0x19f: {  	v45 =	vadd.f32 v30, v45;
	v55 =	vmul.f32 $2.000000030e-01, v47;
	v30 =	vld [tilespmem:s30+$0xFFFFFFB0];
	v41 =	vadd.f32 v41, v22  }
0x1a0: {  	v42 =	vadd.f32 v31, v42;
	v56 =	vmul.f32 $2.000000030e-01, v40;
	v31 =	vld [tilespmem:s30+$0x30];
	v39 =	vadd.f32 v39, v50  }
0x1a1: {  	v43 =	vadd.f32 v49, v43;
	v47 =	vmax.f32 v47, v55;
	v49 =	vmul.f32 $2.000000030e-01, v41  }
0x1a2: {  	v47 =	vmul.f32 v47, v7;
	v40 =	vmax.f32 v40, v56;
	v50 =	vperm.xlane v39, v4  }
0x1a3: {  	v52 =	vadd.f32 v52, v29;
	v40 =	vmul.f32 v40, v7;
	v41 =	vmax.f32 v41, v49  }
0x1a4: {  	v49 =	vadd.f32 v54, v30;
	v41 =	vmul.f32 v41, v7;
	v39 =	vadd.f32 v39, v50  }
0x1a5: {  	v45 =	vadd.f32 v47, v45;
	v47 =	vmul.f32 $2.000000030e-01, v52;
	v48 =	vadd.f32 v48, v31  }
0x1a6: {  	v40 =	vadd.f32 v40, v42;
	v42 =	vmul.f32 $2.000000030e-01, v49;
	v39 =	vmul.f32 $1.442695020e+00, v39  }
0x1a7: {  	v41 =	vadd.f32 v41, v43;
	v47 =	vmax.f32 v52, v47;
	v43 =	vmul.f32 $2.000000030e-01, v48  }
0x1a8: {  	v47 =	vmul.f32 v47, v8;
	v42 =	vmax.f32 v49, v42;
	(erf) = vpow2.f32 v39  }
0x1a9: {  	v39 =	vmul.f32 v42, v8;
	v42 =	vmax.f32 v48, v43;
	(erf) = vpow2.f32 v38  }
0x1aa: {  	v43 =	vmul.f32 v44, v18;
	v18 =	vmovc v33;
	v38 =	vadd.f32 v47, v45;
	v42 =	vmul.f32 v42, v8  }
.Ltmp1:
0x1ab: {  	v37 =	vmul.f32 v44, v37;
	v33 =	vadd.f32 v39, v40;
	v39 =	vmul.f32 v44, v20;
	v20 =	vmovc v34;
	(pc) =	sbr.rel @p1 .LBB2_5-.Ltmp1, $4  }
0x1ac: {  	v47 =	vmul.f32 v44, v51;
	v45 =	vperm.xlane v38, v1;
	v40 =	vadd.f32 v42, v41;
	[tilespmem:s24+$0xFFFFFF00] =	vst v43  }
0x1ad: {  	v34 =	vnsel vm0, $0x0, v44;
	v42 =	vperm.xlane v33, v1;
	[tilespmem:s24+$0xFFFFFF10] =	vst v39;
	v39 =	vmul.f32 v35, v16;
	v16 =	vmovc v32  }
0x1ae: {  	v41 =	vadd.f32 v38, v45;
	v43 =	vperm.xlane v40, v1;
	[tilespmem:s24+$0xFFFFFF20] =	vst v37;
	v37 =	vmul.f32 v35, v36  }
0x1af: {  	s31 =	sadd.s32 $0x200, s31;
	v32 =	vmul.f32 v35, v53;
	v42 =	vadd.f32 v33, v42;
	[tilespmem:s24+$0xFFFFFF30] =	vst v47;
	v33 =	vmul.f32 v35, v46  }
0x1b0: {  	v36 =	vperm.xlane v41, v2;
	_ =	sdelay $0x1  }
0x1b1: {  	v36 =	vadd.f32 v41, v36;
	_ =	sdelay $0x1  }
0x1b2: {  	v41 =	vperm.xlane v36, v3  }
0x1b3: {  	v38 =	vperm.xlane v42, v2  }
0x1b4: {  	v36 =	vadd.f32 v36, v41  }
0x1b5: {  	v40 =	vadd.f32 v40, v43;
	v38 =	vadd.f32 v42, v38  }
0x1b6: {  	v48 =	vperm.xlane v36, v4  }
0x1b7: {  	[tilespmem:s24+$0xFFFFFF80] =	vst v39;
	v63 =	vperm.xlane v40, v2;
	v42 =	vperm.xlane v38, v3  }
0x1b8: {  	[tilespmem:s24+$0xFFFFFF90] =	vst v37;
	v44 =	vpop (erf);
	v36 =	vadd.f32 v36, v48  }
0x1b9: {  	[tilespmem:s24+$0xFFFFFF40] =	vst v34;
	v26 =	vmul.f32 v44, v26;
	v40 =	vadd.f32 v40, v63;
	v38 =	vadd.f32 v38, v42  }
0x1ba: {  	v9 =	vmul.f32 v14, v9;
	[tilespmem:s24+$0xFFFFFFA0] =	vst v33;
	v36 =	vmul.f32 $1.442695020e+00, v36  }
0x1bb: {  	v50 =	vpop (erf);
	[tilespmem:s16+$0xB0] =	vst v26;
	v49 =	vperm.xlane v40, v3;
	v26 =	vperm.xlane v38, v4  }
0x1bc: {  	[tilespmem:s24+$0xFFFFFFB0] =	vst v32;
	v11 =	vmul.f32 v50, v11;
	(erf) = vpow2.f32 v36  }
0x1bd: {  	[tilespmem:s24+$0x90] =	vst v9;
	v19 =	vmul.f32 v50, v19;
	v51 =	vadd.f32 v40, v49;
	v26 =	vadd.f32 v38, v26  }
0x1be: {  	v10 =	vmul.f32 v14, v10;
	[tilespmem:s24+$0x0] =	vst v11  }
0x1bf: {  	[tilespmem:s24+$0x10] =	vst v19;
	v11 =	vperm.xlane v51, v4;
	v19 =	vmul.f32 $1.442695020e+00, v26  }
0x1c0: {  	v17 =	vmul.f32 v44, v17;
	[tilespmem:s24+$0xA0] =	vst v10;
	v10 =	vnsel vm0, $0x0, v35  }
0x1c1: {  	v13 =	vmul.f32 v44, v13;
	[tilespmem:s24+$0xFFFFFFC0] =	vst v10;
	v11 =	vadd.f32 v51, v11;
	(erf) = vpow2.f32 v19  }
0x1c2: {  	v25 =	vmul.f32 v50, v25;
	[tilespmem:s16+$0x80] =	vst v17  }
0x1c3: {  	[tilespmem:s16+$0x90] =	vst v13;
	v9 =	vmul.f32 $1.442695020e+00, v11  }
0x1c4: {  	[tilespmem:s24+$0x20] =	vst v25;
	v11 =	vnsel vm0, $0x0, v44  }
0x1c5: {  	v28 =	vmul.f32 v50, v28;
	[tilespmem:s16+$0xC0] =	vst v11;
	(erf) = vpow2.f32 v9;
	v9 =	vnsel vm0, $0x0, v50;
	v10 =	vpop (erf)  }
0x1c6: {  	[tilespmem:s24+$0x40] =	vst v9;
	v9 =	vmul.f32 v10, v18;
	v11 =	vmul.f32 v10, v20  }
0x1c7: {  	[tilespmem:s24+$0x30] =	vst v28;
	v14 =	vmul.f32 v10, v27;
	v17 =	vmul.f32 v10, v29;
	v10 =	vnsel vm0, $0x0, v10  }
0x1c8: {  	[tilespmem:s16+$0xFFFFFF40] =	vst v10  }
0x1c9: {  	[tilespmem:s16+$0xFFFFFF00] =	vst v9  }
0x1ca: {  	[tilespmem:s16+$0xFFFFFF10] =	vst v11;
	v9 =	vpop (erf)  }
0x1cb: {  	[tilespmem:s16+$0xFFFFFF20] =	vst v14;
	v11 =	vmul.f32 v9, v16  }
0x1cc: {  	[tilespmem:s16+$0xFFFFFF30] =	vst v17;
	v14 =	vmul.f32 v9, v23  }
0x1cd: {  	v16 =	vmul.f32 v9, v24;
	[tilespmem:s16+$0xFFFFFF80] =	vst v11  }
0x1ce: {  	v17 =	vpop (erf);
	[tilespmem:s16+$0xFFFFFF90] =	vst v14  }
0x1cf: {  	v10 =	vnsel vm0, $0x0, v17;
	[tilespmem:s16+$0xFFFFFFA0] =	vst v16  }
0x1d0: {  	v11 =	vmul.f32 v9, v30;
	v9 =	vnsel vm0, $0x0, v9;
	[tilespmem:s16+$0x40] =	vst v10  }
0x1d1: {  	v14 =	vmul.f32 v17, v15;
	[tilespmem:s16+$0xFFFFFFC0] =	vst v9  }
0x1d2: {  	v15 =	vmul.f32 v17, v21;
	[tilespmem:s16+$0xFFFFFFB0] =	vst v11  }
0x1d3: {  	v11 =	vmul.f32 v17, v22;
	[tilespmem:s16+$0x0] =	vst v14  }
0x1d4: {  	v14 =	vmul.f32 v17, v31;
	[tilespmem:s16+$0x10] =	vst v15  }
0x1d5: {  	[tilespmem:s16+$0x20] =	vst v11;
	v11 =	vmul.f32 v44, v12  }
0x1d6: {  	[tilespmem:s16+$0x30] =	vst v14  }
0x1d7: {  	s9 =	simm.s32 $0x6300;
	[tilespmem:s16+$0xA0] =	vst v11  }
0x1d8: {  	[spmem:s3] =	stream.indirect.scatter.add.f32 [tilespmem:s9], [sflag:$0x7], $0x80, s8, s0, $0xb8;
	[tilespmem:$0x1D380] =	vst v63  }
0x1d9: {  	_ =	swait.ge [sflag:s29], $0x1800  }
0x1da: {  	[sflag:s29] =	ssyncset.done $0x0  }
0x1db: {  	[sflag:s29] =	ssyncadd.s32 $0xFFFFE800  }
0x1dc: {  	_ =	swait.ge [sflag:s1], $0x1800  }
0x1dd: {  	[sflag:s1] =	ssyncset.done $0x0  }
0x1de: {  	[sflag:s1] =	ssyncadd.s32 $0xFFFFE800  }
0x1df: {  	s9 =	sadd.s32 @!p0 s10, s21;
	_ =	swait.ge [sflag:s22], $0x1800  }
0x1e0: {  	s24 =	simm.s32 @!p0 $0x80;
	s9 =	sshrl.u32 @!p0 s9, $0x3;
	[sflag:s22] =	ssyncset.done $0x0  }
0x1e1: {  	s16 =	simm.s32 @!p0 $0x0;
	s10 =	sadd.s32 @!p0 s2, s9;
	[sflag:s22] =	ssyncadd.s32 $0xFFFFE800  }
0x1e2: {  	[tilespmem:s24], [sflag:$0x7] =	stream.linear.gather @!p0 [hbm4b:s10+s16], $0x30, $0x38;
	[tilespmem:$0x1D380] =	vst v63  }
0x1e3: {  	s10 =	simm.s32 @!p0 $0x7  }
0x1e4: {  	_ =	swait.ge @!p0 [sflag:s10], $0x30  }
0x1e5: {  	[sflag:s10] =	ssyncset.done @!p0 $0x0  }
0x1e6: {  	s30 =	simm.s32 @!p0 $0x200;
	s9 =	sadd.s32 @!p0 s7, s9;
	[sflag:s10] =	ssyncadd.s32 @!p0 $0xFFFFFFD0  }
0x1e7: {  	[tilespmem:s30], [sflag:$0x7] =	stream.linear.gather @!p0 [hbm4b:s9+s16], $0x30, $0x38;
	[tilespmem:$0x1D380] =	vst v63  }
0x1e8: {  	_ =	swait.ge @!p0 [sflag:s10], $0x30  }
0x1e9: {  	[sflag:s10] =	ssyncset.done @!p0 $0x0  }
0x1ea: {  	s9 =	simm.s32 @!p0 $0x30;
	[sflag:s10] =	ssyncadd.s32 @!p0 $0xFFFFFFD0;
	s10 =	simm.s32 @!p0 $0x1B00  }
0x1eb: {  	[tilespmem:s10], [sflag:$0x2] =	stream.indirect.gather @!p0 [hbm4b:s5+s9], $0x80, s24, s9, $0xb8;
	[tilespmem:$0x1D380] =	vst v63  }
0x1ec: {  	s10 =	simm.s32 @!p0 $0x6300  }
0x1ed: {  	[tilespmem:s10], [sflag:$0x5] =	stream.indirect.gather @!p0 [hbm4b:s6+s9], $0x80, s30, s9, $0xb8;
	[tilespmem:$0x1D380] =	vst v63  }
0x1ee: {  	s10 =	simm.s32 $0x7C00  }
0x1ef: {  	v11 =	vld.idx.msk [tilespmem:v0+s10+$0x80 ss:$0x1], $0xffff  }
0x1f0: {  	v15 =	vld [tilespmem:s28+$0x80]  }
0x1f1: {  	v12 =	vld.idx.msk [tilespmem:v0+s10+$0x90 ss:$0x1], $0xffff  }
0x1f2: {  	v9 =	vld [tilespmem:s28+$0x90]  }
0x1f3: {  	v13 =	vld.idx.msk [tilespmem:v0+s10+$0xA0 ss:$0x1], $0xffff  }
0x1f4: {  	v10 =	vld [tilespmem:s28+$0xA0]  }
0x1f5: {  	v14 =	vld.idx.msk [tilespmem:v0+s10+$0xB0 ss:$0x1], $0xffff  }
0x1f6: {  	v16 =	vld [tilespmem:s28+$0xB0];
	v11 =	vadd.f32 v11, v15  }
0x1f7: {  	v17 =	vld.idx.msk [tilespmem:v0+s10+$0xFFFFFF00 ss:$0x1], $0xffff  }
0x1f8: {  	v19 =	vld.idx.msk [tilespmem:v0+s10+$0xFFFFFF80 ss:$0x1], $0xffff;
	v12 =	vadd.f32 v12, v9;
	v18 =	vmul.f32 $2.000000030e-01, v11  }
0x1f9: {  	v20 =	vld.idx.msk [tilespmem:v0+s10+$0x0 ss:$0x1], $0xffff  }
0x1fa: {  	v32 =	vld [tilespmem:s28+$0xFFFFFF80];
	v13 =	vadd.f32 v13, v10;
	v11 =	vmax.f32 v11, v18;
	v18 =	vmul.f32 $2.000000030e-01, v12  }
0x1fb: {  	v34 =	vld [tilespmem:s28+$0xFFFFFF00];
	v21 =	vmul.f32 v11, v5  }
0x1fc: {  	v22 =	vld.idx.msk [tilespmem:v0+s10+$0xFFFFFF10 ss:$0x1], $0xffff;
	v12 =	vmax.f32 v12, v18;
	v18 =	vmul.f32 $2.000000030e-01, v13  }
0x1fd: {  	v23 =	vld.idx.msk [tilespmem:v0+s10+$0xFFFFFF90 ss:$0x1], $0xffff;
	v14 =	vadd.f32 v14, v16;
	v21 =	vadd.f32 $0.0e+00, v21;
	v12 =	vmul.f32 v12, v6  }
0x1fe: {  	v11 =	vld [tilespmem:s28+$0x0];
	v13 =	vmax.f32 v13, v18  }
0x1ff: {  	v24 =	vld.idx.msk [tilespmem:v0+s10+$0x10 ss:$0x1], $0xffff;
	v18 =	vmul.f32 $2.000000030e-01, v14;
	v12 =	vadd.f32 v12, v21;
	v13 =	vmul.f32 v13, v7  }
0x200: {  	v35 =	vld [tilespmem:s28+$0xFFFFFF10];
	v21 =	vadd.f32 v19, v32  }
0x201: {  	v19 =	vld [tilespmem:s28+$0x10];
	v14 =	vmax.f32 v14, v18;
	v12 =	vadd.f32 v13, v12  }
0x202: {  	v33 =	vld [tilespmem:s28+$0xFFFFFF90];
	v13 =	vmul.f32 v14, v8;
	v14 =	vadd.f32 v17, v34;
	v17 =	vmul.f32 $2.000000030e-01, v21  }
0x203: {  	v18 =	vadd.f32 v20, v11  }
0x204: {  	v26 =	vld.idx.msk [tilespmem:v0+s10+$0xFFFFFFA0 ss:$0x1], $0xffff;
	v12 =	vadd.f32 v13, v12;
	v20 =	vmul.f32 $2.000000030e-01, v14;
	v17 =	vmax.f32 v21, v17  }
0x205: {  	v37 =	vld [tilespmem:s28+$0xFFFFFF20];
	v21 =	vmul.f32 $2.000000030e-01, v18;
	v17 =	vmul.f32 v17, v5  }
0x206: {  	v36 =	vld [tilespmem:s28+$0xFFFFFFA0];
	v24 =	vadd.f32 v24, v19;
	v25 =	vperm.xlane v12, v1;
	v14 =	vmax.f32 v14, v20  }
0x207: {  	v13 =	vld.idx.msk [tilespmem:v0+s10+$0xFFFFFF20 ss:$0x1], $0xffff;
	v20 =	vadd.f32 v22, v35;
	v18 =	vmax.f32 v18, v21;
	v21 =	vadd.f32 v23, v33  }
0x208: {  	v29 =	vld.idx.msk [tilespmem:v0+s10+$0xFFFFFF30 ss:$0x1], $0xffff;
	v14 =	vmul.f32 v14, v5;
	v18 =	vmul.f32 v18, v5;
	v12 =	vadd.f32 v12, v25  }
0x209: {  	v22 =	vld.idx.msk [tilespmem:v0+s10+$0x20 ss:$0x1], $0xffff;
	v17 =	vadd.f32 $0.0e+00, v17;
	v23 =	vmul.f32 $2.000000030e-01, v20;
	v27 =	vmul.f32 $2.000000030e-01, v21  }
0x20a: {  	v25 =	vld [tilespmem:s28+$0x20];
	v14 =	vadd.f32 $0.0e+00, v14;
	v18 =	vadd.f32 $0.0e+00, v18;
	v28 =	vperm.xlane v12, v2  }
0x20b: {  	v30 =	vld.idx.msk [tilespmem:v0+s10+$0xFFFFFFB0 ss:$0x1], $0xffff;
	v20 =	vmax.f32 v20, v23;
	v23 =	vmul.f32 $2.000000030e-01, v24;
	v21 =	vmax.f32 v21, v27  }
0x20c: {  	v39 =	vld [tilespmem:s28+$0xFFFFFF30];
	v13 =	vadd.f32 v13, v37;
	v20 =	vmul.f32 v20, v6;
	v21 =	vmul.f32 v21, v6  }
0x20d: {  	v38 =	vld [tilespmem:s28+$0xFFFFFFB0];
	v12 =	vadd.f32 v12, v28;
	v23 =	vmax.f32 v24, v23;
	v24 =	vadd.f32 v26, v36  }
0x20e: {  	v26 =	vld.idx.msk [tilespmem:v0+s10+$0x30 ss:$0x1], $0xffff;
	v14 =	vadd.f32 v20, v14;
	v20 =	vmul.f32 $2.000000030e-01, v13;
	v23 =	vmul.f32 v23, v6  }
0x20f: {  	v28 =	vld [tilespmem:s28+$0x30];
	v22 =	vadd.f32 v22, v25;
	v17 =	vadd.f32 v21, v17;
	v27 =	vperm.xlane v12, v3  }
0x210: {  	v21 =	vmul.f32 $2.000000030e-01, v24;
	v13 =	vmax.f32 v13, v20;
	v18 =	vadd.f32 v23, v18  }
0x211: {  	v20 =	vmul.f32 $2.000000030e-01, v22;
	v23 =	vadd.f32 v29, v39;
	v12 =	vadd.f32 v12, v27  }
0x212: {  	v13 =	vmul.f32 v13, v7;
	v21 =	vmax.f32 v24, v21;
	v24 =	vadd.f32 v30, v38  }
0x213: {  	v21 =	vmul.f32 v21, v7;
	v20 =	vmax.f32 v22, v20;
	v22 =	vmul.f32 $2.000000030e-01, v23  }
0x214: {  	v26 =	vadd.f32 v26, v28;
	v27 =	vperm.xlane v12, v4;
	v29 =	vmul.f32 $2.000000030e-01, v24  }
0x215: {  	v20 =	vmul.f32 v20, v7;
	v13 =	vadd.f32 v13, v14;
	v14 =	vmax.f32 v23, v22  }
0x216: {  	v22 =	vmul.f32 $2.000000030e-01, v26;
	v12 =	vadd.f32 v12, v27;
	v23 =	vmax.f32 v24, v29  }
0x217: {  	v17 =	vadd.f32 v21, v17;
	v14 =	vmul.f32 v14, v8;
	v21 =	vmul.f32 v23, v8  }
0x218: {  	v18 =	vadd.f32 v20, v18;
	v20 =	vmax.f32 v26, v22;
	v12 =	vmul.f32 $1.442695020e+00, v12  }
0x219: {  	v13 =	vadd.f32 v14, v13;
	v14 =	vmul.f32 v20, v8;
	v17 =	vadd.f32 v21, v17  }
0x21a: {  	(erf) = vpow2.f32 v12  }
0x21b: {  	v12 =	vperm.xlane v13, v1;
	v14 =	vadd.f32 v14, v18;
	v18 =	vperm.xlane v17, v1  }
0x21c: {  	s16 =	simm.s32 $0x7E00  }
0x21d: {  	v52 =	vld.idx.msk [tilespmem:v0+s16+$0x0 ss:$0x1], $0xffff;
	v12 =	vadd.f32 v13, v12;
	v13 =	vperm.xlane v14, v1;
	v18 =	vadd.f32 v17, v18  }
0x21e: {  	s24 =	sadd.s32 $0x200, s28;
	v20 =	vld.idx.msk [tilespmem:v0+s16+$0x80 ss:$0x1], $0xffff  }
0x21f: {  	v17 =	vld [tilespmem:s24+$0x80];
	v21 =	vperm.xlane v12, v2;
	v22 =	vadd.f32 v14, v13;
	v14 =	vperm.xlane v18, v2  }
0x220: {  	v23 =	vld.idx.msk [tilespmem:v0+s16+$0x90 ss:$0x1], $0xffff  }
0x221: {  	v13 =	vld [tilespmem:s24+$0x90];
	v21 =	vadd.f32 v12, v21;
	v12 =	vperm.xlane v22, v2  }
0x222: {  	v24 =	vld.idx.msk [tilespmem:v0+s16+$0xA0 ss:$0x1], $0xffff;
	v18 =	vadd.f32 v18, v14  }
0x223: {  	v26 =	vperm.xlane v21, v3;
	v22 =	vadd.f32 v22, v12;
	v12 =	vld [tilespmem:s24+$0xA0];
	v14 =	vpop (erf)  }
0x224: {  	v30 =	vld.idx.msk [tilespmem:v0+s16+$0xFFFFFF00 ss:$0x1], $0xffff;
	v27 =	vperm.xlane v18, v3;
	v41 =	vmul.f32 v14, v16;
	v16 =	vadd.f32 v20, v17  }
0x225: {  	v29 =	vld.idx.msk [tilespmem:v0+s16+$0xB0 ss:$0x1], $0xffff;
	v20 =	vadd.f32 v21, v26;
	v21 =	vperm.xlane v22, v3;
	v42 =	vmul.f32 v14, v15  }
0x226: {  	v26 =	vld [tilespmem:s24+$0xB0];
	v27 =	vadd.f32 v18, v27;
	v18 =	vadd.f32 v23, v13;
	v15 =	vmul.f32 $2.000000030e-01, v16  }
0x227: {  	v21 =	vadd.f32 v22, v21;
	v22 =	vld.idx.msk [tilespmem:v0+s16+$0xFFFFFF80 ss:$0x1], $0xffff;
	v23 =	vperm.xlane v20, v4  }
0x228: {  	v53 =	vmul.f32 $2.000000030e-01, v18;
	v24 =	vadd.f32 v24, v12;
	v15 =	vmax.f32 v16, v15;
	v16 =	vld [tilespmem:s24+$0xFFFFFF80]  }
0x229: {  	v31 =	vperm.xlane v27, v4;
	v20 =	vadd.f32 v20, v23;
	v45 =	vmul.f32 v15, v5;
	v15 =	vld [tilespmem:s24+$0x0]  }
0x22a: {  	v23 =	vperm.xlane v21, v4;
	v44 =	vmax.f32 v18, v53;
	v46 =	vmul.f32 $2.000000030e-01, v24;
	v18 =	vld [tilespmem:s24+$0xFFFFFF00]  }
0x22b: {  	v29 =	vadd.f32 v29, v26;
	v27 =	vadd.f32 v27, v31;
	v31 =	vld.idx.msk [tilespmem:v0+s16+$0xFFFFFF10 ss:$0x1], $0xffff;
	v44 =	vmul.f32 v44, v6  }
0x22c: {  	v21 =	vadd.f32 v21, v23;
	v55 =	vmul.f32 $1.442695020e+00, v20;
	v20 =	vld [tilespmem:s24+$0xFFFFFF10];
	v45 =	vadd.f32 $0.0e+00, v45  }
0x22d: {  	v24 =	vmax.f32 v24, v46;
	v54 =	vmul.f32 $2.000000030e-01, v29;
	v27 =	vmul.f32 $1.442695020e+00, v27  }
0x22e: {  	v56 =	vld.idx.msk [tilespmem:v0+s16+$0x10 ss:$0x1], $0xffff;
	v24 =	vmul.f32 v24, v7;
	v48 =	vmul.f32 $1.442695020e+00, v21;
	v23 =	vadd.f32 v44, v45  }
0x22f: {  	v21 =	vld [tilespmem:s24+$0x10];
	(erf) = vpow2.f32 v55;
	v22 =	vadd.f32 v22, v16;
	v29 =	vmax.f32 v29, v54  }
0x230: {  	v47 =	vld.idx.msk [tilespmem:v0+s16+$0xFFFFFF90 ss:$0x1], $0xffff;
	v43 =	vadd.f32 v52, v15;
	v29 =	vmul.f32 v29, v8;
	v24 =	vadd.f32 v24, v23  }
0x231: {  	v59 =	vld.idx.msk [tilespmem:v0+s16+$0xFFFFFFA0 ss:$0x1], $0xffff;
	v30 =	vadd.f32 v30, v18;
	v57 =	vmul.f32 $2.000000030e-01, v22;
	v31 =	vadd.f32 v31, v20  }
0x232: {  	(erf) = vpow2.f32 v27;
	v23 =	vld [tilespmem:s24+$0xFFFFFF90];
	v49 =	vmul.f32 $2.000000030e-01, v43;
	v24 =	vadd.f32 v29, v24  }
0x233: {  	v63 =	vld.idx.msk [tilespmem:v0+s16+$0x20 ss:$0x1], $0xffff;
	v58 =	vmul.f32 $2.000000030e-01, v30;
	v22 =	vmax.f32 v22, v57;
	v50 =	vmul.f32 $2.000000030e-01, v31  }
0x234: {  	v55 =	vld.idx.msk [tilespmem:v0+s16+$0xFFFFFFB0 ss:$0x1], $0xffff;
	v45 =	vadd.f32 v56, v21;
	v27 =	vmax.f32 v43, v49;
	v62 =	vperm.xlane v24, v1  }
0x235: {  	v29 =	vld.idx.msk [tilespmem:v0+s16+$0xFFFFFF20 ss:$0x1], $0xffff;
	v22 =	vmul.f32 v22, v5;
	v30 =	vmax.f32 v30, v58;
	v49 =	vmul.f32 v27, v5  }
0x236: {  	v27 =	vld [tilespmem:s24+$0xFFFFFF20];
	v30 =	vmul.f32 v30, v5;
	v31 =	vmax.f32 v31, v50;
	v43 =	vadd.f32 v24, v62  }
0x237: {  	v60 =	vmul.f32 $2.000000030e-01, v45;
	v47 =	vadd.f32 v47, v23;
	v51 =	vadd.f32 $0.0e+00, v22;
	v22 =	vld [tilespmem:s24+$0x20]  }
0x238: {  	v31 =	vmul.f32 v31, v6;
	v24 =	vld [tilespmem:s24+$0xFFFFFFA0];
	v30 =	vadd.f32 $0.0e+00, v30;
	v53 =	vperm.xlane v43, v2  }
0x239: {  	v54 =	vld.idx.msk [tilespmem:v0+s16+$0xFFFFFF30 ss:$0x1], $0xffff;
	v49 =	vadd.f32 $0.0e+00, v49;
	v45 =	vmax.f32 v45, v60;
	v52 =	vmul.f32 $2.000000030e-01, v47  }
0x23a: {  	v45 =	vmul.f32 v45, v6;
	v56 =	vadd.f32 v31, v30;
	v30 =	vld [tilespmem:s24+$0xFFFFFFB0];
	v43 =	vadd.f32 v43, v53  }
0x23b: {  	v47 =	vmax.f32 v47, v52;
	v61 =	vadd.f32 v29, v27;
	v29 =	vld [tilespmem:s24+$0xFFFFFF30]  }
0x23c: {  	v31 =	vld [tilespmem:s24+$0x30];
	v45 =	vadd.f32 v45, v49;
	v47 =	vmul.f32 v47, v6;
	v62 =	vperm.xlane v43, v3  }
0x23d: {  	v53 =	vld.idx.msk [tilespmem:v0+s16+$0x30 ss:$0x1], $0xffff;
	v44 =	vadd.f32 v63, v22;
	v46 =	vadd.f32 v59, v24;
	v57 =	vmul.f32 $2.000000030e-01, v61  }
0x23e: {  	v40 =	vnsel vm0, $0x0, v14;
	v47 =	vadd.f32 v47, v51;
	v43 =	vadd.f32 v43, v62  }
0x23f: {  	v59 =	vmul.f32 $2.000000030e-01, v44;
	v63 =	vmul.f32 $2.000000030e-01, v46;
	v58 =	vmax.f32 v61, v57  }
0x240: {  	v50 =	vmul.f32 v58, v7;
	v61 =	vadd.f32 v54, v29;
	v60 =	vperm.xlane v43, v4  }
0x241: {  	v44 =	vmax.f32 v44, v59;
	v62 =	vadd.f32 v55, v30;
	v46 =	vmax.f32 v46, v63  }
0x242: {  	v44 =	vmul.f32 v44, v7;
	v53 =	vadd.f32 v53, v31;
	v43 =	vadd.f32 v43, v60  }
0x243: {  	v46 =	vmul.f32 v46, v7;
	v50 =	vadd.f32 v50, v56;
	v63 =	vmul.f32 $2.000000030e-01, v61  }
0x244: {  	v55 =	vmul.f32 $2.000000030e-01, v62;
	v44 =	vadd.f32 v44, v45;
	v43 =	vmul.f32 $1.442695020e+00, v43  }
0x245: {  	v56 =	vmul.f32 $2.000000030e-01, v53;
	v46 =	vadd.f32 v46, v47;
	v51 =	vmax.f32 v61, v63  }
0x246: {  	v47 =	vmax.f32 v62, v55;
	v51 =	vmul.f32 v51, v8;
	(erf) = vpow2.f32 v43  }
0x247: {  	[tilespmem:s10+$0xC0] =	vst v40;
	v57 =	vpop (erf);
	v58 =	vmul.f32 v47, v8;
	v45 =	vmax.f32 v53, v56;
	(erf) = vpow2.f32 v48  }
0x248: {  	[tilespmem:s10+$0xB0] =	vst v41;
	v34 =	vmul.f32 v57, v34;
	v45 =	vmul.f32 v45, v8;
	v59 =	vadd.f32 v51, v50  }
0x249: {  	[tilespmem:s10+$0x80] =	vst v42;
	v37 =	vmul.f32 v57, v37;
	v60 =	vmul.f32 v57, v35;
	v46 =	vadd.f32 v58, v46  }
0x24a: {  	v35 =	vpop (erf);
	[tilespmem:s10+$0xFFFFFF00] =	vst v34;
	v62 =	vmul.f32 v57, v39;
	v40 =	vadd.f32 v45, v44;
	v61 =	vperm.xlane v59, v1  }
0x24b: {  	v34 =	vnsel vm0, $0x0, v57;
	[tilespmem:s10+$0xFFFFFF20] =	vst v37;
	v39 =	vmul.f32 v35, v32;
	v63 =	vperm.xlane v46, v1  }
0x24c: {  	v37 =	vmul.f32 v35, v33;
	[tilespmem:s10+$0xFFFFFF10] =	vst v60;
	v43 =	vperm.xlane v40, v1;
	v41 =	vadd.f32 v59, v61  }
0x24d: {  	s9 =	simm.s32 $0x4;
	s30 =	simm.s32 $0x8000;
	v33 =	vmul.f32 v35, v36;
	v32 =	vmul.f32 v35, v38;
	[tilespmem:s10+$0xFFFFFF30] =	vst v62;
	v42 =	vadd.f32 v46, v63  }
.LBB2_7:
0x24e: {  	v36 =	vld.idx.msk [tilespmem:v0+s30+$0x80 ss:$0x1], $0xffff;
	s9 =	sadd.s32 $0x4, s9;
	v38 =	vperm.xlane v41, v2;
	v40 =	vadd.f32 v40, v43;
	s24 =	sadd.s32 $0x200, s24;
	v43 =	vmul.f32 v14, v9  }
0x24f: {  	v35 =	vnsel vm0, $0x0, v35;
	v44 =	vld [tilespmem:s24+$0x80];
	p0 =	slt.u32 s9, $0x2C;
	v9 =	vperm.xlane v42, v2;
	[tilespmem:s10+$0xFFFFFF80] =	vst v39;
	v39 =	vmul.f32 v14, v10;
	v14 =	vpop (erf)  }
0x250: {  	v10 =	vld.idx.msk [tilespmem:v0+s30+$0x90 ss:$0x1], $0xffff;
	v38 =	vadd.f32 v41, v38;
	v41 =	vperm.xlane v40, v2;
	v26 =	vmul.f32 v14, v26;
	v45 =	vpop (erf)  }
0x251: {  	v46 =	vld [tilespmem:s24+$0x90];
	v42 =	vadd.f32 v42, v9;
	[tilespmem:s10+$0xFFFFFF90] =	vst v37;
	v11 =	vmul.f32 v45, v11;
	v19 =	vmul.f32 v45, v19  }
0x252: {  	v37 =	vld.idx.msk [tilespmem:v0+s30+$0xA0 ss:$0x1], $0xffff;
	v47 =	vperm.xlane v38, v3;
	v40 =	vadd.f32 v40, v41;
	[tilespmem:s16+$0xB0] =	vst v26;
	v41 =	vnsel vm0, $0x0, v45  }
0x253: {  	v50 =	vnsel vm0, $0x0, v14;
	v25 =	vmul.f32 v45, v25;
	v48 =	vld [tilespmem:s24+$0xA0];
	v49 =	vperm.xlane v42, v3;
	[tilespmem:s10+$0xFFFFFFA0] =	vst v33;
	v9 =	vmovc v13  }
0x254: {  	v13 =	vld.idx.msk [tilespmem:v0+s30+$0xB0 ss:$0x1], $0xffff;
	v33 =	vadd.f32 v36, v44;
	v36 =	vadd.f32 v38, v47;
	v38 =	vperm.xlane v40, v3  }
0x255: {  	v28 =	vmul.f32 v45, v28;
	v47 =	vmul.f32 v14, v17;
	v26 =	vld [tilespmem:s24+$0xB0];
	v42 =	vadd.f32 v42, v49;
	[tilespmem:s10+$0xFFFFFFB0] =	vst v32  }
0x256: {  	v45 =	vld.idx.msk [tilespmem:v0+s30+$0xFFFFFF00 ss:$0x1], $0xffff;
	v32 =	vmul.f32 $2.000000030e-01, v33;
	v10 =	vadd.f32 v10, v46;
	v38 =	vadd.f32 v40, v38;
	[tilespmem:s10+$0x0] =	vst v11  }
0x257: {  	v17 =	vmov v44;
	v40 =	vperm.xlane v36, v4;
	v11 =	vld.idx.msk [tilespmem:v0+s30+$0xFFFFFF80 ss:$0x1], $0xffff;
	v49 =	vperm.xlane v42, v4;
	[tilespmem:s10+$0x10] =	vst v19  }
0x258: {  	v19 =	vld.idx.msk [tilespmem:v0+s30+$0x0 ss:$0x1], $0xffff;
	v33 =	vmax.f32 v33, v32;
	v44 =	vmul.f32 $2.000000030e-01, v10;
	v37 =	vadd.f32 v37, v48;
	[tilespmem:s10+$0x20] =	vst v25  }
0x259: {  	v36 =	vadd.f32 v36, v40;
	v40 =	vperm.xlane v38, v4;
	v32 =	vld [tilespmem:s24+$0xFFFFFF80];
	v25 =	vmul.f32 v33, v5;
	[tilespmem:s10+$0x30] =	vst v28  }
0x25a: {  	v28 =	vld [tilespmem:s24+$0x0];
	v52 =	vmax.f32 v10, v44;
	v44 =	vmul.f32 $2.000000030e-01, v37;
	v51 =	vadd.f32 v13, v26;
	[tilespmem:s16+$0x80] =	vst v47;
	v13 =	vmovc v46  }
0x25b: {  	v42 =	vadd.f32 v42, v49;
	v10 =	vmovc v12;
	v33 =	vld [tilespmem:s24+$0xFFFFFF00];
	v25 =	vadd.f32 $0.0e+00, v25;
	v46 =	vmul.f32 v52, v6;
	[tilespmem:s10+$0x90] =	vst v43  }
0x25c: {  	v38 =	vadd.f32 v38, v40;
	v43 =	vld.idx.msk [tilespmem:v0+s30+$0xFFFFFF10 ss:$0x1], $0xffff;
	v12 =	vmax.f32 v37, v44;
	v37 =	vmul.f32 $2.000000030e-01, v51;
	[tilespmem:s10+$0xA0] =	vst v39  }
0x25d: {  	v36 =	vmul.f32 $1.442695020e+00, v36;
	v39 =	vld.idx.msk [tilespmem:v0+s30+$0xFFFFFF90 ss:$0x1], $0xffff;
	v25 =	vadd.f32 v46, v25;
	v46 =	vmul.f32 v12, v7;
	[tilespmem:s10+$0xFFFFFF40] =	vst v34  }
0x25e: {  	v40 =	vadd.f32 v11, v32;
	v44 =	vld.idx.msk [tilespmem:v0+s30+$0x10 ss:$0x1], $0xffff;
	v47 =	vmax.f32 v51, v37;
	v37 =	vmul.f32 $1.442695020e+00, v42;
	[tilespmem:s10+$0xFFFFFFC0] =	vst v35  }
0x25f: {  	v34 =	vld [tilespmem:s24+$0xFFFFFF10];
	v35 =	vadd.f32 v19, v28;
	v49 =	vadd.f32 v46, v25;
	v25 =	vmul.f32 v47, v8;
	[tilespmem:s10+$0x40] =	vst v41;
	s10 =	smov.u32 s16;
	s16 =	smov.u32 s30  }
0x260: {  	v38 =	vmul.f32 $1.442695020e+00, v38;
	v11 =	vmovc v15;
	v12 =	vmovc v48;
	v41 =	vadd.f32 v45, v33;
	v42 =	vld [tilespmem:s24+$0xFFFFFF90];
	v45 =	vmul.f32 $2.000000030e-01, v40;
	[tilespmem:s10+$0xC0] =	vst v50  }
0x261: {  	v15 =	vmovc v28;
	v46 =	vld [tilespmem:s24+$0x10];
	v47 =	vmul.f32 $2.000000030e-01, v35;
	v25 =	vadd.f32 v25, v49;
	(erf) = vpow2.f32 v36;
	v36 =	vmovc v23  }
0x262: {  	v19 =	vmovc v21;
	v48 =	vld.idx.msk [tilespmem:v0+s30+$0xFFFFFF20 ss:$0x1], $0xffff;
	v51 =	vmul.f32 $2.000000030e-01, v41;
	v28 =	vmax.f32 v40, v45;
	(erf) = vpow2.f32 v37;
	v37 =	vmovc v27  }
0x263: {  	v40 =	vld.idx.msk [tilespmem:v0+s30+$0xFFFFFFA0 ss:$0x1], $0xffff;
	v50 =	vmul.f32 v28, v5;
	v27 =	vmax.f32 v35, v47;
	v28 =	vperm.xlane v25, v1  }
0x264: {  	v49 =	vmax.f32 v41, v51;
	v35 =	vadd.f32 v43, v34;
	v41 =	vld.idx.msk [tilespmem:v0+s30+$0x20 ss:$0x1], $0xffff;
	v43 =	vmul.f32 v27, v5  }
0x265: {  	v27 =	vld [tilespmem:s24+$0xFFFFFF20];
	v45 =	vmul.f32 v49, v5;
	v39 =	vadd.f32 v39, v42;
	v47 =	vadd.f32 v25, v28;
	v23 =	vmovc v42  }
0x266: {  	v42 =	vadd.f32 $0.0e+00, v50;
	v54 =	vmul.f32 $2.000000030e-01, v35;
	v44 =	vadd.f32 v44, v46;
	v21 =	vmovc v46;
	v46 =	vmovc v24;
	v24 =	vld [tilespmem:s24+$0xFFFFFFA0]  }
0x267: {  	v25 =	vmovc v22;
	v51 =	vmovc v29;
	v45 =	vadd.f32 $0.0e+00, v45;
	v49 =	vmul.f32 $2.000000030e-01, v39;
	v50 =	vperm.xlane v47, v2;
	v22 =	vld [tilespmem:s24+$0x20]  }
0x268: {  	v53 =	vmovc v30;
	v43 =	vadd.f32 $0.0e+00, v43;
	v28 =	vmovc v31;
	v52 =	vld.idx.msk [tilespmem:v0+s30+$0xFFFFFF30 ss:$0x1], $0xffff;
	v29 =	vmax.f32 v35, v54;
	v56 =	vmul.f32 $2.000000030e-01, v44  }
0x269: {  	v30 =	vmul.f32 v29, v6;
	v54 =	vld.idx.msk [tilespmem:v0+s30+$0xFFFFFFB0 ss:$0x1], $0xffff;
	v29 =	vmax.f32 v39, v49;
	v39 =	vadd.f32 v47, v50  }
0x26a: {  	v47 =	vadd.f32 v48, v27;
	v31 =	vmul.f32 v29, v6;
	v48 =	vld.idx.msk [tilespmem:v0+s30+$0x30 ss:$0x1], $0xffff;
	v55 =	vmax.f32 v44, v56;
	v44 =	vpop (erf)  }
0x26b: {  	v29 =	vld [tilespmem:s24+$0xFFFFFF30];
	v40 =	vadd.f32 v40, v24;
	v49 =	vmul.f32 v55, v6;
	v50 =	vperm.xlane v39, v3;
	v35 =	vpop (erf)  }
0x26c: {  	v45 =	vadd.f32 v30, v45;
	v55 =	vmul.f32 $2.000000030e-01, v47;
	v30 =	vld [tilespmem:s24+$0xFFFFFFB0];
	v41 =	vadd.f32 v41, v22  }
0x26d: {  	v42 =	vadd.f32 v31, v42;
	v56 =	vmul.f32 $2.000000030e-01, v40;
	v31 =	vld [tilespmem:s24+$0x30];
	v39 =	vadd.f32 v39, v50  }
0x26e: {  	v43 =	vadd.f32 v49, v43;
	v47 =	vmax.f32 v47, v55;
	v49 =	vmul.f32 $2.000000030e-01, v41  }
0x26f: {  	v47 =	vmul.f32 v47, v7;
	v40 =	vmax.f32 v40, v56;
	v50 =	vperm.xlane v39, v4  }
0x270: {  	v52 =	vadd.f32 v52, v29;
	v40 =	vmul.f32 v40, v7;
	v41 =	vmax.f32 v41, v49  }
0x271: {  	v49 =	vadd.f32 v54, v30;
	v41 =	vmul.f32 v41, v7;
	v39 =	vadd.f32 v39, v50  }
0x272: {  	v45 =	vadd.f32 v47, v45;
	v47 =	vmul.f32 $2.000000030e-01, v52;
	v48 =	vadd.f32 v48, v31  }
0x273: {  	v40 =	vadd.f32 v40, v42;
	v42 =	vmul.f32 $2.000000030e-01, v49;
	v39 =	vmul.f32 $1.442695020e+00, v39  }
0x274: {  	v41 =	vadd.f32 v41, v43;
	v47 =	vmax.f32 v52, v47;
	v43 =	vmul.f32 $2.000000030e-01, v48  }
0x275: {  	v47 =	vmul.f32 v47, v8;
	v42 =	vmax.f32 v49, v42;
	(erf) = vpow2.f32 v39  }
0x276: {  	v39 =	vmul.f32 v42, v8;
	v42 =	vmax.f32 v48, v43;
	(erf) = vpow2.f32 v38  }
0x277: {  	v43 =	vmul.f32 v44, v18;
	v18 =	vmovc v33;
	v38 =	vadd.f32 v47, v45;
	v42 =	vmul.f32 v42, v8  }
.Ltmp2:
0x278: {  	v37 =	vmul.f32 v44, v37;
	v33 =	vadd.f32 v39, v40;
	v39 =	vmul.f32 v44, v20;
	v20 =	vmovc v34;
	(pc) =	sbr.rel @p0 .LBB2_7-.Ltmp2, $4  }
0x279: {  	v47 =	vmul.f32 v44, v51;
	v45 =	vperm.xlane v38, v1;
	v40 =	vadd.f32 v42, v41;
	[tilespmem:s10+$0xFFFFFF00] =	vst v43  }
0x27a: {  	v34 =	vnsel vm0, $0x0, v44;
	v42 =	vperm.xlane v33, v1;
	[tilespmem:s10+$0xFFFFFF10] =	vst v39;
	v39 =	vmul.f32 v35, v16;
	v16 =	vmovc v32  }
0x27b: {  	v41 =	vadd.f32 v38, v45;
	v43 =	vperm.xlane v40, v1;
	[tilespmem:s10+$0xFFFFFF20] =	vst v37;
	v37 =	vmul.f32 v35, v36  }
0x27c: {  	s30 =	sadd.s32 $0x200, s30;
	v32 =	vmul.f32 v35, v53;
	v42 =	vadd.f32 v33, v42;
	[tilespmem:s10+$0xFFFFFF30] =	vst v47;
	v33 =	vmul.f32 v35, v46  }
0x27d: {  	v36 =	vperm.xlane v41, v2;
	_ =	sdelay $0x1  }
0x27e: {  	v36 =	vadd.f32 v41, v36;
	_ =	sdelay $0x1  }
0x27f: {  	v41 =	vperm.xlane v36, v3  }
0x280: {  	v40 =	vadd.f32 v40, v43;
	v38 =	vperm.xlane v42, v2  }
0x281: {  	v36 =	vadd.f32 v36, v41  }
0x282: {  	v48 =	vperm.xlane v40, v2;
	v38 =	vadd.f32 v42, v38  }
0x283: {  	v49 =	vperm.xlane v36, v4  }
0x284: {  	[tilespmem:s10+$0xFFFFFF80] =	vst v39;
	v40 =	vadd.f32 v40, v48;
	v42 =	vperm.xlane v38, v3  }
0x285: {  	[tilespmem:s10+$0xFFFFFF90] =	vst v37;
	v36 =	vadd.f32 v36, v49  }
0x286: {  	[tilespmem:s10+$0xFFFFFF40] =	vst v34;
	v50 =	vpop (erf);
	v51 =	vperm.xlane v40, v3;
	v38 =	vadd.f32 v38, v42  }
0x287: {  	[tilespmem:s10+$0xFFFFFFA0] =	vst v33;
	v26 =	vmul.f32 v50, v26;
	v52 =	vpop (erf);
	v36 =	vmul.f32 $1.442695020e+00, v36  }
0x288: {  	[tilespmem:s10+$0xFFFFFFB0] =	vst v32;
	v11 =	vmul.f32 v52, v11;
	v54 =	vadd.f32 v40, v51;
	v53 =	vperm.xlane v38, v4  }
0x289: {  	v9 =	vmul.f32 v14, v9;
	[tilespmem:s16+$0xB0] =	vst v26;
	(erf) = vpow2.f32 v36  }
0x28a: {  	v10 =	vmul.f32 v14, v10;
	[tilespmem:s10+$0x0] =	vst v11;
	v11 =	vperm.xlane v54, v4;
	v26 =	vadd.f32 v38, v53  }
0x28b: {  	v17 =	vmul.f32 v50, v17;
	[tilespmem:s10+$0x90] =	vst v9  }
0x28c: {  	[tilespmem:s10+$0xA0] =	vst v10;
	v10 =	vnsel vm0, $0x0, v35;
	v11 =	vadd.f32 v54, v11;
	v55 =	vmul.f32 $1.442695020e+00, v26  }
0x28d: {  	v13 =	vmul.f32 v50, v13;
	[tilespmem:s10+$0xFFFFFFC0] =	vst v10  }
0x28e: {  	v10 =	vnsel vm0, $0x0, v50;
	[tilespmem:s16+$0x80] =	vst v17;
	v9 =	vmul.f32 $1.442695020e+00, v11;
	(erf) = vpow2.f32 v55  }
0x28f: {  	v19 =	vmul.f32 v52, v19;
	[tilespmem:s16+$0xC0] =	vst v10  }
0x290: {  	v25 =	vmul.f32 v52, v25;
	[tilespmem:s16+$0x90] =	vst v13  }
0x291: {  	[tilespmem:s10+$0x10] =	vst v19  }
0x292: {  	v28 =	vmul.f32 v52, v28;
	[tilespmem:s10+$0x20] =	vst v25;
	v11 =	vnsel vm0, $0x0, v52;
	(erf) = vpow2.f32 v9;
	v9 =	vpop (erf)  }
0x293: {  	[tilespmem:s10+$0x40] =	vst v11;
	v11 =	vmul.f32 v9, v18;
	v10 =	vmul.f32 v9, v20  }
0x294: {  	[tilespmem:s10+$0x30] =	vst v28;
	v56 =	vmul.f32 v9, v27;
	v57 =	vmul.f32 v9, v29;
	v9 =	vnsel vm0, $0x0, v9  }
0x295: {  	[tilespmem:s16+$0xFFFFFF40] =	vst v9  }
0x296: {  	[tilespmem:s16+$0xFFFFFF00] =	vst v11  }
0x297: {  	[tilespmem:s16+$0xFFFFFF10] =	vst v10;
	v11 =	vpop (erf)  }
0x298: {  	[tilespmem:s16+$0xFFFFFF20] =	vst v56;
	v10 =	vmul.f32 v11, v16  }
0x299: {  	[tilespmem:s16+$0xFFFFFF30] =	vst v57;
	v58 =	vmul.f32 v11, v23  }
0x29a: {  	v59 =	vmul.f32 v11, v24;
	[tilespmem:s16+$0xFFFFFF80] =	vst v10  }
0x29b: {  	v60 =	vpop (erf);
	[tilespmem:s16+$0xFFFFFF90] =	vst v58  }
0x29c: {  	v61 =	vmul.f32 v60, v15;
	v9 =	vnsel vm0, $0x0, v60;
	[tilespmem:s16+$0xFFFFFFA0] =	vst v59  }
0x29d: {  	v10 =	vmul.f32 v11, v30;
	[tilespmem:s16+$0x40] =	vst v9  }
0x29e: {  	v62 =	vmul.f32 v60, v21;
	[tilespmem:s16+$0x0] =	vst v61  }
0x29f: {  	[tilespmem:s16+$0xFFFFFFB0] =	vst v10;
	v10 =	vmul.f32 v60, v22  }
0x2a0: {  	v63 =	vmul.f32 v60, v31;
	[tilespmem:s16+$0x10] =	vst v62  }
0x2a1: {  	[tilespmem:s16+$0x20] =	vst v10;
	v10 =	vmul.f32 v50, v12  }
0x2a2: {  	s12 =	sadd.s32 $0x1, s12;
	[tilespmem:s16+$0x30] =	vst v63  }
0x2a3: {  	p0 =	sne.s32 s12, $0x90;
	[tilespmem:s16+$0xA0] =	vst v10;
	v10 =	vnsel vm0, $0x0, v11  }
.Ltmp3:
0x2a4: {  	[tilespmem:s16+$0xFFFFFFC0] =	vst v10;
	(pc) =	sbr.rel @p0 .LBB2_2-.Ltmp3, $4  }
0x2a5: {  	[spmem:s3] =	stream.indirect.scatter.add.f32 [tilespmem:s17], [sflag:$0x7], $0x80, s15, s0, $0xb8;
	[tilespmem:$0x1D380] =	vst v63  }
0x2a6: {  	_ =	swait.ge [sflag:s29], $0x1800  }
0x2a7: {  	[sflag:s29] =	ssyncset.done $0x0  }
0x2a8: {  	[sflag:s29] =	ssyncadd.s32 $0xFFFFE800  }
0x2a9: {  	[bflag:$0x0] =	sbarrier.arrive $0xFFFF  }
0x2aa: {  	s16 =	rddreg [dreg:$0x8]  }
0x2ab: {  	s9 =	rddreg [dreg:$0x10]  }
0x2ac: {  	s10 =	rddreg [dreg:$0x13]  }
0x2ad: {  	[hbm:s9], [sflag:s16] =	dma.local [spmem:s10], $0x2800  }
0x2ae: {  	_ =	swait.ge [sflag:s29], $0x2800  }
0x2af: {  	s30 =	rddreg [dreg:$0x12]  }
0x2b0: {  	s31 =	rddreg [dreg:$0x11];
	s10 =	sadd.s32 $0x1, s30  }
0x2b1: {  	p0 =	sne.s32 s10, s31  }
.Ltmp4:
0x2b2: {  	_ = 	snop;
	(pc) =	sbr.rel @p0 .LBB2_1-.Ltmp4, $3  }
0x2b3: {  	_ =	sdelay $0x1  }
0x2b4: {  	[sflag:s29] =	ssyncset.done $0x0  }
0x2b5: {  	[sflag:s29] =	ssyncadd.s32 $0xFFFFD800  }
0x2b6: {  	_ =	sfence.sel $0x180000  }
0x2b7: {  	[bflag:$0x0] =	sbarrier.arrive $0xFFFF  }
0x2b8: {  	_ =	strace $0x90000047  }
0x2b9: {  	s0 =	stileid.u32;
	[bflag:$0x2] =	sbarrier.arrive $0xFFFF  }
0x2ba: {  	p0 =	sne.s32 s0, $0x0;
	s0 =	rddreg [dreg:$0x3]  }
0x2bb: {  	s0 =	sadd.s32 @!p0 $0x100000, s0  }
0x2bc: {  	[sflag:s0] =	ssyncadd.tile.s32 @!p0 $0x1;
	_ =	shalt  }
.Lfunc_end2:
_tile_overlayer_lowered:
.L_overlay_start_2:
0x2bd: {  	(tag) =	ssettag $0x2  }
0x2be: {  	s0 =	rddreg [dreg:$0x0];
	s2 =	stileid.u32  }
0x2bf: {  	s1 =	rddreg [dreg:$0x1];
	p0 =	sne.s32 s2, $0x0  }
0x2c0: {  	s3 =	rddreg [dreg:$0x2];
	[bflag:$0x3] =	sbarrier.arrive $0xFFFF;
	s2 =	simm.s32 @!p0 $0x1C07  }
0x2c1: {  	[timem:s3], [sflag:s2] =	dma.local @!p0 [hbm:s0], s1  }
0x2c2: {  	s0 =	simm.s32 @!p0 $0x7  }
0x2c3: {  	_ =	swait.ge @!p0 [sflag:s0], s1  }
0x2c4: {  	s1 =	ssub.s32 @!p0 $0x0, s1;
	[sflag:s0] =	ssyncset.done @!p0 $0x0  }
0x2c5: {  	[sflag:s0] =	ssyncadd.s32 @!p0 s1  }
0x2c6: {  	[bflag:$0x3] =	sbarrier.arrive $0xFFFF  }
0x2c7: {  	_ =	shalt  }

</sc_bundles>
